<compile_context>
chip_gen: v7x
topology: tpu7x:2x2x1
jax: 0.10.2.dev20260603
libtpu: 0.0.44.dev20260713+nightly
codegen_flags: <defaults>
</compile_context>

<pallas_src>
import jax
import jax.numpy as jnp
from jax import lax
from jax.experimental import pallas as pl
from jax.experimental.pallas import tpu as pltpu
from jax.experimental.pallas import tpu_sc as plsc

N_USERS = 25000
N_ITEMS = 25000
N = N_USERS + N_ITEMS
E = 800000
D = 64
HALF = 32
N_LAYERS = 3

NC = 2
NS = 16
N_PAD = 50048
BATCH = 128
CHUNK_B = 2
NBUF = 3
EB_PER_TILE = 396
E_PAD = NS * EB_PER_TILE * BATCH
MEAN_ROWS = 92
CHUNK_E = CHUNK_B * BATCH


def _build(n_pad, ns, nc, eb_per_tile, mean_rows):
    rows_per_tile = n_pad // ns
    n_chunks = eb_per_tile // CHUNK_B
    n_steps = n_chunks // NBUF
    mean_chunks = rows_per_tile // mean_rows

    def body(*refs):
        (ed_hbm, x0_hbm, z_hbm,
         out_hbm, x1_hbm, x2_hbm, acc) = refs[:7]
        rvs = refs[7:7 + NBUF]
        edi = refs[7 + NBUF:7 + 2 * NBUF]
        semg = refs[7 + 2 * NBUF:7 + 3 * NBUF]
        sems = refs[7 + 3 * NBUF:7 + 4 * NBUF]
        semi = refs[7 + 4 * NBUF:7 + 5 * NBUF]
        c = lax.axis_index("c")
        s = lax.axis_index("s")
        row0 = pl.multiple_of(s * rows_per_tile, 8)
        echunk0 = s * n_chunks
        hrow0 = pl.multiple_of(c * n_pad + s * rows_per_tile, 8)

        def edges_phase(xprev):
            def fire_idx(k, gc):
                pltpu.async_copy(ed_hbm.at[c, echunk0 + gc],
                                 edi[k], semi[k])

            def drain_idx(k):
                pltpu.make_async_copy(ed_hbm.at[c, echunk0],
                                      edi[k], semi[k]).wait()

            def fire_gathers(k):
                pltpu.async_copy(xprev.at[edi[k].at[0]], rvs[k], semg[k])

            def drain_gathers(k):
                pltpu.make_async_copy(xprev.at[edi[k].at[0]],
                                      rvs[k], semg[k]).wait()

            def fire_scatter(k):
                pltpu.async_copy(rvs[k], acc.at[edi[k].at[2]], sems[k],
                                 add=True)

            def drain_scatter(k):
                pltpu.make_async_copy(rvs[k], acc.at[edi[k].at[2]],
                                      sems[k]).wait()

            def compute(k):
                rv = rvs[k]
                wk = edi[k]

                def group_body(g, carry2):
                    col = g * 16
                    wv = plsc.bitcast(wk[1, pl.ds(col, 16)], jnp.float32)
                    for j in range(16):
                        e = col + j
                        wsc = wv[j]
                        rv[e, pl.ds(0, 16)] = rv[e, pl.ds(0, 16)] * wsc
                        rv[e, pl.ds(16, 16)] = rv[e, pl.ds(16, 16)] * wsc
                    return carry2
                lax.fori_loop(0, CHUNK_B * 8, group_body, 0)

            fire_idx(0, 0)
            fire_idx(1, 1)
            drain_idx(0)
            fire_gathers(0)
            fire_idx(2, 2)

            def step(t, carry):
                for k in range(NBUF):
                    b1 = (k + 2) % NBUF
                    b2 = (k + 1) % NBUF
                    gc1 = jnp.minimum(NBUF * t + k + 2, n_chunks - 1)
                    if k == 0:
                        @pl.when(t > 0)
                        def _():
                            drain_scatter(b1)
                            fire_idx(b1, gc1)
                    else:
                        drain_scatter(b1)
                        fire_idx(b1, gc1)
                    drain_idx(b2)
                    fire_gathers(b2)
                    drain_gathers(k)
                    compute(k)
                    fire_scatter(k)
                return carry
            lax.fori_loop(0, n_steps, step, 0)
            drain_scatter(NBUF - 1)
            drain_idx(1)
            drain_gathers(0)

        for l in range(N_LAYERS):
            pltpu.sync_copy(z_hbm, acc.at[pl.ds(row0, rows_per_tile)])
            plsc.subcore_barrier()
            edges_phase((x0_hbm, x1_hbm, x2_hbm)[l])
            plsc.subcore_barrier()
            if l < N_LAYERS - 1:
                tgt = (x1_hbm, x2_hbm)[l]
                pltpu.sync_copy(acc.at[pl.ds(row0, rows_per_tile)],
                                tgt.at[pl.ds(hrow0, rows_per_tile)])

        b0 = rvs[0].at[pl.ds(0, mean_rows)]
        b1 = rvs[0].at[pl.ds(mean_rows, mean_rows)]
        b2 = rvs[1].at[pl.ds(0, mean_rows)]
        b3 = rvs[1].at[pl.ds(mean_rows, mean_rows)]

        def mean_chunk(kk, carry):
            r = pl.multiple_of(row0 + kk * mean_rows, 2)
            rh = pl.multiple_of(hrow0 + kk * mean_rows, 2)
            h1 = pltpu.async_copy(x0_hbm.at[pl.ds(rh, mean_rows)], b1,
                                  semg[0])
            h2 = pltpu.async_copy(x1_hbm.at[pl.ds(rh, mean_rows)], b2,
                                  semg[1])
            h3 = pltpu.async_copy(x2_hbm.at[pl.ds(rh, mean_rows)], b3,
                                  semg[2])
            pltpu.sync_copy(acc.at[pl.ds(r, mean_rows)], b0)
            h1.wait()
            h2.wait()
            h3.wait()

            def mean_body(t, carry2):
                rr = t // 2
                cc = (t % 2) * 16
                v = (b0[rr, pl.ds(cc, 16)] + b1[rr, pl.ds(cc, 16)]
                     + b2[rr, pl.ds(cc, 16)] + b3[rr, pl.ds(cc, 16)]) * 0.25
                b0[rr, pl.ds(cc, 16)] = v
                return carry2
            lax.fori_loop(0, mean_rows * 2, mean_body, 0)
            pltpu.sync_copy(b0, out_hbm.at[pl.ds(rh, mean_rows)])
            return carry
        lax.fori_loop(0, mean_chunks, mean_chunk, 0)

    @jax.jit
    def run(ed, x0, z):
        f = pl.kernel(
            body,
            out_type=[
                jax.ShapeDtypeStruct((2 * n_pad, HALF), jnp.float32),
                jax.ShapeDtypeStruct((2 * n_pad, HALF), jnp.float32),
                jax.ShapeDtypeStruct((2 * n_pad, HALF), jnp.float32),
            ],
            mesh=plsc.VectorSubcoreMesh(
                core_axis_name="c", subcore_axis_name="s",
                num_cores=nc, num_subcores=ns),
            compiler_params=pltpu.CompilerParams(
                use_tc_tiling_on_sc=False, needs_layout_passes=False),
            scratch_types=(
                [pltpu.VMEM_SHARED((n_pad, HALF), jnp.float32)]
                + [pltpu.VMEM((CHUNK_E, HALF), jnp.float32)
                   for _ in range(NBUF)]
                + [pltpu.VMEM((3, CHUNK_E), jnp.int32)
                   for _ in range(NBUF)]
                + [pltpu.SemaphoreType.DMA for _ in range(3 * NBUF)]),
        )
        return f(ed, x0, z)
    return run


_run = _build(N_PAD, NS, NC, EB_PER_TILE, MEAN_ROWS)


def kernel(edge_index, edge_weight, user_table, item_table):
    dst = edge_index[0].astype(jnp.int32)
    src = edge_index[1].astype(jnp.int32)
    pad = E_PAD - E
    src_p = jnp.pad(src, (0, pad))
    dst_p = jnp.pad(dst, (0, pad))
    w_p = jnp.pad(edge_weight, (0, pad))
    w_bits = lax.bitcast_convert_type(w_p, jnp.int32)
    ed = jnp.stack([
        jnp.stack([(src_p + cc * N_PAD).reshape(-1, CHUNK_E),
                   w_bits.reshape(-1, CHUNK_E),
                   dst_p.reshape(-1, CHUNK_E)], axis=1)
        for cc in range(NC)], axis=0)
    zpad = jnp.zeros((N_PAD - N, HALF), jnp.float32)
    x0 = jnp.concatenate([user_table[:, :HALF], item_table[:, :HALF], zpad,
                          user_table[:, HALF:], item_table[:, HALF:], zpad],
                         axis=0)
    z = jnp.zeros((N_PAD // NS, HALF), jnp.float32)
    out, _x1, _x2 = _run(ed, x0, z)
    full = jnp.concatenate([out[:N], out[N_PAD:N_PAD + N]], axis=1)
    return (full[:N_USERS], full[N_USERS:])

# --- scband reference (transcript-rebuilt; emitter-appended) ---
"""Pipeline reference for scband-base-gcl-20684562498312 (READ-ONLY COPY).

The authoritative reference and input builder live on the scoring server;
editing this copy changes nothing except your own understanding.
"""

import jax, jax.numpy as jnp
import numpy as np

N_USERS = 25000
N_ITEMS = 25000
N = N_USERS + N_ITEMS
E = 800000
D = 64
N_LAYERS = 3


def setup_inputs(seed: int = 0) -> dict:
    key = jax.random.key(seed)
    k1, k2, k3, k4 = jax.random.split(key, 4)
    # adj_norm sparse tensor represented as COO: edge_index[0]=row (dst), edge_index[1]=col (src)
    edge_index = jax.random.randint(k1, (2, E), 0, N)
    edge_weight = jax.random.uniform(k2, (E,), dtype=jnp.float32)
    # Xavier-uniform initialized embedding tables (learned params)
    bu = float(np.sqrt(6.0 / (N_USERS + D)))
    bi = float(np.sqrt(6.0 / (N_ITEMS + D)))
    user_table = jax.random.uniform(k3, (N_USERS, D), minval=-bu, maxval=bu, dtype=jnp.float32)
    item_table = jax.random.uniform(k4, (N_ITEMS, D), minval=-bi, maxval=bi, dtype=jnp.float32)
    return {"edge_index": edge_index, "edge_weight": edge_weight,
            "user_table": user_table, "item_table": item_table}


def reference(edge_index, edge_weight, user_table, item_table):
    # forward(adj_norm, perturb=False): LightGCN propagation
    dst = edge_index[0]
    src = edge_index[1]
    all_emb = jnp.concatenate([user_table, item_table], axis=0)
    embs = [all_emb]
    x = all_emb
    for _ in range(N_LAYERS):
        # torch.sparse.mm(adj_norm, x): out[dst] += w * x[src]
        msgs = x[src] * edge_weight[:, None]
        x = jax.ops.segment_sum(msgs, dst, num_segments=N)
        embs.append(x)
    out = jnp.mean(jnp.stack(embs, axis=1), axis=1)
    user_emb = out[:N_USERS]
    item_emb = out[N_USERS:]
    return (user_emb, item_emb)

if __name__ == "__main__":
    import jax
    _d = setup_inputs()
    print(jax.jit(kernel)(*tuple(_d.values())))

</pallas_src>

<mosaic_0001>
#map = affine_map<(d0, d1) -> (0, 0, 0, 0)>
#map1 = affine_map<(d0, d1) -> (0, 0)>
module attributes {stable_mosaic.version = 14 : i64} {
  func.func @body(%arg0: i32, %arg1: i32, %arg2: memref<2x3168x3x256xi32, #tpu.memory_space<hbm>>, %arg3: memref<100096x32xf32, #tpu.memory_space<hbm>>, %arg4: memref<3128x32xf32, #tpu.memory_space<hbm>>, %arg5: memref<100096x32xf32, #tpu.memory_space<hbm>>, %arg6: memref<100096x32xf32, #tpu.memory_space<hbm>>, %arg7: memref<100096x32xf32, #tpu.memory_space<hbm>>, %arg8: memref<50048x32xf32, #tpu.memory_space<vmem_shared>>, %arg9: memref<256x32xf32, #tpu.memory_space<vmem>>, %arg10: memref<256x32xf32, #tpu.memory_space<vmem>>, %arg11: memref<256x32xf32, #tpu.memory_space<vmem>>, %arg12: memref<3x256xi32, #tpu.memory_space<vmem>>, %arg13: memref<3x256xi32, #tpu.memory_space<vmem>>, %arg14: memref<3x256xi32, #tpu.memory_space<vmem>>, %arg15: memref<!tpu.dma_semaphore, #tpu.memory_space<semaphore_mem>>, %arg16: memref<!tpu.dma_semaphore, #tpu.memory_space<semaphore_mem>>, %arg17: memref<!tpu.dma_semaphore, #tpu.memory_space<semaphore_mem>>, %arg18: memref<!tpu.dma_semaphore, #tpu.memory_space<semaphore_mem>>, %arg19: memref<!tpu.dma_semaphore, #tpu.memory_space<semaphore_mem>>, %arg20: memref<!tpu.dma_semaphore, #tpu.memory_space<semaphore_mem>>, %arg21: memref<!tpu.dma_semaphore, #tpu.memory_space<semaphore_mem>>, %arg22: memref<!tpu.dma_semaphore, #tpu.memory_space<semaphore_mem>>, %arg23: memref<!tpu.dma_semaphore, #tpu.memory_space<semaphore_mem>>) attributes {dimension_semantics = [#tpu.dimension_semantics<core_parallel>, #tpu.dimension_semantics<subcore_parallel>], iteration_bounds = array<i64: 2, 16>, scalar_prefetch = 0 : i64, scratch_operands = 16 : i64, tpu.core_type = #tpu.core_type<sc_vector_subcore>, window_params = [{transform_indices = #map}, {transform_indices = #map1}, {transform_indices = #map1}, {transform_indices = #map1}, {transform_indices = #map1}, {transform_indices = #map1}]} {
    %mul3A = arith.constant 3128 : i32
    %mul3A_0 = arith.muli %arg1, %mul3A : i32
    %multiple_of3A = tpu.assume_multiple %mul3A_0, 8 : i32
    %mul3A_1 = arith.constant 198 : i32
    %mul3A_2 = arith.muli %arg1, %mul3A_1 : i32
    %mul3A_3 = arith.constant 50048 : i32
    %mul3A_4 = arith.muli %arg0, %mul3A_3 : i32
    %mul3A_5 = arith.constant 3128 : i32
    %mul3A_6 = arith.muli %arg1, %mul3A_5 : i32
    %add3A = arith.addi %mul3A_4, %mul3A_6 : i32
    %multiple_of3A_7 = tpu.assume_multiple %add3A, 8 : i32
    "tpu.region"() ({
      %run_scoped3A = tpu.sem_alloc : memref<!tpu.dma_semaphore, #tpu.memory_space<semaphore_mem>>
      %dma_start3A_235 = arith.constant 0 : i32
      %dma_start3A_236 = tpu.memref_slice %arg8[%multiple_of3A, %dma_start3A_235] : memref<50048x32xf32, #tpu.memory_space<vmem_shared>> -> memref<3128x32xf32, #tpu.memory_space<vmem_shared>>
      tpu.enqueue_dma source(%arg4 : memref<3128x32xf32, #tpu.memory_space<hbm>>) target(%dma_start3A_236 : memref<3128x32xf32, #tpu.memory_space<vmem_shared>>) target_semaphore(%run_scoped3A : memref<!tpu.dma_semaphore, #tpu.memory_space<semaphore_mem>>)
      %dma_wait3A_237 = arith.constant 0 : i32
      %dma_wait3A_238 = tpu.memref_slice %arg8[%multiple_of3A, %dma_wait3A_237] : memref<50048x32xf32, #tpu.memory_space<vmem_shared>> -> memref<3128x32xf32, #tpu.memory_space<vmem_shared>>
      tpu.wait_dma2 semaphore(%run_scoped3A : memref<!tpu.dma_semaphore, #tpu.memory_space<semaphore_mem>>) src(%arg4 : memref<3128x32xf32, #tpu.memory_space<hbm>>) dst(%dma_wait3A_238 : memref<3128x32xf32, #tpu.memory_space<vmem_shared>>)
      tpu.yield
    }) : () -> ()
    %barrier3A = arith.constant 0 : index
    tpu.barrier barrier_id(%barrier3A)
    %add3A_8 = arith.constant 0 : i32
    %add3A_9 = arith.addi %mul3A_2, %add3A_8 : i32
    %dma_start3A = arith.constant 0 : i32
    %dma_start3A_10 = arith.constant 0 : i32
    %dma_start3A_11 = tpu.memref_slice %arg2[%arg0, %add3A_9, %dma_start3A, %dma_start3A_10] : memref<2x3168x3x256xi32, #tpu.memory_space<hbm>> -> memref<1x1x3x256xi32, #tpu.memory_space<hbm>>
    %dma_start3A_12 = tpu.memref_squeeze %dma_start3A_11 : memref<1x1x3x256xi32, #tpu.memory_space<hbm>> -> memref<3x256xi32, #tpu.memory_space<hbm>>
    %dma_start3A_13 = arith.constant 0 : i32
    %dma_start3A_14 = arith.constant 0 : i32
    %dma_start3A_15 = tpu.memref_slice %arg2[%arg0, %add3A_9, %dma_start3A_13, %dma_start3A_14] : memref<2x3168x3x256xi32, #tpu.memory_space<hbm>> -> memref<1x1x3x256xi32, #tpu.memory_space<hbm>>
    %dma_start3A_16 = tpu.memref_squeeze %dma_start3A_15 : memref<1x1x3x256xi32, #tpu.memory_space<hbm>> -> memref<3x256xi32, #tpu.memory_space<hbm>>
    tpu.enqueue_dma source(%dma_start3A_16 : memref<3x256xi32, #tpu.memory_space<hbm>>) target(%arg12 : memref<3x256xi32, #tpu.memory_space<vmem>>) target_semaphore(%arg21 : memref<!tpu.dma_semaphore, #tpu.memory_space<semaphore_mem>>)
    %add3A_17 = arith.constant 1 : i32
    %add3A_18 = arith.addi %mul3A_2, %add3A_17 : i32
    %dma_start3A_19 = arith.constant 0 : i32
    %dma_start3A_20 = arith.constant 0 : i32
    %dma_start3A_21 = tpu.memref_slice %arg2[%arg0, %add3A_18, %dma_start3A_19, %dma_start3A_20] : memref<2x3168x3x256xi32, #tpu.memory_space<hbm>> -> memref<1x1x3x256xi32, #tpu.memory_space<hbm>>
    %dma_start3A_22 = tpu.memref_squeeze %dma_start3A_21 : memref<1x1x3x256xi32, #tpu.memory_space<hbm>> -> memref<3x256xi32, #tpu.memory_space<hbm>>
    %dma_start3A_23 = arith.constant 0 : i32
    %dma_start3A_24 = arith.constant 0 : i32
    %dma_start3A_25 = tpu.memref_slice %arg2[%arg0, %add3A_18, %dma_start3A_23, %dma_start3A_24] : memref<2x3168x3x256xi32, #tpu.memory_space<hbm>> -> memref<1x1x3x256xi32, #tpu.memory_space<hbm>>
    %dma_start3A_26 = tpu.memref_squeeze %dma_start3A_25 : memref<1x1x3x256xi32, #tpu.memory_space<hbm>> -> memref<3x256xi32, #tpu.memory_space<hbm>>
    tpu.enqueue_dma source(%dma_start3A_26 : memref<3x256xi32, #tpu.memory_space<hbm>>) target(%arg13 : memref<3x256xi32, #tpu.memory_space<vmem>>) target_semaphore(%arg22 : memref<!tpu.dma_semaphore, #tpu.memory_space<semaphore_mem>>)
    %dma_wait3A = arith.constant 0 : i32
    %dma_wait3A_27 = arith.constant 0 : i32
    %dma_wait3A_28 = tpu.memref_slice %arg2[%arg0, %mul3A_2, %dma_wait3A, %dma_wait3A_27] : memref<2x3168x3x256xi32, #tpu.memory_space<hbm>> -> memref<1x1x3x256xi32, #tpu.memory_space<hbm>>
    %dma_wait3A_29 = tpu.memref_squeeze %dma_wait3A_28 : memref<1x1x3x256xi32, #tpu.memory_space<hbm>> -> memref<3x256xi32, #tpu.memory_space<hbm>>
    %dma_wait3A_30 = arith.constant 0 : i32
    %dma_wait3A_31 = arith.constant 0 : i32
    %dma_wait3A_32 = tpu.memref_slice %arg2[%arg0, %mul3A_2, %dma_wait3A_30, %dma_wait3A_31] : memref<2x3168x3x256xi32, #tpu.memory_space<hbm>> -> memref<1x1x3x256xi32, #tpu.memory_space<hbm>>
    %dma_wait3A_33 = tpu.memref_squeeze %dma_wait3A_32 : memref<1x1x3x256xi32, #tpu.memory_space<hbm>> -> memref<3x256xi32, #tpu.memory_space<hbm>>
    tpu.wait_dma2 semaphore(%arg21 : memref<!tpu.dma_semaphore, #tpu.memory_space<semaphore_mem>>) src(%dma_wait3A_33 : memref<3x256xi32, #tpu.memory_space<hbm>>) dst(%arg12 : memref<3x256xi32, #tpu.memory_space<vmem>>)
    %dma_start3A_34 = arith.constant 0 : i32
    %dma_start3A_35 = arith.constant 0 : i32
    %dma_start3A_36 = tpu.memref_slice %arg12[%dma_start3A_34, %dma_start3A_35] : memref<3x256xi32, #tpu.memory_space<vmem>> -> memref<1x256xi32, #tpu.memory_space<vmem>>
    %dma_start3A_37 = tpu.memref_squeeze %dma_start3A_36 : memref<1x256xi32, #tpu.memory_space<vmem>> -> memref<256xi32, #tpu.memory_space<vmem>>
    %dma_start3A_38 = arith.constant 0 : i32
    %dma_start3A_39 = arith.constant 0 : i32
    %dma_start3A_40 = tpu.memref_slice %arg3[%dma_start3A_38, %dma_start3A_39] : memref<100096x32xf32, #tpu.memory_space<hbm>> -> memref<100096x32xf32, #tpu.memory_space<hbm>>
    tpu.enqueue_indirect_dma source(%dma_start3A_40 : memref<100096x32xf32, #tpu.memory_space<hbm>>) target(%arg9 : memref<256x32xf32, #tpu.memory_space<vmem>>) offsets(%dma_start3A_37 : memref<256xi32, #tpu.memory_space<vmem>>) semaphore(%arg15 : memref<!tpu.dma_semaphore, #tpu.memory_space<semaphore_mem>>)
    %add3A_41 = arith.constant 2 : i32
    %add3A_42 = arith.addi %mul3A_2, %add3A_41 : i32
    %dma_start3A_43 = arith.constant 0 : i32
    %dma_start3A_44 = arith.constant 0 : i32
    %dma_start3A_45 = tpu.memref_slice %arg2[%arg0, %add3A_42, %dma_start3A_43, %dma_start3A_44] : memref<2x3168x3x256xi32, #tpu.memory_space<hbm>> -> memref<1x1x3x256xi32, #tpu.memory_space<hbm>>
    %dma_start3A_46 = tpu.memref_squeeze %dma_start3A_45 : memref<1x1x3x256xi32, #tpu.memory_space<hbm>> -> memref<3x256xi32, #tpu.memory_space<hbm>>
    %dma_start3A_47 = arith.constant 0 : i32
    %dma_start3A_48 = arith.constant 0 : i32
    %dma_start3A_49 = tpu.memref_slice %arg2[%arg0, %add3A_42, %dma_start3A_47, %dma_start3A_48] : memref<2x3168x3x256xi32, #tpu.memory_space<hbm>> -> memref<1x1x3x256xi32, #tpu.memory_space<hbm>>
    %dma_start3A_50 = tpu.memref_squeeze %dma_start3A_49 : memref<1x1x3x256xi32, #tpu.memory_space<hbm>> -> memref<3x256xi32, #tpu.memory_space<hbm>>
    tpu.enqueue_dma source(%dma_start3A_50 : memref<3x256xi32, #tpu.memory_space<hbm>>) target(%arg14 : memref<3x256xi32, #tpu.memory_space<vmem>>) target_semaphore(%arg23 : memref<!tpu.dma_semaphore, #tpu.memory_space<semaphore_mem>>)
    %scan3A = arith.constant 0 : i32
    %scan3A_51 = arith.constant 0 : i32
    %scan3A_52 = arith.constant 66 : i32
    %scan3A_53 = arith.addi %scan3A_51, %scan3A_52 : i32
    %scan3A_54 = arith.constant 1 : i32
    scf.for %scan3A_235 = %scan3A_51 to %scan3A_53 step %scan3A_54  : i32 {
      %mul3A_236 = arith.constant 3 : i32
      %mul3A_237 = arith.muli %mul3A_236, %scan3A_235 : i32
      %add3A_238 = arith.constant 0 : i32
      %add3A_239 = arith.addi %mul3A_237, %add3A_238 : i32
      %add3A_240 = arith.constant 2 : i32
      %add3A_241 = arith.addi %add3A_239, %add3A_240 : i32
      %min3A = arith.constant 197 : i32
      %min3A_242 = arith.minsi %add3A_241, %min3A : i32
      %gt3A = arith.constant 0 : i32
      %gt3A_243 = arith.cmpi sgt, %scan3A_235, %gt3A : i32
      %convert_element_type3A = arith.extui %gt3A_243 : i1 to i32
      %cond3A = arith.constant 0 : i32
      %cond3A_244 = arith.cmpi ne, %convert_element_type3A, %cond3A : i32
      scf.if %cond3A_244 {
        %dma_wait3A_398 = arith.constant 2 : i32
        %dma_wait3A_399 = arith.constant 0 : i32
        %dma_wait3A_400 = tpu.memref_slice %arg14[%dma_wait3A_398, %dma_wait3A_399] : memref<3x256xi32, #tpu.memory_space<vmem>> -> memref<1x256xi32, #tpu.memory_space<vmem>>
        %dma_wait3A_401 = tpu.memref_squeeze %dma_wait3A_400 : memref<1x256xi32, #tpu.memory_space<vmem>> -> memref<256xi32, #tpu.memory_space<vmem>>
        %dma_wait3A_402 = arith.constant 0 : i32
        %dma_wait3A_403 = arith.constant 0 : i32
        %dma_wait3A_404 = tpu.memref_slice %arg8[%dma_wait3A_402, %dma_wait3A_403] : memref<50048x32xf32, #tpu.memory_space<vmem_shared>> -> memref<50048x32xf32, #tpu.memory_space<vmem_shared>>
        tpu.wait_indirect_dma semaphore(%arg20 : memref<!tpu.dma_semaphore, #tpu.memory_space<semaphore_mem>>) src(%arg11 : memref<256x32xf32, #tpu.memory_space<vmem>>) dst(%dma_wait3A_404 : memref<50048x32xf32, #tpu.memory_space<vmem_shared>>)
        %add3A_405 = arith.addi %mul3A_2, %min3A_242 : i32
        %dma_start3A_406 = arith.constant 0 : i32
        %dma_start3A_407 = arith.constant 0 : i32
        %dma_start3A_408 = tpu.memref_slice %arg2[%arg0, %add3A_405, %dma_start3A_406, %dma_start3A_407] : memref<2x3168x3x256xi32, #tpu.memory_space<hbm>> -> memref<1x1x3x256xi32, #tpu.memory_space<hbm>>
        %dma_start3A_409 = tpu.memref_squeeze %dma_start3A_408 : memref<1x1x3x256xi32, #tpu.memory_space<hbm>> -> memref<3x256xi32, #tpu.memory_space<hbm>>
        %dma_start3A_410 = arith.constant 0 : i32
        %dma_start3A_411 = arith.constant 0 : i32
        %dma_start3A_412 = tpu.memref_slice %arg2[%arg0, %add3A_405, %dma_start3A_410, %dma_start3A_411] : memref<2x3168x3x256xi32, #tpu.memory_space<hbm>> -> memref<1x1x3x256xi32, #tpu.memory_space<hbm>>
        %dma_start3A_413 = tpu.memref_squeeze %dma_start3A_412 : memref<1x1x3x256xi32, #tpu.memory_space<hbm>> -> memref<3x256xi32, #tpu.memory_space<hbm>>
        tpu.enqueue_dma source(%dma_start3A_413 : memref<3x256xi32, #tpu.memory_space<hbm>>) target(%arg14 : memref<3x256xi32, #tpu.memory_space<vmem>>) target_semaphore(%arg23 : memref<!tpu.dma_semaphore, #tpu.memory_space<semaphore_mem>>)
      } else {
      }
      %dma_wait3A_245 = arith.constant 0 : i32
      %dma_wait3A_246 = arith.constant 0 : i32
      %dma_wait3A_247 = tpu.memref_slice %arg2[%arg0, %mul3A_2, %dma_wait3A_245, %dma_wait3A_246] : memref<2x3168x3x256xi32, #tpu.memory_space<hbm>> -> memref<1x1x3x256xi32, #tpu.memory_space<hbm>>
      %dma_wait3A_248 = tpu.memref_squeeze %dma_wait3A_247 : memref<1x1x3x256xi32, #tpu.memory_space<hbm>> -> memref<3x256xi32, #tpu.memory_space<hbm>>
      %dma_wait3A_249 = arith.constant 0 : i32
      %dma_wait3A_250 = arith.constant 0 : i32
      %dma_wait3A_251 = tpu.memref_slice %arg2[%arg0, %mul3A_2, %dma_wait3A_249, %dma_wait3A_250] : memref<2x3168x3x256xi32, #tpu.memory_space<hbm>> -> memref<1x1x3x256xi32, #tpu.memory_space<hbm>>
      %dma_wait3A_252 = tpu.memref_squeeze %dma_wait3A_251 : memref<1x1x3x256xi32, #tpu.memory_space<hbm>> -> memref<3x256xi32, #tpu.memory_space<hbm>>
      tpu.wait_dma2 semaphore(%arg22 : memref<!tpu.dma_semaphore, #tpu.memory_space<semaphore_mem>>) src(%dma_wait3A_252 : memref<3x256xi32, #tpu.memory_space<hbm>>) dst(%arg13 : memref<3x256xi32, #tpu.memory_space<vmem>>)
      %dma_start3A_253 = arith.constant 0 : i32
      %dma_start3A_254 = arith.constant 0 : i32
      %dma_start3A_255 = tpu.memref_slice %arg13[%dma_start3A_253, %dma_start3A_254] : memref<3x256xi32, #tpu.memory_space<vmem>> -> memref<1x256xi32, #tpu.memory_space<vmem>>
      %dma_start3A_256 = tpu.memref_squeeze %dma_start3A_255 : memref<1x256xi32, #tpu.memory_space<vmem>> -> memref<256xi32, #tpu.memory_space<vmem>>
      %dma_start3A_257 = arith.constant 0 : i32
      %dma_start3A_258 = arith.constant 0 : i32
      %dma_start3A_259 = tpu.memref_slice %arg3[%dma_start3A_257, %dma_start3A_258] : memref<100096x32xf32, #tpu.memory_space<hbm>> -> memref<100096x32xf32, #tpu.memory_space<hbm>>
      tpu.enqueue_indirect_dma source(%dma_start3A_259 : memref<100096x32xf32, #tpu.memory_space<hbm>>) target(%arg10 : memref<256x32xf32, #tpu.memory_space<vmem>>) offsets(%dma_start3A_256 : memref<256xi32, #tpu.memory_space<vmem>>) semaphore(%arg16 : memref<!tpu.dma_semaphore, #tpu.memory_space<semaphore_mem>>)
      %dma_wait3A_260 = arith.constant 0 : i32
      %dma_wait3A_261 = arith.constant 0 : i32
      %dma_wait3A_262 = tpu.memref_slice %arg12[%dma_wait3A_260, %dma_wait3A_261] : memref<3x256xi32, #tpu.memory_space<vmem>> -> memref<1x256xi32, #tpu.memory_space<vmem>>
      %dma_wait3A_263 = tpu.memref_squeeze %dma_wait3A_262 : memref<1x256xi32, #tpu.memory_space<vmem>> -> memref<256xi32, #tpu.memory_space<vmem>>
      %dma_wait3A_264 = arith.constant 0 : i32
      %dma_wait3A_265 = arith.constant 0 : i32
      %dma_wait3A_266 = tpu.memref_slice %arg3[%dma_wait3A_264, %dma_wait3A_265] : memref<100096x32xf32, #tpu.memory_space<hbm>> -> memref<100096x32xf32, #tpu.memory_space<hbm>>
      tpu.wait_indirect_dma semaphore(%arg15 : memref<!tpu.dma_semaphore, #tpu.memory_space<semaphore_mem>>) src(%dma_wait3A_266 : memref<100096x32xf32, #tpu.memory_space<hbm>>) dst(%arg9 : memref<256x32xf32, #tpu.memory_space<vmem>>)
      %scan3A_267 = arith.constant 0 : i32
      %scan3A_268 = arith.constant 0 : i32
      %scan3A_269 = arith.constant 16 : i32
      %scan3A_270 = arith.addi %scan3A_268, %scan3A_269 : i32
      %scan3A_271 = arith.constant 1 : i32
      scf.for %scan3A_398 = %scan3A_268 to %scan3A_270 step %scan3A_271  : i32 {
        %mul3A_399 = arith.constant 16 : i32
        %mul3A_400 = arith.muli %scan3A_398, %mul3A_399 : i32
        %get3A = arith.constant 1 : i32
        %get3A_401 = arith.index_cast %get3A : i32 to index
        %get3A_402 = arith.index_cast %mul3A_400 : i32 to index
        %get3A_403 = tpu.vector_load %arg12[%get3A_401, %get3A_402] {strides = array<i32>} : memref<3x256xi32, #tpu.memory_space<vmem>>, vector<16xi32>,
        %bitcast3A = vector.bitcast %get3A_403 : vector<16xi32> to vector<16xf32>
        %add3A_404 = arith.constant 0 : i32
        %add3A_405 = arith.addi %mul3A_400, %add3A_404 : i32
        %slice3A = vector.extract_strided_slice %bitcast3A {offsets = [0], sizes = [1], strides = [1]} : vector<16xf32> to vector<1xf32>
        %squeeze3A = vector.extract %slice3A[0] : f32 from vector<1xf32>
        %get3A_406 = arith.index_cast %add3A_405 : i32 to index
        %get3A_407 = arith.constant 0 : index
        %get3A_408 = tpu.vector_load %arg9[%get3A_406, %get3A_407] {strides = array<i32>} : memref<256x32xf32, #tpu.memory_space<vmem>>, vector<16xf32>,
        %mul3A_409 = vector.broadcast %squeeze3A : f32 to vector<16xf32>
        %mul3A_410 = arith.mulf %get3A_408, %mul3A_409 : vector<16xf32>
        %swap3A = arith.index_cast %add3A_405 : i32 to index
        %swap3A_411 = arith.constant 0 : index
        %swap3A_412 = tpu.vector_load %arg9[%swap3A, %swap3A_411] {strides = array<i32>} : memref<256x32xf32, #tpu.memory_space<vmem>>, vector<16xf32>,
        tpu.vector_store %arg9[%swap3A, %swap3A_411], %mul3A_410 {strides = array<i32>} : memref<256x32xf32, #tpu.memory_space<vmem>>, vector<16xf32>,
        %get3A_413 = arith.index_cast %add3A_405 : i32 to index
        %get3A_414 = arith.constant 16 : index
        %get3A_415 = tpu.vector_load %arg9[%get3A_413, %get3A_414] {strides = array<i32>} : memref<256x32xf32, #tpu.memory_space<vmem>>, vector<16xf32>,
        %mul3A_416 = vector.broadcast %squeeze3A : f32 to vector<16xf32>
        %mul3A_417 = arith.mulf %get3A_415, %mul3A_416 : vector<16xf32>
        %swap3A_418 = arith.index_cast %add3A_405 : i32 to index
        %swap3A_419 = arith.constant 16 : index
        %swap3A_420 = tpu.vector_load %arg9[%swap3A_418, %swap3A_419] {strides = array<i32>} : memref<256x32xf32, #tpu.memory_space<vmem>>, vector<16xf32>,
        tpu.vector_store %arg9[%swap3A_418, %swap3A_419], %mul3A_417 {strides = array<i32>} : memref<256x32xf32, #tpu.memory_space<vmem>>, vector<16xf32>,
        %add3A_421 = arith.constant 1 : i32
        %add3A_422 = arith.addi %mul3A_400, %add3A_421 : i32
        %slice3A_423 = vector.extract_strided_slice %bitcast3A {offsets = [1], sizes = [1], strides = [1]} : vector<16xf32> to vector<1xf32>
        %squeeze3A_424 = vector.extract %slice3A_423[0] : f32 from vector<1xf32>
        %get3A_425 = arith.index_cast %add3A_422 : i32 to index
        %get3A_426 = arith.constant 0 : index
        %get3A_427 = tpu.vector_load %arg9[%get3A_425, %get3A_426] {strides = array<i32>} : memref<256x32xf32, #tpu.memory_space<vmem>>, vector<16xf32>,
        %mul3A_428 = vector.broadcast %squeeze3A_424 : f32 to vector<16xf32>
        %mul3A_429 = arith.mulf %get3A_427, %mul3A_428 : vector<16xf32>
        %swap3A_430 = arith.index_cast %add3A_422 : i32 to index
        %swap3A_431 = arith.constant 0 : index
        %swap3A_432 = tpu.vector_load %arg9[%swap3A_430, %swap3A_431] {strides = array<i32>} : memref<256x32xf32, #tpu.memory_space<vmem>>, vector<16xf32>,
        tpu.vector_store %arg9[%swap3A_430, %swap3A_431], %mul3A_429 {strides = array<i32>} : memref<256x32xf32, #tpu.memory_space<vmem>>, vector<16xf32>,
        %get3A_433 = arith.index_cast %add3A_422 : i32 to index
        %get3A_434 = arith.constant 16 : index
        %get3A_435 = tpu.vector_load %arg9[%get3A_433, %get3A_434] {strides = array<i32>} : memref<256x32xf32, #tpu.memory_space<vmem>>, vector<16xf32>,
        %mul3A_436 = vector.broadcast %squeeze3A_424 : f32 to vector<16xf32>
        %mul3A_437 = arith.mulf %get3A_435, %mul3A_436 : vector<16xf32>
        %swap3A_438 = arith.index_cast %add3A_422 : i32 to index
        %swap3A_439 = arith.constant 16 : index
        %swap3A_440 = tpu.vector_load %arg9[%swap3A_438, %swap3A_439] {strides = array<i32>} : memref<256x32xf32, #tpu.memory_space<vmem>>, vector<16xf32>,
        tpu.vector_store %arg9[%swap3A_438, %swap3A_439], %mul3A_437 {strides = array<i32>} : memref<256x32xf32, #tpu.memory_space<vmem>>, vector<16xf32>,
        %add3A_441 = arith.constant 2 : i32
        %add3A_442 = arith.addi %mul3A_400, %add3A_441 : i32
        %slice3A_443 = vector.extract_strided_slice %bitcast3A {offsets = [2], sizes = [1], strides = [1]} : vector<16xf32> to vector<1xf32>
        %squeeze3A_444 = vector.extract %slice3A_443[0] : f32 from vector<1xf32>
        %get3A_445 = arith.index_cast %add3A_442 : i32 to index
        %get3A_446 = arith.constant 0 : index
        %get3A_447 = tpu.vector_load %arg9[%get3A_445, %get3A_446] {strides = array<i32>} : memref<256x32xf32, #tpu.memory_space<vmem>>, vector<16xf32>,
        %mul3A_448 = vector.broadcast %squeeze3A_444 : f32 to vector<16xf32>
        %mul3A_449 = arith.mulf %get3A_447, %mul3A_448 : vector<16xf32>
        %swap3A_450 = arith.index_cast %add3A_442 : i32 to index
        %swap3A_451 = arith.constant 0 : index
        %swap3A_452 = tpu.vector_load %arg9[%swap3A_450, %swap3A_451] {strides = array<i32>} : memref<256x32xf32, #tpu.memory_space<vmem>>, vector<16xf32>,
        tpu.vector_store %arg9[%swap3A_450, %swap3A_451], %mul3A_449 {strides = array<i32>} : memref<256x32xf32, #tpu.memory_space<vmem>>, vector<16xf32>,
        %get3A_453 = arith.index_cast %add3A_442 : i32 to index
        %get3A_454 = arith.constant 16 : index
        %get3A_455 = tpu.vector_load %arg9[%get3A_453, %get3A_454] {strides = array<i32>} : memref<256x32xf32, #tpu.memory_space<vmem>>, vector<16xf32>,
        %mul3A_456 = vector.broadcast %squeeze3A_444 : f32 to vector<16xf32>
        %mul3A_457 = arith.mulf %get3A_455, %mul3A_456 : vector<16xf32>
        %swap3A_458 = arith.index_cast %add3A_442 : i32 to index
        %swap3A_459 = arith.constant 16 : index
        %swap3A_460 = tpu.vector_load %arg9[%swap3A_458, %swap3A_459] {strides = array<i32>} : memref<256x32xf32, #tpu.memory_space<vmem>>, vector<16xf32>,
        tpu.vector_store %arg9[%swap3A_458, %swap3A_459], %mul3A_457 {strides = array<i32>} : memref<256x32xf32, #tpu.memory_space<vmem>>, vector<16xf32>,
        %add3A_461 = arith.constant 3 : i32
        %add3A_462 = arith.addi %mul3A_400, %add3A_461 : i32
        %slice3A_463 = vector.extract_strided_slice %bitcast3A {offsets = [3], sizes = [1], strides = [1]} : vector<16xf32> to vector<1xf32>
        %squeeze3A_464 = vector.extract %slice3A_463[0] : f32 from vector<1xf32>
        %get3A_465 = arith.index_cast %add3A_462 : i32 to index
        %get3A_466 = arith.constant 0 : index
        %get3A_467 = tpu.vector_load %arg9[%get3A_465, %get3A_466] {strides = array<i32>} : memref<256x32xf32, #tpu.memory_space<vmem>>, vector<16xf32>,
        %mul3A_468 = vector.broadcast %squeeze3A_464 : f32 to vector<16xf32>
        %mul3A_469 = arith.mulf %get3A_467, %mul3A_468 : vector<16xf32>
        %swap3A_470 = arith.index_cast %add3A_462 : i32 to index
        %swap3A_471 = arith.constant 0 : index
        %swap3A_472 = tpu.vector_load %arg9[%swap3A_470, %swap3A_471] {strides = array<i32>} : memref<256x32xf32, #tpu.memory_space<vmem>>, vector<16xf32>,
        tpu.vector_store %arg9[%swap3A_470, %swap3A_471], %mul3A_469 {strides = array<i32>} : memref<256x32xf32, #tpu.memory_space<vmem>>, vector<16xf32>,
        %get3A_473 = arith.index_cast %add3A_462 : i32 to index
        %get3A_474 = arith.constant 16 : index
        %get3A_475 = tpu.vector_load %arg9[%get3A_473, %get3A_474] {strides = array<i32>} : memref<256x32xf32, #tpu.memory_space<vmem>>, vector<16xf32>,
        %mul3A_476 = vector.broadcast %squeeze3A_464 : f32 to vector<16xf32>
        %mul3A_477 = arith.mulf %get3A_475, %mul3A_476 : vector<16xf32>
        %swap3A_478 = arith.index_cast %add3A_462 : i32 to index
        %swap3A_479 = arith.constant 16 : index
        %swap3A_480 = tpu.vector_load %arg9[%swap3A_478, %swap3A_479] {strides = array<i32>} : memref<256x32xf32, #tpu.memory_space<vmem>>, vector<16xf32>,
        tpu.vector_store %arg9[%swap3A_478, %swap3A_479], %mul3A_477 {strides = array<i32>} : memref<256x32xf32, #tpu.memory_space<vmem>>, vector<16xf32>,
        %add3A_481 = arith.constant 4 : i32
        %add3A_482 = arith.addi %mul3A_400, %add3A_481 : i32
        %slice3A_483 = vector.extract_strided_slice %bitcast3A {offsets = [4], sizes = [1], strides = [1]} : vector<16xf32> to vector<1xf32>
        %squeeze3A_484 = vector.extract %slice3A_483[0] : f32 from vector<1xf32>
        %get3A_485 = arith.index_cast %add3A_482 : i32 to index
        %get3A_486 = arith.constant 0 : index
        %get3A_487 = tpu.vector_load %arg9[%get3A_485, %get3A_486] {strides = array<i32>} : memref<256x32xf32, #tpu.memory_space<vmem>>, vector<16xf32>,
        %mul3A_488 = vector.broadcast %squeeze3A_484 : f32 to vector<16xf32>
        %mul3A_489 = arith.mulf %get3A_487, %mul3A_488 : vector<16xf32>
        %swap3A_490 = arith.index_cast %add3A_482 : i32 to index
        %swap3A_491 = arith.constant 0 : index
        %swap3A_492 = tpu.vector_load %arg9[%swap3A_490, %swap3A_491] {strides = array<i32>} : memref<256x32xf32, #tpu.memory_space<vmem>>, vector<16xf32>,
        tpu.vector_store %arg9[%swap3A_490, %swap3A_491], %mul3A_489 {strides = array<i32>} : memref<256x32xf32, #tpu.memory_space<vmem>>, vector<16xf32>,
        %get3A_493 = arith.index_cast %add3A_482 : i32 to index
        %get3A_494 = arith.constant 16 : index
        %get3A_495 = tpu.vector_load %arg9[%get3A_493, %get3A_494] {strides = array<i32>} : memref<256x32xf32, #tpu.memory_space<vmem>>, vector<16xf32>,
        %mul3A_496 = vector.broadcast %squeeze3A_484 : f32 to vector<16xf32>
        %mul3A_497 = arith.mulf %get3A_495, %mul3A_496 : vector<16xf32>
        %swap3A_498 = arith.index_cast %add3A_482 : i32 to index
        %swap3A_499 = arith.constant 16 : index
        %swap3A_500 = tpu.vector_load %arg9[%swap3A_498, %swap3A_499] {strides = array<i32>} : memref<256x32xf32, #tpu.memory_space<vmem>>, vector<16xf32>,
        tpu.vector_store %arg9[%swap3A_498, %swap3A_499], %mul3A_497 {strides = array<i32>} : memref<256x32xf32, #tpu.memory_space<vmem>>, vector<16xf32>,
        %add3A_501 = arith.constant 5 : i32
        %add3A_502 = arith.addi %mul3A_400, %add3A_501 : i32
        %slice3A_503 = vector.extract_strided_slice %bitcast3A {offsets = [5], sizes = [1], strides = [1]} : vector<16xf32> to vector<1xf32>
        %squeeze3A_504 = vector.extract %slice3A_503[0] : f32 from vector<1xf32>
        %get3A_505 = arith.index_cast %add3A_502 : i32 to index
        %get3A_506 = arith.constant 0 : index
        %get3A_507 = tpu.vector_load %arg9[%get3A_505, %get3A_506] {strides = array<i32>} : memref<256x32xf32, #tpu.memory_space<vmem>>, vector<16xf32>,
        %mul3A_508 = vector.broadcast %squeeze3A_504 : f32 to vector<16xf32>
        %mul3A_509 = arith.mulf %get3A_507, %mul3A_508 : vector<16xf32>
        %swap3A_510 = arith.index_cast %add3A_502 : i32 to index
        %swap3A_511 = arith.constant 0 : index
        %swap3A_512 = tpu.vector_load %arg9[%swap3A_510, %swap3A_511] {strides = array<i32>} : memref<256x32xf32, #tpu.memory_space<vmem>>, vector<16xf32>,
        tpu.vector_store %arg9[%swap3A_510, %swap3A_511], %mul3A_509 {strides = array<i32>} : memref<256x32xf32, #tpu.memory_space<vmem>>, vector<16xf32>,
        %get3A_513 = arith.index_cast %add3A_502 : i32 to index
        %get3A_514 = arith.constant 16 : index
        %get3A_515 = tpu.vector_load %arg9[%get3A_513, %get3A_514] {strides = array<i32>} : memref<256x32xf32, #tpu.memory_space<vmem>>, vector<16xf32>,
        %mul3A_516 = vector.broadcast %squeeze3A_504 : f32 to vector<16xf32>
        %mul3A_517 = arith.mulf %get3A_515, %mul3A_516 : vector<16xf32>
        %swap3A_518 = arith.index_cast %add3A_502 : i32 to index
        %swap3A_519 = arith.constant 16 : index
        %swap3A_520 = tpu.vector_load %arg9[%swap3A_518, %swap3A_519] {strides = array<i32>} : memref<256x32xf32, #tpu.memory_space<vmem>>, vector<16xf32>,
        tpu.vector_store %arg9[%swap3A_518, %swap3A_519], %mul3A_517 {strides = array<i32>} : memref<256x32xf32, #tpu.memory_space<vmem>>, vector<16xf32>,
        %add3A_521 = arith.constant 6 : i32
        %add3A_522 = arith.addi %mul3A_400, %add3A_521 : i32
        %slice3A_523 = vector.extract_strided_slice %bitcast3A {offsets = [6], sizes = [1], strides = [1]} : vector<16xf32> to vector<1xf32>
        %squeeze3A_524 = vector.extract %slice3A_523[0] : f32 from vector<1xf32>
        %get3A_525 = arith.index_cast %add3A_522 : i32 to index
        %get3A_526 = arith.constant 0 : index
        %get3A_527 = tpu.vector_load %arg9[%get3A_525, %get3A_526] {strides = array<i32>} : memref<256x32xf32, #tpu.memory_space<vmem>>, vector<16xf32>,
        %mul3A_528 = vector.broadcast %squeeze3A_524 : f32 to vector<16xf32>
        %mul3A_529 = arith.mulf %get3A_527, %mul3A_528 : vector<16xf32>
        %swap3A_530 = arith.index_cast %add3A_522 : i32 to index
        %swap3A_531 = arith.constant 0 : index
        %swap3A_532 = tpu.vector_load %arg9[%swap3A_530, %swap3A_531] {strides = array<i32>} : memref<256x32xf32, #tpu.memory_space<vmem>>, vector<16xf32>,
        tpu.vector_store %arg9[%swap3A_530, %swap3A_531], %mul3A_529 {strides = array<i32>} : memref<256x32xf32, #tpu.memory_space<vmem>>, vector<16xf32>,
        %get3A_533 = arith.index_cast %add3A_522 : i32 to index
        %get3A_534 = arith.constant 16 : index
        %get3A_535 = tpu.vector_load %arg9[%get3A_533, %get3A_534] {strides = array<i32>} : memref<256x32xf32, #tpu.memory_space<vmem>>, vector<16xf32>,
        %mul3A_536 = vector.broadcast %squeeze3A_524 : f32 to vector<16xf32>
        %mul3A_537 = arith.mulf %get3A_535, %mul3A_536 : vector<16xf32>
        %swap3A_538 = arith.index_cast %add3A_522 : i32 to index
        %swap3A_539 = arith.constant 16 : index
        %swap3A_540 = tpu.vector_load %arg9[%swap3A_538, %swap3A_539] {strides = array<i32>} : memref<256x32xf32, #tpu.memory_space<vmem>>, vector<16xf32>,
        tpu.vector_store %arg9[%swap3A_538, %swap3A_539], %mul3A_537 {strides = array<i32>} : memref<256x32xf32, #tpu.memory_space<vmem>>, vector<16xf32>,
        %add3A_541 = arith.constant 7 : i32
        %add3A_542 = arith.addi %mul3A_400, %add3A_541 : i32
        %slice3A_543 = vector.extract_strided_slice %bitcast3A {offsets = [7], sizes = [1], strides = [1]} : vector<16xf32> to vector<1xf32>
        %squeeze3A_544 = vector.extract %slice3A_543[0] : f32 from vector<1xf32>
        %get3A_545 = arith.index_cast %add3A_542 : i32 to index
        %get3A_546 = arith.constant 0 : index
        %get3A_547 = tpu.vector_load %arg9[%get3A_545, %get3A_546] {strides = array<i32>} : memref<256x32xf32, #tpu.memory_space<vmem>>, vector<16xf32>,
        %mul3A_548 = vector.broadcast %squeeze3A_544 : f32 to vector<16xf32>
        %mul3A_549 = arith.mulf %get3A_547, %mul3A_548 : vector<16xf32>
        %swap3A_550 = arith.index_cast %add3A_542 : i32 to index
        %swap3A_551 = arith.constant 0 : index
        %swap3A_552 = tpu.vector_load %arg9[%swap3A_550, %swap3A_551] {strides = array<i32>} : memref<256x32xf32, #tpu.memory_space<vmem>>, vector<16xf32>,
        tpu.vector_store %arg9[%swap3A_550, %swap3A_551], %mul3A_549 {strides = array<i32>} : memref<256x32xf32, #tpu.memory_space<vmem>>, vector<16xf32>,
        %get3A_553 = arith.index_cast %add3A_542 : i32 to index
        %get3A_554 = arith.constant 16 : index
        %get3A_555 = tpu.vector_load %arg9[%get3A_553, %get3A_554] {strides = array<i32>} : memref<256x32xf32, #tpu.memory_space<vmem>>, vector<16xf32>,
        %mul3A_556 = vector.broadcast %squeeze3A_544 : f32 to vector<16xf32>
        %mul3A_557 = arith.mulf %get3A_555, %mul3A_556 : vector<16xf32>
        %swap3A_558 = arith.index_cast %add3A_542 : i32 to index
        %swap3A_559 = arith.constant 16 : index
        %swap3A_560 = tpu.vector_load %arg9[%swap3A_558, %swap3A_559] {strides = array<i32>} : memref<256x32xf32, #tpu.memory_space<vmem>>, vector<16xf32>,
        tpu.vector_store %arg9[%swap3A_558, %swap3A_559], %mul3A_557 {strides = array<i32>} : memref<256x32xf32, #tpu.memory_space<vmem>>, vector<16xf32>,
        %add3A_561 = arith.constant 8 : i32
        %add3A_562 = arith.addi %mul3A_400, %add3A_561 : i32
        %slice3A_563 = vector.extract_strided_slice %bitcast3A {offsets = [8], sizes = [1], strides = [1]} : vector<16xf32> to vector<1xf32>
        %squeeze3A_564 = vector.extract %slice3A_563[0] : f32 from vector<1xf32>
        %get3A_565 = arith.index_cast %add3A_562 : i32 to index
        %get3A_566 = arith.constant 0 : index
        %get3A_567 = tpu.vector_load %arg9[%get3A_565, %get3A_566] {strides = array<i32>} : memref<256x32xf32, #tpu.memory_space<vmem>>, vector<16xf32>,
        %mul3A_568 = vector.broadcast %squeeze3A_564 : f32 to vector<16xf32>
        %mul3A_569 = arith.mulf %get3A_567, %mul3A_568 : vector<16xf32>
        %swap3A_570 = arith.index_cast %add3A_562 : i32 to index
        %swap3A_571 = arith.constant 0 : index
        %swap3A_572 = tpu.vector_load %arg9[%swap3A_570, %swap3A_571] {strides = array<i32>} : memref<256x32xf32, #tpu.memory_space<vmem>>, vector<16xf32>,
        tpu.vector_store %arg9[%swap3A_570, %swap3A_571], %mul3A_569 {strides = array<i32>} : memref<256x32xf32, #tpu.memory_space<vmem>>, vector<16xf32>,
        %get3A_573 = arith.index_cast %add3A_562 : i32 to index
        %get3A_574 = arith.constant 16 : index
        %get3A_575 = tpu.vector_load %arg9[%get3A_573, %get3A_574] {strides = array<i32>} : memref<256x32xf32, #tpu.memory_space<vmem>>, vector<16xf32>,
        %mul3A_576 = vector.broadcast %squeeze3A_564 : f32 to vector<16xf32>
        %mul3A_577 = arith.mulf %get3A_575, %mul3A_576 : vector<16xf32>
        %swap3A_578 = arith.index_cast %add3A_562 : i32 to index
        %swap3A_579 = arith.constant 16 : index
        %swap3A_580 = tpu.vector_load %arg9[%swap3A_578, %swap3A_579] {strides = array<i32>} : memref<256x32xf32, #tpu.memory_space<vmem>>, vector<16xf32>,
        tpu.vector_store %arg9[%swap3A_578, %swap3A_579], %mul3A_577 {strides = array<i32>} : memref<256x32xf32, #tpu.memory_space<vmem>>, vector<16xf32>,
        %add3A_581 = arith.constant 9 : i32
        %add3A_582 = arith.addi %mul3A_400, %add3A_581 : i32
        %slice3A_583 = vector.extract_strided_slice %bitcast3A {offsets = [9], sizes = [1], strides = [1]} : vector<16xf32> to vector<1xf32>
        %squeeze3A_584 = vector.extract %slice3A_583[0] : f32 from vector<1xf32>
        %get3A_585 = arith.index_cast %add3A_582 : i32 to index
        %get3A_586 = arith.constant 0 : index
        %get3A_587 = tpu.vector_load %arg9[%get3A_585, %get3A_586] {strides = array<i32>} : memref<256x32xf32, #tpu.memory_space<vmem>>, vector<16xf32>,
        %mul3A_588 = vector.broadcast %squeeze3A_584 : f32 to vector<16xf32>
        %mul3A_589 = arith.mulf %get3A_587, %mul3A_588 : vector<16xf32>
        %swap3A_590 = arith.index_cast %add3A_582 : i32 to index
        %swap3A_591 = arith.constant 0 : index
        %swap3A_592 = tpu.vector_load %arg9[%swap3A_590, %swap3A_591] {strides = array<i32>} : memref<256x32xf32, #tpu.memory_space<vmem>>, vector<16xf32>,
        tpu.vector_store %arg9[%swap3A_590, %swap3A_591], %mul3A_589 {strides = array<i32>} : memref<256x32xf32, #tpu.memory_space<vmem>>, vector<16xf32>,
        %get3A_593 = arith.index_cast %add3A_582 : i32 to index
        %get3A_594 = arith.constant 16 : index
        %get3A_595 = tpu.vector_load %arg9[%get3A_593, %get3A_594] {strides = array<i32>} : memref<256x32xf32, #tpu.memory_space<vmem>>, vector<16xf32>,
        %mul3A_596 = vector.broadcast %squeeze3A_584 : f32 to vector<16xf32>
        %mul3A_597 = arith.mulf %get3A_595, %mul3A_596 : vector<16xf32>
        %swap3A_598 = arith.index_cast %add3A_582 : i32 to index
        %swap3A_599 = arith.constant 16 : index
        %swap3A_600 = tpu.vector_load %arg9[%swap3A_598, %swap3A_599] {strides = array<i32>} : memref<256x32xf32, #tpu.memory_space<vmem>>, vector<16xf32>,
        tpu.vector_store %arg9[%swap3A_598, %swap3A_599], %mul3A_597 {strides = array<i32>} : memref<256x32xf32, #tpu.memory_space<vmem>>, vector<16xf32>,
        %add3A_601 = arith.constant 10 : i32
        %add3A_602 = arith.addi %mul3A_400, %add3A_601 : i32
        %slice3A_603 = vector.extract_strided_slice %bitcast3A {offsets = [10], sizes = [1], strides = [1]} : vector<16xf32> to vector<1xf32>
        %squeeze3A_604 = vector.extract %slice3A_603[0] : f32 from vector<1xf32>
        %get3A_605 = arith.index_cast %add3A_602 : i32 to index
        %get3A_606 = arith.constant 0 : index
        %get3A_607 = tpu.vector_load %arg9[%get3A_605, %get3A_606] {strides = array<i32>} : memref<256x32xf32, #tpu.memory_space<vmem>>, vector<16xf32>,
        %mul3A_608 = vector.broadcast %squeeze3A_604 : f32 to vector<16xf32>
        %mul3A_609 = arith.mulf %get3A_607, %mul3A_608 : vector<16xf32>
        %swap3A_610 = arith.index_cast %add3A_602 : i32 to index
        %swap3A_611 = arith.constant 0 : index
        %swap3A_612 = tpu.vector_load %arg9[%swap3A_610, %swap3A_611] {strides = array<i32>} : memref<256x32xf32, #tpu.memory_space<vmem>>, vector<16xf32>,
        tpu.vector_store %arg9[%swap3A_610, %swap3A_611], %mul3A_609 {strides = array<i32>} : memref<256x32xf32, #tpu.memory_space<vmem>>, vector<16xf32>,
        %get3A_613 = arith.index_cast %add3A_602 : i32 to index
        %get3A_614 = arith.constant 16 : index
        %get3A_615 = tpu.vector_load %arg9[%get3A_613, %get3A_614] {strides = array<i32>} : memref<256x32xf32, #tpu.memory_space<vmem>>, vector<16xf32>,
        %mul3A_616 = vector.broadcast %squeeze3A_604 : f32 to vector<16xf32>
        %mul3A_617 = arith.mulf %get3A_615, %mul3A_616 : vector<16xf32>
        %swap3A_618 = arith.index_cast %add3A_602 : i32 to index
        %swap3A_619 = arith.constant 16 : index
        %swap3A_620 = tpu.vector_load %arg9[%swap3A_618, %swap3A_619] {strides = array<i32>} : memref<256x32xf32, #tpu.memory_space<vmem>>, vector<16xf32>,
        tpu.vector_store %arg9[%swap3A_618, %swap3A_619], %mul3A_617 {strides = array<i32>} : memref<256x32xf32, #tpu.memory_space<vmem>>, vector<16xf32>,
        %add3A_621 = arith.constant 11 : i32
        %add3A_622 = arith.addi %mul3A_400, %add3A_621 : i32
        %slice3A_623 = vector.extract_strided_slice %bitcast3A {offsets = [11], sizes = [1], strides = [1]} : vector<16xf32> to vector<1xf32>
        %squeeze3A_624 = vector.extract %slice3A_623[0] : f32 from vector<1xf32>
        %get3A_625 = arith.index_cast %add3A_622 : i32 to index
        %get3A_626 = arith.constant 0 : index
        %get3A_627 = tpu.vector_load %arg9[%get3A_625, %get3A_626] {strides = array<i32>} : memref<256x32xf32, #tpu.memory_space<vmem>>, vector<16xf32>,
        %mul3A_628 = vector.broadcast %squeeze3A_624 : f32 to vector<16xf32>
        %mul3A_629 = arith.mulf %get3A_627, %mul3A_628 : vector<16xf32>
        %swap3A_630 = arith.index_cast %add3A_622 : i32 to index
        %swap3A_631 = arith.constant 0 : index
        %swap3A_632 = tpu.vector_load %arg9[%swap3A_630, %swap3A_631] {strides = array<i32>} : memref<256x32xf32, #tpu.memory_space<vmem>>, vector<16xf32>,
        tpu.vector_store %arg9[%swap3A_630, %swap3A_631], %mul3A_629 {strides = array<i32>} : memref<256x32xf32, #tpu.memory_space<vmem>>, vector<16xf32>,
        %get3A_633 = arith.index_cast %add3A_622 : i32 to index
        %get3A_634 = arith.constant 16 : index
        %get3A_635 = tpu.vector_load %arg9[%get3A_633, %get3A_634] {strides = array<i32>} : memref<256x32xf32, #tpu.memory_space<vmem>>, vector<16xf32>,
        %mul3A_636 = vector.broadcast %squeeze3A_624 : f32 to vector<16xf32>
        %mul3A_637 = arith.mulf %get3A_635, %mul3A_636 : vector<16xf32>
        %swap3A_638 = arith.index_cast %add3A_622 : i32 to index
        %swap3A_639 = arith.constant 16 : index
        %swap3A_640 = tpu.vector_load %arg9[%swap3A_638, %swap3A_639] {strides = array<i32>} : memref<256x32xf32, #tpu.memory_space<vmem>>, vector<16xf32>,
        tpu.vector_store %arg9[%swap3A_638, %swap3A_639], %mul3A_637 {strides = array<i32>} : memref<256x32xf32, #tpu.memory_space<vmem>>, vector<16xf32>,
        %add3A_641 = arith.constant 12 : i32
        %add3A_642 = arith.addi %mul3A_400, %add3A_641 : i32
        %slice3A_643 = vector.extract_strided_slice %bitcast3A {offsets = [12], sizes = [1], strides = [1]} : vector<16xf32> to vector<1xf32>
        %squeeze3A_644 = vector.extract %slice3A_643[0] : f32 from vector<1xf32>
        %get3A_645 = arith.index_cast %add3A_642 : i32 to index
        %get3A_646 = arith.constant 0 : index
        %get3A_647 = tpu.vector_load %arg9[%get3A_645, %get3A_646] {strides = array<i32>} : memref<256x32xf32, #tpu.memory_space<vmem>>, vector<16xf32>,
        %mul3A_648 = vector.broadcast %squeeze3A_644 : f32 to vector<16xf32>
        %mul3A_649 = arith.mulf %get3A_647, %mul3A_648 : vector<16xf32>
        %swap3A_650 = arith.index_cast %add3A_642 : i32 to index
        %swap3A_651 = arith.constant 0 : index
        %swap3A_652 = tpu.vector_load %arg9[%swap3A_650, %swap3A_651] {strides = array<i32>} : memref<256x32xf32, #tpu.memory_space<vmem>>, vector<16xf32>,
        tpu.vector_store %arg9[%swap3A_650, %swap3A_651], %mul3A_649 {strides = array<i32>} : memref<256x32xf32, #tpu.memory_space<vmem>>, vector<16xf32>,
        %get3A_653 = arith.index_cast %add3A_642 : i32 to index
        %get3A_654 = arith.constant 16 : index
        %get3A_655 = tpu.vector_load %arg9[%get3A_653, %get3A_654] {strides = array<i32>} : memref<256x32xf32, #tpu.memory_space<vmem>>, vector<16xf32>,
        %mul3A_656 = vector.broadcast %squeeze3A_644 : f32 to vector<16xf32>
        %mul3A_657 = arith.mulf %get3A_655, %mul3A_656 : vector<16xf32>
        %swap3A_658 = arith.index_cast %add3A_642 : i32 to index
        %swap3A_659 = arith.constant 16 : index
        %swap3A_660 = tpu.vector_load %arg9[%swap3A_658, %swap3A_659] {strides = array<i32>} : memref<256x32xf32, #tpu.memory_space<vmem>>, vector<16xf32>,
        tpu.vector_store %arg9[%swap3A_658, %swap3A_659], %mul3A_657 {strides = array<i32>} : memref<256x32xf32, #tpu.memory_space<vmem>>, vector<16xf32>,
        %add3A_661 = arith.constant 13 : i32
        %add3A_662 = arith.addi %mul3A_400, %add3A_661 : i32
        %slice3A_663 = vector.extract_strided_slice %bitcast3A {offsets = [13], sizes = [1], strides = [1]} : vector<16xf32> to vector<1xf32>
        %squeeze3A_664 = vector.extract %slice3A_663[0] : f32 from vector<1xf32>
        %get3A_665 = arith.index_cast %add3A_662 : i32 to index
        %get3A_666 = arith.constant 0 : index
        %get3A_667 = tpu.vector_load %arg9[%get3A_665, %get3A_666] {strides = array<i32>} : memref<256x32xf32, #tpu.memory_space<vmem>>, vector<16xf32>,
        %mul3A_668 = vector.broadcast %squeeze3A_664 : f32 to vector<16xf32>
        %mul3A_669 = arith.mulf %get3A_667, %mul3A_668 : vector<16xf32>
        %swap3A_670 = arith.index_cast %add3A_662 : i32 to index
        %swap3A_671 = arith.constant 0 : index
        %swap3A_672 = tpu.vector_load %arg9[%swap3A_670, %swap3A_671] {strides = array<i32>} : memref<256x32xf32, #tpu.memory_space<vmem>>, vector<16xf32>,
        tpu.vector_store %arg9[%swap3A_670, %swap3A_671], %mul3A_669 {strides = array<i32>} : memref<256x32xf32, #tpu.memory_space<vmem>>, vector<16xf32>,
        %get3A_673 = arith.index_cast %add3A_662 : i32 to index
        %get3A_674 = arith.constant 16 : index
        %get3A_675 = tpu.vector_load %arg9[%get3A_673, %get3A_674] {strides = array<i32>} : memref<256x32xf32, #tpu.memory_space<vmem>>, vector<16xf32>,
        %mul3A_676 = vector.broadcast %squeeze3A_664 : f32 to vector<16xf32>
        %mul3A_677 = arith.mulf %get3A_675, %mul3A_676 : vector<16xf32>
        %swap3A_678 = arith.index_cast %add3A_662 : i32 to index
        %swap3A_679 = arith.constant 16 : index
        %swap3A_680 = tpu.vector_load %arg9[%swap3A_678, %swap3A_679] {strides = array<i32>} : memref<256x32xf32, #tpu.memory_space<vmem>>, vector<16xf32>,
        tpu.vector_store %arg9[%swap3A_678, %swap3A_679], %mul3A_677 {strides = array<i32>} : memref<256x32xf32, #tpu.memory_space<vmem>>, vector<16xf32>,
        %add3A_681 = arith.constant 14 : i32
        %add3A_682 = arith.addi %mul3A_400, %add3A_681 : i32
        %slice3A_683 = vector.extract_strided_slice %bitcast3A {offsets = [14], sizes = [1], strides = [1]} : vector<16xf32> to vector<1xf32>
        %squeeze3A_684 = vector.extract %slice3A_683[0] : f32 from vector<1xf32>
        %get3A_685 = arith.index_cast %add3A_682 : i32 to index
        %get3A_686 = arith.constant 0 : index
        %get3A_687 = tpu.vector_load %arg9[%get3A_685, %get3A_686] {strides = array<i32>} : memref<256x32xf32, #tpu.memory_space<vmem>>, vector<16xf32>,
        %mul3A_688 = vector.broadcast %squeeze3A_684 : f32 to vector<16xf32>
        %mul3A_689 = arith.mulf %get3A_687, %mul3A_688 : vector<16xf32>
        %swap3A_690 = arith.index_cast %add3A_682 : i32 to index
        %swap3A_691 = arith.constant 0 : index
        %swap3A_692 = tpu.vector_load %arg9[%swap3A_690, %swap3A_691] {strides = array<i32>} : memref<256x32xf32, #tpu.memory_space<vmem>>, vector<16xf32>,
        tpu.vector_store %arg9[%swap3A_690, %swap3A_691], %mul3A_689 {strides = array<i32>} : memref<256x32xf32, #tpu.memory_space<vmem>>, vector<16xf32>,
        %get3A_693 = arith.index_cast %add3A_682 : i32 to index
        %get3A_694 = arith.constant 16 : index
        %get3A_695 = tpu.vector_load %arg9[%get3A_693, %get3A_694] {strides = array<i32>} : memref<256x32xf32, #tpu.memory_space<vmem>>, vector<16xf32>,
        %mul3A_696 = vector.broadcast %squeeze3A_684 : f32 to vector<16xf32>
        %mul3A_697 = arith.mulf %get3A_695, %mul3A_696 : vector<16xf32>
        %swap3A_698 = arith.index_cast %add3A_682 : i32 to index
        %swap3A_699 = arith.constant 16 : index
        %swap3A_700 = tpu.vector_load %arg9[%swap3A_698, %swap3A_699] {strides = array<i32>} : memref<256x32xf32, #tpu.memory_space<vmem>>, vector<16xf32>,
        tpu.vector_store %arg9[%swap3A_698, %swap3A_699], %mul3A_697 {strides = array<i32>} : memref<256x32xf32, #tpu.memory_space<vmem>>, vector<16xf32>,
        %add3A_701 = arith.constant 15 : i32
        %add3A_702 = arith.addi %mul3A_400, %add3A_701 : i32
        %slice3A_703 = vector.extract_strided_slice %bitcast3A {offsets = [15], sizes = [1], strides = [1]} : vector<16xf32> to vector<1xf32>
        %squeeze3A_704 = vector.extract %slice3A_703[0] : f32 from vector<1xf32>
        %get3A_705 = arith.index_cast %add3A_702 : i32 to index
        %get3A_706 = arith.constant 0 : index
        %get3A_707 = tpu.vector_load %arg9[%get3A_705, %get3A_706] {strides = array<i32>} : memref<256x32xf32, #tpu.memory_space<vmem>>, vector<16xf32>,
        %mul3A_708 = vector.broadcast %squeeze3A_704 : f32 to vector<16xf32>
        %mul3A_709 = arith.mulf %get3A_707, %mul3A_708 : vector<16xf32>
        %swap3A_710 = arith.index_cast %add3A_702 : i32 to index
        %swap3A_711 = arith.constant 0 : index
        %swap3A_712 = tpu.vector_load %arg9[%swap3A_710, %swap3A_711] {strides = array<i32>} : memref<256x32xf32, #tpu.memory_space<vmem>>, vector<16xf32>,
        tpu.vector_store %arg9[%swap3A_710, %swap3A_711], %mul3A_709 {strides = array<i32>} : memref<256x32xf32, #tpu.memory_space<vmem>>, vector<16xf32>,
        %get3A_713 = arith.index_cast %add3A_702 : i32 to index
        %get3A_714 = arith.constant 16 : index
        %get3A_715 = tpu.vector_load %arg9[%get3A_713, %get3A_714] {strides = array<i32>} : memref<256x32xf32, #tpu.memory_space<vmem>>, vector<16xf32>,
        %mul3A_716 = vector.broadcast %squeeze3A_704 : f32 to vector<16xf32>
        %mul3A_717 = arith.mulf %get3A_715, %mul3A_716 : vector<16xf32>
        %swap3A_718 = arith.index_cast %add3A_702 : i32 to index
        %swap3A_719 = arith.constant 16 : index
        %swap3A_720 = tpu.vector_load %arg9[%swap3A_718, %swap3A_719] {strides = array<i32>} : memref<256x32xf32, #tpu.memory_space<vmem>>, vector<16xf32>,
        tpu.vector_store %arg9[%swap3A_718, %swap3A_719], %mul3A_717 {strides = array<i32>} : memref<256x32xf32, #tpu.memory_space<vmem>>, vector<16xf32>,
      }
      %scan3A_272 = arith.constant 16 : i32
      %dma_start3A_273 = arith.constant 2 : i32
      %dma_start3A_274 = arith.constant 0 : i32
      %dma_start3A_275 = tpu.memref_slice %arg12[%dma_start3A_273, %dma_start3A_274] : memref<3x256xi32, #tpu.memory_space<vmem>> -> memref<1x256xi32, #tpu.memory_space<vmem>>
      %dma_start3A_276 = tpu.memref_squeeze %dma_start3A_275 : memref<1x256xi32, #tpu.memory_space<vmem>> -> memref<256xi32, #tpu.memory_space<vmem>>
      %dma_start3A_277 = arith.constant 0 : i32
      %dma_start3A_278 = arith.constant 0 : i32
      %dma_start3A_279 = tpu.memref_slice %arg8[%dma_start3A_277, %dma_start3A_278] : memref<50048x32xf32, #tpu.memory_space<vmem_shared>> -> memref<50048x32xf32, #tpu.memory_space<vmem_shared>>
      tpu.enqueue_indirect_dma source(%arg9 : memref<256x32xf32, #tpu.memory_space<vmem>>) target(%dma_start3A_279 : memref<50048x32xf32, #tpu.memory_space<vmem_shared>>) offsets(%dma_start3A_276 : memref<256xi32, #tpu.memory_space<vmem>>) semaphore(%arg18 : memref<!tpu.dma_semaphore, #tpu.memory_space<semaphore_mem>>) {add = true}
      %mul3A_280 = arith.constant 3 : i32
      %mul3A_281 = arith.muli %mul3A_280, %scan3A_235 : i32
      %add3A_282 = arith.constant 1 : i32
      %add3A_283 = arith.addi %mul3A_281, %add3A_282 : i32
      %add3A_284 = arith.constant 2 : i32
      %add3A_285 = arith.addi %add3A_283, %add3A_284 : i32
      %min3A_286 = arith.constant 197 : i32
      %min3A_287 = arith.minsi %add3A_285, %min3A_286 : i32
      %dma_wait3A_288 = arith.constant 2 : i32
      %dma_wait3A_289 = arith.constant 0 : i32
      %dma_wait3A_290 = tpu.memref_slice %arg12[%dma_wait3A_288, %dma_wait3A_289] : memref<3x256xi32, #tpu.memory_space<vmem>> -> memref<1x256xi32, #tpu.memory_space<vmem>>
      %dma_wait3A_291 = tpu.memref_squeeze %dma_wait3A_290 : memref<1x256xi32, #tpu.memory_space<vmem>> -> memref<256xi32, #tpu.memory_space<vmem>>
      %dma_wait3A_292 = arith.constant 0 : i32
      %dma_wait3A_293 = arith.constant 0 : i32
      %dma_wait3A_294 = tpu.memref_slice %arg8[%dma_wait3A_292, %dma_wait3A_293] : memref<50048x32xf32, #tpu.memory_space<vmem_shared>> -> memref<50048x32xf32, #tpu.memory_space<vmem_shared>>
      tpu.wait_indirect_dma semaphore(%arg18 : memref<!tpu.dma_semaphore, #tpu.memory_space<semaphore_mem>>) src(%arg9 : memref<256x32xf32, #tpu.memory_space<vmem>>) dst(%dma_wait3A_294 : memref<50048x32xf32, #tpu.memory_space<vmem_shared>>)
      %add3A_295 = arith.addi %mul3A_2, %min3A_287 : i32
      %dma_start3A_296 = arith.constant 0 : i32
      %dma_start3A_297 = arith.constant 0 : i32
      %dma_start3A_298 = tpu.memref_slice %arg2[%arg0, %add3A_295, %dma_start3A_296, %dma_start3A_297] : memref<2x3168x3x256xi32, #tpu.memory_space<hbm>> -> memref<1x1x3x256xi32, #tpu.memory_space<hbm>>
      %dma_start3A_299 = tpu.memref_squeeze %dma_start3A_298 : memref<1x1x3x256xi32, #tpu.memory_space<hbm>> -> memref<3x256xi32, #tpu.memory_space<hbm>>
      %dma_start3A_300 = arith.constant 0 : i32
      %dma_start3A_301 = arith.constant 0 : i32
      %dma_start3A_302 = tpu.memref_slice %arg2[%arg0, %add3A_295, %dma_start3A_300, %dma_start3A_301] : memref<2x3168x3x256xi32, #tpu.memory_space<hbm>> -> memref<1x1x3x256xi32, #tpu.memory_space<hbm>>
      %dma_start3A_303 = tpu.memref_squeeze %dma_start3A_302 : memref<1x1x3x256xi32, #tpu.memory_space<hbm>> -> memref<3x256xi32, #tpu.memory_space<hbm>>
      tpu.enqueue_dma source(%dma_start3A_303 : memref<3x256xi32, #tpu.memory_space<hbm>>) target(%arg12 : memref<3x256xi32, #tpu.memory_space<vmem>>) target_semaphore(%arg21 : memref<!tpu.dma_semaphore, #tpu.memory_space<semaphore_mem>>)
      %dma_wait3A_304 = arith.constant 0 : i32
      %dma_wait3A_305 = arith.constant 0 : i32
      %dma_wait3A_306 = tpu.memref_slice %arg2[%arg0, %mul3A_2, %dma_wait3A_304, %dma_wait3A_305] : memref<2x3168x3x256xi32, #tpu.memory_space<hbm>> -> memref<1x1x3x256xi32, #tpu.memory_space<hbm>>
      %dma_wait3A_307 = tpu.memref_squeeze %dma_wait3A_306 : memref<1x1x3x256xi32, #tpu.memory_space<hbm>> -> memref<3x256xi32, #tpu.memory_space<hbm>>
      %dma_wait3A_308 = arith.constant 0 : i32
      %dma_wait3A_309 = arith.constant 0 : i32
      %dma_wait3A_310 = tpu.memref_slice %arg2[%arg0, %mul3A_2, %dma_wait3A_308, %dma_wait3A_309] : memref<2x3168x3x256xi32, #tpu.memory_space<hbm>> -> memref<1x1x3x256xi32, #tpu.memory_space<hbm>>
      %dma_wait3A_311 = tpu.memref_squeeze %dma_wait3A_310 : memref<1x1x3x256xi32, #tpu.memory_space<hbm>> -> memref<3x256xi32, #tpu.memory_space<hbm>>
      tpu.wait_dma2 semaphore(%arg23 : memref<!tpu.dma_semaphore, #tpu.memory_space<semaphore_mem>>) src(%dma_wait3A_311 : memref<3x256xi32, #tpu.memory_space<hbm>>) dst(%arg14 : memref<3x256xi32, #tpu.memory_space<vmem>>)
      %dma_start3A_312 = arith.constant 0 : i32
      %dma_start3A_313 = arith.constant 0 : i32
      %dma_start3A_314 = tpu.memref_slice %arg14[%dma_start3A_312, %dma_start3A_313] : memref<3x256xi32, #tpu.memory_space<vmem>> -> memref<1x256xi32, #tpu.memory_space<vmem>>
      %dma_start3A_315 = tpu.memref_squeeze %dma_start3A_314 : memref<1x256xi32, #tpu.memory_space<vmem>> -> memref<256xi32, #tpu.memory_space<vmem>>
      %dma_start3A_316 = arith.constant 0 : i32
      %dma_start3A_317 = arith.constant 0 : i32
      %dma_start3A_318 = tpu.memref_slice %arg3[%dma_start3A_316, %dma_start3A_317] : memref<100096x32xf32, #tpu.memory_space<hbm>> -> memref<100096x32xf32, #tpu.memory_space<hbm>>
      tpu.enqueue_indirect_dma source(%dma_start3A_318 : memref<100096x32xf32, #tpu.memory_space<hbm>>) target(%arg11 : memref<256x32xf32, #tpu.memory_space<vmem>>) offsets(%dma_start3A_315 : memref<256xi32, #tpu.memory_space<vmem>>) semaphore(%arg17 : memref<!tpu.dma_semaphore, #tpu.memory_space<semaphore_mem>>)
      %dma_wait3A_319 = arith.constant 0 : i32
      %dma_wait3A_320 = arith.constant 0 : i32
      %dma_wait3A_321 = tpu.memref_slice %arg13[%dma_wait3A_319, %dma_wait3A_320] : memref<3x256xi32, #tpu.memory_space<vmem>> -> memref<1x256xi32, #tpu.memory_space<vmem>>
      %dma_wait3A_322 = tpu.memref_squeeze %dma_wait3A_321 : memref<1x256xi32, #tpu.memory_space<vmem>> -> memref<256xi32, #tpu.memory_space<vmem>>
      %dma_wait3A_323 = arith.constant 0 : i32
      %dma_wait3A_324 = arith.constant 0 : i32
      %dma_wait3A_325 = tpu.memref_slice %arg3[%dma_wait3A_323, %dma_wait3A_324] : memref<100096x32xf32, #tpu.memory_space<hbm>> -> memref<100096x32xf32, #tpu.memory_space<hbm>>
      tpu.wait_indirect_dma semaphore(%arg16 : memref<!tpu.dma_semaphore, #tpu.memory_space<semaphore_mem>>) src(%dma_wait3A_325 : memref<100096x32xf32, #tpu.memory_space<hbm>>) dst(%arg10 : memref<256x32xf32, #tpu.memory_space<vmem>>)
      %scan3A_326 = arith.constant 0 : i32
      %scan3A_327 = arith.constant 0 : i32
      %scan3A_328 = arith.constant 16 : i32
      %scan3A_329 = arith.addi %scan3A_327, %scan3A_328 : i32
      %scan3A_330 = arith.constant 1 : i32
      scf.for %scan3A_398 = %scan3A_327 to %scan3A_329 step %scan3A_330  : i32 {
        %mul3A_399 = arith.constant 16 : i32
        %mul3A_400 = arith.muli %scan3A_398, %mul3A_399 : i32
        %get3A = arith.constant 1 : i32
        %get3A_401 = arith.index_cast %get3A : i32 to index
        %get3A_402 = arith.index_cast %mul3A_400 : i32 to index
        %get3A_403 = tpu.vector_load %arg13[%get3A_401, %get3A_402] {strides = array<i32>} : memref<3x256xi32, #tpu.memory_space<vmem>>, vector<16xi32>,
        %bitcast3A = vector.bitcast %get3A_403 : vector<16xi32> to vector<16xf32>
        %add3A_404 = arith.constant 0 : i32
        %add3A_405 = arith.addi %mul3A_400, %add3A_404 : i32
        %slice3A = vector.extract_strided_slice %bitcast3A {offsets = [0], sizes = [1], strides = [1]} : vector<16xf32> to vector<1xf32>
        %squeeze3A = vector.extract %slice3A[0] : f32 from vector<1xf32>
        %get3A_406 = arith.index_cast %add3A_405 : i32 to index
        %get3A_407 = arith.constant 0 : index
        %get3A_408 = tpu.vector_load %arg10[%get3A_406, %get3A_407] {strides = array<i32>} : memref<256x32xf32, #tpu.memory_space<vmem>>, vector<16xf32>,
        %mul3A_409 = vector.broadcast %squeeze3A : f32 to vector<16xf32>
        %mul3A_410 = arith.mulf %get3A_408, %mul3A_409 : vector<16xf32>
        %swap3A = arith.index_cast %add3A_405 : i32 to index
        %swap3A_411 = arith.constant 0 : index
        %swap3A_412 = tpu.vector_load %arg10[%swap3A, %swap3A_411] {strides = array<i32>} : memref<256x32xf32, #tpu.memory_space<vmem>>, vector<16xf32>,
        tpu.vector_store %arg10[%swap3A, %swap3A_411], %mul3A_410 {strides = array<i32>} : memref<256x32xf32, #tpu.memory_space<vmem>>, vector<16xf32>,
        %get3A_413 = arith.index_cast %add3A_405 : i32 to index
        %get3A_414 = arith.constant 16 : index
        %get3A_415 = tpu.vector_load %arg10[%get3A_413, %get3A_414] {strides = array<i32>} : memref<256x32xf32, #tpu.memory_space<vmem>>, vector<16xf32>,
        %mul3A_416 = vector.broadcast %squeeze3A : f32 to vector<16xf32>
        %mul3A_417 = arith.mulf %get3A_415, %mul3A_416 : vector<16xf32>
        %swap3A_418 = arith.index_cast %add3A_405 : i32 to index
        %swap3A_419 = arith.constant 16 : index
        %swap3A_420 = tpu.vector_load %arg10[%swap3A_418, %swap3A_419] {strides = array<i32>} : memref<256x32xf32, #tpu.memory_space<vmem>>, vector<16xf32>,
        tpu.vector_store %arg10[%swap3A_418, %swap3A_419], %mul3A_417 {strides = array<i32>} : memref<256x32xf32, #tpu.memory_space<vmem>>, vector<16xf32>,
        %add3A_421 = arith.constant 1 : i32
        %add3A_422 = arith.addi %mul3A_400, %add3A_421 : i32
        %slice3A_423 = vector.extract_strided_slice %bitcast3A {offsets = [1], sizes = [1], strides = [1]} : vector<16xf32> to vector<1xf32>
        %squeeze3A_424 = vector.extract %slice3A_423[0] : f32 from vector<1xf32>
        %get3A_425 = arith.index_cast %add3A_422 : i32 to index
        %get3A_426 = arith.constant 0 : index
        %get3A_427 = tpu.vector_load %arg10[%get3A_425, %get3A_426] {strides = array<i32>} : memref<256x32xf32, #tpu.memory_space<vmem>>, vector<16xf32>,
        %mul3A_428 = vector.broadcast %squeeze3A_424 : f32 to vector<16xf32>
        %mul3A_429 = arith.mulf %get3A_427, %mul3A_428 : vector<16xf32>
        %swap3A_430 = arith.index_cast %add3A_422 : i32 to index
        %swap3A_431 = arith.constant 0 : index
        %swap3A_432 = tpu.vector_load %arg10[%swap3A_430, %swap3A_431] {strides = array<i32>} : memref<256x32xf32, #tpu.memory_space<vmem>>, vector<16xf32>,
        tpu.vector_store %arg10[%swap3A_430, %swap3A_431], %mul3A_429 {strides = array<i32>} : memref<256x32xf32, #tpu.memory_space<vmem>>, vector<16xf32>,
        %get3A_433 = arith.index_cast %add3A_422 : i32 to index
        %get3A_434 = arith.constant 16 : index
        %get3A_435 = tpu.vector_load %arg10[%get3A_433, %get3A_434] {strides = array<i32>} : memref<256x32xf32, #tpu.memory_space<vmem>>, vector<16xf32>,
        %mul3A_436 = vector.broadcast %squeeze3A_424 : f32 to vector<16xf32>
        %mul3A_437 = arith.mulf %get3A_435, %mul3A_436 : vector<16xf32>
        %swap3A_438 = arith.index_cast %add3A_422 : i32 to index
        %swap3A_439 = arith.constant 16 : index
        %swap3A_440 = tpu.vector_load %arg10[%swap3A_438, %swap3A_439] {strides = array<i32>} : memref<256x32xf32, #tpu.memory_space<vmem>>, vector<16xf32>,
        tpu.vector_store %arg10[%swap3A_438, %swap3A_439], %mul3A_437 {strides = array<i32>} : memref<256x32xf32, #tpu.memory_space<vmem>>, vector<16xf32>,
        %add3A_441 = arith.constant 2 : i32
        %add3A_442 = arith.addi %mul3A_400, %add3A_441 : i32
        %slice3A_443 = vector.extract_strided_slice %bitcast3A {offsets = [2], sizes = [1], strides = [1]} : vector<16xf32> to vector<1xf32>
        %squeeze3A_444 = vector.extract %slice3A_443[0] : f32 from vector<1xf32>
        %get3A_445 = arith.index_cast %add3A_442 : i32 to index
        %get3A_446 = arith.constant 0 : index
        %get3A_447 = tpu.vector_load %arg10[%get3A_445, %get3A_446] {strides = array<i32>} : memref<256x32xf32, #tpu.memory_space<vmem>>, vector<16xf32>,
        %mul3A_448 = vector.broadcast %squeeze3A_444 : f32 to vector<16xf32>
        %mul3A_449 = arith.mulf %get3A_447, %mul3A_448 : vector<16xf32>
        %swap3A_450 = arith.index_cast %add3A_442 : i32 to index
        %swap3A_451 = arith.constant 0 : index
        %swap3A_452 = tpu.vector_load %arg10[%swap3A_450, %swap3A_451] {strides = array<i32>} : memref<256x32xf32, #tpu.memory_space<vmem>>, vector<16xf32>,
        tpu.vector_store %arg10[%swap3A_450, %swap3A_451], %mul3A_449 {strides = array<i32>} : memref<256x32xf32, #tpu.memory_space<vmem>>, vector<16xf32>,
        %get3A_453 = arith.index_cast %add3A_442 : i32 to index
        %get3A_454 = arith.constant 16 : index
        %get3A_455 = tpu.vector_load %arg10[%get3A_453, %get3A_454] {strides = array<i32>} : memref<256x32xf32, #tpu.memory_space<vmem>>, vector<16xf32>,
        %mul3A_456 = vector.broadcast %squeeze3A_444 : f32 to vector<16xf32>
        %mul3A_457 = arith.mulf %get3A_455, %mul3A_456 : vector<16xf32>
        %swap3A_458 = arith.index_cast %add3A_442 : i32 to index
        %swap3A_459 = arith.constant 16 : index
        %swap3A_460 = tpu.vector_load %arg10[%swap3A_458, %swap3A_459] {strides = array<i32>} : memref<256x32xf32, #tpu.memory_space<vmem>>, vector<16xf32>,
        tpu.vector_store %arg10[%swap3A_458, %swap3A_459], %mul3A_457 {strides = array<i32>} : memref<256x32xf32, #tpu.memory_space<vmem>>, vector<16xf32>,
        %add3A_461 = arith.constant 3 : i32
        %add3A_462 = arith.addi %mul3A_400, %add3A_461 : i32
        %slice3A_463 = vector.extract_strided_slice %bitcast3A {offsets = [3], sizes = [1], strides = [1]} : vector<16xf32> to vector<1xf32>
        %squeeze3A_464 = vector.extract %slice3A_463[0] : f32 from vector<1xf32>
        %get3A_465 = arith.index_cast %add3A_462 : i32 to index
        %get3A_466 = arith.constant 0 : index
        %get3A_467 = tpu.vector_load %arg10[%get3A_465, %get3A_466] {strides = array<i32>} : memref<256x32xf32, #tpu.memory_space<vmem>>, vector<16xf32>,
        %mul3A_468 = vector.broadcast %squeeze3A_464 : f32 to vector<16xf32>
        %mul3A_469 = arith.mulf %get3A_467, %mul3A_468 : vector<16xf32>
        %swap3A_470 = arith.index_cast %add3A_462 : i32 to index
        %swap3A_471 = arith.constant 0 : index
        %swap3A_472 = tpu.vector_load %arg10[%swap3A_470, %swap3A_471] {strides = array<i32>} : memref<256x32xf32, #tpu.memory_space<vmem>>, vector<16xf32>,
        tpu.vector_store %arg10[%swap3A_470, %swap3A_471], %mul3A_469 {strides = array<i32>} : memref<256x32xf32, #tpu.memory_space<vmem>>, vector<16xf32>,
        %get3A_473 = arith.index_cast %add3A_462 : i32 to index
        %get3A_474 = arith.constant 16 : index
        %get3A_475 = tpu.vector_load %arg10[%get3A_473, %get3A_474] {strides = array<i32>} : memref<256x32xf32, #tpu.memory_space<vmem>>, vector<16xf32>,
        %mul3A_476 = vector.broadcast %squeeze3A_464 : f32 to vector<16xf32>
        %mul3A_477 = arith.mulf %get3A_475, %mul3A_476 : vector<16xf32>
        %swap3A_478 = arith.index_cast %add3A_462 : i32 to index
        %swap3A_479 = arith.constant 16 : index
        %swap3A_480 = tpu.vector_load %arg10[%swap3A_478, %swap3A_479] {strides = array<i32>} : memref<256x32xf32, #tpu.memory_space<vmem>>, vector<16xf32>,
        tpu.vector_store %arg10[%swap3A_478, %swap3A_479], %mul3A_477 {strides = array<i32>} : memref<256x32xf32, #tpu.memory_space<vmem>>, vector<16xf32>,
        %add3A_481 = arith.constant 4 : i32
        %add3A_482 = arith.addi %mul3A_400, %add3A_481 : i32
        %slice3A_483 = vector.extract_strided_slice %bitcast3A {offsets = [4], sizes = [1], strides = [1]} : vector<16xf32> to vector<1xf32>
        %squeeze3A_484 = vector.extract %slice3A_483[0] : f32 from vector<1xf32>
        %get3A_485 = arith.index_cast %add3A_482 : i32 to index
        %get3A_486 = arith.constant 0 : index
        %get3A_487 = tpu.vector_load %arg10[%get3A_485, %get3A_486] {strides = array<i32>} : memref<256x32xf32, #tpu.memory_space<vmem>>, vector<16xf32>,
        %mul3A_488 = vector.broadcast %squeeze3A_484 : f32 to vector<16xf32>
        %mul3A_489 = arith.mulf %get3A_487, %mul3A_488 : vector<16xf32>
        %swap3A_490 = arith.index_cast %add3A_482 : i32 to index
        %swap3A_491 = arith.constant 0 : index
        %swap3A_492 = tpu.vector_load %arg10[%swap3A_490, %swap3A_491] {strides = array<i32>} : memref<256x32xf32, #tpu.memory_space<vmem>>, vector<16xf32>,
        tpu.vector_store %arg10[%swap3A_490, %swap3A_491], %mul3A_489 {strides = array<i32>} : memref<256x32xf32, #tpu.memory_space<vmem>>, vector<16xf32>,
        %get3A_493 = arith.index_cast %add3A_482 : i32 to index
        %get3A_494 = arith.constant 16 : index
        %get3A_495 = tpu.vector_load %arg10[%get3A_493, %get3A_494] {strides = array<i32>} : memref<256x32xf32, #tpu.memory_space<vmem>>, vector<16xf32>,
        %mul3A_496 = vector.broadcast %squeeze3A_484 : f32 to vector<16xf32>
        %mul3A_497 = arith.mulf %get3A_495, %mul3A_496 : vector<16xf32>
        %swap3A_498 = arith.index_cast %add3A_482 : i32 to index
        %swap3A_499 = arith.constant 16 : index
        %swap3A_500 = tpu.vector_load %arg10[%swap3A_498, %swap3A_499] {strides = array<i32>} : memref<256x32xf32, #tpu.memory_space<vmem>>, vector<16xf32>,
        tpu.vector_store %arg10[%swap3A_498, %swap3A_499], %mul3A_497 {strides = array<i32>} : memref<256x32xf32, #tpu.memory_space<vmem>>, vector<16xf32>,
        %add3A_501 = arith.constant 5 : i32
        %add3A_502 = arith.addi %mul3A_400, %add3A_501 : i32
        %slice3A_503 = vector.extract_strided_slice %bitcast3A {offsets = [5], sizes = [1], strides = [1]} : vector<16xf32> to vector<1xf32>
        %squeeze3A_504 = vector.extract %slice3A_503[0] : f32 from vector<1xf32>
        %get3A_505 = arith.index_cast %add3A_502 : i32 to index
        %get3A_506 = arith.constant 0 : index
        %get3A_507 = tpu.vector_load %arg10[%get3A_505, %get3A_506] {strides = array<i32>} : memref<256x32xf32, #tpu.memory_space<vmem>>, vector<16xf32>,
        %mul3A_508 = vector.broadcast %squeeze3A_504 : f32 to vector<16xf32>
        %mul3A_509 = arith.mulf %get3A_507, %mul3A_508 : vector<16xf32>
        %swap3A_510 = arith.index_cast %add3A_502 : i32 to index
        %swap3A_511 = arith.constant 0 : index
        %swap3A_512 = tpu.vector_load %arg10[%swap3A_510, %swap3A_511] {strides = array<i32>} : memref<256x32xf32, #tpu.memory_space<vmem>>, vector<16xf32>,
        tpu.vector_store %arg10[%swap3A_510, %swap3A_511], %mul3A_509 {strides = array<i32>} : memref<256x32xf32, #tpu.memory_space<vmem>>, vector<16xf32>,
        %get3A_513 = arith.index_cast %add3A_502 : i32 to index
        %get3A_514 = arith.constant 16 : index
        %get3A_515 = tpu.vector_load %arg10[%get3A_513, %get3A_514] {strides = array<i32>} : memref<256x32xf32, #tpu.memory_space<vmem>>, vector<16xf32>,
        %mul3A_516 = vector.broadcast %squeeze3A_504 : f32 to vector<16xf32>
        %mul3A_517 = arith.mulf %get3A_515, %mul3A_516 : vector<16xf32>
        %swap3A_518 = arith.index_cast %add3A_502 : i32 to index
        %swap3A_519 = arith.constant 16 : index
        %swap3A_520 = tpu.vector_load %arg10[%swap3A_518, %swap3A_519] {strides = array<i32>} : memref<256x32xf32, #tpu.memory_space<vmem>>, vector<16xf32>,
        tpu.vector_store %arg10[%swap3A_518, %swap3A_519], %mul3A_517 {strides = array<i32>} : memref<256x32xf32, #tpu.memory_space<vmem>>, vector<16xf32>,
        %add3A_521 = arith.constant 6 : i32
        %add3A_522 = arith.addi %mul3A_400, %add3A_521 : i32
        %slice3A_523 = vector.extract_strided_slice %bitcast3A {offsets = [6], sizes = [1], strides = [1]} : vector<16xf32> to vector<1xf32>
        %squeeze3A_524 = vector.extract %slice3A_523[0] : f32 from vector<1xf32>
        %get3A_525 = arith.index_cast %add3A_522 : i32 to index
        %get3A_526 = arith.constant 0 : index
        %get3A_527 = tpu.vector_load %arg10[%get3A_525, %get3A_526] {strides = array<i32>} : memref<256x32xf32, #tpu.memory_space<vmem>>, vector<16xf32>,
        %mul3A_528 = vector.broadcast %squeeze3A_524 : f32 to vector<16xf32>
        %mul3A_529 = arith.mulf %get3A_527, %mul3A_528 : vector<16xf32>
        %swap3A_530 = arith.index_cast %add3A_522 : i32 to index
        %swap3A_531 = arith.constant 0 : index
        %swap3A_532 = tpu.vector_load %arg10[%swap3A_530, %swap3A_531] {strides = array<i32>} : memref<256x32xf32, #tpu.memory_space<vmem>>, vector<16xf32>,
        tpu.vector_store %arg10[%swap3A_530, %swap3A_531], %mul3A_529 {strides = array<i32>} : memref<256x32xf32, #tpu.memory_space<vmem>>, vector<16xf32>,
        %get3A_533 = arith.index_cast %add3A_522 : i32 to index
        %get3A_534 = arith.constant 16 : index
        %get3A_535 = tpu.vector_load %arg10[%get3A_533, %get3A_534] {strides = array<i32>} : memref<256x32xf32, #tpu.memory_space<vmem>>, vector<16xf32>,
        %mul3A_536 = vector.broadcast %squeeze3A_524 : f32 to vector<16xf32>
        %mul3A_537 = arith.mulf %get3A_535, %mul3A_536 : vector<16xf32>
        %swap3A_538 = arith.index_cast %add3A_522 : i32 to index
        %swap3A_539 = arith.constant 16 : index
        %swap3A_540 = tpu.vector_load %arg10[%swap3A_538, %swap3A_539] {strides = array<i32>} : memref<256x32xf32, #tpu.memory_space<vmem>>, vector<16xf32>,
        tpu.vector_store %arg10[%swap3A_538, %swap3A_539], %mul3A_537 {strides = array<i32>} : memref<256x32xf32, #tpu.memory_space<vmem>>, vector<16xf32>,
        %add3A_541 = arith.constant 7 : i32
        %add3A_542 = arith.addi %mul3A_400, %add3A_541 : i32
        %slice3A_543 = vector.extract_strided_slice %bitcast3A {offsets = [7], sizes = [1], strides = [1]} : vector<16xf32> to vector<1xf32>
        %squeeze3A_544 = vector.extract %slice3A_543[0] : f32 from vector<1xf32>
        %get3A_545 = arith.index_cast %add3A_542 : i32 to index
        %get3A_546 = arith.constant 0 : index
        %get3A_547 = tpu.vector_load %arg10[%get3A_545, %get3A_546] {strides = array<i32>} : memref<256x32xf32, #tpu.memory_space<vmem>>, vector<16xf32>,
        %mul3A_548 = vector.broadcast %squeeze3A_544 : f32 to vector<16xf32>
        %mul3A_549 = arith.mulf %get3A_547, %mul3A_548 : vector<16xf32>
        %swap3A_550 = arith.index_cast %add3A_542 : i32 to index
        %swap3A_551 = arith.constant 0 : index
        %swap3A_552 = tpu.vector_load %arg10[%swap3A_550, %swap3A_551] {strides = array<i32>} : memref<256x32xf32, #tpu.memory_space<vmem>>, vector<16xf32>,
        tpu.vector_store %arg10[%swap3A_550, %swap3A_551], %mul3A_549 {strides = array<i32>} : memref<256x32xf32, #tpu.memory_space<vmem>>, vector<16xf32>,
        %get3A_553 = arith.index_cast %add3A_542 : i32 to index
        %get3A_554 = arith.constant 16 : index
        %get3A_555 = tpu.vector_load %arg10[%get3A_553, %get3A_554] {strides = array<i32>} : memref<256x32xf32, #tpu.memory_space<vmem>>, vector<16xf32>,
        %mul3A_556 = vector.broadcast %squeeze3A_544 : f32 to vector<16xf32>
        %mul3A_557 = arith.mulf %get3A_555, %mul3A_556 : vector<16xf32>
        %swap3A_558 = arith.index_cast %add3A_542 : i32 to index
        %swap3A_559 = arith.constant 16 : index
        %swap3A_560 = tpu.vector_load %arg10[%swap3A_558, %swap3A_559] {strides = array<i32>} : memref<256x32xf32, #tpu.memory_space<vmem>>, vector<16xf32>,
        tpu.vector_store %arg10[%swap3A_558, %swap3A_559], %mul3A_557 {strides = array<i32>} : memref<256x32xf32, #tpu.memory_space<vmem>>, vector<16xf32>,
        %add3A_561 = arith.constant 8 : i32
        %add3A_562 = arith.addi %mul3A_400, %add3A_561 : i32
        %slice3A_563 = vector.extract_strided_slice %bitcast3A {offsets = [8], sizes = [1], strides = [1]} : vector<16xf32> to vector<1xf32>
        %squeeze3A_564 = vector.extract %slice3A_563[0] : f32 from vector<1xf32>
        %get3A_565 = arith.index_cast %add3A_562 : i32 to index
        %get3A_566 = arith.constant 0 : index
        %get3A_567 = tpu.vector_load %arg10[%get3A_565, %get3A_566] {strides = array<i32>} : memref<256x32xf32, #tpu.memory_space<vmem>>, vector<16xf32>,
        %mul3A_568 = vector.broadcast %squeeze3A_564 : f32 to vector<16xf32>
        %mul3A_569 = arith.mulf %get3A_567, %mul3A_568 : vector<16xf32>
        %swap3A_570 = arith.index_cast %add3A_562 : i32 to index
        %swap3A_571 = arith.constant 0 : index
        %swap3A_572 = tpu.vector_load %arg10[%swap3A_570, %swap3A_571] {strides = array<i32>} : memref<256x32xf32, #tpu.memory_space<vmem>>, vector<16xf32>,
        tpu.vector_store %arg10[%swap3A_570, %swap3A_571], %mul3A_569 {strides = array<i32>} : memref<256x32xf32, #tpu.memory_space<vmem>>, vector<16xf32>,
        %get3A_573 = arith.index_cast %add3A_562 : i32 to index
        %get3A_574 = arith.constant 16 : index
        %get3A_575 = tpu.vector_load %arg10[%get3A_573, %get3A_574] {strides = array<i32>} : memref<256x32xf32, #tpu.memory_space<vmem>>, vector<16xf32>,
        %mul3A_576 = vector.broadcast %squeeze3A_564 : f32 to vector<16xf32>
        %mul3A_577 = arith.mulf %get3A_575, %mul3A_576 : vector<16xf32>
        %swap3A_578 = arith.index_cast %add3A_562 : i32 to index
        %swap3A_579 = arith.constant 16 : index
        %swap3A_580 = tpu.vector_load %arg10[%swap3A_578, %swap3A_579] {strides = array<i32>} : memref<256x32xf32, #tpu.memory_space<vmem>>, vector<16xf32>,
        tpu.vector_store %arg10[%swap3A_578, %swap3A_579], %mul3A_577 {strides = array<i32>} : memref<256x32xf32, #tpu.memory_space<vmem>>, vector<16xf32>,
        %add3A_581 = arith.constant 9 : i32
        %add3A_582 = arith.addi %mul3A_400, %add3A_581 : i32
        %slice3A_583 = vector.extract_strided_slice %bitcast3A {offsets = [9], sizes = [1], strides = [1]} : vector<16xf32> to vector<1xf32>
        %squeeze3A_584 = vector.extract %slice3A_583[0] : f32 from vector<1xf32>
        %get3A_585 = arith.index_cast %add3A_582 : i32 to index
        %get3A_586 = arith.constant 0 : index
        %get3A_587 = tpu.vector_load %arg10[%get3A_585, %get3A_586] {strides = array<i32>} : memref<256x32xf32, #tpu.memory_space<vmem>>, vector<16xf32>,
        %mul3A_588 = vector.broadcast %squeeze3A_584 : f32 to vector<16xf32>
        %mul3A_589 = arith.mulf %get3A_587, %mul3A_588 : vector<16xf32>
        %swap3A_590 = arith.index_cast %add3A_582 : i32 to index
        %swap3A_591 = arith.constant 0 : index
        %swap3A_592 = tpu.vector_load %arg10[%swap3A_590, %swap3A_591] {strides = array<i32>} : memref<256x32xf32, #tpu.memory_space<vmem>>, vector<16xf32>,
        tpu.vector_store %arg10[%swap3A_590, %swap3A_591], %mul3A_589 {strides = array<i32>} : memref<256x32xf32, #tpu.memory_space<vmem>>, vector<16xf32>,
        %get3A_593 = arith.index_cast %add3A_582 : i32 to index
        %get3A_594 = arith.constant 16 : index
        %get3A_595 = tpu.vector_load %arg10[%get3A_593, %get3A_594] {strides = array<i32>} : memref<256x32xf32, #tpu.memory_space<vmem>>, vector<16xf32>,
        %mul3A_596 = vector.broadcast %squeeze3A_584 : f32 to vector<16xf32>
        %mul3A_597 = arith.mulf %get3A_595, %mul3A_596 : vector<16xf32>
        %swap3A_598 = arith.index_cast %add3A_582 : i32 to index
        %swap3A_599 = arith.constant 16 : index
        %swap3A_600 = tpu.vector_load %arg10[%swap3A_598, %swap3A_599] {strides = array<i32>} : memref<256x32xf32, #tpu.memory_space<vmem>>, vector<16xf32>,
        tpu.vector_store %arg10[%swap3A_598, %swap3A_599], %mul3A_597 {strides = array<i32>} : memref<256x32xf32, #tpu.memory_space<vmem>>, vector<16xf32>,
        %add3A_601 = arith.constant 10 : i32
        %add3A_602 = arith.addi %mul3A_400, %add3A_601 : i32
        %slice3A_603 = vector.extract_strided_slice %bitcast3A {offsets = [10], sizes = [1], strides = [1]} : vector<16xf32> to vector<1xf32>
        %squeeze3A_604 = vector.extract %slice3A_603[0] : f32 from vector<1xf32>
        %get3A_605 = arith.index_cast %add3A_602 : i32 to index
        %get3A_606 = arith.constant 0 : index
        %get3A_607 = tpu.vector_load %arg10[%get3A_605, %get3A_606] {strides = array<i32>} : memref<256x32xf32, #tpu.memory_space<vmem>>, vector<16xf32>,
        %mul3A_608 = vector.broadcast %squeeze3A_604 : f32 to vector<16xf32>
        %mul3A_609 = arith.mulf %get3A_607, %mul3A_608 : vector<16xf32>
        %swap3A_610 = arith.index_cast %add3A_602 : i32 to index
        %swap3A_611 = arith.constant 0 : index
        %swap3A_612 = tpu.vector_load %arg10[%swap3A_610, %swap3A_611] {strides = array<i32>} : memref<256x32xf32, #tpu.memory_space<vmem>>, vector<16xf32>,
        tpu.vector_store %arg10[%swap3A_610, %swap3A_611], %mul3A_609 {strides = array<i32>} : memref<256x32xf32, #tpu.memory_space<vmem>>, vector<16xf32>,
        %get3A_613 = arith.index_cast %add3A_602 : i32 to index
        %get3A_614 = arith.constant 16 : index
        %get3A_615 = tpu.vector_load %arg10[%get3A_613, %get3A_614] {strides = array<i32>} : memref<256x32xf32, #tpu.memory_space<vmem>>, vector<16xf32>,
        %mul3A_616 = vector.broadcast %squeeze3A_604 : f32 to vector<16xf32>
        %mul3A_617 = arith.mulf %get3A_615, %mul3A_616 : vector<16xf32>
        %swap3A_618 = arith.index_cast %add3A_602 : i32 to index
        %swap3A_619 = arith.constant 16 : index
        %swap3A_620 = tpu.vector_load %arg10[%swap3A_618, %swap3A_619] {strides = array<i32>} : memref<256x32xf32, #tpu.memory_space<vmem>>, vector<16xf32>,
        tpu.vector_store %arg10[%swap3A_618, %swap3A_619], %mul3A_617 {strides = array<i32>} : memref<256x32xf32, #tpu.memory_space<vmem>>, vector<16xf32>,
        %add3A_621 = arith.constant 11 : i32
        %add3A_622 = arith.addi %mul3A_400, %add3A_621 : i32
        %slice3A_623 = vector.extract_strided_slice %bitcast3A {offsets = [11], sizes = [1], strides = [1]} : vector<16xf32> to vector<1xf32>
        %squeeze3A_624 = vector.extract %slice3A_623[0] : f32 from vector<1xf32>
        %get3A_625 = arith.index_cast %add3A_622 : i32 to index
        %get3A_626 = arith.constant 0 : index
        %get3A_627 = tpu.vector_load %arg10[%get3A_625, %get3A_626] {strides = array<i32>} : memref<256x32xf32, #tpu.memory_space<vmem>>, vector<16xf32>,
        %mul3A_628 = vector.broadcast %squeeze3A_624 : f32 to vector<16xf32>
        %mul3A_629 = arith.mulf %get3A_627, %mul3A_628 : vector<16xf32>
        %swap3A_630 = arith.index_cast %add3A_622 : i32 to index
        %swap3A_631 = arith.constant 0 : index
        %swap3A_632 = tpu.vector_load %arg10[%swap3A_630, %swap3A_631] {strides = array<i32>} : memref<256x32xf32, #tpu.memory_space<vmem>>, vector<16xf32>,
        tpu.vector_store %arg10[%swap3A_630, %swap3A_631], %mul3A_629 {strides = array<i32>} : memref<256x32xf32, #tpu.memory_space<vmem>>, vector<16xf32>,
        %get3A_633 = arith.index_cast %add3A_622 : i32 to index
        %get3A_634 = arith.constant 16 : index
        %get3A_635 = tpu.vector_load %arg10[%get3A_633, %get3A_634] {strides = array<i32>} : memref<256x32xf32, #tpu.memory_space<vmem>>, vector<16xf32>,
        %mul3A_636 = vector.broadcast %squeeze3A_624 : f32 to vector<16xf32>
        %mul3A_637 = arith.mulf %get3A_635, %mul3A_636 : vector<16xf32>
        %swap3A_638 = arith.index_cast %add3A_622 : i32 to index
        %swap3A_639 = arith.constant 16 : index
        %swap3A_640 = tpu.vector_load %arg10[%swap3A_638, %swap3A_639] {strides = array<i32>} : memref<256x32xf32, #tpu.memory_space<vmem>>, vector<16xf32>,
        tpu.vector_store %arg10[%swap3A_638, %swap3A_639], %mul3A_637 {strides = array<i32>} : memref<256x32xf32, #tpu.memory_space<vmem>>, vector<16xf32>,
        %add3A_641 = arith.constant 12 : i32
        %add3A_642 = arith.addi %mul3A_400, %add3A_641 : i32
        %slice3A_643 = vector.extract_strided_slice %bitcast3A {offsets = [12], sizes = [1], strides = [1]} : vector<16xf32> to vector<1xf32>
        %squeeze3A_644 = vector.extract %slice3A_643[0] : f32 from vector<1xf32>
        %get3A_645 = arith.index_cast %add3A_642 : i32 to index
        %get3A_646 = arith.constant 0 : index
        %get3A_647 = tpu.vector_load %arg10[%get3A_645, %get3A_646] {strides = array<i32>} : memref<256x32xf32, #tpu.memory_space<vmem>>, vector<16xf32>,
        %mul3A_648 = vector.broadcast %squeeze3A_644 : f32 to vector<16xf32>
        %mul3A_649 = arith.mulf %get3A_647, %mul3A_648 : vector<16xf32>
        %swap3A_650 = arith.index_cast %add3A_642 : i32 to index
        %swap3A_651 = arith.constant 0 : index
        %swap3A_652 = tpu.vector_load %arg10[%swap3A_650, %swap3A_651] {strides = array<i32>} : memref<256x32xf32, #tpu.memory_space<vmem>>, vector<16xf32>,
        tpu.vector_store %arg10[%swap3A_650, %swap3A_651], %mul3A_649 {strides = array<i32>} : memref<256x32xf32, #tpu.memory_space<vmem>>, vector<16xf32>,
        %get3A_653 = arith.index_cast %add3A_642 : i32 to index
        %get3A_654 = arith.constant 16 : index
        %get3A_655 = tpu.vector_load %arg10[%get3A_653, %get3A_654] {strides = array<i32>} : memref<256x32xf32, #tpu.memory_space<vmem>>, vector<16xf32>,
        %mul3A_656 = vector.broadcast %squeeze3A_644 : f32 to vector<16xf32>
        %mul3A_657 = arith.mulf %get3A_655, %mul3A_656 : vector<16xf32>
        %swap3A_658 = arith.index_cast %add3A_642 : i32 to index
        %swap3A_659 = arith.constant 16 : index
        %swap3A_660 = tpu.vector_load %arg10[%swap3A_658, %swap3A_659] {strides = array<i32>} : memref<256x32xf32, #tpu.memory_space<vmem>>, vector<16xf32>,
        tpu.vector_store %arg10[%swap3A_658, %swap3A_659], %mul3A_657 {strides = array<i32>} : memref<256x32xf32, #tpu.memory_space<vmem>>, vector<16xf32>,
        %add3A_661 = arith.constant 13 : i32
        %add3A_662 = arith.addi %mul3A_400, %add3A_661 : i32
        %slice3A_663 = vector.extract_strided_slice %bitcast3A {offsets = [13], sizes = [1], strides = [1]} : vector<16xf32> to vector<1xf32>
        %squeeze3A_664 = vector.extract %slice3A_663[0] : f32 from vector<1xf32>
        %get3A_665 = arith.index_cast %add3A_662 : i32 to index
        %get3A_666 = arith.constant 0 : index
        %get3A_667 = tpu.vector_load %arg10[%get3A_665, %get3A_666] {strides = array<i32>} : memref<256x32xf32, #tpu.memory_space<vmem>>, vector<16xf32>,
        %mul3A_668 = vector.broadcast %squeeze3A_664 : f32 to vector<16xf32>
        %mul3A_669 = arith.mulf %get3A_667, %mul3A_668 : vector<16xf32>
        %swap3A_670 = arith.index_cast %add3A_662 : i32 to index
        %swap3A_671 = arith.constant 0 : index
        %swap3A_672 = tpu.vector_load %arg10[%swap3A_670, %swap3A_671] {strides = array<i32>} : memref<256x32xf32, #tpu.memory_space<vmem>>, vector<16xf32>,
        tpu.vector_store %arg10[%swap3A_670, %swap3A_671], %mul3A_669 {strides = array<i32>} : memref<256x32xf32, #tpu.memory_space<vmem>>, vector<16xf32>,
        %get3A_673 = arith.index_cast %add3A_662 : i32 to index
        %get3A_674 = arith.constant 16 : index
        %get3A_675 = tpu.vector_load %arg10[%get3A_673, %get3A_674] {strides = array<i32>} : memref<256x32xf32, #tpu.memory_space<vmem>>, vector<16xf32>,
        %mul3A_676 = vector.broadcast %squeeze3A_664 : f32 to vector<16xf32>
        %mul3A_677 = arith.mulf %get3A_675, %mul3A_676 : vector<16xf32>
        %swap3A_678 = arith.index_cast %add3A_662 : i32 to index
        %swap3A_679 = arith.constant 16 : index
        %swap3A_680 = tpu.vector_load %arg10[%swap3A_678, %swap3A_679] {strides = array<i32>} : memref<256x32xf32, #tpu.memory_space<vmem>>, vector<16xf32>,
        tpu.vector_store %arg10[%swap3A_678, %swap3A_679], %mul3A_677 {strides = array<i32>} : memref<256x32xf32, #tpu.memory_space<vmem>>, vector<16xf32>,
        %add3A_681 = arith.constant 14 : i32
        %add3A_682 = arith.addi %mul3A_400, %add3A_681 : i32
        %slice3A_683 = vector.extract_strided_slice %bitcast3A {offsets = [14], sizes = [1], strides = [1]} : vector<16xf32> to vector<1xf32>
        %squeeze3A_684 = vector.extract %slice3A_683[0] : f32 from vector<1xf32>
        %get3A_685 = arith.index_cast %add3A_682 : i32 to index
        %get3A_686 = arith.constant 0 : index
        %get3A_687 = tpu.vector_load %arg10[%get3A_685, %get3A_686] {strides = array<i32>} : memref<256x32xf32, #tpu.memory_space<vmem>>, vector<16xf32>,
        %mul3A_688 = vector.broadcast %squeeze3A_684 : f32 to vector<16xf32>
        %mul3A_689 = arith.mulf %get3A_687, %mul3A_688 : vector<16xf32>
        %swap3A_690 = arith.index_cast %add3A_682 : i32 to index
        %swap3A_691 = arith.constant 0 : index
        %swap3A_692 = tpu.vector_load %arg10[%swap3A_690, %swap3A_691] {strides = array<i32>} : memref<256x32xf32, #tpu.memory_space<vmem>>, vector<16xf32>,
        tpu.vector_store %arg10[%swap3A_690, %swap3A_691], %mul3A_689 {strides = array<i32>} : memref<256x32xf32, #tpu.memory_space<vmem>>, vector<16xf32>,
        %get3A_693 = arith.index_cast %add3A_682 : i32 to index
        %get3A_694 = arith.constant 16 : index
        %get3A_695 = tpu.vector_load %arg10[%get3A_693, %get3A_694] {strides = array<i32>} : memref<256x32xf32, #tpu.memory_space<vmem>>, vector<16xf32>,
        %mul3A_696 = vector.broadcast %squeeze3A_684 : f32 to vector<16xf32>
        %mul3A_697 = arith.mulf %get3A_695, %mul3A_696 : vector<16xf32>
        %swap3A_698 = arith.index_cast %add3A_682 : i32 to index
        %swap3A_699 = arith.constant 16 : index
        %swap3A_700 = tpu.vector_load %arg10[%swap3A_698, %swap3A_699] {strides = array<i32>} : memref<256x32xf32, #tpu.memory_space<vmem>>, vector<16xf32>,
        tpu.vector_store %arg10[%swap3A_698, %swap3A_699], %mul3A_697 {strides = array<i32>} : memref<256x32xf32, #tpu.memory_space<vmem>>, vector<16xf32>,
        %add3A_701 = arith.constant 15 : i32
        %add3A_702 = arith.addi %mul3A_400, %add3A_701 : i32
        %slice3A_703 = vector.extract_strided_slice %bitcast3A {offsets = [15], sizes = [1], strides = [1]} : vector<16xf32> to vector<1xf32>
        %squeeze3A_704 = vector.extract %slice3A_703[0] : f32 from vector<1xf32>
        %get3A_705 = arith.index_cast %add3A_702 : i32 to index
        %get3A_706 = arith.constant 0 : index
        %get3A_707 = tpu.vector_load %arg10[%get3A_705, %get3A_706] {strides = array<i32>} : memref<256x32xf32, #tpu.memory_space<vmem>>, vector<16xf32>,
        %mul3A_708 = vector.broadcast %squeeze3A_704 : f32 to vector<16xf32>
        %mul3A_709 = arith.mulf %get3A_707, %mul3A_708 : vector<16xf32>
        %swap3A_710 = arith.index_cast %add3A_702 : i32 to index
        %swap3A_711 = arith.constant 0 : index
        %swap3A_712 = tpu.vector_load %arg10[%swap3A_710, %swap3A_711] {strides = array<i32>} : memref<256x32xf32, #tpu.memory_space<vmem>>, vector<16xf32>,
        tpu.vector_store %arg10[%swap3A_710, %swap3A_711], %mul3A_709 {strides = array<i32>} : memref<256x32xf32, #tpu.memory_space<vmem>>, vector<16xf32>,
        %get3A_713 = arith.index_cast %add3A_702 : i32 to index
        %get3A_714 = arith.constant 16 : index
        %get3A_715 = tpu.vector_load %arg10[%get3A_713, %get3A_714] {strides = array<i32>} : memref<256x32xf32, #tpu.memory_space<vmem>>, vector<16xf32>,
        %mul3A_716 = vector.broadcast %squeeze3A_704 : f32 to vector<16xf32>
        %mul3A_717 = arith.mulf %get3A_715, %mul3A_716 : vector<16xf32>
        %swap3A_718 = arith.index_cast %add3A_702 : i32 to index
        %swap3A_719 = arith.constant 16 : index
        %swap3A_720 = tpu.vector_load %arg10[%swap3A_718, %swap3A_719] {strides = array<i32>} : memref<256x32xf32, #tpu.memory_space<vmem>>, vector<16xf32>,
        tpu.vector_store %arg10[%swap3A_718, %swap3A_719], %mul3A_717 {strides = array<i32>} : memref<256x32xf32, #tpu.memory_space<vmem>>, vector<16xf32>,
      }
      %scan3A_331 = arith.constant 16 : i32
      %dma_start3A_332 = arith.constant 2 : i32
      %dma_start3A_333 = arith.constant 0 : i32
      %dma_start3A_334 = tpu.memref_slice %arg13[%dma_start3A_332, %dma_start3A_333] : memref<3x256xi32, #tpu.memory_space<vmem>> -> memref<1x256xi32, #tpu.memory_space<vmem>>
      %dma_start3A_335 = tpu.memref_squeeze %dma_start3A_334 : memref<1x256xi32, #tpu.memory_space<vmem>> -> memref<256xi32, #tpu.memory_space<vmem>>
      %dma_start3A_336 = arith.constant 0 : i32
      %dma_start3A_337 = arith.constant 0 : i32
      %dma_start3A_338 = tpu.memref_slice %arg8[%dma_start3A_336, %dma_start3A_337] : memref<50048x32xf32, #tpu.memory_space<vmem_shared>> -> memref<50048x32xf32, #tpu.memory_space<vmem_shared>>
      tpu.enqueue_indirect_dma source(%arg10 : memref<256x32xf32, #tpu.memory_space<vmem>>) target(%dma_start3A_338 : memref<50048x32xf32, #tpu.memory_space<vmem_shared>>) offsets(%dma_start3A_335 : memref<256xi32, #tpu.memory_space<vmem>>) semaphore(%arg19 : memref<!tpu.dma_semaphore, #tpu.memory_space<semaphore_mem>>) {add = true}
      %mul3A_339 = arith.constant 3 : i32
      %mul3A_340 = arith.muli %mul3A_339, %scan3A_235 : i32
      %add3A_341 = arith.constant 2 : i32
      %add3A_342 = arith.addi %mul3A_340, %add3A_341 : i32
      %add3A_343 = arith.constant 2 : i32
      %add3A_344 = arith.addi %add3A_342, %add3A_343 : i32
      %min3A_345 = arith.constant 197 : i32
      %min3A_346 = arith.minsi %add3A_344, %min3A_345 : i32
      %dma_wait3A_347 = arith.constant 2 : i32
      %dma_wait3A_348 = arith.constant 0 : i32
      %dma_wait3A_349 = tpu.memref_slice %arg13[%dma_wait3A_347, %dma_wait3A_348] : memref<3x256xi32, #tpu.memory_space<vmem>> -> memref<1x256xi32, #tpu.memory_space<vmem>>
      %dma_wait3A_350 = tpu.memref_squeeze %dma_wait3A_349 : memref<1x256xi32, #tpu.memory_space<vmem>> -> memref<256xi32, #tpu.memory_space<vmem>>
      %dma_wait3A_351 = arith.constant 0 : i32
      %dma_wait3A_352 = arith.constant 0 : i32
      %dma_wait3A_353 = tpu.memref_slice %arg8[%dma_wait3A_351, %dma_wait3A_352] : memref<50048x32xf32, #tpu.memory_space<vmem_shared>> -> memref<50048x32xf32, #tpu.memory_space<vmem_shared>>
      tpu.wait_indirect_dma semaphore(%arg19 : memref<!tpu.dma_semaphore, #tpu.memory_space<semaphore_mem>>) src(%arg10 : memref<256x32xf32, #tpu.memory_space<vmem>>) dst(%dma_wait3A_353 : memref<50048x32xf32, #tpu.memory_space<vmem_shared>>)
      %add3A_354 = arith.addi %mul3A_2, %min3A_346 : i32
      %dma_start3A_355 = arith.constant 0 : i32
      %dma_start3A_356 = arith.constant 0 : i32
      %dma_start3A_357 = tpu.memref_slice %arg2[%arg0, %add3A_354, %dma_start3A_355, %dma_start3A_356] : memref<2x3168x3x256xi32, #tpu.memory_space<hbm>> -> memref<1x1x3x256xi32, #tpu.memory_space<hbm>>
      %dma_start3A_358 = tpu.memref_squeeze %dma_start3A_357 : memref<1x1x3x256xi32, #tpu.memory_space<hbm>> -> memref<3x256xi32, #tpu.memory_space<hbm>>
      %dma_start3A_359 = arith.constant 0 : i32
      %dma_start3A_360 = arith.constant 0 : i32
      %dma_start3A_361 = tpu.memref_slice %arg2[%arg0, %add3A_354, %dma_start3A_359, %dma_start3A_360] : memref<2x3168x3x256xi32, #tpu.memory_space<hbm>> -> memref<1x1x3x256xi32, #tpu.memory_space<hbm>>
      %dma_start3A_362 = tpu.memref_squeeze %dma_start3A_361 : memref<1x1x3x256xi32, #tpu.memory_space<hbm>> -> memref<3x256xi32, #tpu.memory_space<hbm>>
      tpu.enqueue_dma source(%dma_start3A_362 : memref<3x256xi32, #tpu.memory_space<hbm>>) target(%arg13 : memref<3x256xi32, #tpu.memory_space<vmem>>) target_semaphore(%arg22 : memref<!tpu.dma_semaphore, #tpu.memory_space<semaphore_mem>>)
      %dma_wait3A_363 = arith.constant 0 : i32
      %dma_wait3A_364 = arith.constant 0 : i32
      %dma_wait3A_365 = tpu.memref_slice %arg2[%arg0, %mul3A_2, %dma_wait3A_363, %dma_wait3A_364] : memref<2x3168x3x256xi32, #tpu.memory_space<hbm>> -> memref<1x1x3x256xi32, #tpu.memory_space<hbm>>
      %dma_wait3A_366 = tpu.memref_squeeze %dma_wait3A_365 : memref<1x1x3x256xi32, #tpu.memory_space<hbm>> -> memref<3x256xi32, #tpu.memory_space<hbm>>
      %dma_wait3A_367 = arith.constant 0 : i32
      %dma_wait3A_368 = arith.constant 0 : i32
      %dma_wait3A_369 = tpu.memref_slice %arg2[%arg0, %mul3A_2, %dma_wait3A_367, %dma_wait3A_368] : memref<2x3168x3x256xi32, #tpu.memory_space<hbm>> -> memref<1x1x3x256xi32, #tpu.memory_space<hbm>>
      %dma_wait3A_370 = tpu.memref_squeeze %dma_wait3A_369 : memref<1x1x3x256xi32, #tpu.memory_space<hbm>> -> memref<3x256xi32, #tpu.memory_space<hbm>>
      tpu.wait_dma2 semaphore(%arg21 : memref<!tpu.dma_semaphore, #tpu.memory_space<semaphore_mem>>) src(%dma_wait3A_370 : memref<3x256xi32, #tpu.memory_space<hbm>>) dst(%arg12 : memref<3x256xi32, #tpu.memory_space<vmem>>)
      %dma_start3A_371 = arith.constant 0 : i32
      %dma_start3A_372 = arith.constant 0 : i32
      %dma_start3A_373 = tpu.memref_slice %arg12[%dma_start3A_371, %dma_start3A_372] : memref<3x256xi32, #tpu.memory_space<vmem>> -> memref<1x256xi32, #tpu.memory_space<vmem>>
      %dma_start3A_374 = tpu.memref_squeeze %dma_start3A_373 : memref<1x256xi32, #tpu.memory_space<vmem>> -> memref<256xi32, #tpu.memory_space<vmem>>
      %dma_start3A_375 = arith.constant 0 : i32
      %dma_start3A_376 = arith.constant 0 : i32
      %dma_start3A_377 = tpu.memref_slice %arg3[%dma_start3A_375, %dma_start3A_376] : memref<100096x32xf32, #tpu.memory_space<hbm>> -> memref<100096x32xf32, #tpu.memory_space<hbm>>
      tpu.enqueue_indirect_dma source(%dma_start3A_377 : memref<100096x32xf32, #tpu.memory_space<hbm>>) target(%arg9 : memref<256x32xf32, #tpu.memory_space<vmem>>) offsets(%dma_start3A_374 : memref<256xi32, #tpu.memory_space<vmem>>) semaphore(%arg15 : memref<!tpu.dma_semaphore, #tpu.memory_space<semaphore_mem>>)
      %dma_wait3A_378 = arith.constant 0 : i32
      %dma_wait3A_379 = arith.constant 0 : i32
      %dma_wait3A_380 = tpu.memref_slice %arg14[%dma_wait3A_378, %dma_wait3A_379] : memref<3x256xi32, #tpu.memory_space<vmem>> -> memref<1x256xi32, #tpu.memory_space<vmem>>
      %dma_wait3A_381 = tpu.memref_squeeze %dma_wait3A_380 : memref<1x256xi32, #tpu.memory_space<vmem>> -> memref<256xi32, #tpu.memory_space<vmem>>
      %dma_wait3A_382 = arith.constant 0 : i32
      %dma_wait3A_383 = arith.constant 0 : i32
      %dma_wait3A_384 = tpu.memref_slice %arg3[%dma_wait3A_382, %dma_wait3A_383] : memref<100096x32xf32, #tpu.memory_space<hbm>> -> memref<100096x32xf32, #tpu.memory_space<hbm>>
      tpu.wait_indirect_dma semaphore(%arg17 : memref<!tpu.dma_semaphore, #tpu.memory_space<semaphore_mem>>) src(%dma_wait3A_384 : memref<100096x32xf32, #tpu.memory_space<hbm>>) dst(%arg11 : memref<256x32xf32, #tpu.memory_space<vmem>>)
      %scan3A_385 = arith.constant 0 : i32
      %scan3A_386 = arith.constant 0 : i32
      %scan3A_387 = arith.constant 16 : i32
      %scan3A_388 = arith.addi %scan3A_386, %scan3A_387 : i32
      %scan3A_389 = arith.constant 1 : i32
      scf.for %scan3A_398 = %scan3A_386 to %scan3A_388 step %scan3A_389  : i32 {
        %mul3A_399 = arith.constant 16 : i32
        %mul3A_400 = arith.muli %scan3A_398, %mul3A_399 : i32
        %get3A = arith.constant 1 : i32
        %get3A_401 = arith.index_cast %get3A : i32 to index
        %get3A_402 = arith.index_cast %mul3A_400 : i32 to index
        %get3A_403 = tpu.vector_load %arg14[%get3A_401, %get3A_402] {strides = array<i32>} : memref<3x256xi32, #tpu.memory_space<vmem>>, vector<16xi32>,
        %bitcast3A = vector.bitcast %get3A_403 : vector<16xi32> to vector<16xf32>
        %add3A_404 = arith.constant 0 : i32
        %add3A_405 = arith.addi %mul3A_400, %add3A_404 : i32
        %slice3A = vector.extract_strided_slice %bitcast3A {offsets = [0], sizes = [1], strides = [1]} : vector<16xf32> to vector<1xf32>
        %squeeze3A = vector.extract %slice3A[0] : f32 from vector<1xf32>
        %get3A_406 = arith.index_cast %add3A_405 : i32 to index
        %get3A_407 = arith.constant 0 : index
        %get3A_408 = tpu.vector_load %arg11[%get3A_406, %get3A_407] {strides = array<i32>} : memref<256x32xf32, #tpu.memory_space<vmem>>, vector<16xf32>,
        %mul3A_409 = vector.broadcast %squeeze3A : f32 to vector<16xf32>
        %mul3A_410 = arith.mulf %get3A_408, %mul3A_409 : vector<16xf32>
        %swap3A = arith.index_cast %add3A_405 : i32 to index
        %swap3A_411 = arith.constant 0 : index
        %swap3A_412 = tpu.vector_load %arg11[%swap3A, %swap3A_411] {strides = array<i32>} : memref<256x32xf32, #tpu.memory_space<vmem>>, vector<16xf32>,
        tpu.vector_store %arg11[%swap3A, %swap3A_411], %mul3A_410 {strides = array<i32>} : memref<256x32xf32, #tpu.memory_space<vmem>>, vector<16xf32>,
        %get3A_413 = arith.index_cast %add3A_405 : i32 to index
        %get3A_414 = arith.constant 16 : index
        %get3A_415 = tpu.vector_load %arg11[%get3A_413, %get3A_414] {strides = array<i32>} : memref<256x32xf32, #tpu.memory_space<vmem>>, vector<16xf32>,
        %mul3A_416 = vector.broadcast %squeeze3A : f32 to vector<16xf32>
        %mul3A_417 = arith.mulf %get3A_415, %mul3A_416 : vector<16xf32>
        %swap3A_418 = arith.index_cast %add3A_405 : i32 to index
        %swap3A_419 = arith.constant 16 : index
        %swap3A_420 = tpu.vector_load %arg11[%swap3A_418, %swap3A_419] {strides = array<i32>} : memref<256x32xf32, #tpu.memory_space<vmem>>, vector<16xf32>,
        tpu.vector_store %arg11[%swap3A_418, %swap3A_419], %mul3A_417 {strides = array<i32>} : memref<256x32xf32, #tpu.memory_space<vmem>>, vector<16xf32>,
        %add3A_421 = arith.constant 1 : i32
        %add3A_422 = arith.addi %mul3A_400, %add3A_421 : i32
        %slice3A_423 = vector.extract_strided_slice %bitcast3A {offsets = [1], sizes = [1], strides = [1]} : vector<16xf32> to vector<1xf32>
        %squeeze3A_424 = vector.extract %slice3A_423[0] : f32 from vector<1xf32>
        %get3A_425 = arith.index_cast %add3A_422 : i32 to index
        %get3A_426 = arith.constant 0 : index
        %get3A_427 = tpu.vector_load %arg11[%get3A_425, %get3A_426] {strides = array<i32>} : memref<256x32xf32, #tpu.memory_space<vmem>>, vector<16xf32>,
        %mul3A_428 = vector.broadcast %squeeze3A_424 : f32 to vector<16xf32>
        %mul3A_429 = arith.mulf %get3A_427, %mul3A_428 : vector<16xf32>
        %swap3A_430 = arith.index_cast %add3A_422 : i32 to index
        %swap3A_431 = arith.constant 0 : index
        %swap3A_432 = tpu.vector_load %arg11[%swap3A_430, %swap3A_431] {strides = array<i32>} : memref<256x32xf32, #tpu.memory_space<vmem>>, vector<16xf32>,
        tpu.vector_store %arg11[%swap3A_430, %swap3A_431], %mul3A_429 {strides = array<i32>} : memref<256x32xf32, #tpu.memory_space<vmem>>, vector<16xf32>,
        %get3A_433 = arith.index_cast %add3A_422 : i32 to index
        %get3A_434 = arith.constant 16 : index
        %get3A_435 = tpu.vector_load %arg11[%get3A_433, %get3A_434] {strides = array<i32>} : memref<256x32xf32, #tpu.memory_space<vmem>>, vector<16xf32>,
        %mul3A_436 = vector.broadcast %squeeze3A_424 : f32 to vector<16xf32>
        %mul3A_437 = arith.mulf %get3A_435, %mul3A_436 : vector<16xf32>
        %swap3A_438 = arith.index_cast %add3A_422 : i32 to index
        %swap3A_439 = arith.constant 16 : index
        %swap3A_440 = tpu.vector_load %arg11[%swap3A_438, %swap3A_439] {strides = array<i32>} : memref<256x32xf32, #tpu.memory_space<vmem>>, vector<16xf32>,
        tpu.vector_store %arg11[%swap3A_438, %swap3A_439], %mul3A_437 {strides = array<i32>} : memref<256x32xf32, #tpu.memory_space<vmem>>, vector<16xf32>,
        %add3A_441 = arith.constant 2 : i32
        %add3A_442 = arith.addi %mul3A_400, %add3A_441 : i32
        %slice3A_443 = vector.extract_strided_slice %bitcast3A {offsets = [2], sizes = [1], strides = [1]} : vector<16xf32> to vector<1xf32>
        %squeeze3A_444 = vector.extract %slice3A_443[0] : f32 from vector<1xf32>
        %get3A_445 = arith.index_cast %add3A_442 : i32 to index
        %get3A_446 = arith.constant 0 : index
        %get3A_447 = tpu.vector_load %arg11[%get3A_445, %get3A_446] {strides = array<i32>} : memref<256x32xf32, #tpu.memory_space<vmem>>, vector<16xf32>,
        %mul3A_448 = vector.broadcast %squeeze3A_444 : f32 to vector<16xf32>
        %mul3A_449 = arith.mulf %get3A_447, %mul3A_448 : vector<16xf32>
        %swap3A_450 = arith.index_cast %add3A_442 : i32 to index
        %swap3A_451 = arith.constant 0 : index
        %swap3A_452 = tpu.vector_load %arg11[%swap3A_450, %swap3A_451] {strides = array<i32>} : memref<256x32xf32, #tpu.memory_space<vmem>>, vector<16xf32>,
        tpu.vector_store %arg11[%swap3A_450, %swap3A_451], %mul3A_449 {strides = array<i32>} : memref<256x32xf32, #tpu.memory_space<vmem>>, vector<16xf32>,
        %get3A_453 = arith.index_cast %add3A_442 : i32 to index
        %get3A_454 = arith.constant 16 : index
        %get3A_455 = tpu.vector_load %arg11[%get3A_453, %get3A_454] {strides = array<i32>} : memref<256x32xf32, #tpu.memory_space<vmem>>, vector<16xf32>,
        %mul3A_456 = vector.broadcast %squeeze3A_444 : f32 to vector<16xf32>
        %mul3A_457 = arith.mulf %get3A_455, %mul3A_456 : vector<16xf32>
        %swap3A_458 = arith.index_cast %add3A_442 : i32 to index
        %swap3A_459 = arith.constant 16 : index
        %swap3A_460 = tpu.vector_load %arg11[%swap3A_458, %swap3A_459] {strides = array<i32>} : memref<256x32xf32, #tpu.memory_space<vmem>>, vector<16xf32>,
        tpu.vector_store %arg11[%swap3A_458, %swap3A_459], %mul3A_457 {strides = array<i32>} : memref<256x32xf32, #tpu.memory_space<vmem>>, vector<16xf32>,
        %add3A_461 = arith.constant 3 : i32
        %add3A_462 = arith.addi %mul3A_400, %add3A_461 : i32
        %slice3A_463 = vector.extract_strided_slice %bitcast3A {offsets = [3], sizes = [1], strides = [1]} : vector<16xf32> to vector<1xf32>
        %squeeze3A_464 = vector.extract %slice3A_463[0] : f32 from vector<1xf32>
        %get3A_465 = arith.index_cast %add3A_462 : i32 to index
        %get3A_466 = arith.constant 0 : index
        %get3A_467 = tpu.vector_load %arg11[%get3A_465, %get3A_466] {strides = array<i32>} : memref<256x32xf32, #tpu.memory_space<vmem>>, vector<16xf32>,
        %mul3A_468 = vector.broadcast %squeeze3A_464 : f32 to vector<16xf32>
        %mul3A_469 = arith.mulf %get3A_467, %mul3A_468 : vector<16xf32>
        %swap3A_470 = arith.index_cast %add3A_462 : i32 to index
        %swap3A_471 = arith.constant 0 : index
        %swap3A_472 = tpu.vector_load %arg11[%swap3A_470, %swap3A_471] {strides = array<i32>} : memref<256x32xf32, #tpu.memory_space<vmem>>, vector<16xf32>,
        tpu.vector_store %arg11[%swap3A_470, %swap3A_471], %mul3A_469 {strides = array<i32>} : memref<256x32xf32, #tpu.memory_space<vmem>>, vector<16xf32>,
        %get3A_473 = arith.index_cast %add3A_462 : i32 to index
        %get3A_474 = arith.constant 16 : index
        %get3A_475 = tpu.vector_load %arg11[%get3A_473, %get3A_474] {strides = array<i32>} : memref<256x32xf32, #tpu.memory_space<vmem>>, vector<16xf32>,
        %mul3A_476 = vector.broadcast %squeeze3A_464 : f32 to vector<16xf32>
        %mul3A_477 = arith.mulf %get3A_475, %mul3A_476 : vector<16xf32>
        %swap3A_478 = arith.index_cast %add3A_462 : i32 to index
        %swap3A_479 = arith.constant 16 : index
        %swap3A_480 = tpu.vector_load %arg11[%swap3A_478, %swap3A_479] {strides = array<i32>} : memref<256x32xf32, #tpu.memory_space<vmem>>, vector<16xf32>,
        tpu.vector_store %arg11[%swap3A_478, %swap3A_479], %mul3A_477 {strides = array<i32>} : memref<256x32xf32, #tpu.memory_space<vmem>>, vector<16xf32>,
        %add3A_481 = arith.constant 4 : i32
        %add3A_482 = arith.addi %mul3A_400, %add3A_481 : i32
        %slice3A_483 = vector.extract_strided_slice %bitcast3A {offsets = [4], sizes = [1], strides = [1]} : vector<16xf32> to vector<1xf32>
        %squeeze3A_484 = vector.extract %slice3A_483[0] : f32 from vector<1xf32>
        %get3A_485 = arith.index_cast %add3A_482 : i32 to index
        %get3A_486 = arith.constant 0 : index
        %get3A_487 = tpu.vector_load %arg11[%get3A_485, %get3A_486] {strides = array<i32>} : memref<256x32xf32, #tpu.memory_space<vmem>>, vector<16xf32>,
        %mul3A_488 = vector.broadcast %squeeze3A_484 : f32 to vector<16xf32>
        %mul3A_489 = arith.mulf %get3A_487, %mul3A_488 : vector<16xf32>
        %swap3A_490 = arith.index_cast %add3A_482 : i32 to index
        %swap3A_491 = arith.constant 0 : index
        %swap3A_492 = tpu.vector_load %arg11[%swap3A_490, %swap3A_491] {strides = array<i32>} : memref<256x32xf32, #tpu.memory_space<vmem>>, vector<16xf32>,
        tpu.vector_store %arg11[%swap3A_490, %swap3A_491], %mul3A_489 {strides = array<i32>} : memref<256x32xf32, #tpu.memory_space<vmem>>, vector<16xf32>,
        %get3A_493 = arith.index_cast %add3A_482 : i32 to index
        %get3A_494 = arith.constant 16 : index
        %get3A_495 = tpu.vector_load %arg11[%get3A_493, %get3A_494] {strides = array<i32>} : memref<256x32xf32, #tpu.memory_space<vmem>>, vector<16xf32>,
        %mul3A_496 = vector.broadcast %squeeze3A_484 : f32 to vector<16xf32>
        %mul3A_497 = arith.mulf %get3A_495, %mul3A_496 : vector<16xf32>
        %swap3A_498 = arith.index_cast %add3A_482 : i32 to index
        %swap3A_499 = arith.constant 16 : index
        %swap3A_500 = tpu.vector_load %arg11[%swap3A_498, %swap3A_499] {strides = array<i32>} : memref<256x32xf32, #tpu.memory_space<vmem>>, vector<16xf32>,
        tpu.vector_store %arg11[%swap3A_498, %swap3A_499], %mul3A_497 {strides = array<i32>} : memref<256x32xf32, #tpu.memory_space<vmem>>, vector<16xf32>,
        %add3A_501 = arith.constant 5 : i32
        %add3A_502 = arith.addi %mul3A_400, %add3A_501 : i32
        %slice3A_503 = vector.extract_strided_slice %bitcast3A {offsets = [5], sizes = [1], strides = [1]} : vector<16xf32> to vector<1xf32>
        %squeeze3A_504 = vector.extract %slice3A_503[0] : f32 from vector<1xf32>
        %get3A_505 = arith.index_cast %add3A_502 : i32 to index
        %get3A_506 = arith.constant 0 : index
        %get3A_507 = tpu.vector_load %arg11[%get3A_505, %get3A_506] {strides = array<i32>} : memref<256x32xf32, #tpu.memory_space<vmem>>, vector<16xf32>,
        %mul3A_508 = vector.broadcast %squeeze3A_504 : f32 to vector<16xf32>
        %mul3A_509 = arith.mulf %get3A_507, %mul3A_508 : vector<16xf32>
        %swap3A_510 = arith.index_cast %add3A_502 : i32 to index
        %swap3A_511 = arith.constant 0 : index
        %swap3A_512 = tpu.vector_load %arg11[%swap3A_510, %swap3A_511] {strides = array<i32>} : memref<256x32xf32, #tpu.memory_space<vmem>>, vector<16xf32>,
        tpu.vector_store %arg11[%swap3A_510, %swap3A_511], %mul3A_509 {strides = array<i32>} : memref<256x32xf32, #tpu.memory_space<vmem>>, vector<16xf32>,
        %get3A_513 = arith.index_cast %add3A_502 : i32 to index
        %get3A_514 = arith.constant 16 : index
        %get3A_515 = tpu.vector_load %arg11[%get3A_513, %get3A_514] {strides = array<i32>} : memref<256x32xf32, #tpu.memory_space<vmem>>, vector<16xf32>,
        %mul3A_516 = vector.broadcast %squeeze3A_504 : f32 to vector<16xf32>
        %mul3A_517 = arith.mulf %get3A_515, %mul3A_516 : vector<16xf32>
        %swap3A_518 = arith.index_cast %add3A_502 : i32 to index
        %swap3A_519 = arith.constant 16 : index
        %swap3A_520 = tpu.vector_load %arg11[%swap3A_518, %swap3A_519] {strides = array<i32>} : memref<256x32xf32, #tpu.memory_space<vmem>>, vector<16xf32>,
        tpu.vector_store %arg11[%swap3A_518, %swap3A_519], %mul3A_517 {strides = array<i32>} : memref<256x32xf32, #tpu.memory_space<vmem>>, vector<16xf32>,
        %add3A_521 = arith.constant 6 : i32
        %add3A_522 = arith.addi %mul3A_400, %add3A_521 : i32
        %slice3A_523 = vector.extract_strided_slice %bitcast3A {offsets = [6], sizes = [1], strides = [1]} : vector<16xf32> to vector<1xf32>
        %squeeze3A_524 = vector.extract %slice3A_523[0] : f32 from vector<1xf32>
        %get3A_525 = arith.index_cast %add3A_522 : i32 to index
        %get3A_526 = arith.constant 0 : index
        %get3A_527 = tpu.vector_load %arg11[%get3A_525, %get3A_526] {strides = array<i32>} : memref<256x32xf32, #tpu.memory_space<vmem>>, vector<16xf32>,
        %mul3A_528 = vector.broadcast %squeeze3A_524 : f32 to vector<16xf32>
        %mul3A_529 = arith.mulf %get3A_527, %mul3A_528 : vector<16xf32>
        %swap3A_530 = arith.index_cast %add3A_522 : i32 to index
        %swap3A_531 = arith.constant 0 : index
        %swap3A_532 = tpu.vector_load %arg11[%swap3A_530, %swap3A_531] {strides = array<i32>} : memref<256x32xf32, #tpu.memory_space<vmem>>, vector<16xf32>,
        tpu.vector_store %arg11[%swap3A_530, %swap3A_531], %mul3A_529 {strides = array<i32>} : memref<256x32xf32, #tpu.memory_space<vmem>>, vector<16xf32>,
        %get3A_533 = arith.index_cast %add3A_522 : i32 to index
        %get3A_534 = arith.constant 16 : index
        %get3A_535 = tpu.vector_load %arg11[%get3A_533, %get3A_534] {strides = array<i32>} : memref<256x32xf32, #tpu.memory_space<vmem>>, vector<16xf32>,
        %mul3A_536 = vector.broadcast %squeeze3A_524 : f32 to vector<16xf32>
        %mul3A_537 = arith.mulf %get3A_535, %mul3A_536 : vector<16xf32>
        %swap3A_538 = arith.index_cast %add3A_522 : i32 to index
        %swap3A_539 = arith.constant 16 : index
        %swap3A_540 = tpu.vector_load %arg11[%swap3A_538, %swap3A_539] {strides = array<i32>} : memref<256x32xf32, #tpu.memory_space<vmem>>, vector<16xf32>,
        tpu.vector_store %arg11[%swap3A_538, %swap3A_539], %mul3A_537 {strides = array<i32>} : memref<256x32xf32, #tpu.memory_space<vmem>>, vector<16xf32>,
        %add3A_541 = arith.constant 7 : i32
        %add3A_542 = arith.addi %mul3A_400, %add3A_541 : i32
        %slice3A_543 = vector.extract_strided_slice %bitcast3A {offsets = [7], sizes = [1], strides = [1]} : vector<16xf32> to vector<1xf32>
        %squeeze3A_544 = vector.extract %slice3A_543[0] : f32 from vector<1xf32>
        %get3A_545 = arith.index_cast %add3A_542 : i32 to index
        %get3A_546 = arith.constant 0 : index
        %get3A_547 = tpu.vector_load %arg11[%get3A_545, %get3A_546] {strides = array<i32>} : memref<256x32xf32, #tpu.memory_space<vmem>>, vector<16xf32>,
        %mul3A_548 = vector.broadcast %squeeze3A_544 : f32 to vector<16xf32>
        %mul3A_549 = arith.mulf %get3A_547, %mul3A_548 : vector<16xf32>
        %swap3A_550 = arith.index_cast %add3A_542 : i32 to index
        %swap3A_551 = arith.constant 0 : index
        %swap3A_552 = tpu.vector_load %arg11[%swap3A_550, %swap3A_551] {strides = array<i32>} : memref<256x32xf32, #tpu.memory_space<vmem>>, vector<16xf32>,
        tpu.vector_store %arg11[%swap3A_550, %swap3A_551], %mul3A_549 {strides = array<i32>} : memref<256x32xf32, #tpu.memory_space<vmem>>, vector<16xf32>,
        %get3A_553 = arith.index_cast %add3A_542 : i32 to index
        %get3A_554 = arith.constant 16 : index
        %get3A_555 = tpu.vector_load %arg11[%get3A_553, %get3A_554] {strides = array<i32>} : memref<256x32xf32, #tpu.memory_space<vmem>>, vector<16xf32>,
        %mul3A_556 = vector.broadcast %squeeze3A_544 : f32 to vector<16xf32>
        %mul3A_557 = arith.mulf %get3A_555, %mul3A_556 : vector<16xf32>
        %swap3A_558 = arith.index_cast %add3A_542 : i32 to index
        %swap3A_559 = arith.constant 16 : index
        %swap3A_560 = tpu.vector_load %arg11[%swap3A_558, %swap3A_559] {strides = array<i32>} : memref<256x32xf32, #tpu.memory_space<vmem>>, vector<16xf32>,
        tpu.vector_store %arg11[%swap3A_558, %swap3A_559], %mul3A_557 {strides = array<i32>} : memref<256x32xf32, #tpu.memory_space<vmem>>, vector<16xf32>,
        %add3A_561 = arith.constant 8 : i32
        %add3A_562 = arith.addi %mul3A_400, %add3A_561 : i32
        %slice3A_563 = vector.extract_strided_slice %bitcast3A {offsets = [8], sizes = [1], strides = [1]} : vector<16xf32> to vector<1xf32>
        %squeeze3A_564 = vector.extract %slice3A_563[0] : f32 from vector<1xf32>
        %get3A_565 = arith.index_cast %add3A_562 : i32 to index
        %get3A_566 = arith.constant 0 : index
        %get3A_567 = tpu.vector_load %arg11[%get3A_565, %get3A_566] {strides = array<i32>} : memref<256x32xf32, #tpu.memory_space<vmem>>, vector<16xf32>,
        %mul3A_568 = vector.broadcast %squeeze3A_564 : f32 to vector<16xf32>
        %mul3A_569 = arith.mulf %get3A_567, %mul3A_568 : vector<16xf32>
        %swap3A_570 = arith.index_cast %add3A_562 : i32 to index
        %swap3A_571 = arith.constant 0 : index
        %swap3A_572 = tpu.vector_load %arg11[%swap3A_570, %swap3A_571] {strides = array<i32>} : memref<256x32xf32, #tpu.memory_space<vmem>>, vector<16xf32>,
        tpu.vector_store %arg11[%swap3A_570, %swap3A_571], %mul3A_569 {strides = array<i32>} : memref<256x32xf32, #tpu.memory_space<vmem>>, vector<16xf32>,
        %get3A_573 = arith.index_cast %add3A_562 : i32 to index
        %get3A_574 = arith.constant 16 : index
        %get3A_575 = tpu.vector_load %arg11[%get3A_573, %get3A_574] {strides = array<i32>} : memref<256x32xf32, #tpu.memory_space<vmem>>, vector<16xf32>,
        %mul3A_576 = vector.broadcast %squeeze3A_564 : f32 to vector<16xf32>
        %mul3A_577 = arith.mulf %get3A_575, %mul3A_576 : vector<16xf32>
        %swap3A_578 = arith.index_cast %add3A_562 : i32 to index
        %swap3A_579 = arith.constant 16 : index
        %swap3A_580 = tpu.vector_load %arg11[%swap3A_578, %swap3A_579] {strides = array<i32>} : memref<256x32xf32, #tpu.memory_space<vmem>>, vector<16xf32>,
        tpu.vector_store %arg11[%swap3A_578, %swap3A_579], %mul3A_577 {strides = array<i32>} : memref<256x32xf32, #tpu.memory_space<vmem>>, vector<16xf32>,
        %add3A_581 = arith.constant 9 : i32
        %add3A_582 = arith.addi %mul3A_400, %add3A_581 : i32
        %slice3A_583 = vector.extract_strided_slice %bitcast3A {offsets = [9], sizes = [1], strides = [1]} : vector<16xf32> to vector<1xf32>
        %squeeze3A_584 = vector.extract %slice3A_583[0] : f32 from vector<1xf32>
        %get3A_585 = arith.index_cast %add3A_582 : i32 to index
        %get3A_586 = arith.constant 0 : index
        %get3A_587 = tpu.vector_load %arg11[%get3A_585, %get3A_586] {strides = array<i32>} : memref<256x32xf32, #tpu.memory_space<vmem>>, vector<16xf32>,
        %mul3A_588 = vector.broadcast %squeeze3A_584 : f32 to vector<16xf32>
        %mul3A_589 = arith.mulf %get3A_587, %mul3A_588 : vector<16xf32>
        %swap3A_590 = arith.index_cast %add3A_582 : i32 to index
        %swap3A_591 = arith.constant 0 : index
        %swap3A_592 = tpu.vector_load %arg11[%swap3A_590, %swap3A_591] {strides = array<i32>} : memref<256x32xf32, #tpu.memory_space<vmem>>, vector<16xf32>,
        tpu.vector_store %arg11[%swap3A_590, %swap3A_591], %mul3A_589 {strides = array<i32>} : memref<256x32xf32, #tpu.memory_space<vmem>>, vector<16xf32>,
        %get3A_593 = arith.index_cast %add3A_582 : i32 to index
        %get3A_594 = arith.constant 16 : index
        %get3A_595 = tpu.vector_load %arg11[%get3A_593, %get3A_594] {strides = array<i32>} : memref<256x32xf32, #tpu.memory_space<vmem>>, vector<16xf32>,
        %mul3A_596 = vector.broadcast %squeeze3A_584 : f32 to vector<16xf32>
        %mul3A_597 = arith.mulf %get3A_595, %mul3A_596 : vector<16xf32>
        %swap3A_598 = arith.index_cast %add3A_582 : i32 to index
        %swap3A_599 = arith.constant 16 : index
        %swap3A_600 = tpu.vector_load %arg11[%swap3A_598, %swap3A_599] {strides = array<i32>} : memref<256x32xf32, #tpu.memory_space<vmem>>, vector<16xf32>,
        tpu.vector_store %arg11[%swap3A_598, %swap3A_599], %mul3A_597 {strides = array<i32>} : memref<256x32xf32, #tpu.memory_space<vmem>>, vector<16xf32>,
        %add3A_601 = arith.constant 10 : i32
        %add3A_602 = arith.addi %mul3A_400, %add3A_601 : i32
        %slice3A_603 = vector.extract_strided_slice %bitcast3A {offsets = [10], sizes = [1], strides = [1]} : vector<16xf32> to vector<1xf32>
        %squeeze3A_604 = vector.extract %slice3A_603[0] : f32 from vector<1xf32>
        %get3A_605 = arith.index_cast %add3A_602 : i32 to index
        %get3A_606 = arith.constant 0 : index
        %get3A_607 = tpu.vector_load %arg11[%get3A_605, %get3A_606] {strides = array<i32>} : memref<256x32xf32, #tpu.memory_space<vmem>>, vector<16xf32>,
        %mul3A_608 = vector.broadcast %squeeze3A_604 : f32 to vector<16xf32>
        %mul3A_609 = arith.mulf %get3A_607, %mul3A_608 : vector<16xf32>
        %swap3A_610 = arith.index_cast %add3A_602 : i32 to index
        %swap3A_611 = arith.constant 0 : index
        %swap3A_612 = tpu.vector_load %arg11[%swap3A_610, %swap3A_611] {strides = array<i32>} : memref<256x32xf32, #tpu.memory_space<vmem>>, vector<16xf32>,
        tpu.vector_store %arg11[%swap3A_610, %swap3A_611], %mul3A_609 {strides = array<i32>} : memref<256x32xf32, #tpu.memory_space<vmem>>, vector<16xf32>,
        %get3A_613 = arith.index_cast %add3A_602 : i32 to index
        %get3A_614 = arith.constant 16 : index
        %get3A_615 = tpu.vector_load %arg11[%get3A_613, %get3A_614] {strides = array<i32>} : memref<256x32xf32, #tpu.memory_space<vmem>>, vector<16xf32>,
        %mul3A_616 = vector.broadcast %squeeze3A_604 : f32 to vector<16xf32>
        %mul3A_617 = arith.mulf %get3A_615, %mul3A_616 : vector<16xf32>
        %swap3A_618 = arith.index_cast %add3A_602 : i32 to index
        %swap3A_619 = arith.constant 16 : index
        %swap3A_620 = tpu.vector_load %arg11[%swap3A_618, %swap3A_619] {strides = array<i32>} : memref<256x32xf32, #tpu.memory_space<vmem>>, vector<16xf32>,
        tpu.vector_store %arg11[%swap3A_618, %swap3A_619], %mul3A_617 {strides = array<i32>} : memref<256x32xf32, #tpu.memory_space<vmem>>, vector<16xf32>,
        %add3A_621 = arith.constant 11 : i32
        %add3A_622 = arith.addi %mul3A_400, %add3A_621 : i32
        %slice3A_623 = vector.extract_strided_slice %bitcast3A {offsets = [11], sizes = [1], strides = [1]} : vector<16xf32> to vector<1xf32>
        %squeeze3A_624 = vector.extract %slice3A_623[0] : f32 from vector<1xf32>
        %get3A_625 = arith.index_cast %add3A_622 : i32 to index
        %get3A_626 = arith.constant 0 : index
        %get3A_627 = tpu.vector_load %arg11[%get3A_625, %get3A_626] {strides = array<i32>} : memref<256x32xf32, #tpu.memory_space<vmem>>, vector<16xf32>,
        %mul3A_628 = vector.broadcast %squeeze3A_624 : f32 to vector<16xf32>
        %mul3A_629 = arith.mulf %get3A_627, %mul3A_628 : vector<16xf32>
        %swap3A_630 = arith.index_cast %add3A_622 : i32 to index
        %swap3A_631 = arith.constant 0 : index
        %swap3A_632 = tpu.vector_load %arg11[%swap3A_630, %swap3A_631] {strides = array<i32>} : memref<256x32xf32, #tpu.memory_space<vmem>>, vector<16xf32>,
        tpu.vector_store %arg11[%swap3A_630, %swap3A_631], %mul3A_629 {strides = array<i32>} : memref<256x32xf32, #tpu.memory_space<vmem>>, vector<16xf32>,
        %get3A_633 = arith.index_cast %add3A_622 : i32 to index
        %get3A_634 = arith.constant 16 : index
        %get3A_635 = tpu.vector_load %arg11[%get3A_633, %get3A_634] {strides = array<i32>} : memref<256x32xf32, #tpu.memory_space<vmem>>, vector<16xf32>,
        %mul3A_636 = vector.broadcast %squeeze3A_624 : f32 to vector<16xf32>
        %mul3A_637 = arith.mulf %get3A_635, %mul3A_636 : vector<16xf32>
        %swap3A_638 = arith.index_cast %add3A_622 : i32 to index
        %swap3A_639 = arith.constant 16 : index
        %swap3A_640 = tpu.vector_load %arg11[%swap3A_638, %swap3A_639] {strides = array<i32>} : memref<256x32xf32, #tpu.memory_space<vmem>>, vector<16xf32>,
        tpu.vector_store %arg11[%swap3A_638, %swap3A_639], %mul3A_637 {strides = array<i32>} : memref<256x32xf32, #tpu.memory_space<vmem>>, vector<16xf32>,
        %add3A_641 = arith.constant 12 : i32
        %add3A_642 = arith.addi %mul3A_400, %add3A_641 : i32
        %slice3A_643 = vector.extract_strided_slice %bitcast3A {offsets = [12], sizes = [1], strides = [1]} : vector<16xf32> to vector<1xf32>
        %squeeze3A_644 = vector.extract %slice3A_643[0] : f32 from vector<1xf32>
        %get3A_645 = arith.index_cast %add3A_642 : i32 to index
        %get3A_646 = arith.constant 0 : index
        %get3A_647 = tpu.vector_load %arg11[%get3A_645, %get3A_646] {strides = array<i32>} : memref<256x32xf32, #tpu.memory_space<vmem>>, vector<16xf32>,
        %mul3A_648 = vector.broadcast %squeeze3A_644 : f32 to vector<16xf32>
        %mul3A_649 = arith.mulf %get3A_647, %mul3A_648 : vector<16xf32>
        %swap3A_650 = arith.index_cast %add3A_642 : i32 to index
        %swap3A_651 = arith.constant 0 : index
        %swap3A_652 = tpu.vector_load %arg11[%swap3A_650, %swap3A_651] {strides = array<i32>} : memref<256x32xf32, #tpu.memory_space<vmem>>, vector<16xf32>,
        tpu.vector_store %arg11[%swap3A_650, %swap3A_651], %mul3A_649 {strides = array<i32>} : memref<256x32xf32, #tpu.memory_space<vmem>>, vector<16xf32>,
        %get3A_653 = arith.index_cast %add3A_642 : i32 to index
        %get3A_654 = arith.constant 16 : index
        %get3A_655 = tpu.vector_load %arg11[%get3A_653, %get3A_654] {strides = array<i32>} : memref<256x32xf32, #tpu.memory_space<vmem>>, vector<16xf32>,
        %mul3A_656 = vector.broadcast %squeeze3A_644 : f32 to vector<16xf32>
        %mul3A_657 = arith.mulf %get3A_655, %mul3A_656 : vector<16xf32>
        %swap3A_658 = arith.index_cast %add3A_642 : i32 to index
        %swap3A_659 = arith.constant 16 : index
        %swap3A_660 = tpu.vector_load %arg11[%swap3A_658, %swap3A_659] {strides = array<i32>} : memref<256x32xf32, #tpu.memory_space<vmem>>, vector<16xf32>,
        tpu.vector_store %arg11[%swap3A_658, %swap3A_659], %mul3A_657 {strides = array<i32>} : memref<256x32xf32, #tpu.memory_space<vmem>>, vector<16xf32>,
        %add3A_661 = arith.constant 13 : i32
        %add3A_662 = arith.addi %mul3A_400, %add3A_661 : i32
        %slice3A_663 = vector.extract_strided_slice %bitcast3A {offsets = [13], sizes = [1], strides = [1]} : vector<16xf32> to vector<1xf32>
        %squeeze3A_664 = vector.extract %slice3A_663[0] : f32 from vector<1xf32>
        %get3A_665 = arith.index_cast %add3A_662 : i32 to index
        %get3A_666 = arith.constant 0 : index
        %get3A_667 = tpu.vector_load %arg11[%get3A_665, %get3A_666] {strides = array<i32>} : memref<256x32xf32, #tpu.memory_space<vmem>>, vector<16xf32>,
        %mul3A_668 = vector.broadcast %squeeze3A_664 : f32 to vector<16xf32>
        %mul3A_669 = arith.mulf %get3A_667, %mul3A_668 : vector<16xf32>
        %swap3A_670 = arith.index_cast %add3A_662 : i32 to index
        %swap3A_671 = arith.constant 0 : index
        %swap3A_672 = tpu.vector_load %arg11[%swap3A_670, %swap3A_671] {strides = array<i32>} : memref<256x32xf32, #tpu.memory_space<vmem>>, vector<16xf32>,
        tpu.vector_store %arg11[%swap3A_670, %swap3A_671], %mul3A_669 {strides = array<i32>} : memref<256x32xf32, #tpu.memory_space<vmem>>, vector<16xf32>,
        %get3A_673 = arith.index_cast %add3A_662 : i32 to index
        %get3A_674 = arith.constant 16 : index
        %get3A_675 = tpu.vector_load %arg11[%get3A_673, %get3A_674] {strides = array<i32>} : memref<256x32xf32, #tpu.memory_space<vmem>>, vector<16xf32>,
        %mul3A_676 = vector.broadcast %squeeze3A_664 : f32 to vector<16xf32>
        %mul3A_677 = arith.mulf %get3A_675, %mul3A_676 : vector<16xf32>
        %swap3A_678 = arith.index_cast %add3A_662 : i32 to index
        %swap3A_679 = arith.constant 16 : index
        %swap3A_680 = tpu.vector_load %arg11[%swap3A_678, %swap3A_679] {strides = array<i32>} : memref<256x32xf32, #tpu.memory_space<vmem>>, vector<16xf32>,
        tpu.vector_store %arg11[%swap3A_678, %swap3A_679], %mul3A_677 {strides = array<i32>} : memref<256x32xf32, #tpu.memory_space<vmem>>, vector<16xf32>,
        %add3A_681 = arith.constant 14 : i32
        %add3A_682 = arith.addi %mul3A_400, %add3A_681 : i32
        %slice3A_683 = vector.extract_strided_slice %bitcast3A {offsets = [14], sizes = [1], strides = [1]} : vector<16xf32> to vector<1xf32>
        %squeeze3A_684 = vector.extract %slice3A_683[0] : f32 from vector<1xf32>
        %get3A_685 = arith.index_cast %add3A_682 : i32 to index
        %get3A_686 = arith.constant 0 : index
        %get3A_687 = tpu.vector_load %arg11[%get3A_685, %get3A_686] {strides = array<i32>} : memref<256x32xf32, #tpu.memory_space<vmem>>, vector<16xf32>,
        %mul3A_688 = vector.broadcast %squeeze3A_684 : f32 to vector<16xf32>
        %mul3A_689 = arith.mulf %get3A_687, %mul3A_688 : vector<16xf32>
        %swap3A_690 = arith.index_cast %add3A_682 : i32 to index
        %swap3A_691 = arith.constant 0 : index
        %swap3A_692 = tpu.vector_load %arg11[%swap3A_690, %swap3A_691] {strides = array<i32>} : memref<256x32xf32, #tpu.memory_space<vmem>>, vector<16xf32>,
        tpu.vector_store %arg11[%swap3A_690, %swap3A_691], %mul3A_689 {strides = array<i32>} : memref<256x32xf32, #tpu.memory_space<vmem>>, vector<16xf32>,
        %get3A_693 = arith.index_cast %add3A_682 : i32 to index
        %get3A_694 = arith.constant 16 : index
        %get3A_695 = tpu.vector_load %arg11[%get3A_693, %get3A_694] {strides = array<i32>} : memref<256x32xf32, #tpu.memory_space<vmem>>, vector<16xf32>,
        %mul3A_696 = vector.broadcast %squeeze3A_684 : f32 to vector<16xf32>
        %mul3A_697 = arith.mulf %get3A_695, %mul3A_696 : vector<16xf32>
        %swap3A_698 = arith.index_cast %add3A_682 : i32 to index
        %swap3A_699 = arith.constant 16 : index
        %swap3A_700 = tpu.vector_load %arg11[%swap3A_698, %swap3A_699] {strides = array<i32>} : memref<256x32xf32, #tpu.memory_space<vmem>>, vector<16xf32>,
        tpu.vector_store %arg11[%swap3A_698, %swap3A_699], %mul3A_697 {strides = array<i32>} : memref<256x32xf32, #tpu.memory_space<vmem>>, vector<16xf32>,
        %add3A_701 = arith.constant 15 : i32
        %add3A_702 = arith.addi %mul3A_400, %add3A_701 : i32
        %slice3A_703 = vector.extract_strided_slice %bitcast3A {offsets = [15], sizes = [1], strides = [1]} : vector<16xf32> to vector<1xf32>
        %squeeze3A_704 = vector.extract %slice3A_703[0] : f32 from vector<1xf32>
        %get3A_705 = arith.index_cast %add3A_702 : i32 to index
        %get3A_706 = arith.constant 0 : index
        %get3A_707 = tpu.vector_load %arg11[%get3A_705, %get3A_706] {strides = array<i32>} : memref<256x32xf32, #tpu.memory_space<vmem>>, vector<16xf32>,
        %mul3A_708 = vector.broadcast %squeeze3A_704 : f32 to vector<16xf32>
        %mul3A_709 = arith.mulf %get3A_707, %mul3A_708 : vector<16xf32>
        %swap3A_710 = arith.index_cast %add3A_702 : i32 to index
        %swap3A_711 = arith.constant 0 : index
        %swap3A_712 = tpu.vector_load %arg11[%swap3A_710, %swap3A_711] {strides = array<i32>} : memref<256x32xf32, #tpu.memory_space<vmem>>, vector<16xf32>,
        tpu.vector_store %arg11[%swap3A_710, %swap3A_711], %mul3A_709 {strides = array<i32>} : memref<256x32xf32, #tpu.memory_space<vmem>>, vector<16xf32>,
        %get3A_713 = arith.index_cast %add3A_702 : i32 to index
        %get3A_714 = arith.constant 16 : index
        %get3A_715 = tpu.vector_load %arg11[%get3A_713, %get3A_714] {strides = array<i32>} : memref<256x32xf32, #tpu.memory_space<vmem>>, vector<16xf32>,
        %mul3A_716 = vector.broadcast %squeeze3A_704 : f32 to vector<16xf32>
        %mul3A_717 = arith.mulf %get3A_715, %mul3A_716 : vector<16xf32>
        %swap3A_718 = arith.index_cast %add3A_702 : i32 to index
        %swap3A_719 = arith.constant 16 : index
        %swap3A_720 = tpu.vector_load %arg11[%swap3A_718, %swap3A_719] {strides = array<i32>} : memref<256x32xf32, #tpu.memory_space<vmem>>, vector<16xf32>,
        tpu.vector_store %arg11[%swap3A_718, %swap3A_719], %mul3A_717 {strides = array<i32>} : memref<256x32xf32, #tpu.memory_space<vmem>>, vector<16xf32>,
      }
      %scan3A_390 = arith.constant 16 : i32
      %dma_start3A_391 = arith.constant 2 : i32
      %dma_start3A_392 = arith.constant 0 : i32
      %dma_start3A_393 = tpu.memref_slice %arg14[%dma_start3A_391, %dma_start3A_392] : memref<3x256xi32, #tpu.memory_space<vmem>> -> memref<1x256xi32, #tpu.memory_space<vmem>>
      %dma_start3A_394 = tpu.memref_squeeze %dma_start3A_393 : memref<1x256xi32, #tpu.memory_space<vmem>> -> memref<256xi32, #tpu.memory_space<vmem>>
      %dma_start3A_395 = arith.constant 0 : i32
      %dma_start3A_396 = arith.constant 0 : i32
      %dma_start3A_397 = tpu.memref_slice %arg8[%dma_start3A_395, %dma_start3A_396] : memref<50048x32xf32, #tpu.memory_space<vmem_shared>> -> memref<50048x32xf32, #tpu.memory_space<vmem_shared>>
      tpu.enqueue_indirect_dma source(%arg11 : memref<256x32xf32, #tpu.memory_space<vmem>>) target(%dma_start3A_397 : memref<50048x32xf32, #tpu.memory_space<vmem_shared>>) offsets(%dma_start3A_394 : memref<256xi32, #tpu.memory_space<vmem>>) semaphore(%arg20 : memref<!tpu.dma_semaphore, #tpu.memory_space<semaphore_mem>>) {add = true}
    }
    %scan3A_55 = arith.constant 66 : i32
    %dma_wait3A_56 = arith.constant 2 : i32
    %dma_wait3A_57 = arith.constant 0 : i32
    %dma_wait3A_58 = tpu.memref_slice %arg14[%dma_wait3A_56, %dma_wait3A_57] : memref<3x256xi32, #tpu.memory_space<vmem>> -> memref<1x256xi32, #tpu.memory_space<vmem>>
    %dma_wait3A_59 = tpu.memref_squeeze %dma_wait3A_58 : memref<1x256xi32, #tpu.memory_space<vmem>> -> memref<256xi32, #tpu.memory_space<vmem>>
    %dma_wait3A_60 = arith.constant 0 : i32
    %dma_wait3A_61 = arith.constant 0 : i32
    %dma_wait3A_62 = tpu.memref_slice %arg8[%dma_wait3A_60, %dma_wait3A_61] : memref<50048x32xf32, #tpu.memory_space<vmem_shared>> -> memref<50048x32xf32, #tpu.memory_space<vmem_shared>>
    tpu.wait_indirect_dma semaphore(%arg20 : memref<!tpu.dma_semaphore, #tpu.memory_space<semaphore_mem>>) src(%arg11 : memref<256x32xf32, #tpu.memory_space<vmem>>) dst(%dma_wait3A_62 : memref<50048x32xf32, #tpu.memory_space<vmem_shared>>)
    %dma_wait3A_63 = arith.constant 0 : i32
    %dma_wait3A_64 = arith.constant 0 : i32
    %dma_wait3A_65 = tpu.memref_slice %arg2[%arg0, %mul3A_2, %dma_wait3A_63, %dma_wait3A_64] : memref<2x3168x3x256xi32, #tpu.memory_space<hbm>> -> memref<1x1x3x256xi32, #tpu.memory_space<hbm>>
    %dma_wait3A_66 = tpu.memref_squeeze %dma_wait3A_65 : memref<1x1x3x256xi32, #tpu.memory_space<hbm>> -> memref<3x256xi32, #tpu.memory_space<hbm>>
    %dma_wait3A_67 = arith.constant 0 : i32
    %dma_wait3A_68 = arith.constant 0 : i32
    %dma_wait3A_69 = tpu.memref_slice %arg2[%arg0, %mul3A_2, %dma_wait3A_67, %dma_wait3A_68] : memref<2x3168x3x256xi32, #tpu.memory_space<hbm>> -> memref<1x1x3x256xi32, #tpu.memory_space<hbm>>
    %dma_wait3A_70 = tpu.memref_squeeze %dma_wait3A_69 : memref<1x1x3x256xi32, #tpu.memory_space<hbm>> -> memref<3x256xi32, #tpu.memory_space<hbm>>
    tpu.wait_dma2 semaphore(%arg22 : memref<!tpu.dma_semaphore, #tpu.memory_space<semaphore_mem>>) src(%dma_wait3A_70 : memref<3x256xi32, #tpu.memory_space<hbm>>) dst(%arg13 : memref<3x256xi32, #tpu.memory_space<vmem>>)
    %dma_wait3A_71 = arith.constant 0 : i32
    %dma_wait3A_72 = arith.constant 0 : i32
    %dma_wait3A_73 = tpu.memref_slice %arg12[%dma_wait3A_71, %dma_wait3A_72] : memref<3x256xi32, #tpu.memory_space<vmem>> -> memref<1x256xi32, #tpu.memory_space<vmem>>
    %dma_wait3A_74 = tpu.memref_squeeze %dma_wait3A_73 : memref<1x256xi32, #tpu.memory_space<vmem>> -> memref<256xi32, #tpu.memory_space<vmem>>
    %dma_wait3A_75 = arith.constant 0 : i32
    %dma_wait3A_76 = arith.constant 0 : i32
    %dma_wait3A_77 = tpu.memref_slice %arg3[%dma_wait3A_75, %dma_wait3A_76] : memref<100096x32xf32, #tpu.memory_space<hbm>> -> memref<100096x32xf32, #tpu.memory_space<hbm>>
    tpu.wait_indirect_dma semaphore(%arg15 : memref<!tpu.dma_semaphore, #tpu.memory_space<semaphore_mem>>) src(%dma_wait3A_77 : memref<100096x32xf32, #tpu.memory_space<hbm>>) dst(%arg9 : memref<256x32xf32, #tpu.memory_space<vmem>>)
    %barrier3A_78 = arith.constant 0 : index
    tpu.barrier barrier_id(%barrier3A_78)
    "tpu.region"() ({
      %run_scoped3A = tpu.sem_alloc : memref<!tpu.dma_semaphore, #tpu.memory_space<semaphore_mem>>
      %dma_start3A_235 = arith.constant 0 : i32
      %dma_start3A_236 = tpu.memref_slice %arg6[%multiple_of3A_7, %dma_start3A_235] : memref<100096x32xf32, #tpu.memory_space<hbm>> -> memref<3128x32xf32, #tpu.memory_space<hbm>>
      %dma_start3A_237 = arith.constant 0 : i32
      %dma_start3A_238 = tpu.memref_slice %arg8[%multiple_of3A, %dma_start3A_237] : memref<50048x32xf32, #tpu.memory_space<vmem_shared>> -> memref<3128x32xf32, #tpu.memory_space<vmem_shared>>
      tpu.enqueue_dma source(%dma_start3A_238 : memref<3128x32xf32, #tpu.memory_space<vmem_shared>>) target(%dma_start3A_236 : memref<3128x32xf32, #tpu.memory_space<hbm>>) target_semaphore(%run_scoped3A : memref<!tpu.dma_semaphore, #tpu.memory_space<semaphore_mem>>)
      %dma_wait3A_239 = arith.constant 0 : i32
      %dma_wait3A_240 = tpu.memref_slice %arg6[%multiple_of3A_7, %dma_wait3A_239] : memref<100096x32xf32, #tpu.memory_space<hbm>> -> memref<3128x32xf32, #tpu.memory_space<hbm>>
      %dma_wait3A_241 = arith.constant 0 : i32
      %dma_wait3A_242 = tpu.memref_slice %arg8[%multiple_of3A, %dma_wait3A_241] : memref<50048x32xf32, #tpu.memory_space<vmem_shared>> -> memref<3128x32xf32, #tpu.memory_space<vmem_shared>>
      tpu.wait_dma2 semaphore(%run_scoped3A : memref<!tpu.dma_semaphore, #tpu.memory_space<semaphore_mem>>) src(%dma_wait3A_242 : memref<3128x32xf32, #tpu.memory_space<vmem_shared>>) dst(%dma_wait3A_240 : memref<3128x32xf32, #tpu.memory_space<hbm>>)
      tpu.yield
    }) : () -> ()
    "tpu.region"() ({
      %run_scoped3A = tpu.sem_alloc : memref<!tpu.dma_semaphore, #tpu.memory_space<semaphore_mem>>
      %dma_start3A_235 = arith.constant 0 : i32
      %dma_start3A_236 = tpu.memref_slice %arg8[%multiple_of3A, %dma_start3A_235] : memref<50048x32xf32, #tpu.memory_space<vmem_shared>> -> memref<3128x32xf32, #tpu.memory_space<vmem_shared>>
      tpu.enqueue_dma source(%arg4 : memref<3128x32xf32, #tpu.memory_space<hbm>>) target(%dma_start3A_236 : memref<3128x32xf32, #tpu.memory_space<vmem_shared>>) target_semaphore(%run_scoped3A : memref<!tpu.dma_semaphore, #tpu.memory_space<semaphore_mem>>)
      %dma_wait3A_237 = arith.constant 0 : i32
      %dma_wait3A_238 = tpu.memref_slice %arg8[%multiple_of3A, %dma_wait3A_237] : memref<50048x32xf32, #tpu.memory_space<vmem_shared>> -> memref<3128x32xf32, #tpu.memory_space<vmem_shared>>
      tpu.wait_dma2 semaphore(%run_scoped3A : memref<!tpu.dma_semaphore, #tpu.memory_space<semaphore_mem>>) src(%arg4 : memref<3128x32xf32, #tpu.memory_space<hbm>>) dst(%dma_wait3A_238 : memref<3128x32xf32, #tpu.memory_space<vmem_shared>>)
      tpu.yield
    }) : () -> ()
    %barrier3A_79 = arith.constant 0 : index
    tpu.barrier barrier_id(%barrier3A_79)
    %add3A_80 = arith.constant 0 : i32
    %add3A_81 = arith.addi %mul3A_2, %add3A_80 : i32
    %dma_start3A_82 = arith.constant 0 : i32
    %dma_start3A_83 = arith.constant 0 : i32
    %dma_start3A_84 = tpu.memref_slice %arg2[%arg0, %add3A_81, %dma_start3A_82, %dma_start3A_83] : memref<2x3168x3x256xi32, #tpu.memory_space<hbm>> -> memref<1x1x3x256xi32, #tpu.memory_space<hbm>>
    %dma_start3A_85 = tpu.memref_squeeze %dma_start3A_84 : memref<1x1x3x256xi32, #tpu.memory_space<hbm>> -> memref<3x256xi32, #tpu.memory_space<hbm>>
    %dma_start3A_86 = arith.constant 0 : i32
    %dma_start3A_87 = arith.constant 0 : i32
    %dma_start3A_88 = tpu.memref_slice %arg2[%arg0, %add3A_81, %dma_start3A_86, %dma_start3A_87] : memref<2x3168x3x256xi32, #tpu.memory_space<hbm>> -> memref<1x1x3x256xi32, #tpu.memory_space<hbm>>
    %dma_start3A_89 = tpu.memref_squeeze %dma_start3A_88 : memref<1x1x3x256xi32, #tpu.memory_space<hbm>> -> memref<3x256xi32, #tpu.memory_space<hbm>>
    tpu.enqueue_dma source(%dma_start3A_89 : memref<3x256xi32, #tpu.memory_space<hbm>>) target(%arg12 : memref<3x256xi32, #tpu.memory_space<vmem>>) target_semaphore(%arg21 : memref<!tpu.dma_semaphore, #tpu.memory_space<semaphore_mem>>)
    %add3A_90 = arith.constant 1 : i32
    %add3A_91 = arith.addi %mul3A_2, %add3A_90 : i32
    %dma_start3A_92 = arith.constant 0 : i32
    %dma_start3A_93 = arith.constant 0 : i32
    %dma_start3A_94 = tpu.memref_slice %arg2[%arg0, %add3A_91, %dma_start3A_92, %dma_start3A_93] : memref<2x3168x3x256xi32, #tpu.memory_space<hbm>> -> memref<1x1x3x256xi32, #tpu.memory_space<hbm>>
    %dma_start3A_95 = tpu.memref_squeeze %dma_start3A_94 : memref<1x1x3x256xi32, #tpu.memory_space<hbm>> -> memref<3x256xi32, #tpu.memory_space<hbm>>
    %dma_start3A_96 = arith.constant 0 : i32
    %dma_start3A_97 = arith.constant 0 : i32
    %dma_start3A_98 = tpu.memref_slice %arg2[%arg0, %add3A_91, %dma_start3A_96, %dma_start3A_97] : memref<2x3168x3x256xi32, #tpu.memory_space<hbm>> -> memref<1x1x3x256xi32, #tpu.memory_space<hbm>>
    %dma_start3A_99 = tpu.memref_squeeze %dma_start3A_98 : memref<1x1x3x256xi32, #tpu.memory_space<hbm>> -> memref<3x256xi32, #tpu.memory_space<hbm>>
    tpu.enqueue_dma source(%dma_start3A_99 : memref<3x256xi32, #tpu.memory_space<hbm>>) target(%arg13 : memref<3x256xi32, #tpu.memory_space<vmem>>) target_semaphore(%arg22 : memref<!tpu.dma_semaphore, #tpu.memory_space<semaphore_mem>>)
    %dma_wait3A_100 = arith.constant 0 : i32
    %dma_wait3A_101 = arith.constant 0 : i32
    %dma_wait3A_102 = tpu.memref_slice %arg2[%arg0, %mul3A_2, %dma_wait3A_100, %dma_wait3A_101] : memref<2x3168x3x256xi32, #tpu.memory_space<hbm>> -> memref<1x1x3x256xi32, #tpu.memory_space<hbm>>
    %dma_wait3A_103 = tpu.memref_squeeze %dma_wait3A_102 : memref<1x1x3x256xi32, #tpu.memory_space<hbm>> -> memref<3x256xi32, #tpu.memory_space<hbm>>
    %dma_wait3A_104 = arith.constant 0 : i32
    %dma_wait3A_105 = arith.constant 0 : i32
    %dma_wait3A_106 = tpu.memref_slice %arg2[%arg0, %mul3A_2, %dma_wait3A_104, %dma_wait3A_105] : memref<2x3168x3x256xi32, #tpu.memory_space<hbm>> -> memref<1x1x3x256xi32, #tpu.memory_space<hbm>>
    %dma_wait3A_107 = tpu.memref_squeeze %dma_wait3A_106 : memref<1x1x3x256xi32, #tpu.memory_space<hbm>> -> memref<3x256xi32, #tpu.memory_space<hbm>>
    tpu.wait_dma2 semaphore(%arg21 : memref<!tpu.dma_semaphore, #tpu.memory_space<semaphore_mem>>) src(%dma_wait3A_107 : memref<3x256xi32, #tpu.memory_space<hbm>>) dst(%arg12 : memref<3x256xi32, #tpu.memory_space<vmem>>)
    %dma_start3A_108 = arith.constant 0 : i32
    %dma_start3A_109 = arith.constant 0 : i32
    %dma_start3A_110 = tpu.memref_slice %arg12[%dma_start3A_108, %dma_start3A_109] : memref<3x256xi32, #tpu.memory_space<vmem>> -> memref<1x256xi32, #tpu.memory_space<vmem>>
    %dma_start3A_111 = tpu.memref_squeeze %dma_start3A_110 : memref<1x256xi32, #tpu.memory_space<vmem>> -> memref<256xi32, #tpu.memory_space<vmem>>
    %dma_start3A_112 = arith.constant 0 : i32
    %dma_start3A_113 = arith.constant 0 : i32
    %dma_start3A_114 = tpu.memref_slice %arg6[%dma_start3A_112, %dma_start3A_113] : memref<100096x32xf32, #tpu.memory_space<hbm>> -> memref<100096x32xf32, #tpu.memory_space<hbm>>
    tpu.enqueue_indirect_dma source(%dma_start3A_114 : memref<100096x32xf32, #tpu.memory_space<hbm>>) target(%arg9 : memref<256x32xf32, #tpu.memory_space<vmem>>) offsets(%dma_start3A_111 : memref<256xi32, #tpu.memory_space<vmem>>) semaphore(%arg15 : memref<!tpu.dma_semaphore, #tpu.memory_space<semaphore_mem>>)
    %add3A_115 = arith.constant 2 : i32
    %add3A_116 = arith.addi %mul3A_2, %add3A_115 : i32
    %dma_start3A_117 = arith.constant 0 : i32
    %dma_start3A_118 = arith.constant 0 : i32
    %dma_start3A_119 = tpu.memref_slice %arg2[%arg0, %add3A_116, %dma_start3A_117, %dma_start3A_118] : memref<2x3168x3x256xi32, #tpu.memory_space<hbm>> -> memref<1x1x3x256xi32, #tpu.memory_space<hbm>>
    %dma_start3A_120 = tpu.memref_squeeze %dma_start3A_119 : memref<1x1x3x256xi32, #tpu.memory_space<hbm>> -> memref<3x256xi32, #tpu.memory_space<hbm>>
    %dma_start3A_121 = arith.constant 0 : i32
    %dma_start3A_122 = arith.constant 0 : i32
    %dma_start3A_123 = tpu.memref_slice %arg2[%arg0, %add3A_116, %dma_start3A_121, %dma_start3A_122] : memref<2x3168x3x256xi32, #tpu.memory_space<hbm>> -> memref<1x1x3x256xi32, #tpu.memory_space<hbm>>
    %dma_start3A_124 = tpu.memref_squeeze %dma_start3A_123 : memref<1x1x3x256xi32, #tpu.memory_space<hbm>> -> memref<3x256xi32, #tpu.memory_space<hbm>>
    tpu.enqueue_dma source(%dma_start3A_124 : memref<3x256xi32, #tpu.memory_space<hbm>>) target(%arg14 : memref<3x256xi32, #tpu.memory_space<vmem>>) target_semaphore(%arg23 : memref<!tpu.dma_semaphore, #tpu.memory_space<semaphore_mem>>)
    %scan3A_125 = arith.constant 0 : i32
    %scan3A_126 = arith.constant 0 : i32
    %scan3A_127 = arith.constant 66 : i32
    %scan3A_128 = arith.addi %scan3A_126, %scan3A_127 : i32
    %scan3A_129 = arith.constant 1 : i32
    scf.for %scan3A_235 = %scan3A_126 to %scan3A_128 step %scan3A_129  : i32 {
      %mul3A_236 = arith.constant 3 : i32
      %mul3A_237 = arith.muli %mul3A_236, %scan3A_235 : i32
      %add3A_238 = arith.constant 0 : i32
      %add3A_239 = arith.addi %mul3A_237, %add3A_238 : i32
      %add3A_240 = arith.constant 2 : i32
      %add3A_241 = arith.addi %add3A_239, %add3A_240 : i32
      %min3A = arith.constant 197 : i32
      %min3A_242 = arith.minsi %add3A_241, %min3A : i32
      %gt3A = arith.constant 0 : i32
      %gt3A_243 = arith.cmpi sgt, %scan3A_235, %gt3A : i32
      %convert_element_type3A = arith.extui %gt3A_243 : i1 to i32
      %cond3A = arith.constant 0 : i32
      %cond3A_244 = arith.cmpi ne, %convert_element_type3A, %cond3A : i32
      scf.if %cond3A_244 {
        %dma_wait3A_398 = arith.constant 2 : i32
        %dma_wait3A_399 = arith.constant 0 : i32
        %dma_wait3A_400 = tpu.memref_slice %arg14[%dma_wait3A_398, %dma_wait3A_399] : memref<3x256xi32, #tpu.memory_space<vmem>> -> memref<1x256xi32, #tpu.memory_space<vmem>>
        %dma_wait3A_401 = tpu.memref_squeeze %dma_wait3A_400 : memref<1x256xi32, #tpu.memory_space<vmem>> -> memref<256xi32, #tpu.memory_space<vmem>>
        %dma_wait3A_402 = arith.constant 0 : i32
        %dma_wait3A_403 = arith.constant 0 : i32
        %dma_wait3A_404 = tpu.memref_slice %arg8[%dma_wait3A_402, %dma_wait3A_403] : memref<50048x32xf32, #tpu.memory_space<vmem_shared>> -> memref<50048x32xf32, #tpu.memory_space<vmem_shared>>
        tpu.wait_indirect_dma semaphore(%arg20 : memref<!tpu.dma_semaphore, #tpu.memory_space<semaphore_mem>>) src(%arg11 : memref<256x32xf32, #tpu.memory_space<vmem>>) dst(%dma_wait3A_404 : memref<50048x32xf32, #tpu.memory_space<vmem_shared>>)
        %add3A_405 = arith.addi %mul3A_2, %min3A_242 : i32
        %dma_start3A_406 = arith.constant 0 : i32
        %dma_start3A_407 = arith.constant 0 : i32
        %dma_start3A_408 = tpu.memref_slice %arg2[%arg0, %add3A_405, %dma_start3A_406, %dma_start3A_407] : memref<2x3168x3x256xi32, #tpu.memory_space<hbm>> -> memref<1x1x3x256xi32, #tpu.memory_space<hbm>>
        %dma_start3A_409 = tpu.memref_squeeze %dma_start3A_408 : memref<1x1x3x256xi32, #tpu.memory_space<hbm>> -> memref<3x256xi32, #tpu.memory_space<hbm>>
        %dma_start3A_410 = arith.constant 0 : i32
        %dma_start3A_411 = arith.constant 0 : i32
        %dma_start3A_412 = tpu.memref_slice %arg2[%arg0, %add3A_405, %dma_start3A_410, %dma_start3A_411] : memref<2x3168x3x256xi32, #tpu.memory_space<hbm>> -> memref<1x1x3x256xi32, #tpu.memory_space<hbm>>
        %dma_start3A_413 = tpu.memref_squeeze %dma_start3A_412 : memref<1x1x3x256xi32, #tpu.memory_space<hbm>> -> memref<3x256xi32, #tpu.memory_space<hbm>>
        tpu.enqueue_dma source(%dma_start3A_413 : memref<3x256xi32, #tpu.memory_space<hbm>>) target(%arg14 : memref<3x256xi32, #tpu.memory_space<vmem>>) target_semaphore(%arg23 : memref<!tpu.dma_semaphore, #tpu.memory_space<semaphore_mem>>)
      } else {
      }
      %dma_wait3A_245 = arith.constant 0 : i32
      %dma_wait3A_246 = arith.constant 0 : i32
      %dma_wait3A_247 = tpu.memref_slice %arg2[%arg0, %mul3A_2, %dma_wait3A_245, %dma_wait3A_246] : memref<2x3168x3x256xi32, #tpu.memory_space<hbm>> -> memref<1x1x3x256xi32, #tpu.memory_space<hbm>>
      %dma_wait3A_248 = tpu.memref_squeeze %dma_wait3A_247 : memref<1x1x3x256xi32, #tpu.memory_space<hbm>> -> memref<3x256xi32, #tpu.memory_space<hbm>>
      %dma_wait3A_249 = arith.constant 0 : i32
      %dma_wait3A_250 = arith.constant 0 : i32
      %dma_wait3A_251 = tpu.memref_slice %arg2[%arg0, %mul3A_2, %dma_wait3A_249, %dma_wait3A_250] : memref<2x3168x3x256xi32, #tpu.memory_space<hbm>> -> memref<1x1x3x256xi32, #tpu.memory_space<hbm>>
      %dma_wait3A_252 = tpu.memref_squeeze %dma_wait3A_251 : memref<1x1x3x256xi32, #tpu.memory_space<hbm>> -> memref<3x256xi32, #tpu.memory_space<hbm>>
      tpu.wait_dma2 semaphore(%arg22 : memref<!tpu.dma_semaphore, #tpu.memory_space<semaphore_mem>>) src(%dma_wait3A_252 : memref<3x256xi32, #tpu.memory_space<hbm>>) dst(%arg13 : memref<3x256xi32, #tpu.memory_space<vmem>>)
      %dma_start3A_253 = arith.constant 0 : i32
      %dma_start3A_254 = arith.constant 0 : i32
      %dma_start3A_255 = tpu.memref_slice %arg13[%dma_start3A_253, %dma_start3A_254] : memref<3x256xi32, #tpu.memory_space<vmem>> -> memref<1x256xi32, #tpu.memory_space<vmem>>
      %dma_start3A_256 = tpu.memref_squeeze %dma_start3A_255 : memref<1x256xi32, #tpu.memory_space<vmem>> -> memref<256xi32, #tpu.memory_space<vmem>>
      %dma_start3A_257 = arith.constant 0 : i32
      %dma_start3A_258 = arith.constant 0 : i32
      %dma_start3A_259 = tpu.memref_slice %arg6[%dma_start3A_257, %dma_start3A_258] : memref<100096x32xf32, #tpu.memory_space<hbm>> -> memref<100096x32xf32, #tpu.memory_space<hbm>>
      tpu.enqueue_indirect_dma source(%dma_start3A_259 : memref<100096x32xf32, #tpu.memory_space<hbm>>) target(%arg10 : memref<256x32xf32, #tpu.memory_space<vmem>>) offsets(%dma_start3A_256 : memref<256xi32, #tpu.memory_space<vmem>>) semaphore(%arg16 : memref<!tpu.dma_semaphore, #tpu.memory_space<semaphore_mem>>)
      %dma_wait3A_260 = arith.constant 0 : i32
      %dma_wait3A_261 = arith.constant 0 : i32
      %dma_wait3A_262 = tpu.memref_slice %arg12[%dma_wait3A_260, %dma_wait3A_261] : memref<3x256xi32, #tpu.memory_space<vmem>> -> memref<1x256xi32, #tpu.memory_space<vmem>>
      %dma_wait3A_263 = tpu.memref_squeeze %dma_wait3A_262 : memref<1x256xi32, #tpu.memory_space<vmem>> -> memref<256xi32, #tpu.memory_space<vmem>>
      %dma_wait3A_264 = arith.constant 0 : i32
      %dma_wait3A_265 = arith.constant 0 : i32
      %dma_wait3A_266 = tpu.memref_slice %arg6[%dma_wait3A_264, %dma_wait3A_265] : memref<100096x32xf32, #tpu.memory_space<hbm>> -> memref<100096x32xf32, #tpu.memory_space<hbm>>
      tpu.wait_indirect_dma semaphore(%arg15 : memref<!tpu.dma_semaphore, #tpu.memory_space<semaphore_mem>>) src(%dma_wait3A_266 : memref<100096x32xf32, #tpu.memory_space<hbm>>) dst(%arg9 : memref<256x32xf32, #tpu.memory_space<vmem>>)
      %scan3A_267 = arith.constant 0 : i32
      %scan3A_268 = arith.constant 0 : i32
      %scan3A_269 = arith.constant 16 : i32
      %scan3A_270 = arith.addi %scan3A_268, %scan3A_269 : i32
      %scan3A_271 = arith.constant 1 : i32
      scf.for %scan3A_398 = %scan3A_268 to %scan3A_270 step %scan3A_271  : i32 {
        %mul3A_399 = arith.constant 16 : i32
        %mul3A_400 = arith.muli %scan3A_398, %mul3A_399 : i32
        %get3A = arith.constant 1 : i32
        %get3A_401 = arith.index_cast %get3A : i32 to index
        %get3A_402 = arith.index_cast %mul3A_400 : i32 to index
        %get3A_403 = tpu.vector_load %arg12[%get3A_401, %get3A_402] {strides = array<i32>} : memref<3x256xi32, #tpu.memory_space<vmem>>, vector<16xi32>,
        %bitcast3A = vector.bitcast %get3A_403 : vector<16xi32> to vector<16xf32>
        %add3A_404 = arith.constant 0 : i32
        %add3A_405 = arith.addi %mul3A_400, %add3A_404 : i32
        %slice3A = vector.extract_strided_slice %bitcast3A {offsets = [0], sizes = [1], strides = [1]} : vector<16xf32> to vector<1xf32>
        %squeeze3A = vector.extract %slice3A[0] : f32 from vector<1xf32>
        %get3A_406 = arith.index_cast %add3A_405 : i32 to index
        %get3A_407 = arith.constant 0 : index
        %get3A_408 = tpu.vector_load %arg9[%get3A_406, %get3A_407] {strides = array<i32>} : memref<256x32xf32, #tpu.memory_space<vmem>>, vector<16xf32>,
        %mul3A_409 = vector.broadcast %squeeze3A : f32 to vector<16xf32>
        %mul3A_410 = arith.mulf %get3A_408, %mul3A_409 : vector<16xf32>
        %swap3A = arith.index_cast %add3A_405 : i32 to index
        %swap3A_411 = arith.constant 0 : index
        %swap3A_412 = tpu.vector_load %arg9[%swap3A, %swap3A_411] {strides = array<i32>} : memref<256x32xf32, #tpu.memory_space<vmem>>, vector<16xf32>,
        tpu.vector_store %arg9[%swap3A, %swap3A_411], %mul3A_410 {strides = array<i32>} : memref<256x32xf32, #tpu.memory_space<vmem>>, vector<16xf32>,
        %get3A_413 = arith.index_cast %add3A_405 : i32 to index
        %get3A_414 = arith.constant 16 : index
        %get3A_415 = tpu.vector_load %arg9[%get3A_413, %get3A_414] {strides = array<i32>} : memref<256x32xf32, #tpu.memory_space<vmem>>, vector<16xf32>,
        %mul3A_416 = vector.broadcast %squeeze3A : f32 to vector<16xf32>
        %mul3A_417 = arith.mulf %get3A_415, %mul3A_416 : vector<16xf32>
        %swap3A_418 = arith.index_cast %add3A_405 : i32 to index
        %swap3A_419 = arith.constant 16 : index
        %swap3A_420 = tpu.vector_load %arg9[%swap3A_418, %swap3A_419] {strides = array<i32>} : memref<256x32xf32, #tpu.memory_space<vmem>>, vector<16xf32>,
        tpu.vector_store %arg9[%swap3A_418, %swap3A_419], %mul3A_417 {strides = array<i32>} : memref<256x32xf32, #tpu.memory_space<vmem>>, vector<16xf32>,
        %add3A_421 = arith.constant 1 : i32
        %add3A_422 = arith.addi %mul3A_400, %add3A_421 : i32
        %slice3A_423 = vector.extract_strided_slice %bitcast3A {offsets = [1], sizes = [1], strides = [1]} : vector<16xf32> to vector<1xf32>
        %squeeze3A_424 = vector.extract %slice3A_423[0] : f32 from vector<1xf32>
        %get3A_425 = arith.index_cast %add3A_422 : i32 to index
        %get3A_426 = arith.constant 0 : index
        %get3A_427 = tpu.vector_load %arg9[%get3A_425, %get3A_426] {strides = array<i32>} : memref<256x32xf32, #tpu.memory_space<vmem>>, vector<16xf32>,
        %mul3A_428 = vector.broadcast %squeeze3A_424 : f32 to vector<16xf32>
        %mul3A_429 = arith.mulf %get3A_427, %mul3A_428 : vector<16xf32>
        %swap3A_430 = arith.index_cast %add3A_422 : i32 to index
        %swap3A_431 = arith.constant 0 : index
        %swap3A_432 = tpu.vector_load %arg9[%swap3A_430, %swap3A_431] {strides = array<i32>} : memref<256x32xf32, #tpu.memory_space<vmem>>, vector<16xf32>,
        tpu.vector_store %arg9[%swap3A_430, %swap3A_431], %mul3A_429 {strides = array<i32>} : memref<256x32xf32, #tpu.memory_space<vmem>>, vector<16xf32>,
        %get3A_433 = arith.index_cast %add3A_422 : i32 to index
        %get3A_434 = arith.constant 16 : index
        %get3A_435 = tpu.vector_load %arg9[%get3A_433, %get3A_434] {strides = array<i32>} : memref<256x32xf32, #tpu.memory_space<vmem>>, vector<16xf32>,
        %mul3A_436 = vector.broadcast %squeeze3A_424 : f32 to vector<16xf32>
        %mul3A_437 = arith.mulf %get3A_435, %mul3A_436 : vector<16xf32>
        %swap3A_438 = arith.index_cast %add3A_422 : i32 to index
        %swap3A_439 = arith.constant 16 : index
        %swap3A_440 = tpu.vector_load %arg9[%swap3A_438, %swap3A_439] {strides = array<i32>} : memref<256x32xf32, #tpu.memory_space<vmem>>, vector<16xf32>,
        tpu.vector_store %arg9[%swap3A_438, %swap3A_439], %mul3A_437 {strides = array<i32>} : memref<256x32xf32, #tpu.memory_space<vmem>>, vector<16xf32>,
        %add3A_441 = arith.constant 2 : i32
        %add3A_442 = arith.addi %mul3A_400, %add3A_441 : i32
        %slice3A_443 = vector.extract_strided_slice %bitcast3A {offsets = [2], sizes = [1], strides = [1]} : vector<16xf32> to vector<1xf32>
        %squeeze3A_444 = vector.extract %slice3A_443[0] : f32 from vector<1xf32>
        %get3A_445 = arith.index_cast %add3A_442 : i32 to index
        %get3A_446 = arith.constant 0 : index
        %get3A_447 = tpu.vector_load %arg9[%get3A_445, %get3A_446] {strides = array<i32>} : memref<256x32xf32, #tpu.memory_space<vmem>>, vector<16xf32>,
        %mul3A_448 = vector.broadcast %squeeze3A_444 : f32 to vector<16xf32>
        %mul3A_449 = arith.mulf %get3A_447, %mul3A_448 : vector<16xf32>
        %swap3A_450 = arith.index_cast %add3A_442 : i32 to index
        %swap3A_451 = arith.constant 0 : index
        %swap3A_452 = tpu.vector_load %arg9[%swap3A_450, %swap3A_451] {strides = array<i32>} : memref<256x32xf32, #tpu.memory_space<vmem>>, vector<16xf32>,
        tpu.vector_store %arg9[%swap3A_450, %swap3A_451], %mul3A_449 {strides = array<i32>} : memref<256x32xf32, #tpu.memory_space<vmem>>, vector<16xf32>,
        %get3A_453 = arith.index_cast %add3A_442 : i32 to index
        %get3A_454 = arith.constant 16 : index
        %get3A_455 = tpu.vector_load %arg9[%get3A_453, %get3A_454] {strides = array<i32>} : memref<256x32xf32, #tpu.memory_space<vmem>>, vector<16xf32>,
        %mul3A_456 = vector.broadcast %squeeze3A_444 : f32 to vector<16xf32>
        %mul3A_457 = arith.mulf %get3A_455, %mul3A_456 : vector<16xf32>
        %swap3A_458 = arith.index_cast %add3A_442 : i32 to index
        %swap3A_459 = arith.constant 16 : index
        %swap3A_460 = tpu.vector_load %arg9[%swap3A_458, %swap3A_459] {strides = array<i32>} : memref<256x32xf32, #tpu.memory_space<vmem>>, vector<16xf32>,
        tpu.vector_store %arg9[%swap3A_458, %swap3A_459], %mul3A_457 {strides = array<i32>} : memref<256x32xf32, #tpu.memory_space<vmem>>, vector<16xf32>,
        %add3A_461 = arith.constant 3 : i32
        %add3A_462 = arith.addi %mul3A_400, %add3A_461 : i32
        %slice3A_463 = vector.extract_strided_slice %bitcast3A {offsets = [3], sizes = [1], strides = [1]} : vector<16xf32> to vector<1xf32>
        %squeeze3A_464 = vector.extract %slice3A_463[0] : f32 from vector<1xf32>
        %get3A_465 = arith.index_cast %add3A_462 : i32 to index
        %get3A_466 = arith.constant 0 : index
        %get3A_467 = tpu.vector_load %arg9[%get3A_465, %get3A_466] {strides = array<i32>} : memref<256x32xf32, #tpu.memory_space<vmem>>, vector<16xf32>,
        %mul3A_468 = vector.broadcast %squeeze3A_464 : f32 to vector<16xf32>
        %mul3A_469 = arith.mulf %get3A_467, %mul3A_468 : vector<16xf32>
        %swap3A_470 = arith.index_cast %add3A_462 : i32 to index
        %swap3A_471 = arith.constant 0 : index
        %swap3A_472 = tpu.vector_load %arg9[%swap3A_470, %swap3A_471] {strides = array<i32>} : memref<256x32xf32, #tpu.memory_space<vmem>>, vector<16xf32>,
        tpu.vector_store %arg9[%swap3A_470, %swap3A_471], %mul3A_469 {strides = array<i32>} : memref<256x32xf32, #tpu.memory_space<vmem>>, vector<16xf32>,
        %get3A_473 = arith.index_cast %add3A_462 : i32 to index
        %get3A_474 = arith.constant 16 : index
        %get3A_475 = tpu.vector_load %arg9[%get3A_473, %get3A_474] {strides = array<i32>} : memref<256x32xf32, #tpu.memory_space<vmem>>, vector<16xf32>,
        %mul3A_476 = vector.broadcast %squeeze3A_464 : f32 to vector<16xf32>
        %mul3A_477 = arith.mulf %get3A_475, %mul3A_476 : vector<16xf32>
        %swap3A_478 = arith.index_cast %add3A_462 : i32 to index
        %swap3A_479 = arith.constant 16 : index
        %swap3A_480 = tpu.vector_load %arg9[%swap3A_478, %swap3A_479] {strides = array<i32>} : memref<256x32xf32, #tpu.memory_space<vmem>>, vector<16xf32>,
        tpu.vector_store %arg9[%swap3A_478, %swap3A_479], %mul3A_477 {strides = array<i32>} : memref<256x32xf32, #tpu.memory_space<vmem>>, vector<16xf32>,
        %add3A_481 = arith.constant 4 : i32
        %add3A_482 = arith.addi %mul3A_400, %add3A_481 : i32
        %slice3A_483 = vector.extract_strided_slice %bitcast3A {offsets = [4], sizes = [1], strides = [1]} : vector<16xf32> to vector<1xf32>
        %squeeze3A_484 = vector.extract %slice3A_483[0] : f32 from vector<1xf32>
        %get3A_485 = arith.index_cast %add3A_482 : i32 to index
        %get3A_486 = arith.constant 0 : index
        %get3A_487 = tpu.vector_load %arg9[%get3A_485, %get3A_486] {strides = array<i32>} : memref<256x32xf32, #tpu.memory_space<vmem>>, vector<16xf32>,
        %mul3A_488 = vector.broadcast %squeeze3A_484 : f32 to vector<16xf32>
        %mul3A_489 = arith.mulf %get3A_487, %mul3A_488 : vector<16xf32>
        %swap3A_490 = arith.index_cast %add3A_482 : i32 to index
        %swap3A_491 = arith.constant 0 : index
        %swap3A_492 = tpu.vector_load %arg9[%swap3A_490, %swap3A_491] {strides = array<i32>} : memref<256x32xf32, #tpu.memory_space<vmem>>, vector<16xf32>,
        tpu.vector_store %arg9[%swap3A_490, %swap3A_491], %mul3A_489 {strides = array<i32>} : memref<256x32xf32, #tpu.memory_space<vmem>>, vector<16xf32>,
        %get3A_493 = arith.index_cast %add3A_482 : i32 to index
        %get3A_494 = arith.constant 16 : index
        %get3A_495 = tpu.vector_load %arg9[%get3A_493, %get3A_494] {strides = array<i32>} : memref<256x32xf32, #tpu.memory_space<vmem>>, vector<16xf32>,
        %mul3A_496 = vector.broadcast %squeeze3A_484 : f32 to vector<16xf32>
        %mul3A_497 = arith.mulf %get3A_495, %mul3A_496 : vector<16xf32>
        %swap3A_498 = arith.index_cast %add3A_482 : i32 to index
        %swap3A_499 = arith.constant 16 : index
        %swap3A_500 = tpu.vector_load %arg9[%swap3A_498, %swap3A_499] {strides = array<i32>} : memref<256x32xf32, #tpu.memory_space<vmem>>, vector<16xf32>,
        tpu.vector_store %arg9[%swap3A_498, %swap3A_499], %mul3A_497 {strides = array<i32>} : memref<256x32xf32, #tpu.memory_space<vmem>>, vector<16xf32>,
        %add3A_501 = arith.constant 5 : i32
        %add3A_502 = arith.addi %mul3A_400, %add3A_501 : i32
        %slice3A_503 = vector.extract_strided_slice %bitcast3A {offsets = [5], sizes = [1], strides = [1]} : vector<16xf32> to vector<1xf32>
        %squeeze3A_504 = vector.extract %slice3A_503[0] : f32 from vector<1xf32>
        %get3A_505 = arith.index_cast %add3A_502 : i32 to index
        %get3A_506 = arith.constant 0 : index
        %get3A_507 = tpu.vector_load %arg9[%get3A_505, %get3A_506] {strides = array<i32>} : memref<256x32xf32, #tpu.memory_space<vmem>>, vector<16xf32>,
        %mul3A_508 = vector.broadcast %squeeze3A_504 : f32 to vector<16xf32>
        %mul3A_509 = arith.mulf %get3A_507, %mul3A_508 : vector<16xf32>
        %swap3A_510 = arith.index_cast %add3A_502 : i32 to index
        %swap3A_511 = arith.constant 0 : index
        %swap3A_512 = tpu.vector_load %arg9[%swap3A_510, %swap3A_511] {strides = array<i32>} : memref<256x32xf32, #tpu.memory_space<vmem>>, vector<16xf32>,
        tpu.vector_store %arg9[%swap3A_510, %swap3A_511], %mul3A_509 {strides = array<i32>} : memref<256x32xf32, #tpu.memory_space<vmem>>, vector<16xf32>,
        %get3A_513 = arith.index_cast %add3A_502 : i32 to index
        %get3A_514 = arith.constant 16 : index
        %get3A_515 = tpu.vector_load %arg9[%get3A_513, %get3A_514] {strides = array<i32>} : memref<256x32xf32, #tpu.memory_space<vmem>>, vector<16xf32>,
        %mul3A_516 = vector.broadcast %squeeze3A_504 : f32 to vector<16xf32>
        %mul3A_517 = arith.mulf %get3A_515, %mul3A_516 : vector<16xf32>
        %swap3A_518 = arith.index_cast %add3A_502 : i32 to index
        %swap3A_519 = arith.constant 16 : index
        %swap3A_520 = tpu.vector_load %arg9[%swap3A_518, %swap3A_519] {strides = array<i32>} : memref<256x32xf32, #tpu.memory_space<vmem>>, vector<16xf32>,
        tpu.vector_store %arg9[%swap3A_518, %swap3A_519], %mul3A_517 {strides = array<i32>} : memref<256x32xf32, #tpu.memory_space<vmem>>, vector<16xf32>,
        %add3A_521 = arith.constant 6 : i32
        %add3A_522 = arith.addi %mul3A_400, %add3A_521 : i32
        %slice3A_523 = vector.extract_strided_slice %bitcast3A {offsets = [6], sizes = [1], strides = [1]} : vector<16xf32> to vector<1xf32>
        %squeeze3A_524 = vector.extract %slice3A_523[0] : f32 from vector<1xf32>
        %get3A_525 = arith.index_cast %add3A_522 : i32 to index
        %get3A_526 = arith.constant 0 : index
        %get3A_527 = tpu.vector_load %arg9[%get3A_525, %get3A_526] {strides = array<i32>} : memref<256x32xf32, #tpu.memory_space<vmem>>, vector<16xf32>,
        %mul3A_528 = vector.broadcast %squeeze3A_524 : f32 to vector<16xf32>
        %mul3A_529 = arith.mulf %get3A_527, %mul3A_528 : vector<16xf32>
        %swap3A_530 = arith.index_cast %add3A_522 : i32 to index
        %swap3A_531 = arith.constant 0 : index
        %swap3A_532 = tpu.vector_load %arg9[%swap3A_530, %swap3A_531] {strides = array<i32>} : memref<256x32xf32, #tpu.memory_space<vmem>>, vector<16xf32>,
        tpu.vector_store %arg9[%swap3A_530, %swap3A_531], %mul3A_529 {strides = array<i32>} : memref<256x32xf32, #tpu.memory_space<vmem>>, vector<16xf32>,
        %get3A_533 = arith.index_cast %add3A_522 : i32 to index
        %get3A_534 = arith.constant 16 : index
        %get3A_535 = tpu.vector_load %arg9[%get3A_533, %get3A_534] {strides = array<i32>} : memref<256x32xf32, #tpu.memory_space<vmem>>, vector<16xf32>,
        %mul3A_536 = vector.broadcast %squeeze3A_524 : f32 to vector<16xf32>
        %mul3A_537 = arith.mulf %get3A_535, %mul3A_536 : vector<16xf32>
        %swap3A_538 = arith.index_cast %add3A_522 : i32 to index
        %swap3A_539 = arith.constant 16 : index
        %swap3A_540 = tpu.vector_load %arg9[%swap3A_538, %swap3A_539] {strides = array<i32>} : memref<256x32xf32, #tpu.memory_space<vmem>>, vector<16xf32>,
        tpu.vector_store %arg9[%swap3A_538, %swap3A_539], %mul3A_537 {strides = array<i32>} : memref<256x32xf32, #tpu.memory_space<vmem>>, vector<16xf32>,
        %add3A_541 = arith.constant 7 : i32
        %add3A_542 = arith.addi %mul3A_400, %add3A_541 : i32
        %slice3A_543 = vector.extract_strided_slice %bitcast3A {offsets = [7], sizes = [1], strides = [1]} : vector<16xf32> to vector<1xf32>
        %squeeze3A_544 = vector.extract %slice3A_543[0] : f32 from vector<1xf32>
        %get3A_545 = arith.index_cast %add3A_542 : i32 to index
        %get3A_546 = arith.constant 0 : index
        %get3A_547 = tpu.vector_load %arg9[%get3A_545, %get3A_546] {strides = array<i32>} : memref<256x32xf32, #tpu.memory_space<vmem>>, vector<16xf32>,
        %mul3A_548 = vector.broadcast %squeeze3A_544 : f32 to vector<16xf32>
        %mul3A_549 = arith.mulf %get3A_547, %mul3A_548 : vector<16xf32>
        %swap3A_550 = arith.index_cast %add3A_542 : i32 to index
        %swap3A_551 = arith.constant 0 : index
        %swap3A_552 = tpu.vector_load %arg9[%swap3A_550, %swap3A_551] {strides = array<i32>} : memref<256x32xf32, #tpu.memory_space<vmem>>, vector<16xf32>,
        tpu.vector_store %arg9[%swap3A_550, %swap3A_551], %mul3A_549 {strides = array<i32>} : memref<256x32xf32, #tpu.memory_space<vmem>>, vector<16xf32>,
        %get3A_553 = arith.index_cast %add3A_542 : i32 to index
        %get3A_554 = arith.constant 16 : index
        %get3A_555 = tpu.vector_load %arg9[%get3A_553, %get3A_554] {strides = array<i32>} : memref<256x32xf32, #tpu.memory_space<vmem>>, vector<16xf32>,
        %mul3A_556 = vector.broadcast %squeeze3A_544 : f32 to vector<16xf32>
        %mul3A_557 = arith.mulf %get3A_555, %mul3A_556 : vector<16xf32>
        %swap3A_558 = arith.index_cast %add3A_542 : i32 to index
        %swap3A_559 = arith.constant 16 : index
        %swap3A_560 = tpu.vector_load %arg9[%swap3A_558, %swap3A_559] {strides = array<i32>} : memref<256x32xf32, #tpu.memory_space<vmem>>, vector<16xf32>,
        tpu.vector_store %arg9[%swap3A_558, %swap3A_559], %mul3A_557 {strides = array<i32>} : memref<256x32xf32, #tpu.memory_space<vmem>>, vector<16xf32>,
        %add3A_561 = arith.constant 8 : i32
        %add3A_562 = arith.addi %mul3A_400, %add3A_561 : i32
        %slice3A_563 = vector.extract_strided_slice %bitcast3A {offsets = [8], sizes = [1], strides = [1]} : vector<16xf32> to vector<1xf32>
        %squeeze3A_564 = vector.extract %slice3A_563[0] : f32 from vector<1xf32>
        %get3A_565 = arith.index_cast %add3A_562 : i32 to index
        %get3A_566 = arith.constant 0 : index
        %get3A_567 = tpu.vector_load %arg9[%get3A_565, %get3A_566] {strides = array<i32>} : memref<256x32xf32, #tpu.memory_space<vmem>>, vector<16xf32>,
        %mul3A_568 = vector.broadcast %squeeze3A_564 : f32 to vector<16xf32>
        %mul3A_569 = arith.mulf %get3A_567, %mul3A_568 : vector<16xf32>
        %swap3A_570 = arith.index_cast %add3A_562 : i32 to index
        %swap3A_571 = arith.constant 0 : index
        %swap3A_572 = tpu.vector_load %arg9[%swap3A_570, %swap3A_571] {strides = array<i32>} : memref<256x32xf32, #tpu.memory_space<vmem>>, vector<16xf32>,
        tpu.vector_store %arg9[%swap3A_570, %swap3A_571], %mul3A_569 {strides = array<i32>} : memref<256x32xf32, #tpu.memory_space<vmem>>, vector<16xf32>,
        %get3A_573 = arith.index_cast %add3A_562 : i32 to index
        %get3A_574 = arith.constant 16 : index
        %get3A_575 = tpu.vector_load %arg9[%get3A_573, %get3A_574] {strides = array<i32>} : memref<256x32xf32, #tpu.memory_space<vmem>>, vector<16xf32>,
        %mul3A_576 = vector.broadcast %squeeze3A_564 : f32 to vector<16xf32>
        %mul3A_577 = arith.mulf %get3A_575, %mul3A_576 : vector<16xf32>
        %swap3A_578 = arith.index_cast %add3A_562 : i32 to index
        %swap3A_579 = arith.constant 16 : index
        %swap3A_580 = tpu.vector_load %arg9[%swap3A_578, %swap3A_579] {strides = array<i32>} : memref<256x32xf32, #tpu.memory_space<vmem>>, vector<16xf32>,
        tpu.vector_store %arg9[%swap3A_578, %swap3A_579], %mul3A_577 {strides = array<i32>} : memref<256x32xf32, #tpu.memory_space<vmem>>, vector<16xf32>,
        %add3A_581 = arith.constant 9 : i32
        %add3A_582 = arith.addi %mul3A_400, %add3A_581 : i32
        %slice3A_583 = vector.extract_strided_slice %bitcast3A {offsets = [9], sizes = [1], strides = [1]} : vector<16xf32> to vector<1xf32>
        %squeeze3A_584 = vector.extract %slice3A_583[0] : f32 from vector<1xf32>
        %get3A_585 = arith.index_cast %add3A_582 : i32 to index
        %get3A_586 = arith.constant 0 : index
        %get3A_587 = tpu.vector_load %arg9[%get3A_585, %get3A_586] {strides = array<i32>} : memref<256x32xf32, #tpu.memory_space<vmem>>, vector<16xf32>,
        %mul3A_588 = vector.broadcast %squeeze3A_584 : f32 to vector<16xf32>
        %mul3A_589 = arith.mulf %get3A_587, %mul3A_588 : vector<16xf32>
        %swap3A_590 = arith.index_cast %add3A_582 : i32 to index
        %swap3A_591 = arith.constant 0 : index
        %swap3A_592 = tpu.vector_load %arg9[%swap3A_590, %swap3A_591] {strides = array<i32>} : memref<256x32xf32, #tpu.memory_space<vmem>>, vector<16xf32>,
        tpu.vector_store %arg9[%swap3A_590, %swap3A_591], %mul3A_589 {strides = array<i32>} : memref<256x32xf32, #tpu.memory_space<vmem>>, vector<16xf32>,
        %get3A_593 = arith.index_cast %add3A_582 : i32 to index
        %get3A_594 = arith.constant 16 : index
        %get3A_595 = tpu.vector_load %arg9[%get3A_593, %get3A_594] {strides = array<i32>} : memref<256x32xf32, #tpu.memory_space<vmem>>, vector<16xf32>,
        %mul3A_596 = vector.broadcast %squeeze3A_584 : f32 to vector<16xf32>
        %mul3A_597 = arith.mulf %get3A_595, %mul3A_596 : vector<16xf32>
        %swap3A_598 = arith.index_cast %add3A_582 : i32 to index
        %swap3A_599 = arith.constant 16 : index
        %swap3A_600 = tpu.vector_load %arg9[%swap3A_598, %swap3A_599] {strides = array<i32>} : memref<256x32xf32, #tpu.memory_space<vmem>>, vector<16xf32>,
        tpu.vector_store %arg9[%swap3A_598, %swap3A_599], %mul3A_597 {strides = array<i32>} : memref<256x32xf32, #tpu.memory_space<vmem>>, vector<16xf32>,
        %add3A_601 = arith.constant 10 : i32
        %add3A_602 = arith.addi %mul3A_400, %add3A_601 : i32
        %slice3A_603 = vector.extract_strided_slice %bitcast3A {offsets = [10], sizes = [1], strides = [1]} : vector<16xf32> to vector<1xf32>
        %squeeze3A_604 = vector.extract %slice3A_603[0] : f32 from vector<1xf32>
        %get3A_605 = arith.index_cast %add3A_602 : i32 to index
        %get3A_606 = arith.constant 0 : index
        %get3A_607 = tpu.vector_load %arg9[%get3A_605, %get3A_606] {strides = array<i32>} : memref<256x32xf32, #tpu.memory_space<vmem>>, vector<16xf32>,
        %mul3A_608 = vector.broadcast %squeeze3A_604 : f32 to vector<16xf32>
        %mul3A_609 = arith.mulf %get3A_607, %mul3A_608 : vector<16xf32>
        %swap3A_610 = arith.index_cast %add3A_602 : i32 to index
        %swap3A_611 = arith.constant 0 : index
        %swap3A_612 = tpu.vector_load %arg9[%swap3A_610, %swap3A_611] {strides = array<i32>} : memref<256x32xf32, #tpu.memory_space<vmem>>, vector<16xf32>,
        tpu.vector_store %arg9[%swap3A_610, %swap3A_611], %mul3A_609 {strides = array<i32>} : memref<256x32xf32, #tpu.memory_space<vmem>>, vector<16xf32>,
        %get3A_613 = arith.index_cast %add3A_602 : i32 to index
        %get3A_614 = arith.constant 16 : index
        %get3A_615 = tpu.vector_load %arg9[%get3A_613, %get3A_614] {strides = array<i32>} : memref<256x32xf32, #tpu.memory_space<vmem>>, vector<16xf32>,
        %mul3A_616 = vector.broadcast %squeeze3A_604 : f32 to vector<16xf32>
        %mul3A_617 = arith.mulf %get3A_615, %mul3A_616 : vector<16xf32>
        %swap3A_618 = arith.index_cast %add3A_602 : i32 to index
        %swap3A_619 = arith.constant 16 : index
        %swap3A_620 = tpu.vector_load %arg9[%swap3A_618, %swap3A_619] {strides = array<i32>} : memref<256x32xf32, #tpu.memory_space<vmem>>, vector<16xf32>,
        tpu.vector_store %arg9[%swap3A_618, %swap3A_619], %mul3A_617 {strides = array<i32>} : memref<256x32xf32, #tpu.memory_space<vmem>>, vector<16xf32>,
        %add3A_621 = arith.constant 11 : i32
        %add3A_622 = arith.addi %mul3A_400, %add3A_621 : i32
        %slice3A_623 = vector.extract_strided_slice %bitcast3A {offsets = [11], sizes = [1], strides = [1]} : vector<16xf32> to vector<1xf32>
        %squeeze3A_624 = vector.extract %slice3A_623[0] : f32 from vector<1xf32>
        %get3A_625 = arith.index_cast %add3A_622 : i32 to index
        %get3A_626 = arith.constant 0 : index
        %get3A_627 = tpu.vector_load %arg9[%get3A_625, %get3A_626] {strides = array<i32>} : memref<256x32xf32, #tpu.memory_space<vmem>>, vector<16xf32>,
        %mul3A_628 = vector.broadcast %squeeze3A_624 : f32 to vector<16xf32>
        %mul3A_629 = arith.mulf %get3A_627, %mul3A_628 : vector<16xf32>
        %swap3A_630 = arith.index_cast %add3A_622 : i32 to index
        %swap3A_631 = arith.constant 0 : index
        %swap3A_632 = tpu.vector_load %arg9[%swap3A_630, %swap3A_631] {strides = array<i32>} : memref<256x32xf32, #tpu.memory_space<vmem>>, vector<16xf32>,
        tpu.vector_store %arg9[%swap3A_630, %swap3A_631], %mul3A_629 {strides = array<i32>} : memref<256x32xf32, #tpu.memory_space<vmem>>, vector<16xf32>,
        %get3A_633 = arith.index_cast %add3A_622 : i32 to index
        %get3A_634 = arith.constant 16 : index
        %get3A_635 = tpu.vector_load %arg9[%get3A_633, %get3A_634] {strides = array<i32>} : memref<256x32xf32, #tpu.memory_space<vmem>>, vector<16xf32>,
        %mul3A_636 = vector.broadcast %squeeze3A_624 : f32 to vector<16xf32>
        %mul3A_637 = arith.mulf %get3A_635, %mul3A_636 : vector<16xf32>
        %swap3A_638 = arith.index_cast %add3A_622 : i32 to index
        %swap3A_639 = arith.constant 16 : index
        %swap3A_640 = tpu.vector_load %arg9[%swap3A_638, %swap3A_639] {strides = array<i32>} : memref<256x32xf32, #tpu.memory_space<vmem>>, vector<16xf32>,
        tpu.vector_store %arg9[%swap3A_638, %swap3A_639], %mul3A_637 {strides = array<i32>} : memref<256x32xf32, #tpu.memory_space<vmem>>, vector<16xf32>,
        %add3A_641 = arith.constant 12 : i32
        %add3A_642 = arith.addi %mul3A_400, %add3A_641 : i32
        %slice3A_643 = vector.extract_strided_slice %bitcast3A {offsets = [12], sizes = [1], strides = [1]} : vector<16xf32> to vector<1xf32>
        %squeeze3A_644 = vector.extract %slice3A_643[0] : f32 from vector<1xf32>
        %get3A_645 = arith.index_cast %add3A_642 : i32 to index
        %get3A_646 = arith.constant 0 : index
        %get3A_647 = tpu.vector_load %arg9[%get3A_645, %get3A_646] {strides = array<i32>} : memref<256x32xf32, #tpu.memory_space<vmem>>, vector<16xf32>,
        %mul3A_648 = vector.broadcast %squeeze3A_644 : f32 to vector<16xf32>
        %mul3A_649 = arith.mulf %get3A_647, %mul3A_648 : vector<16xf32>
        %swap3A_650 = arith.index_cast %add3A_642 : i32 to index
        %swap3A_651 = arith.constant 0 : index
        %swap3A_652 = tpu.vector_load %arg9[%swap3A_650, %swap3A_651] {strides = array<i32>} : memref<256x32xf32, #tpu.memory_space<vmem>>, vector<16xf32>,
        tpu.vector_store %arg9[%swap3A_650, %swap3A_651], %mul3A_649 {strides = array<i32>} : memref<256x32xf32, #tpu.memory_space<vmem>>, vector<16xf32>,
        %get3A_653 = arith.index_cast %add3A_642 : i32 to index
        %get3A_654 = arith.constant 16 : index
        %get3A_655 = tpu.vector_load %arg9[%get3A_653, %get3A_654] {strides = array<i32>} : memref<256x32xf32, #tpu.memory_space<vmem>>, vector<16xf32>,
        %mul3A_656 = vector.broadcast %squeeze3A_644 : f32 to vector<16xf32>
        %mul3A_657 = arith.mulf %get3A_655, %mul3A_656 : vector<16xf32>
        %swap3A_658 = arith.index_cast %add3A_642 : i32 to index
        %swap3A_659 = arith.constant 16 : index
        %swap3A_660 = tpu.vector_load %arg9[%swap3A_658, %swap3A_659] {strides = array<i32>} : memref<256x32xf32, #tpu.memory_space<vmem>>, vector<16xf32>,
        tpu.vector_store %arg9[%swap3A_658, %swap3A_659], %mul3A_657 {strides = array<i32>} : memref<256x32xf32, #tpu.memory_space<vmem>>, vector<16xf32>,
        %add3A_661 = arith.constant 13 : i32
        %add3A_662 = arith.addi %mul3A_400, %add3A_661 : i32
        %slice3A_663 = vector.extract_strided_slice %bitcast3A {offsets = [13], sizes = [1], strides = [1]} : vector<16xf32> to vector<1xf32>
        %squeeze3A_664 = vector.extract %slice3A_663[0] : f32 from vector<1xf32>
        %get3A_665 = arith.index_cast %add3A_662 : i32 to index
        %get3A_666 = arith.constant 0 : index
        %get3A_667 = tpu.vector_load %arg9[%get3A_665, %get3A_666] {strides = array<i32>} : memref<256x32xf32, #tpu.memory_space<vmem>>, vector<16xf32>,
        %mul3A_668 = vector.broadcast %squeeze3A_664 : f32 to vector<16xf32>
        %mul3A_669 = arith.mulf %get3A_667, %mul3A_668 : vector<16xf32>
        %swap3A_670 = arith.index_cast %add3A_662 : i32 to index
        %swap3A_671 = arith.constant 0 : index
        %swap3A_672 = tpu.vector_load %arg9[%swap3A_670, %swap3A_671] {strides = array<i32>} : memref<256x32xf32, #tpu.memory_space<vmem>>, vector<16xf32>,
        tpu.vector_store %arg9[%swap3A_670, %swap3A_671], %mul3A_669 {strides = array<i32>} : memref<256x32xf32, #tpu.memory_space<vmem>>, vector<16xf32>,
        %get3A_673 = arith.index_cast %add3A_662 : i32 to index
        %get3A_674 = arith.constant 16 : index
        %get3A_675 = tpu.vector_load %arg9[%get3A_673, %get3A_674] {strides = array<i32>} : memref<256x32xf32, #tpu.memory_space<vmem>>, vector<16xf32>,
        %mul3A_676 = vector.broadcast %squeeze3A_664 : f32 to vector<16xf32>
        %mul3A_677 = arith.mulf %get3A_675, %mul3A_676 : vector<16xf32>
        %swap3A_678 = arith.index_cast %add3A_662 : i32 to index
        %swap3A_679 = arith.constant 16 : index
        %swap3A_680 = tpu.vector_load %arg9[%swap3A_678, %swap3A_679] {strides = array<i32>} : memref<256x32xf32, #tpu.memory_space<vmem>>, vector<16xf32>,
        tpu.vector_store %arg9[%swap3A_678, %swap3A_679], %mul3A_677 {strides = array<i32>} : memref<256x32xf32, #tpu.memory_space<vmem>>, vector<16xf32>,
        %add3A_681 = arith.constant 14 : i32
        %add3A_682 = arith.addi %mul3A_400, %add3A_681 : i32
        %slice3A_683 = vector.extract_strided_slice %bitcast3A {offsets = [14], sizes = [1], strides = [1]} : vector<16xf32> to vector<1xf32>
        %squeeze3A_684 = vector.extract %slice3A_683[0] : f32 from vector<1xf32>
        %get3A_685 = arith.index_cast %add3A_682 : i32 to index
        %get3A_686 = arith.constant 0 : index
        %get3A_687 = tpu.vector_load %arg9[%get3A_685, %get3A_686] {strides = array<i32>} : memref<256x32xf32, #tpu.memory_space<vmem>>, vector<16xf32>,
        %mul3A_688 = vector.broadcast %squeeze3A_684 : f32 to vector<16xf32>
        %mul3A_689 = arith.mulf %get3A_687, %mul3A_688 : vector<16xf32>
        %swap3A_690 = arith.index_cast %add3A_682 : i32 to index
        %swap3A_691 = arith.constant 0 : index
        %swap3A_692 = tpu.vector_load %arg9[%swap3A_690, %swap3A_691] {strides = array<i32>} : memref<256x32xf32, #tpu.memory_space<vmem>>, vector<16xf32>,
        tpu.vector_store %arg9[%swap3A_690, %swap3A_691], %mul3A_689 {strides = array<i32>} : memref<256x32xf32, #tpu.memory_space<vmem>>, vector<16xf32>,
        %get3A_693 = arith.index_cast %add3A_682 : i32 to index
        %get3A_694 = arith.constant 16 : index
        %get3A_695 = tpu.vector_load %arg9[%get3A_693, %get3A_694] {strides = array<i32>} : memref<256x32xf32, #tpu.memory_space<vmem>>, vector<16xf32>,
        %mul3A_696 = vector.broadcast %squeeze3A_684 : f32 to vector<16xf32>
        %mul3A_697 = arith.mulf %get3A_695, %mul3A_696 : vector<16xf32>
        %swap3A_698 = arith.index_cast %add3A_682 : i32 to index
        %swap3A_699 = arith.constant 16 : index
        %swap3A_700 = tpu.vector_load %arg9[%swap3A_698, %swap3A_699] {strides = array<i32>} : memref<256x32xf32, #tpu.memory_space<vmem>>, vector<16xf32>,
        tpu.vector_store %arg9[%swap3A_698, %swap3A_699], %mul3A_697 {strides = array<i32>} : memref<256x32xf32, #tpu.memory_space<vmem>>, vector<16xf32>,
        %add3A_701 = arith.constant 15 : i32
        %add3A_702 = arith.addi %mul3A_400, %add3A_701 : i32
        %slice3A_703 = vector.extract_strided_slice %bitcast3A {offsets = [15], sizes = [1], strides = [1]} : vector<16xf32> to vector<1xf32>
        %squeeze3A_704 = vector.extract %slice3A_703[0] : f32 from vector<1xf32>
        %get3A_705 = arith.index_cast %add3A_702 : i32 to index
        %get3A_706 = arith.constant 0 : index
        %get3A_707 = tpu.vector_load %arg9[%get3A_705, %get3A_706] {strides = array<i32>} : memref<256x32xf32, #tpu.memory_space<vmem>>, vector<16xf32>,
        %mul3A_708 = vector.broadcast %squeeze3A_704 : f32 to vector<16xf32>
        %mul3A_709 = arith.mulf %get3A_707, %mul3A_708 : vector<16xf32>
        %swap3A_710 = arith.index_cast %add3A_702 : i32 to index
        %swap3A_711 = arith.constant 0 : index
        %swap3A_712 = tpu.vector_load %arg9[%swap3A_710, %swap3A_711] {strides = array<i32>} : memref<256x32xf32, #tpu.memory_space<vmem>>, vector<16xf32>,
        tpu.vector_store %arg9[%swap3A_710, %swap3A_711], %mul3A_709 {strides = array<i32>} : memref<256x32xf32, #tpu.memory_space<vmem>>, vector<16xf32>,
        %get3A_713 = arith.index_cast %add3A_702 : i32 to index
        %get3A_714 = arith.constant 16 : index
        %get3A_715 = tpu.vector_load %arg9[%get3A_713, %get3A_714] {strides = array<i32>} : memref<256x32xf32, #tpu.memory_space<vmem>>, vector<16xf32>,
        %mul3A_716 = vector.broadcast %squeeze3A_704 : f32 to vector<16xf32>
        %mul3A_717 = arith.mulf %get3A_715, %mul3A_716 : vector<16xf32>
        %swap3A_718 = arith.index_cast %add3A_702 : i32 to index
        %swap3A_719 = arith.constant 16 : index
        %swap3A_720 = tpu.vector_load %arg9[%swap3A_718, %swap3A_719] {strides = array<i32>} : memref<256x32xf32, #tpu.memory_space<vmem>>, vector<16xf32>,
        tpu.vector_store %arg9[%swap3A_718, %swap3A_719], %mul3A_717 {strides = array<i32>} : memref<256x32xf32, #tpu.memory_space<vmem>>, vector<16xf32>,
      }
      %scan3A_272 = arith.constant 16 : i32
      %dma_start3A_273 = arith.constant 2 : i32
      %dma_start3A_274 = arith.constant 0 : i32
      %dma_start3A_275 = tpu.memref_slice %arg12[%dma_start3A_273, %dma_start3A_274] : memref<3x256xi32, #tpu.memory_space<vmem>> -> memref<1x256xi32, #tpu.memory_space<vmem>>
      %dma_start3A_276 = tpu.memref_squeeze %dma_start3A_275 : memref<1x256xi32, #tpu.memory_space<vmem>> -> memref<256xi32, #tpu.memory_space<vmem>>
      %dma_start3A_277 = arith.constant 0 : i32
      %dma_start3A_278 = arith.constant 0 : i32
      %dma_start3A_279 = tpu.memref_slice %arg8[%dma_start3A_277, %dma_start3A_278] : memref<50048x32xf32, #tpu.memory_space<vmem_shared>> -> memref<50048x32xf32, #tpu.memory_space<vmem_shared>>
      tpu.enqueue_indirect_dma source(%arg9 : memref<256x32xf32, #tpu.memory_space<vmem>>) target(%dma_start3A_279 : memref<50048x32xf32, #tpu.memory_space<vmem_shared>>) offsets(%dma_start3A_276 : memref<256xi32, #tpu.memory_space<vmem>>) semaphore(%arg18 : memref<!tpu.dma_semaphore, #tpu.memory_space<semaphore_mem>>) {add = true}
      %mul3A_280 = arith.constant 3 : i32
      %mul3A_281 = arith.muli %mul3A_280, %scan3A_235 : i32
      %add3A_282 = arith.constant 1 : i32
      %add3A_283 = arith.addi %mul3A_281, %add3A_282 : i32
      %add3A_284 = arith.constant 2 : i32
      %add3A_285 = arith.addi %add3A_283, %add3A_284 : i32
      %min3A_286 = arith.constant 197 : i32
      %min3A_287 = arith.minsi %add3A_285, %min3A_286 : i32
      %dma_wait3A_288 = arith.constant 2 : i32
      %dma_wait3A_289 = arith.constant 0 : i32
      %dma_wait3A_290 = tpu.memref_slice %arg12[%dma_wait3A_288, %dma_wait3A_289] : memref<3x256xi32, #tpu.memory_space<vmem>> -> memref<1x256xi32, #tpu.memory_space<vmem>>
      %dma_wait3A_291 = tpu.memref_squeeze %dma_wait3A_290 : memref<1x256xi32, #tpu.memory_space<vmem>> -> memref<256xi32, #tpu.memory_space<vmem>>
      %dma_wait3A_292 = arith.constant 0 : i32
      %dma_wait3A_293 = arith.constant 0 : i32
      %dma_wait3A_294 = tpu.memref_slice %arg8[%dma_wait3A_292, %dma_wait3A_293] : memref<50048x32xf32, #tpu.memory_space<vmem_shared>> -> memref<50048x32xf32, #tpu.memory_space<vmem_shared>>
      tpu.wait_indirect_dma semaphore(%arg18 : memref<!tpu.dma_semaphore, #tpu.memory_space<semaphore_mem>>) src(%arg9 : memref<256x32xf32, #tpu.memory_space<vmem>>) dst(%dma_wait3A_294 : memref<50048x32xf32, #tpu.memory_space<vmem_shared>>)
      %add3A_295 = arith.addi %mul3A_2, %min3A_287 : i32
      %dma_start3A_296 = arith.constant 0 : i32
      %dma_start3A_297 = arith.constant 0 : i32
      %dma_start3A_298 = tpu.memref_slice %arg2[%arg0, %add3A_295, %dma_start3A_296, %dma_start3A_297] : memref<2x3168x3x256xi32, #tpu.memory_space<hbm>> -> memref<1x1x3x256xi32, #tpu.memory_space<hbm>>
      %dma_start3A_299 = tpu.memref_squeeze %dma_start3A_298 : memref<1x1x3x256xi32, #tpu.memory_space<hbm>> -> memref<3x256xi32, #tpu.memory_space<hbm>>
      %dma_start3A_300 = arith.constant 0 : i32
      %dma_start3A_301 = arith.constant 0 : i32
      %dma_start3A_302 = tpu.memref_slice %arg2[%arg0, %add3A_295, %dma_start3A_300, %dma_start3A_301] : memref<2x3168x3x256xi32, #tpu.memory_space<hbm>> -> memref<1x1x3x256xi32, #tpu.memory_space<hbm>>
      %dma_start3A_303 = tpu.memref_squeeze %dma_start3A_302 : memref<1x1x3x256xi32, #tpu.memory_space<hbm>> -> memref<3x256xi32, #tpu.memory_space<hbm>>
      tpu.enqueue_dma source(%dma_start3A_303 : memref<3x256xi32, #tpu.memory_space<hbm>>) target(%arg12 : memref<3x256xi32, #tpu.memory_space<vmem>>) target_semaphore(%arg21 : memref<!tpu.dma_semaphore, #tpu.memory_space<semaphore_mem>>)
      %dma_wait3A_304 = arith.constant 0 : i32
      %dma_wait3A_305 = arith.constant 0 : i32
      %dma_wait3A_306 = tpu.memref_slice %arg2[%arg0, %mul3A_2, %dma_wait3A_304, %dma_wait3A_305] : memref<2x3168x3x256xi32, #tpu.memory_space<hbm>> -> memref<1x1x3x256xi32, #tpu.memory_space<hbm>>
      %dma_wait3A_307 = tpu.memref_squeeze %dma_wait3A_306 : memref<1x1x3x256xi32, #tpu.memory_space<hbm>> -> memref<3x256xi32, #tpu.memory_space<hbm>>
      %dma_wait3A_308 = arith.constant 0 : i32
      %dma_wait3A_309 = arith.constant 0 : i32
      %dma_wait3A_310 = tpu.memref_slice %arg2[%arg0, %mul3A_2, %dma_wait3A_308, %dma_wait3A_309] : memref<2x3168x3x256xi32, #tpu.memory_space<hbm>> -> memref<1x1x3x256xi32, #tpu.memory_space<hbm>>
      %dma_wait3A_311 = tpu.memref_squeeze %dma_wait3A_310 : memref<1x1x3x256xi32, #tpu.memory_space<hbm>> -> memref<3x256xi32, #tpu.memory_space<hbm>>
      tpu.wait_dma2 semaphore(%arg23 : memref<!tpu.dma_semaphore, #tpu.memory_space<semaphore_mem>>) src(%dma_wait3A_311 : memref<3x256xi32, #tpu.memory_space<hbm>>) dst(%arg14 : memref<3x256xi32, #tpu.memory_space<vmem>>)
      %dma_start3A_312 = arith.constant 0 : i32
      %dma_start3A_313 = arith.constant 0 : i32
      %dma_start3A_314 = tpu.memref_slice %arg14[%dma_start3A_312, %dma_start3A_313] : memref<3x256xi32, #tpu.memory_space<vmem>> -> memref<1x256xi32, #tpu.memory_space<vmem>>
      %dma_start3A_315 = tpu.memref_squeeze %dma_start3A_314 : memref<1x256xi32, #tpu.memory_space<vmem>> -> memref<256xi32, #tpu.memory_space<vmem>>
      %dma_start3A_316 = arith.constant 0 : i32
      %dma_start3A_317 = arith.constant 0 : i32
      %dma_start3A_318 = tpu.memref_slice %arg6[%dma_start3A_316, %dma_start3A_317] : memref<100096x32xf32, #tpu.memory_space<hbm>> -> memref<100096x32xf32, #tpu.memory_space<hbm>>
      tpu.enqueue_indirect_dma source(%dma_start3A_318 : memref<100096x32xf32, #tpu.memory_space<hbm>>) target(%arg11 : memref<256x32xf32, #tpu.memory_space<vmem>>) offsets(%dma_start3A_315 : memref<256xi32, #tpu.memory_space<vmem>>) semaphore(%arg17 : memref<!tpu.dma_semaphore, #tpu.memory_space<semaphore_mem>>)
      %dma_wait3A_319 = arith.constant 0 : i32
      %dma_wait3A_320 = arith.constant 0 : i32
      %dma_wait3A_321 = tpu.memref_slice %arg13[%dma_wait3A_319, %dma_wait3A_320] : memref<3x256xi32, #tpu.memory_space<vmem>> -> memref<1x256xi32, #tpu.memory_space<vmem>>
      %dma_wait3A_322 = tpu.memref_squeeze %dma_wait3A_321 : memref<1x256xi32, #tpu.memory_space<vmem>> -> memref<256xi32, #tpu.memory_space<vmem>>
      %dma_wait3A_323 = arith.constant 0 : i32
      %dma_wait3A_324 = arith.constant 0 : i32
      %dma_wait3A_325 = tpu.memref_slice %arg6[%dma_wait3A_323, %dma_wait3A_324] : memref<100096x32xf32, #tpu.memory_space<hbm>> -> memref<100096x32xf32, #tpu.memory_space<hbm>>
      tpu.wait_indirect_dma semaphore(%arg16 : memref<!tpu.dma_semaphore, #tpu.memory_space<semaphore_mem>>) src(%dma_wait3A_325 : memref<100096x32xf32, #tpu.memory_space<hbm>>) dst(%arg10 : memref<256x32xf32, #tpu.memory_space<vmem>>)
      %scan3A_326 = arith.constant 0 : i32
      %scan3A_327 = arith.constant 0 : i32
      %scan3A_328 = arith.constant 16 : i32
      %scan3A_329 = arith.addi %scan3A_327, %scan3A_328 : i32
      %scan3A_330 = arith.constant 1 : i32
      scf.for %scan3A_398 = %scan3A_327 to %scan3A_329 step %scan3A_330  : i32 {
        %mul3A_399 = arith.constant 16 : i32
        %mul3A_400 = arith.muli %scan3A_398, %mul3A_399 : i32
        %get3A = arith.constant 1 : i32
        %get3A_401 = arith.index_cast %get3A : i32 to index
        %get3A_402 = arith.index_cast %mul3A_400 : i32 to index
        %get3A_403 = tpu.vector_load %arg13[%get3A_401, %get3A_402] {strides = array<i32>} : memref<3x256xi32, #tpu.memory_space<vmem>>, vector<16xi32>,
        %bitcast3A = vector.bitcast %get3A_403 : vector<16xi32> to vector<16xf32>
        %add3A_404 = arith.constant 0 : i32
        %add3A_405 = arith.addi %mul3A_400, %add3A_404 : i32
        %slice3A = vector.extract_strided_slice %bitcast3A {offsets = [0], sizes = [1], strides = [1]} : vector<16xf32> to vector<1xf32>
        %squeeze3A = vector.extract %slice3A[0] : f32 from vector<1xf32>
        %get3A_406 = arith.index_cast %add3A_405 : i32 to index
        %get3A_407 = arith.constant 0 : index
        %get3A_408 = tpu.vector_load %arg10[%get3A_406, %get3A_407] {strides = array<i32>} : memref<256x32xf32, #tpu.memory_space<vmem>>, vector<16xf32>,
        %mul3A_409 = vector.broadcast %squeeze3A : f32 to vector<16xf32>
        %mul3A_410 = arith.mulf %get3A_408, %mul3A_409 : vector<16xf32>
        %swap3A = arith.index_cast %add3A_405 : i32 to index
        %swap3A_411 = arith.constant 0 : index
        %swap3A_412 = tpu.vector_load %arg10[%swap3A, %swap3A_411] {strides = array<i32>} : memref<256x32xf32, #tpu.memory_space<vmem>>, vector<16xf32>,
        tpu.vector_store %arg10[%swap3A, %swap3A_411], %mul3A_410 {strides = array<i32>} : memref<256x32xf32, #tpu.memory_space<vmem>>, vector<16xf32>,
        %get3A_413 = arith.index_cast %add3A_405 : i32 to index
        %get3A_414 = arith.constant 16 : index
        %get3A_415 = tpu.vector_load %arg10[%get3A_413, %get3A_414] {strides = array<i32>} : memref<256x32xf32, #tpu.memory_space<vmem>>, vector<16xf32>,
        %mul3A_416 = vector.broadcast %squeeze3A : f32 to vector<16xf32>
        %mul3A_417 = arith.mulf %get3A_415, %mul3A_416 : vector<16xf32>
        %swap3A_418 = arith.index_cast %add3A_405 : i32 to index
        %swap3A_419 = arith.constant 16 : index
        %swap3A_420 = tpu.vector_load %arg10[%swap3A_418, %swap3A_419] {strides = array<i32>} : memref<256x32xf32, #tpu.memory_space<vmem>>, vector<16xf32>,
        tpu.vector_store %arg10[%swap3A_418, %swap3A_419], %mul3A_417 {strides = array<i32>} : memref<256x32xf32, #tpu.memory_space<vmem>>, vector<16xf32>,
        %add3A_421 = arith.constant 1 : i32
        %add3A_422 = arith.addi %mul3A_400, %add3A_421 : i32
        %slice3A_423 = vector.extract_strided_slice %bitcast3A {offsets = [1], sizes = [1], strides = [1]} : vector<16xf32> to vector<1xf32>
        %squeeze3A_424 = vector.extract %slice3A_423[0] : f32 from vector<1xf32>
        %get3A_425 = arith.index_cast %add3A_422 : i32 to index
        %get3A_426 = arith.constant 0 : index
        %get3A_427 = tpu.vector_load %arg10[%get3A_425, %get3A_426] {strides = array<i32>} : memref<256x32xf32, #tpu.memory_space<vmem>>, vector<16xf32>,
        %mul3A_428 = vector.broadcast %squeeze3A_424 : f32 to vector<16xf32>
        %mul3A_429 = arith.mulf %get3A_427, %mul3A_428 : vector<16xf32>
        %swap3A_430 = arith.index_cast %add3A_422 : i32 to index
        %swap3A_431 = arith.constant 0 : index
        %swap3A_432 = tpu.vector_load %arg10[%swap3A_430, %swap3A_431] {strides = array<i32>} : memref<256x32xf32, #tpu.memory_space<vmem>>, vector<16xf32>,
        tpu.vector_store %arg10[%swap3A_430, %swap3A_431], %mul3A_429 {strides = array<i32>} : memref<256x32xf32, #tpu.memory_space<vmem>>, vector<16xf32>,
        %get3A_433 = arith.index_cast %add3A_422 : i32 to index
        %get3A_434 = arith.constant 16 : index
        %get3A_435 = tpu.vector_load %arg10[%get3A_433, %get3A_434] {strides = array<i32>} : memref<256x32xf32, #tpu.memory_space<vmem>>, vector<16xf32>,
        %mul3A_436 = vector.broadcast %squeeze3A_424 : f32 to vector<16xf32>
        %mul3A_437 = arith.mulf %get3A_435, %mul3A_436 : vector<16xf32>
        %swap3A_438 = arith.index_cast %add3A_422 : i32 to index
        %swap3A_439 = arith.constant 16 : index
        %swap3A_440 = tpu.vector_load %arg10[%swap3A_438, %swap3A_439] {strides = array<i32>} : memref<256x32xf32, #tpu.memory_space<vmem>>, vector<16xf32>,
        tpu.vector_store %arg10[%swap3A_438, %swap3A_439], %mul3A_437 {strides = array<i32>} : memref<256x32xf32, #tpu.memory_space<vmem>>, vector<16xf32>,
        %add3A_441 = arith.constant 2 : i32
        %add3A_442 = arith.addi %mul3A_400, %add3A_441 : i32
        %slice3A_443 = vector.extract_strided_slice %bitcast3A {offsets = [2], sizes = [1], strides = [1]} : vector<16xf32> to vector<1xf32>
        %squeeze3A_444 = vector.extract %slice3A_443[0] : f32 from vector<1xf32>
        %get3A_445 = arith.index_cast %add3A_442 : i32 to index
        %get3A_446 = arith.constant 0 : index
        %get3A_447 = tpu.vector_load %arg10[%get3A_445, %get3A_446] {strides = array<i32>} : memref<256x32xf32, #tpu.memory_space<vmem>>, vector<16xf32>,
        %mul3A_448 = vector.broadcast %squeeze3A_444 : f32 to vector<16xf32>
        %mul3A_449 = arith.mulf %get3A_447, %mul3A_448 : vector<16xf32>
        %swap3A_450 = arith.index_cast %add3A_442 : i32 to index
        %swap3A_451 = arith.constant 0 : index
        %swap3A_452 = tpu.vector_load %arg10[%swap3A_450, %swap3A_451] {strides = array<i32>} : memref<256x32xf32, #tpu.memory_space<vmem>>, vector<16xf32>,
        tpu.vector_store %arg10[%swap3A_450, %swap3A_451], %mul3A_449 {strides = array<i32>} : memref<256x32xf32, #tpu.memory_space<vmem>>, vector<16xf32>,
        %get3A_453 = arith.index_cast %add3A_442 : i32 to index
        %get3A_454 = arith.constant 16 : index
        %get3A_455 = tpu.vector_load %arg10[%get3A_453, %get3A_454] {strides = array<i32>} : memref<256x32xf32, #tpu.memory_space<vmem>>, vector<16xf32>,
        %mul3A_456 = vector.broadcast %squeeze3A_444 : f32 to vector<16xf32>
        %mul3A_457 = arith.mulf %get3A_455, %mul3A_456 : vector<16xf32>
        %swap3A_458 = arith.index_cast %add3A_442 : i32 to index
        %swap3A_459 = arith.constant 16 : index
        %swap3A_460 = tpu.vector_load %arg10[%swap3A_458, %swap3A_459] {strides = array<i32>} : memref<256x32xf32, #tpu.memory_space<vmem>>, vector<16xf32>,
        tpu.vector_store %arg10[%swap3A_458, %swap3A_459], %mul3A_457 {strides = array<i32>} : memref<256x32xf32, #tpu.memory_space<vmem>>, vector<16xf32>,
        %add3A_461 = arith.constant 3 : i32
        %add3A_462 = arith.addi %mul3A_400, %add3A_461 : i32
        %slice3A_463 = vector.extract_strided_slice %bitcast3A {offsets = [3], sizes = [1], strides = [1]} : vector<16xf32> to vector<1xf32>
        %squeeze3A_464 = vector.extract %slice3A_463[0] : f32 from vector<1xf32>
        %get3A_465 = arith.index_cast %add3A_462 : i32 to index
        %get3A_466 = arith.constant 0 : index
        %get3A_467 = tpu.vector_load %arg10[%get3A_465, %get3A_466] {strides = array<i32>} : memref<256x32xf32, #tpu.memory_space<vmem>>, vector<16xf32>,
        %mul3A_468 = vector.broadcast %squeeze3A_464 : f32 to vector<16xf32>
        %mul3A_469 = arith.mulf %get3A_467, %mul3A_468 : vector<16xf32>
        %swap3A_470 = arith.index_cast %add3A_462 : i32 to index
        %swap3A_471 = arith.constant 0 : index
        %swap3A_472 = tpu.vector_load %arg10[%swap3A_470, %swap3A_471] {strides = array<i32>} : memref<256x32xf32, #tpu.memory_space<vmem>>, vector<16xf32>,
        tpu.vector_store %arg10[%swap3A_470, %swap3A_471], %mul3A_469 {strides = array<i32>} : memref<256x32xf32, #tpu.memory_space<vmem>>, vector<16xf32>,
        %get3A_473 = arith.index_cast %add3A_462 : i32 to index
        %get3A_474 = arith.constant 16 : index
        %get3A_475 = tpu.vector_load %arg10[%get3A_473, %get3A_474] {strides = array<i32>} : memref<256x32xf32, #tpu.memory_space<vmem>>, vector<16xf32>,
        %mul3A_476 = vector.broadcast %squeeze3A_464 : f32 to vector<16xf32>
        %mul3A_477 = arith.mulf %get3A_475, %mul3A_476 : vector<16xf32>
        %swap3A_478 = arith.index_cast %add3A_462 : i32 to index
        %swap3A_479 = arith.constant 16 : index
        %swap3A_480 = tpu.vector_load %arg10[%swap3A_478, %swap3A_479] {strides = array<i32>} : memref<256x32xf32, #tpu.memory_space<vmem>>, vector<16xf32>,
        tpu.vector_store %arg10[%swap3A_478, %swap3A_479], %mul3A_477 {strides = array<i32>} : memref<256x32xf32, #tpu.memory_space<vmem>>, vector<16xf32>,
        %add3A_481 = arith.constant 4 : i32
        %add3A_482 = arith.addi %mul3A_400, %add3A_481 : i32
        %slice3A_483 = vector.extract_strided_slice %bitcast3A {offsets = [4], sizes = [1], strides = [1]} : vector<16xf32> to vector<1xf32>
        %squeeze3A_484 = vector.extract %slice3A_483[0] : f32 from vector<1xf32>
        %get3A_485 = arith.index_cast %add3A_482 : i32 to index
        %get3A_486 = arith.constant 0 : index
        %get3A_487 = tpu.vector_load %arg10[%get3A_485, %get3A_486] {strides = array<i32>} : memref<256x32xf32, #tpu.memory_space<vmem>>, vector<16xf32>,
        %mul3A_488 = vector.broadcast %squeeze3A_484 : f32 to vector<16xf32>
        %mul3A_489 = arith.mulf %get3A_487, %mul3A_488 : vector<16xf32>
        %swap3A_490 = arith.index_cast %add3A_482 : i32 to index
        %swap3A_491 = arith.constant 0 : index
        %swap3A_492 = tpu.vector_load %arg10[%swap3A_490, %swap3A_491] {strides = array<i32>} : memref<256x32xf32, #tpu.memory_space<vmem>>, vector<16xf32>,
        tpu.vector_store %arg10[%swap3A_490, %swap3A_491], %mul3A_489 {strides = array<i32>} : memref<256x32xf32, #tpu.memory_space<vmem>>, vector<16xf32>,
        %get3A_493 = arith.index_cast %add3A_482 : i32 to index
        %get3A_494 = arith.constant 16 : index
        %get3A_495 = tpu.vector_load %arg10[%get3A_493, %get3A_494] {strides = array<i32>} : memref<256x32xf32, #tpu.memory_space<vmem>>, vector<16xf32>,
        %mul3A_496 = vector.broadcast %squeeze3A_484 : f32 to vector<16xf32>
        %mul3A_497 = arith.mulf %get3A_495, %mul3A_496 : vector<16xf32>
        %swap3A_498 = arith.index_cast %add3A_482 : i32 to index
        %swap3A_499 = arith.constant 16 : index
        %swap3A_500 = tpu.vector_load %arg10[%swap3A_498, %swap3A_499] {strides = array<i32>} : memref<256x32xf32, #tpu.memory_space<vmem>>, vector<16xf32>,
        tpu.vector_store %arg10[%swap3A_498, %swap3A_499], %mul3A_497 {strides = array<i32>} : memref<256x32xf32, #tpu.memory_space<vmem>>, vector<16xf32>,
        %add3A_501 = arith.constant 5 : i32
        %add3A_502 = arith.addi %mul3A_400, %add3A_501 : i32
        %slice3A_503 = vector.extract_strided_slice %bitcast3A {offsets = [5], sizes = [1], strides = [1]} : vector<16xf32> to vector<1xf32>
        %squeeze3A_504 = vector.extract %slice3A_503[0] : f32 from vector<1xf32>
        %get3A_505 = arith.index_cast %add3A_502 : i32 to index
        %get3A_506 = arith.constant 0 : index
        %get3A_507 = tpu.vector_load %arg10[%get3A_505, %get3A_506] {strides = array<i32>} : memref<256x32xf32, #tpu.memory_space<vmem>>, vector<16xf32>,
        %mul3A_508 = vector.broadcast %squeeze3A_504 : f32 to vector<16xf32>
        %mul3A_509 = arith.mulf %get3A_507, %mul3A_508 : vector<16xf32>
        %swap3A_510 = arith.index_cast %add3A_502 : i32 to index
        %swap3A_511 = arith.constant 0 : index
        %swap3A_512 = tpu.vector_load %arg10[%swap3A_510, %swap3A_511] {strides = array<i32>} : memref<256x32xf32, #tpu.memory_space<vmem>>, vector<16xf32>,
        tpu.vector_store %arg10[%swap3A_510, %swap3A_511], %mul3A_509 {strides = array<i32>} : memref<256x32xf32, #tpu.memory_space<vmem>>, vector<16xf32>,
        %get3A_513 = arith.index_cast %add3A_502 : i32 to index
        %get3A_514 = arith.constant 16 : index
        %get3A_515 = tpu.vector_load %arg10[%get3A_513, %get3A_514] {strides = array<i32>} : memref<256x32xf32, #tpu.memory_space<vmem>>, vector<16xf32>,
        %mul3A_516 = vector.broadcast %squeeze3A_504 : f32 to vector<16xf32>
        %mul3A_517 = arith.mulf %get3A_515, %mul3A_516 : vector<16xf32>
        %swap3A_518 = arith.index_cast %add3A_502 : i32 to index
        %swap3A_519 = arith.constant 16 : index
        %swap3A_520 = tpu.vector_load %arg10[%swap3A_518, %swap3A_519] {strides = array<i32>} : memref<256x32xf32, #tpu.memory_space<vmem>>, vector<16xf32>,
        tpu.vector_store %arg10[%swap3A_518, %swap3A_519], %mul3A_517 {strides = array<i32>} : memref<256x32xf32, #tpu.memory_space<vmem>>, vector<16xf32>,
        %add3A_521 = arith.constant 6 : i32
        %add3A_522 = arith.addi %mul3A_400, %add3A_521 : i32
        %slice3A_523 = vector.extract_strided_slice %bitcast3A {offsets = [6], sizes = [1], strides = [1]} : vector<16xf32> to vector<1xf32>
        %squeeze3A_524 = vector.extract %slice3A_523[0] : f32 from vector<1xf32>
        %get3A_525 = arith.index_cast %add3A_522 : i32 to index
        %get3A_526 = arith.constant 0 : index
        %get3A_527 = tpu.vector_load %arg10[%get3A_525, %get3A_526] {strides = array<i32>} : memref<256x32xf32, #tpu.memory_space<vmem>>, vector<16xf32>,
        %mul3A_528 = vector.broadcast %squeeze3A_524 : f32 to vector<16xf32>
        %mul3A_529 = arith.mulf %get3A_527, %mul3A_528 : vector<16xf32>
        %swap3A_530 = arith.index_cast %add3A_522 : i32 to index
        %swap3A_531 = arith.constant 0 : index
        %swap3A_532 = tpu.vector_load %arg10[%swap3A_530, %swap3A_531] {strides = array<i32>} : memref<256x32xf32, #tpu.memory_space<vmem>>, vector<16xf32>,
        tpu.vector_store %arg10[%swap3A_530, %swap3A_531], %mul3A_529 {strides = array<i32>} : memref<256x32xf32, #tpu.memory_space<vmem>>, vector<16xf32>,
        %get3A_533 = arith.index_cast %add3A_522 : i32 to index
        %get3A_534 = arith.constant 16 : index
        %get3A_535 = tpu.vector_load %arg10[%get3A_533, %get3A_534] {strides = array<i32>} : memref<256x32xf32, #tpu.memory_space<vmem>>, vector<16xf32>,
        %mul3A_536 = vector.broadcast %squeeze3A_524 : f32 to vector<16xf32>
        %mul3A_537 = arith.mulf %get3A_535, %mul3A_536 : vector<16xf32>
        %swap3A_538 = arith.index_cast %add3A_522 : i32 to index
        %swap3A_539 = arith.constant 16 : index
        %swap3A_540 = tpu.vector_load %arg10[%swap3A_538, %swap3A_539] {strides = array<i32>} : memref<256x32xf32, #tpu.memory_space<vmem>>, vector<16xf32>,
        tpu.vector_store %arg10[%swap3A_538, %swap3A_539], %mul3A_537 {strides = array<i32>} : memref<256x32xf32, #tpu.memory_space<vmem>>, vector<16xf32>,
        %add3A_541 = arith.constant 7 : i32
        %add3A_542 = arith.addi %mul3A_400, %add3A_541 : i32
        %slice3A_543 = vector.extract_strided_slice %bitcast3A {offsets = [7], sizes = [1], strides = [1]} : vector<16xf32> to vector<1xf32>
        %squeeze3A_544 = vector.extract %slice3A_543[0] : f32 from vector<1xf32>
        %get3A_545 = arith.index_cast %add3A_542 : i32 to index
        %get3A_546 = arith.constant 0 : index
        %get3A_547 = tpu.vector_load %arg10[%get3A_545, %get3A_546] {strides = array<i32>} : memref<256x32xf32, #tpu.memory_space<vmem>>, vector<16xf32>,
        %mul3A_548 = vector.broadcast %squeeze3A_544 : f32 to vector<16xf32>
        %mul3A_549 = arith.mulf %get3A_547, %mul3A_548 : vector<16xf32>
        %swap3A_550 = arith.index_cast %add3A_542 : i32 to index
        %swap3A_551 = arith.constant 0 : index
        %swap3A_552 = tpu.vector_load %arg10[%swap3A_550, %swap3A_551] {strides = array<i32>} : memref<256x32xf32, #tpu.memory_space<vmem>>, vector<16xf32>,
        tpu.vector_store %arg10[%swap3A_550, %swap3A_551], %mul3A_549 {strides = array<i32>} : memref<256x32xf32, #tpu.memory_space<vmem>>, vector<16xf32>,
        %get3A_553 = arith.index_cast %add3A_542 : i32 to index
        %get3A_554 = arith.constant 16 : index
        %get3A_555 = tpu.vector_load %arg10[%get3A_553, %get3A_554] {strides = array<i32>} : memref<256x32xf32, #tpu.memory_space<vmem>>, vector<16xf32>,
        %mul3A_556 = vector.broadcast %squeeze3A_544 : f32 to vector<16xf32>
        %mul3A_557 = arith.mulf %get3A_555, %mul3A_556 : vector<16xf32>
        %swap3A_558 = arith.index_cast %add3A_542 : i32 to index
        %swap3A_559 = arith.constant 16 : index
        %swap3A_560 = tpu.vector_load %arg10[%swap3A_558, %swap3A_559] {strides = array<i32>} : memref<256x32xf32, #tpu.memory_space<vmem>>, vector<16xf32>,
        tpu.vector_store %arg10[%swap3A_558, %swap3A_559], %mul3A_557 {strides = array<i32>} : memref<256x32xf32, #tpu.memory_space<vmem>>, vector<16xf32>,
        %add3A_561 = arith.constant 8 : i32
        %add3A_562 = arith.addi %mul3A_400, %add3A_561 : i32
        %slice3A_563 = vector.extract_strided_slice %bitcast3A {offsets = [8], sizes = [1], strides = [1]} : vector<16xf32> to vector<1xf32>
        %squeeze3A_564 = vector.extract %slice3A_563[0] : f32 from vector<1xf32>
        %get3A_565 = arith.index_cast %add3A_562 : i32 to index
        %get3A_566 = arith.constant 0 : index
        %get3A_567 = tpu.vector_load %arg10[%get3A_565, %get3A_566] {strides = array<i32>} : memref<256x32xf32, #tpu.memory_space<vmem>>, vector<16xf32>,
        %mul3A_568 = vector.broadcast %squeeze3A_564 : f32 to vector<16xf32>
        %mul3A_569 = arith.mulf %get3A_567, %mul3A_568 : vector<16xf32>
        %swap3A_570 = arith.index_cast %add3A_562 : i32 to index
        %swap3A_571 = arith.constant 0 : index
        %swap3A_572 = tpu.vector_load %arg10[%swap3A_570, %swap3A_571] {strides = array<i32>} : memref<256x32xf32, #tpu.memory_space<vmem>>, vector<16xf32>,
        tpu.vector_store %arg10[%swap3A_570, %swap3A_571], %mul3A_569 {strides = array<i32>} : memref<256x32xf32, #tpu.memory_space<vmem>>, vector<16xf32>,
        %get3A_573 = arith.index_cast %add3A_562 : i32 to index
        %get3A_574 = arith.constant 16 : index
        %get3A_575 = tpu.vector_load %arg10[%get3A_573, %get3A_574] {strides = array<i32>} : memref<256x32xf32, #tpu.memory_space<vmem>>, vector<16xf32>,
        %mul3A_576 = vector.broadcast %squeeze3A_564 : f32 to vector<16xf32>
        %mul3A_577 = arith.mulf %get3A_575, %mul3A_576 : vector<16xf32>
        %swap3A_578 = arith.index_cast %add3A_562 : i32 to index
        %swap3A_579 = arith.constant 16 : index
        %swap3A_580 = tpu.vector_load %arg10[%swap3A_578, %swap3A_579] {strides = array<i32>} : memref<256x32xf32, #tpu.memory_space<vmem>>, vector<16xf32>,
        tpu.vector_store %arg10[%swap3A_578, %swap3A_579], %mul3A_577 {strides = array<i32>} : memref<256x32xf32, #tpu.memory_space<vmem>>, vector<16xf32>,
        %add3A_581 = arith.constant 9 : i32
        %add3A_582 = arith.addi %mul3A_400, %add3A_581 : i32
        %slice3A_583 = vector.extract_strided_slice %bitcast3A {offsets = [9], sizes = [1], strides = [1]} : vector<16xf32> to vector<1xf32>
        %squeeze3A_584 = vector.extract %slice3A_583[0] : f32 from vector<1xf32>
        %get3A_585 = arith.index_cast %add3A_582 : i32 to index
        %get3A_586 = arith.constant 0 : index
        %get3A_587 = tpu.vector_load %arg10[%get3A_585, %get3A_586] {strides = array<i32>} : memref<256x32xf32, #tpu.memory_space<vmem>>, vector<16xf32>,
        %mul3A_588 = vector.broadcast %squeeze3A_584 : f32 to vector<16xf32>
        %mul3A_589 = arith.mulf %get3A_587, %mul3A_588 : vector<16xf32>
        %swap3A_590 = arith.index_cast %add3A_582 : i32 to index
        %swap3A_591 = arith.constant 0 : index
        %swap3A_592 = tpu.vector_load %arg10[%swap3A_590, %swap3A_591] {strides = array<i32>} : memref<256x32xf32, #tpu.memory_space<vmem>>, vector<16xf32>,
        tpu.vector_store %arg10[%swap3A_590, %swap3A_591], %mul3A_589 {strides = array<i32>} : memref<256x32xf32, #tpu.memory_space<vmem>>, vector<16xf32>,
        %get3A_593 = arith.index_cast %add3A_582 : i32 to index
        %get3A_594 = arith.constant 16 : index
        %get3A_595 = tpu.vector_load %arg10[%get3A_593, %get3A_594] {strides = array<i32>} : memref<256x32xf32, #tpu.memory_space<vmem>>, vector<16xf32>,
        %mul3A_596 = vector.broadcast %squeeze3A_584 : f32 to vector<16xf32>
        %mul3A_597 = arith.mulf %get3A_595, %mul3A_596 : vector<16xf32>
        %swap3A_598 = arith.index_cast %add3A_582 : i32 to index
        %swap3A_599 = arith.constant 16 : index
        %swap3A_600 = tpu.vector_load %arg10[%swap3A_598, %swap3A_599] {strides = array<i32>} : memref<256x32xf32, #tpu.memory_space<vmem>>, vector<16xf32>,
        tpu.vector_store %arg10[%swap3A_598, %swap3A_599], %mul3A_597 {strides = array<i32>} : memref<256x32xf32, #tpu.memory_space<vmem>>, vector<16xf32>,
        %add3A_601 = arith.constant 10 : i32
        %add3A_602 = arith.addi %mul3A_400, %add3A_601 : i32
        %slice3A_603 = vector.extract_strided_slice %bitcast3A {offsets = [10], sizes = [1], strides = [1]} : vector<16xf32> to vector<1xf32>
        %squeeze3A_604 = vector.extract %slice3A_603[0] : f32 from vector<1xf32>
        %get3A_605 = arith.index_cast %add3A_602 : i32 to index
        %get3A_606 = arith.constant 0 : index
        %get3A_607 = tpu.vector_load %arg10[%get3A_605, %get3A_606] {strides = array<i32>} : memref<256x32xf32, #tpu.memory_space<vmem>>, vector<16xf32>,
        %mul3A_608 = vector.broadcast %squeeze3A_604 : f32 to vector<16xf32>
        %mul3A_609 = arith.mulf %get3A_607, %mul3A_608 : vector<16xf32>
        %swap3A_610 = arith.index_cast %add3A_602 : i32 to index
        %swap3A_611 = arith.constant 0 : index
        %swap3A_612 = tpu.vector_load %arg10[%swap3A_610, %swap3A_611] {strides = array<i32>} : memref<256x32xf32, #tpu.memory_space<vmem>>, vector<16xf32>,
        tpu.vector_store %arg10[%swap3A_610, %swap3A_611], %mul3A_609 {strides = array<i32>} : memref<256x32xf32, #tpu.memory_space<vmem>>, vector<16xf32>,
        %get3A_613 = arith.index_cast %add3A_602 : i32 to index
        %get3A_614 = arith.constant 16 : index
        %get3A_615 = tpu.vector_load %arg10[%get3A_613, %get3A_614] {strides = array<i32>} : memref<256x32xf32, #tpu.memory_space<vmem>>, vector<16xf32>,
        %mul3A_616 = vector.broadcast %squeeze3A_604 : f32 to vector<16xf32>
        %mul3A_617 = arith.mulf %get3A_615, %mul3A_616 : vector<16xf32>
        %swap3A_618 = arith.index_cast %add3A_602 : i32 to index
        %swap3A_619 = arith.constant 16 : index
        %swap3A_620 = tpu.vector_load %arg10[%swap3A_618, %swap3A_619] {strides = array<i32>} : memref<256x32xf32, #tpu.memory_space<vmem>>, vector<16xf32>,
        tpu.vector_store %arg10[%swap3A_618, %swap3A_619], %mul3A_617 {strides = array<i32>} : memref<256x32xf32, #tpu.memory_space<vmem>>, vector<16xf32>,
        %add3A_621 = arith.constant 11 : i32
        %add3A_622 = arith.addi %mul3A_400, %add3A_621 : i32
        %slice3A_623 = vector.extract_strided_slice %bitcast3A {offsets = [11], sizes = [1], strides = [1]} : vector<16xf32> to vector<1xf32>
        %squeeze3A_624 = vector.extract %slice3A_623[0] : f32 from vector<1xf32>
        %get3A_625 = arith.index_cast %add3A_622 : i32 to index
        %get3A_626 = arith.constant 0 : index
        %get3A_627 = tpu.vector_load %arg10[%get3A_625, %get3A_626] {strides = array<i32>} : memref<256x32xf32, #tpu.memory_space<vmem>>, vector<16xf32>,
        %mul3A_628 = vector.broadcast %squeeze3A_624 : f32 to vector<16xf32>
        %mul3A_629 = arith.mulf %get3A_627, %mul3A_628 : vector<16xf32>
        %swap3A_630 = arith.index_cast %add3A_622 : i32 to index
        %swap3A_631 = arith.constant 0 : index
        %swap3A_632 = tpu.vector_load %arg10[%swap3A_630, %swap3A_631] {strides = array<i32>} : memref<256x32xf32, #tpu.memory_space<vmem>>, vector<16xf32>,
        tpu.vector_store %arg10[%swap3A_630, %swap3A_631], %mul3A_629 {strides = array<i32>} : memref<256x32xf32, #tpu.memory_space<vmem>>, vector<16xf32>,
        %get3A_633 = arith.index_cast %add3A_622 : i32 to index
        %get3A_634 = arith.constant 16 : index
        %get3A_635 = tpu.vector_load %arg10[%get3A_633, %get3A_634] {strides = array<i32>} : memref<256x32xf32, #tpu.memory_space<vmem>>, vector<16xf32>,
        %mul3A_636 = vector.broadcast %squeeze3A_624 : f32 to vector<16xf32>
        %mul3A_637 = arith.mulf %get3A_635, %mul3A_636 : vector<16xf32>
        %swap3A_638 = arith.index_cast %add3A_622 : i32 to index
        %swap3A_639 = arith.constant 16 : index
        %swap3A_640 = tpu.vector_load %arg10[%swap3A_638, %swap3A_639] {strides = array<i32>} : memref<256x32xf32, #tpu.memory_space<vmem>>, vector<16xf32>,
        tpu.vector_store %arg10[%swap3A_638, %swap3A_639], %mul3A_637 {strides = array<i32>} : memref<256x32xf32, #tpu.memory_space<vmem>>, vector<16xf32>,
        %add3A_641 = arith.constant 12 : i32
        %add3A_642 = arith.addi %mul3A_400, %add3A_641 : i32
        %slice3A_643 = vector.extract_strided_slice %bitcast3A {offsets = [12], sizes = [1], strides = [1]} : vector<16xf32> to vector<1xf32>
        %squeeze3A_644 = vector.extract %slice3A_643[0] : f32 from vector<1xf32>
        %get3A_645 = arith.index_cast %add3A_642 : i32 to index
        %get3A_646 = arith.constant 0 : index
        %get3A_647 = tpu.vector_load %arg10[%get3A_645, %get3A_646] {strides = array<i32>} : memref<256x32xf32, #tpu.memory_space<vmem>>, vector<16xf32>,
        %mul3A_648 = vector.broadcast %squeeze3A_644 : f32 to vector<16xf32>
        %mul3A_649 = arith.mulf %get3A_647, %mul3A_648 : vector<16xf32>
        %swap3A_650 = arith.index_cast %add3A_642 : i32 to index
        %swap3A_651 = arith.constant 0 : index
        %swap3A_652 = tpu.vector_load %arg10[%swap3A_650, %swap3A_651] {strides = array<i32>} : memref<256x32xf32, #tpu.memory_space<vmem>>, vector<16xf32>,
        tpu.vector_store %arg10[%swap3A_650, %swap3A_651], %mul3A_649 {strides = array<i32>} : memref<256x32xf32, #tpu.memory_space<vmem>>, vector<16xf32>,
        %get3A_653 = arith.index_cast %add3A_642 : i32 to index
        %get3A_654 = arith.constant 16 : index
        %get3A_655 = tpu.vector_load %arg10[%get3A_653, %get3A_654] {strides = array<i32>} : memref<256x32xf32, #tpu.memory_space<vmem>>, vector<16xf32>,
        %mul3A_656 = vector.broadcast %squeeze3A_644 : f32 to vector<16xf32>
        %mul3A_657 = arith.mulf %get3A_655, %mul3A_656 : vector<16xf32>
        %swap3A_658 = arith.index_cast %add3A_642 : i32 to index
        %swap3A_659 = arith.constant 16 : index
        %swap3A_660 = tpu.vector_load %arg10[%swap3A_658, %swap3A_659] {strides = array<i32>} : memref<256x32xf32, #tpu.memory_space<vmem>>, vector<16xf32>,
        tpu.vector_store %arg10[%swap3A_658, %swap3A_659], %mul3A_657 {strides = array<i32>} : memref<256x32xf32, #tpu.memory_space<vmem>>, vector<16xf32>,
        %add3A_661 = arith.constant 13 : i32
        %add3A_662 = arith.addi %mul3A_400, %add3A_661 : i32
        %slice3A_663 = vector.extract_strided_slice %bitcast3A {offsets = [13], sizes = [1], strides = [1]} : vector<16xf32> to vector<1xf32>
        %squeeze3A_664 = vector.extract %slice3A_663[0] : f32 from vector<1xf32>
        %get3A_665 = arith.index_cast %add3A_662 : i32 to index
        %get3A_666 = arith.constant 0 : index
        %get3A_667 = tpu.vector_load %arg10[%get3A_665, %get3A_666] {strides = array<i32>} : memref<256x32xf32, #tpu.memory_space<vmem>>, vector<16xf32>,
        %mul3A_668 = vector.broadcast %squeeze3A_664 : f32 to vector<16xf32>
        %mul3A_669 = arith.mulf %get3A_667, %mul3A_668 : vector<16xf32>
        %swap3A_670 = arith.index_cast %add3A_662 : i32 to index
        %swap3A_671 = arith.constant 0 : index
        %swap3A_672 = tpu.vector_load %arg10[%swap3A_670, %swap3A_671] {strides = array<i32>} : memref<256x32xf32, #tpu.memory_space<vmem>>, vector<16xf32>,
        tpu.vector_store %arg10[%swap3A_670, %swap3A_671], %mul3A_669 {strides = array<i32>} : memref<256x32xf32, #tpu.memory_space<vmem>>, vector<16xf32>,
        %get3A_673 = arith.index_cast %add3A_662 : i32 to index
        %get3A_674 = arith.constant 16 : index
        %get3A_675 = tpu.vector_load %arg10[%get3A_673, %get3A_674] {strides = array<i32>} : memref<256x32xf32, #tpu.memory_space<vmem>>, vector<16xf32>,
        %mul3A_676 = vector.broadcast %squeeze3A_664 : f32 to vector<16xf32>
        %mul3A_677 = arith.mulf %get3A_675, %mul3A_676 : vector<16xf32>
        %swap3A_678 = arith.index_cast %add3A_662 : i32 to index
        %swap3A_679 = arith.constant 16 : index
        %swap3A_680 = tpu.vector_load %arg10[%swap3A_678, %swap3A_679] {strides = array<i32>} : memref<256x32xf32, #tpu.memory_space<vmem>>, vector<16xf32>,
        tpu.vector_store %arg10[%swap3A_678, %swap3A_679], %mul3A_677 {strides = array<i32>} : memref<256x32xf32, #tpu.memory_space<vmem>>, vector<16xf32>,
        %add3A_681 = arith.constant 14 : i32
        %add3A_682 = arith.addi %mul3A_400, %add3A_681 : i32
        %slice3A_683 = vector.extract_strided_slice %bitcast3A {offsets = [14], sizes = [1], strides = [1]} : vector<16xf32> to vector<1xf32>
        %squeeze3A_684 = vector.extract %slice3A_683[0] : f32 from vector<1xf32>
        %get3A_685 = arith.index_cast %add3A_682 : i32 to index
        %get3A_686 = arith.constant 0 : index
        %get3A_687 = tpu.vector_load %arg10[%get3A_685, %get3A_686] {strides = array<i32>} : memref<256x32xf32, #tpu.memory_space<vmem>>, vector<16xf32>,
        %mul3A_688 = vector.broadcast %squeeze3A_684 : f32 to vector<16xf32>
        %mul3A_689 = arith.mulf %get3A_687, %mul3A_688 : vector<16xf32>
        %swap3A_690 = arith.index_cast %add3A_682 : i32 to index
        %swap3A_691 = arith.constant 0 : index
        %swap3A_692 = tpu.vector_load %arg10[%swap3A_690, %swap3A_691] {strides = array<i32>} : memref<256x32xf32, #tpu.memory_space<vmem>>, vector<16xf32>,
        tpu.vector_store %arg10[%swap3A_690, %swap3A_691], %mul3A_689 {strides = array<i32>} : memref<256x32xf32, #tpu.memory_space<vmem>>, vector<16xf32>,
        %get3A_693 = arith.index_cast %add3A_682 : i32 to index
        %get3A_694 = arith.constant 16 : index
        %get3A_695 = tpu.vector_load %arg10[%get3A_693, %get3A_694] {strides = array<i32>} : memref<256x32xf32, #tpu.memory_space<vmem>>, vector<16xf32>,
        %mul3A_696 = vector.broadcast %squeeze3A_684 : f32 to vector<16xf32>
        %mul3A_697 = arith.mulf %get3A_695, %mul3A_696 : vector<16xf32>
        %swap3A_698 = arith.index_cast %add3A_682 : i32 to index
        %swap3A_699 = arith.constant 16 : index
        %swap3A_700 = tpu.vector_load %arg10[%swap3A_698, %swap3A_699] {strides = array<i32>} : memref<256x32xf32, #tpu.memory_space<vmem>>, vector<16xf32>,
        tpu.vector_store %arg10[%swap3A_698, %swap3A_699], %mul3A_697 {strides = array<i32>} : memref<256x32xf32, #tpu.memory_space<vmem>>, vector<16xf32>,
        %add3A_701 = arith.constant 15 : i32
        %add3A_702 = arith.addi %mul3A_400, %add3A_701 : i32
        %slice3A_703 = vector.extract_strided_slice %bitcast3A {offsets = [15], sizes = [1], strides = [1]} : vector<16xf32> to vector<1xf32>
        %squeeze3A_704 = vector.extract %slice3A_703[0] : f32 from vector<1xf32>
        %get3A_705 = arith.index_cast %add3A_702 : i32 to index
        %get3A_706 = arith.constant 0 : index
        %get3A_707 = tpu.vector_load %arg10[%get3A_705, %get3A_706] {strides = array<i32>} : memref<256x32xf32, #tpu.memory_space<vmem>>, vector<16xf32>,
        %mul3A_708 = vector.broadcast %squeeze3A_704 : f32 to vector<16xf32>
        %mul3A_709 = arith.mulf %get3A_707, %mul3A_708 : vector<16xf32>
        %swap3A_710 = arith.index_cast %add3A_702 : i32 to index
        %swap3A_711 = arith.constant 0 : index
        %swap3A_712 = tpu.vector_load %arg10[%swap3A_710, %swap3A_711] {strides = array<i32>} : memref<256x32xf32, #tpu.memory_space<vmem>>, vector<16xf32>,
        tpu.vector_store %arg10[%swap3A_710, %swap3A_711], %mul3A_709 {strides = array<i32>} : memref<256x32xf32, #tpu.memory_space<vmem>>, vector<16xf32>,
        %get3A_713 = arith.index_cast %add3A_702 : i32 to index
        %get3A_714 = arith.constant 16 : index
        %get3A_715 = tpu.vector_load %arg10[%get3A_713, %get3A_714] {strides = array<i32>} : memref<256x32xf32, #tpu.memory_space<vmem>>, vector<16xf32>,
        %mul3A_716 = vector.broadcast %squeeze3A_704 : f32 to vector<16xf32>
        %mul3A_717 = arith.mulf %get3A_715, %mul3A_716 : vector<16xf32>
        %swap3A_718 = arith.index_cast %add3A_702 : i32 to index
        %swap3A_719 = arith.constant 16 : index
        %swap3A_720 = tpu.vector_load %arg10[%swap3A_718, %swap3A_719] {strides = array<i32>} : memref<256x32xf32, #tpu.memory_space<vmem>>, vector<16xf32>,
        tpu.vector_store %arg10[%swap3A_718, %swap3A_719], %mul3A_717 {strides = array<i32>} : memref<256x32xf32, #tpu.memory_space<vmem>>, vector<16xf32>,
      }
      %scan3A_331 = arith.constant 16 : i32
      %dma_start3A_332 = arith.constant 2 : i32
      %dma_start3A_333 = arith.constant 0 : i32
      %dma_start3A_334 = tpu.memref_slice %arg13[%dma_start3A_332, %dma_start3A_333] : memref<3x256xi32, #tpu.memory_space<vmem>> -> memref<1x256xi32, #tpu.memory_space<vmem>>
      %dma_start3A_335 = tpu.memref_squeeze %dma_start3A_334 : memref<1x256xi32, #tpu.memory_space<vmem>> -> memref<256xi32, #tpu.memory_space<vmem>>
      %dma_start3A_336 = arith.constant 0 : i32
      %dma_start3A_337 = arith.constant 0 : i32
      %dma_start3A_338 = tpu.memref_slice %arg8[%dma_start3A_336, %dma_start3A_337] : memref<50048x32xf32, #tpu.memory_space<vmem_shared>> -> memref<50048x32xf32, #tpu.memory_space<vmem_shared>>
      tpu.enqueue_indirect_dma source(%arg10 : memref<256x32xf32, #tpu.memory_space<vmem>>) target(%dma_start3A_338 : memref<50048x32xf32, #tpu.memory_space<vmem_shared>>) offsets(%dma_start3A_335 : memref<256xi32, #tpu.memory_space<vmem>>) semaphore(%arg19 : memref<!tpu.dma_semaphore, #tpu.memory_space<semaphore_mem>>) {add = true}
      %mul3A_339 = arith.constant 3 : i32
      %mul3A_340 = arith.muli %mul3A_339, %scan3A_235 : i32
      %add3A_341 = arith.constant 2 : i32
      %add3A_342 = arith.addi %mul3A_340, %add3A_341 : i32
      %add3A_343 = arith.constant 2 : i32
      %add3A_344 = arith.addi %add3A_342, %add3A_343 : i32
      %min3A_345 = arith.constant 197 : i32
      %min3A_346 = arith.minsi %add3A_344, %min3A_345 : i32
      %dma_wait3A_347 = arith.constant 2 : i32
      %dma_wait3A_348 = arith.constant 0 : i32
      %dma_wait3A_349 = tpu.memref_slice %arg13[%dma_wait3A_347, %dma_wait3A_348] : memref<3x256xi32, #tpu.memory_space<vmem>> -> memref<1x256xi32, #tpu.memory_space<vmem>>
      %dma_wait3A_350 = tpu.memref_squeeze %dma_wait3A_349 : memref<1x256xi32, #tpu.memory_space<vmem>> -> memref<256xi32, #tpu.memory_space<vmem>>
      %dma_wait3A_351 = arith.constant 0 : i32
      %dma_wait3A_352 = arith.constant 0 : i32
      %dma_wait3A_353 = tpu.memref_slice %arg8[%dma_wait3A_351, %dma_wait3A_352] : memref<50048x32xf32, #tpu.memory_space<vmem_shared>> -> memref<50048x32xf32, #tpu.memory_space<vmem_shared>>
      tpu.wait_indirect_dma semaphore(%arg19 : memref<!tpu.dma_semaphore, #tpu.memory_space<semaphore_mem>>) src(%arg10 : memref<256x32xf32, #tpu.memory_space<vmem>>) dst(%dma_wait3A_353 : memref<50048x32xf32, #tpu.memory_space<vmem_shared>>)
      %add3A_354 = arith.addi %mul3A_2, %min3A_346 : i32
      %dma_start3A_355 = arith.constant 0 : i32
      %dma_start3A_356 = arith.constant 0 : i32
      %dma_start3A_357 = tpu.memref_slice %arg2[%arg0, %add3A_354, %dma_start3A_355, %dma_start3A_356] : memref<2x3168x3x256xi32, #tpu.memory_space<hbm>> -> memref<1x1x3x256xi32, #tpu.memory_space<hbm>>
      %dma_start3A_358 = tpu.memref_squeeze %dma_start3A_357 : memref<1x1x3x256xi32, #tpu.memory_space<hbm>> -> memref<3x256xi32, #tpu.memory_space<hbm>>
      %dma_start3A_359 = arith.constant 0 : i32
      %dma_start3A_360 = arith.constant 0 : i32
      %dma_start3A_361 = tpu.memref_slice %arg2[%arg0, %add3A_354, %dma_start3A_359, %dma_start3A_360] : memref<2x3168x3x256xi32, #tpu.memory_space<hbm>> -> memref<1x1x3x256xi32, #tpu.memory_space<hbm>>
      %dma_start3A_362 = tpu.memref_squeeze %dma_start3A_361 : memref<1x1x3x256xi32, #tpu.memory_space<hbm>> -> memref<3x256xi32, #tpu.memory_space<hbm>>
      tpu.enqueue_dma source(%dma_start3A_362 : memref<3x256xi32, #tpu.memory_space<hbm>>) target(%arg13 : memref<3x256xi32, #tpu.memory_space<vmem>>) target_semaphore(%arg22 : memref<!tpu.dma_semaphore, #tpu.memory_space<semaphore_mem>>)
      %dma_wait3A_363 = arith.constant 0 : i32
      %dma_wait3A_364 = arith.constant 0 : i32
      %dma_wait3A_365 = tpu.memref_slice %arg2[%arg0, %mul3A_2, %dma_wait3A_363, %dma_wait3A_364] : memref<2x3168x3x256xi32, #tpu.memory_space<hbm>> -> memref<1x1x3x256xi32, #tpu.memory_space<hbm>>
      %dma_wait3A_366 = tpu.memref_squeeze %dma_wait3A_365 : memref<1x1x3x256xi32, #tpu.memory_space<hbm>> -> memref<3x256xi32, #tpu.memory_space<hbm>>
      %dma_wait3A_367 = arith.constant 0 : i32
      %dma_wait3A_368 = arith.constant 0 : i32
      %dma_wait3A_369 = tpu.memref_slice %arg2[%arg0, %mul3A_2, %dma_wait3A_367, %dma_wait3A_368] : memref<2x3168x3x256xi32, #tpu.memory_space<hbm>> -> memref<1x1x3x256xi32, #tpu.memory_space<hbm>>
      %dma_wait3A_370 = tpu.memref_squeeze %dma_wait3A_369 : memref<1x1x3x256xi32, #tpu.memory_space<hbm>> -> memref<3x256xi32, #tpu.memory_space<hbm>>
      tpu.wait_dma2 semaphore(%arg21 : memref<!tpu.dma_semaphore, #tpu.memory_space<semaphore_mem>>) src(%dma_wait3A_370 : memref<3x256xi32, #tpu.memory_space<hbm>>) dst(%arg12 : memref<3x256xi32, #tpu.memory_space<vmem>>)
      %dma_start3A_371 = arith.constant 0 : i32
      %dma_start3A_372 = arith.constant 0 : i32
      %dma_start3A_373 = tpu.memref_slice %arg12[%dma_start3A_371, %dma_start3A_372] : memref<3x256xi32, #tpu.memory_space<vmem>> -> memref<1x256xi32, #tpu.memory_space<vmem>>
      %dma_start3A_374 = tpu.memref_squeeze %dma_start3A_373 : memref<1x256xi32, #tpu.memory_space<vmem>> -> memref<256xi32, #tpu.memory_space<vmem>>
      %dma_start3A_375 = arith.constant 0 : i32
      %dma_start3A_376 = arith.constant 0 : i32
      %dma_start3A_377 = tpu.memref_slice %arg6[%dma_start3A_375, %dma_start3A_376] : memref<100096x32xf32, #tpu.memory_space<hbm>> -> memref<100096x32xf32, #tpu.memory_space<hbm>>
      tpu.enqueue_indirect_dma source(%dma_start3A_377 : memref<100096x32xf32, #tpu.memory_space<hbm>>) target(%arg9 : memref<256x32xf32, #tpu.memory_space<vmem>>) offsets(%dma_start3A_374 : memref<256xi32, #tpu.memory_space<vmem>>) semaphore(%arg15 : memref<!tpu.dma_semaphore, #tpu.memory_space<semaphore_mem>>)
      %dma_wait3A_378 = arith.constant 0 : i32
      %dma_wait3A_379 = arith.constant 0 : i32
      %dma_wait3A_380 = tpu.memref_slice %arg14[%dma_wait3A_378, %dma_wait3A_379] : memref<3x256xi32, #tpu.memory_space<vmem>> -> memref<1x256xi32, #tpu.memory_space<vmem>>
      %dma_wait3A_381 = tpu.memref_squeeze %dma_wait3A_380 : memref<1x256xi32, #tpu.memory_space<vmem>> -> memref<256xi32, #tpu.memory_space<vmem>>
      %dma_wait3A_382 = arith.constant 0 : i32
      %dma_wait3A_383 = arith.constant 0 : i32
      %dma_wait3A_384 = tpu.memref_slice %arg6[%dma_wait3A_382, %dma_wait3A_383] : memref<100096x32xf32, #tpu.memory_space<hbm>> -> memref<100096x32xf32, #tpu.memory_space<hbm>>
      tpu.wait_indirect_dma semaphore(%arg17 : memref<!tpu.dma_semaphore, #tpu.memory_space<semaphore_mem>>) src(%dma_wait3A_384 : memref<100096x32xf32, #tpu.memory_space<hbm>>) dst(%arg11 : memref<256x32xf32, #tpu.memory_space<vmem>>)
      %scan3A_385 = arith.constant 0 : i32
      %scan3A_386 = arith.constant 0 : i32
      %scan3A_387 = arith.constant 16 : i32
      %scan3A_388 = arith.addi %scan3A_386, %scan3A_387 : i32
      %scan3A_389 = arith.constant 1 : i32
      scf.for %scan3A_398 = %scan3A_386 to %scan3A_388 step %scan3A_389  : i32 {
        %mul3A_399 = arith.constant 16 : i32
        %mul3A_400 = arith.muli %scan3A_398, %mul3A_399 : i32
        %get3A = arith.constant 1 : i32
        %get3A_401 = arith.index_cast %get3A : i32 to index
        %get3A_402 = arith.index_cast %mul3A_400 : i32 to index
        %get3A_403 = tpu.vector_load %arg14[%get3A_401, %get3A_402] {strides = array<i32>} : memref<3x256xi32, #tpu.memory_space<vmem>>, vector<16xi32>,
        %bitcast3A = vector.bitcast %get3A_403 : vector<16xi32> to vector<16xf32>
        %add3A_404 = arith.constant 0 : i32
        %add3A_405 = arith.addi %mul3A_400, %add3A_404 : i32
        %slice3A = vector.extract_strided_slice %bitcast3A {offsets = [0], sizes = [1], strides = [1]} : vector<16xf32> to vector<1xf32>
        %squeeze3A = vector.extract %slice3A[0] : f32 from vector<1xf32>
        %get3A_406 = arith.index_cast %add3A_405 : i32 to index
        %get3A_407 = arith.constant 0 : index
        %get3A_408 = tpu.vector_load %arg11[%get3A_406, %get3A_407] {strides = array<i32>} : memref<256x32xf32, #tpu.memory_space<vmem>>, vector<16xf32>,
        %mul3A_409 = vector.broadcast %squeeze3A : f32 to vector<16xf32>
        %mul3A_410 = arith.mulf %get3A_408, %mul3A_409 : vector<16xf32>
        %swap3A = arith.index_cast %add3A_405 : i32 to index
        %swap3A_411 = arith.constant 0 : index
        %swap3A_412 = tpu.vector_load %arg11[%swap3A, %swap3A_411] {strides = array<i32>} : memref<256x32xf32, #tpu.memory_space<vmem>>, vector<16xf32>,
        tpu.vector_store %arg11[%swap3A, %swap3A_411], %mul3A_410 {strides = array<i32>} : memref<256x32xf32, #tpu.memory_space<vmem>>, vector<16xf32>,
        %get3A_413 = arith.index_cast %add3A_405 : i32 to index
        %get3A_414 = arith.constant 16 : index
        %get3A_415 = tpu.vector_load %arg11[%get3A_413, %get3A_414] {strides = array<i32>} : memref<256x32xf32, #tpu.memory_space<vmem>>, vector<16xf32>,
        %mul3A_416 = vector.broadcast %squeeze3A : f32 to vector<16xf32>
        %mul3A_417 = arith.mulf %get3A_415, %mul3A_416 : vector<16xf32>
        %swap3A_418 = arith.index_cast %add3A_405 : i32 to index
        %swap3A_419 = arith.constant 16 : index
        %swap3A_420 = tpu.vector_load %arg11[%swap3A_418, %swap3A_419] {strides = array<i32>} : memref<256x32xf32, #tpu.memory_space<vmem>>, vector<16xf32>,
        tpu.vector_store %arg11[%swap3A_418, %swap3A_419], %mul3A_417 {strides = array<i32>} : memref<256x32xf32, #tpu.memory_space<vmem>>, vector<16xf32>,
        %add3A_421 = arith.constant 1 : i32
        %add3A_422 = arith.addi %mul3A_400, %add3A_421 : i32
        %slice3A_423 = vector.extract_strided_slice %bitcast3A {offsets = [1], sizes = [1], strides = [1]} : vector<16xf32> to vector<1xf32>
        %squeeze3A_424 = vector.extract %slice3A_423[0] : f32 from vector<1xf32>
        %get3A_425 = arith.index_cast %add3A_422 : i32 to index
        %get3A_426 = arith.constant 0 : index
        %get3A_427 = tpu.vector_load %arg11[%get3A_425, %get3A_426] {strides = array<i32>} : memref<256x32xf32, #tpu.memory_space<vmem>>, vector<16xf32>,
        %mul3A_428 = vector.broadcast %squeeze3A_424 : f32 to vector<16xf32>
        %mul3A_429 = arith.mulf %get3A_427, %mul3A_428 : vector<16xf32>
        %swap3A_430 = arith.index_cast %add3A_422 : i32 to index
        %swap3A_431 = arith.constant 0 : index
        %swap3A_432 = tpu.vector_load %arg11[%swap3A_430, %swap3A_431] {strides = array<i32>} : memref<256x32xf32, #tpu.memory_space<vmem>>, vector<16xf32>,
        tpu.vector_store %arg11[%swap3A_430, %swap3A_431], %mul3A_429 {strides = array<i32>} : memref<256x32xf32, #tpu.memory_space<vmem>>, vector<16xf32>,
        %get3A_433 = arith.index_cast %add3A_422 : i32 to index
        %get3A_434 = arith.constant 16 : index
        %get3A_435 = tpu.vector_load %arg11[%get3A_433, %get3A_434] {strides = array<i32>} : memref<256x32xf32, #tpu.memory_space<vmem>>, vector<16xf32>,
        %mul3A_436 = vector.broadcast %squeeze3A_424 : f32 to vector<16xf32>
        %mul3A_437 = arith.mulf %get3A_435, %mul3A_436 : vector<16xf32>
        %swap3A_438 = arith.index_cast %add3A_422 : i32 to index
        %swap3A_439 = arith.constant 16 : index
        %swap3A_440 = tpu.vector_load %arg11[%swap3A_438, %swap3A_439] {strides = array<i32>} : memref<256x32xf32, #tpu.memory_space<vmem>>, vector<16xf32>,
        tpu.vector_store %arg11[%swap3A_438, %swap3A_439], %mul3A_437 {strides = array<i32>} : memref<256x32xf32, #tpu.memory_space<vmem>>, vector<16xf32>,
        %add3A_441 = arith.constant 2 : i32
        %add3A_442 = arith.addi %mul3A_400, %add3A_441 : i32
        %slice3A_443 = vector.extract_strided_slice %bitcast3A {offsets = [2], sizes = [1], strides = [1]} : vector<16xf32> to vector<1xf32>
        %squeeze3A_444 = vector.extract %slice3A_443[0] : f32 from vector<1xf32>
        %get3A_445 = arith.index_cast %add3A_442 : i32 to index
        %get3A_446 = arith.constant 0 : index
        %get3A_447 = tpu.vector_load %arg11[%get3A_445, %get3A_446] {strides = array<i32>} : memref<256x32xf32, #tpu.memory_space<vmem>>, vector<16xf32>,
        %mul3A_448 = vector.broadcast %squeeze3A_444 : f32 to vector<16xf32>
        %mul3A_449 = arith.mulf %get3A_447, %mul3A_448 : vector<16xf32>
        %swap3A_450 = arith.index_cast %add3A_442 : i32 to index
        %swap3A_451 = arith.constant 0 : index
        %swap3A_452 = tpu.vector_load %arg11[%swap3A_450, %swap3A_451] {strides = array<i32>} : memref<256x32xf32, #tpu.memory_space<vmem>>, vector<16xf32>,
        tpu.vector_store %arg11[%swap3A_450, %swap3A_451], %mul3A_449 {strides = array<i32>} : memref<256x32xf32, #tpu.memory_space<vmem>>, vector<16xf32>,
        %get3A_453 = arith.index_cast %add3A_442 : i32 to index
        %get3A_454 = arith.constant 16 : index
        %get3A_455 = tpu.vector_load %arg11[%get3A_453, %get3A_454] {strides = array<i32>} : memref<256x32xf32, #tpu.memory_space<vmem>>, vector<16xf32>,
        %mul3A_456 = vector.broadcast %squeeze3A_444 : f32 to vector<16xf32>
        %mul3A_457 = arith.mulf %get3A_455, %mul3A_456 : vector<16xf32>
        %swap3A_458 = arith.index_cast %add3A_442 : i32 to index
        %swap3A_459 = arith.constant 16 : index
        %swap3A_460 = tpu.vector_load %arg11[%swap3A_458, %swap3A_459] {strides = array<i32>} : memref<256x32xf32, #tpu.memory_space<vmem>>, vector<16xf32>,
        tpu.vector_store %arg11[%swap3A_458, %swap3A_459], %mul3A_457 {strides = array<i32>} : memref<256x32xf32, #tpu.memory_space<vmem>>, vector<16xf32>,
        %add3A_461 = arith.constant 3 : i32
        %add3A_462 = arith.addi %mul3A_400, %add3A_461 : i32
        %slice3A_463 = vector.extract_strided_slice %bitcast3A {offsets = [3], sizes = [1], strides = [1]} : vector<16xf32> to vector<1xf32>
        %squeeze3A_464 = vector.extract %slice3A_463[0] : f32 from vector<1xf32>
        %get3A_465 = arith.index_cast %add3A_462 : i32 to index
        %get3A_466 = arith.constant 0 : index
        %get3A_467 = tpu.vector_load %arg11[%get3A_465, %get3A_466] {strides = array<i32>} : memref<256x32xf32, #tpu.memory_space<vmem>>, vector<16xf32>,
        %mul3A_468 = vector.broadcast %squeeze3A_464 : f32 to vector<16xf32>
        %mul3A_469 = arith.mulf %get3A_467, %mul3A_468 : vector<16xf32>
        %swap3A_470 = arith.index_cast %add3A_462 : i32 to index
        %swap3A_471 = arith.constant 0 : index
        %swap3A_472 = tpu.vector_load %arg11[%swap3A_470, %swap3A_471] {strides = array<i32>} : memref<256x32xf32, #tpu.memory_space<vmem>>, vector<16xf32>,
        tpu.vector_store %arg11[%swap3A_470, %swap3A_471], %mul3A_469 {strides = array<i32>} : memref<256x32xf32, #tpu.memory_space<vmem>>, vector<16xf32>,
        %get3A_473 = arith.index_cast %add3A_462 : i32 to index
        %get3A_474 = arith.constant 16 : index
        %get3A_475 = tpu.vector_load %arg11[%get3A_473, %get3A_474] {strides = array<i32>} : memref<256x32xf32, #tpu.memory_space<vmem>>, vector<16xf32>,
        %mul3A_476 = vector.broadcast %squeeze3A_464 : f32 to vector<16xf32>
        %mul3A_477 = arith.mulf %get3A_475, %mul3A_476 : vector<16xf32>
        %swap3A_478 = arith.index_cast %add3A_462 : i32 to index
        %swap3A_479 = arith.constant 16 : index
        %swap3A_480 = tpu.vector_load %arg11[%swap3A_478, %swap3A_479] {strides = array<i32>} : memref<256x32xf32, #tpu.memory_space<vmem>>, vector<16xf32>,
        tpu.vector_store %arg11[%swap3A_478, %swap3A_479], %mul3A_477 {strides = array<i32>} : memref<256x32xf32, #tpu.memory_space<vmem>>, vector<16xf32>,
        %add3A_481 = arith.constant 4 : i32
        %add3A_482 = arith.addi %mul3A_400, %add3A_481 : i32
        %slice3A_483 = vector.extract_strided_slice %bitcast3A {offsets = [4], sizes = [1], strides = [1]} : vector<16xf32> to vector<1xf32>
        %squeeze3A_484 = vector.extract %slice3A_483[0] : f32 from vector<1xf32>
        %get3A_485 = arith.index_cast %add3A_482 : i32 to index
        %get3A_486 = arith.constant 0 : index
        %get3A_487 = tpu.vector_load %arg11[%get3A_485, %get3A_486] {strides = array<i32>} : memref<256x32xf32, #tpu.memory_space<vmem>>, vector<16xf32>,
        %mul3A_488 = vector.broadcast %squeeze3A_484 : f32 to vector<16xf32>
        %mul3A_489 = arith.mulf %get3A_487, %mul3A_488 : vector<16xf32>
        %swap3A_490 = arith.index_cast %add3A_482 : i32 to index
        %swap3A_491 = arith.constant 0 : index
        %swap3A_492 = tpu.vector_load %arg11[%swap3A_490, %swap3A_491] {strides = array<i32>} : memref<256x32xf32, #tpu.memory_space<vmem>>, vector<16xf32>,
        tpu.vector_store %arg11[%swap3A_490, %swap3A_491], %mul3A_489 {strides = array<i32>} : memref<256x32xf32, #tpu.memory_space<vmem>>, vector<16xf32>,
        %get3A_493 = arith.index_cast %add3A_482 : i32 to index
        %get3A_494 = arith.constant 16 : index
        %get3A_495 = tpu.vector_load %arg11[%get3A_493, %get3A_494] {strides = array<i32>} : memref<256x32xf32, #tpu.memory_space<vmem>>, vector<16xf32>,
        %mul3A_496 = vector.broadcast %squeeze3A_484 : f32 to vector<16xf32>
        %mul3A_497 = arith.mulf %get3A_495, %mul3A_496 : vector<16xf32>
        %swap3A_498 = arith.index_cast %add3A_482 : i32 to index
        %swap3A_499 = arith.constant 16 : index
        %swap3A_500 = tpu.vector_load %arg11[%swap3A_498, %swap3A_499] {strides = array<i32>} : memref<256x32xf32, #tpu.memory_space<vmem>>, vector<16xf32>,
        tpu.vector_store %arg11[%swap3A_498, %swap3A_499], %mul3A_497 {strides = array<i32>} : memref<256x32xf32, #tpu.memory_space<vmem>>, vector<16xf32>,
        %add3A_501 = arith.constant 5 : i32
        %add3A_502 = arith.addi %mul3A_400, %add3A_501 : i32
        %slice3A_503 = vector.extract_strided_slice %bitcast3A {offsets = [5], sizes = [1], strides = [1]} : vector<16xf32> to vector<1xf32>
        %squeeze3A_504 = vector.extract %slice3A_503[0] : f32 from vector<1xf32>
        %get3A_505 = arith.index_cast %add3A_502 : i32 to index
        %get3A_506 = arith.constant 0 : index
        %get3A_507 = tpu.vector_load %arg11[%get3A_505, %get3A_506] {strides = array<i32>} : memref<256x32xf32, #tpu.memory_space<vmem>>, vector<16xf32>,
        %mul3A_508 = vector.broadcast %squeeze3A_504 : f32 to vector<16xf32>
        %mul3A_509 = arith.mulf %get3A_507, %mul3A_508 : vector<16xf32>
        %swap3A_510 = arith.index_cast %add3A_502 : i32 to index
        %swap3A_511 = arith.constant 0 : index
        %swap3A_512 = tpu.vector_load %arg11[%swap3A_510, %swap3A_511] {strides = array<i32>} : memref<256x32xf32, #tpu.memory_space<vmem>>, vector<16xf32>,
        tpu.vector_store %arg11[%swap3A_510, %swap3A_511], %mul3A_509 {strides = array<i32>} : memref<256x32xf32, #tpu.memory_space<vmem>>, vector<16xf32>,
        %get3A_513 = arith.index_cast %add3A_502 : i32 to index
        %get3A_514 = arith.constant 16 : index
        %get3A_515 = tpu.vector_load %arg11[%get3A_513, %get3A_514] {strides = array<i32>} : memref<256x32xf32, #tpu.memory_space<vmem>>, vector<16xf32>,
        %mul3A_516 = vector.broadcast %squeeze3A_504 : f32 to vector<16xf32>
        %mul3A_517 = arith.mulf %get3A_515, %mul3A_516 : vector<16xf32>
        %swap3A_518 = arith.index_cast %add3A_502 : i32 to index
        %swap3A_519 = arith.constant 16 : index
        %swap3A_520 = tpu.vector_load %arg11[%swap3A_518, %swap3A_519] {strides = array<i32>} : memref<256x32xf32, #tpu.memory_space<vmem>>, vector<16xf32>,
        tpu.vector_store %arg11[%swap3A_518, %swap3A_519], %mul3A_517 {strides = array<i32>} : memref<256x32xf32, #tpu.memory_space<vmem>>, vector<16xf32>,
        %add3A_521 = arith.constant 6 : i32
        %add3A_522 = arith.addi %mul3A_400, %add3A_521 : i32
        %slice3A_523 = vector.extract_strided_slice %bitcast3A {offsets = [6], sizes = [1], strides = [1]} : vector<16xf32> to vector<1xf32>
        %squeeze3A_524 = vector.extract %slice3A_523[0] : f32 from vector<1xf32>
        %get3A_525 = arith.index_cast %add3A_522 : i32 to index
        %get3A_526 = arith.constant 0 : index
        %get3A_527 = tpu.vector_load %arg11[%get3A_525, %get3A_526] {strides = array<i32>} : memref<256x32xf32, #tpu.memory_space<vmem>>, vector<16xf32>,
        %mul3A_528 = vector.broadcast %squeeze3A_524 : f32 to vector<16xf32>
        %mul3A_529 = arith.mulf %get3A_527, %mul3A_528 : vector<16xf32>
        %swap3A_530 = arith.index_cast %add3A_522 : i32 to index
        %swap3A_531 = arith.constant 0 : index
        %swap3A_532 = tpu.vector_load %arg11[%swap3A_530, %swap3A_531] {strides = array<i32>} : memref<256x32xf32, #tpu.memory_space<vmem>>, vector<16xf32>,
        tpu.vector_store %arg11[%swap3A_530, %swap3A_531], %mul3A_529 {strides = array<i32>} : memref<256x32xf32, #tpu.memory_space<vmem>>, vector<16xf32>,
        %get3A_533 = arith.index_cast %add3A_522 : i32 to index
        %get3A_534 = arith.constant 16 : index
        %get3A_535 = tpu.vector_load %arg11[%get3A_533, %get3A_534] {strides = array<i32>} : memref<256x32xf32, #tpu.memory_space<vmem>>, vector<16xf32>,
        %mul3A_536 = vector.broadcast %squeeze3A_524 : f32 to vector<16xf32>
        %mul3A_537 = arith.mulf %get3A_535, %mul3A_536 : vector<16xf32>
        %swap3A_538 = arith.index_cast %add3A_522 : i32 to index
        %swap3A_539 = arith.constant 16 : index
        %swap3A_540 = tpu.vector_load %arg11[%swap3A_538, %swap3A_539] {strides = array<i32>} : memref<256x32xf32, #tpu.memory_space<vmem>>, vector<16xf32>,
        tpu.vector_store %arg11[%swap3A_538, %swap3A_539], %mul3A_537 {strides = array<i32>} : memref<256x32xf32, #tpu.memory_space<vmem>>, vector<16xf32>,
        %add3A_541 = arith.constant 7 : i32
        %add3A_542 = arith.addi %mul3A_400, %add3A_541 : i32
        %slice3A_543 = vector.extract_strided_slice %bitcast3A {offsets = [7], sizes = [1], strides = [1]} : vector<16xf32> to vector<1xf32>
        %squeeze3A_544 = vector.extract %slice3A_543[0] : f32 from vector<1xf32>
        %get3A_545 = arith.index_cast %add3A_542 : i32 to index
        %get3A_546 = arith.constant 0 : index
        %get3A_547 = tpu.vector_load %arg11[%get3A_545, %get3A_546] {strides = array<i32>} : memref<256x32xf32, #tpu.memory_space<vmem>>, vector<16xf32>,
        %mul3A_548 = vector.broadcast %squeeze3A_544 : f32 to vector<16xf32>
        %mul3A_549 = arith.mulf %get3A_547, %mul3A_548 : vector<16xf32>
        %swap3A_550 = arith.index_cast %add3A_542 : i32 to index
        %swap3A_551 = arith.constant 0 : index
        %swap3A_552 = tpu.vector_load %arg11[%swap3A_550, %swap3A_551] {strides = array<i32>} : memref<256x32xf32, #tpu.memory_space<vmem>>, vector<16xf32>,
        tpu.vector_store %arg11[%swap3A_550, %swap3A_551], %mul3A_549 {strides = array<i32>} : memref<256x32xf32, #tpu.memory_space<vmem>>, vector<16xf32>,
        %get3A_553 = arith.index_cast %add3A_542 : i32 to index
        %get3A_554 = arith.constant 16 : index
        %get3A_555 = tpu.vector_load %arg11[%get3A_553, %get3A_554] {strides = array<i32>} : memref<256x32xf32, #tpu.memory_space<vmem>>, vector<16xf32>,
        %mul3A_556 = vector.broadcast %squeeze3A_544 : f32 to vector<16xf32>
        %mul3A_557 = arith.mulf %get3A_555, %mul3A_556 : vector<16xf32>
        %swap3A_558 = arith.index_cast %add3A_542 : i32 to index
        %swap3A_559 = arith.constant 16 : index
        %swap3A_560 = tpu.vector_load %arg11[%swap3A_558, %swap3A_559] {strides = array<i32>} : memref<256x32xf32, #tpu.memory_space<vmem>>, vector<16xf32>,
        tpu.vector_store %arg11[%swap3A_558, %swap3A_559], %mul3A_557 {strides = array<i32>} : memref<256x32xf32, #tpu.memory_space<vmem>>, vector<16xf32>,
        %add3A_561 = arith.constant 8 : i32
        %add3A_562 = arith.addi %mul3A_400, %add3A_561 : i32
        %slice3A_563 = vector.extract_strided_slice %bitcast3A {offsets = [8], sizes = [1], strides = [1]} : vector<16xf32> to vector<1xf32>
        %squeeze3A_564 = vector.extract %slice3A_563[0] : f32 from vector<1xf32>
        %get3A_565 = arith.index_cast %add3A_562 : i32 to index
        %get3A_566 = arith.constant 0 : index
        %get3A_567 = tpu.vector_load %arg11[%get3A_565, %get3A_566] {strides = array<i32>} : memref<256x32xf32, #tpu.memory_space<vmem>>, vector<16xf32>,
        %mul3A_568 = vector.broadcast %squeeze3A_564 : f32 to vector<16xf32>
        %mul3A_569 = arith.mulf %get3A_567, %mul3A_568 : vector<16xf32>
        %swap3A_570 = arith.index_cast %add3A_562 : i32 to index
        %swap3A_571 = arith.constant 0 : index
        %swap3A_572 = tpu.vector_load %arg11[%swap3A_570, %swap3A_571] {strides = array<i32>} : memref<256x32xf32, #tpu.memory_space<vmem>>, vector<16xf32>,
        tpu.vector_store %arg11[%swap3A_570, %swap3A_571], %mul3A_569 {strides = array<i32>} : memref<256x32xf32, #tpu.memory_space<vmem>>, vector<16xf32>,
        %get3A_573 = arith.index_cast %add3A_562 : i32 to index
        %get3A_574 = arith.constant 16 : index
        %get3A_575 = tpu.vector_load %arg11[%get3A_573, %get3A_574] {strides = array<i32>} : memref<256x32xf32, #tpu.memory_space<vmem>>, vector<16xf32>,
        %mul3A_576 = vector.broadcast %squeeze3A_564 : f32 to vector<16xf32>
        %mul3A_577 = arith.mulf %get3A_575, %mul3A_576 : vector<16xf32>
        %swap3A_578 = arith.index_cast %add3A_562 : i32 to index
        %swap3A_579 = arith.constant 16 : index
        %swap3A_580 = tpu.vector_load %arg11[%swap3A_578, %swap3A_579] {strides = array<i32>} : memref<256x32xf32, #tpu.memory_space<vmem>>, vector<16xf32>,
        tpu.vector_store %arg11[%swap3A_578, %swap3A_579], %mul3A_577 {strides = array<i32>} : memref<256x32xf32, #tpu.memory_space<vmem>>, vector<16xf32>,
        %add3A_581 = arith.constant 9 : i32
        %add3A_582 = arith.addi %mul3A_400, %add3A_581 : i32
        %slice3A_583 = vector.extract_strided_slice %bitcast3A {offsets = [9], sizes = [1], strides = [1]} : vector<16xf32> to vector<1xf32>
        %squeeze3A_584 = vector.extract %slice3A_583[0] : f32 from vector<1xf32>
        %get3A_585 = arith.index_cast %add3A_582 : i32 to index
        %get3A_586 = arith.constant 0 : index
        %get3A_587 = tpu.vector_load %arg11[%get3A_585, %get3A_586] {strides = array<i32>} : memref<256x32xf32, #tpu.memory_space<vmem>>, vector<16xf32>,
        %mul3A_588 = vector.broadcast %squeeze3A_584 : f32 to vector<16xf32>
        %mul3A_589 = arith.mulf %get3A_587, %mul3A_588 : vector<16xf32>
        %swap3A_590 = arith.index_cast %add3A_582 : i32 to index
        %swap3A_591 = arith.constant 0 : index
        %swap3A_592 = tpu.vector_load %arg11[%swap3A_590, %swap3A_591] {strides = array<i32>} : memref<256x32xf32, #tpu.memory_space<vmem>>, vector<16xf32>,
        tpu.vector_store %arg11[%swap3A_590, %swap3A_591], %mul3A_589 {strides = array<i32>} : memref<256x32xf32, #tpu.memory_space<vmem>>, vector<16xf32>,
        %get3A_593 = arith.index_cast %add3A_582 : i32 to index
        %get3A_594 = arith.constant 16 : index
        %get3A_595 = tpu.vector_load %arg11[%get3A_593, %get3A_594] {strides = array<i32>} : memref<256x32xf32, #tpu.memory_space<vmem>>, vector<16xf32>,
        %mul3A_596 = vector.broadcast %squeeze3A_584 : f32 to vector<16xf32>
        %mul3A_597 = arith.mulf %get3A_595, %mul3A_596 : vector<16xf32>
        %swap3A_598 = arith.index_cast %add3A_582 : i32 to index
        %swap3A_599 = arith.constant 16 : index
        %swap3A_600 = tpu.vector_load %arg11[%swap3A_598, %swap3A_599] {strides = array<i32>} : memref<256x32xf32, #tpu.memory_space<vmem>>, vector<16xf32>,
        tpu.vector_store %arg11[%swap3A_598, %swap3A_599], %mul3A_597 {strides = array<i32>} : memref<256x32xf32, #tpu.memory_space<vmem>>, vector<16xf32>,
        %add3A_601 = arith.constant 10 : i32
        %add3A_602 = arith.addi %mul3A_400, %add3A_601 : i32
        %slice3A_603 = vector.extract_strided_slice %bitcast3A {offsets = [10], sizes = [1], strides = [1]} : vector<16xf32> to vector<1xf32>
        %squeeze3A_604 = vector.extract %slice3A_603[0] : f32 from vector<1xf32>
        %get3A_605 = arith.index_cast %add3A_602 : i32 to index
        %get3A_606 = arith.constant 0 : index
        %get3A_607 = tpu.vector_load %arg11[%get3A_605, %get3A_606] {strides = array<i32>} : memref<256x32xf32, #tpu.memory_space<vmem>>, vector<16xf32>,
        %mul3A_608 = vector.broadcast %squeeze3A_604 : f32 to vector<16xf32>
        %mul3A_609 = arith.mulf %get3A_607, %mul3A_608 : vector<16xf32>
        %swap3A_610 = arith.index_cast %add3A_602 : i32 to index
        %swap3A_611 = arith.constant 0 : index
        %swap3A_612 = tpu.vector_load %arg11[%swap3A_610, %swap3A_611] {strides = array<i32>} : memref<256x32xf32, #tpu.memory_space<vmem>>, vector<16xf32>,
        tpu.vector_store %arg11[%swap3A_610, %swap3A_611], %mul3A_609 {strides = array<i32>} : memref<256x32xf32, #tpu.memory_space<vmem>>, vector<16xf32>,
        %get3A_613 = arith.index_cast %add3A_602 : i32 to index
        %get3A_614 = arith.constant 16 : index
        %get3A_615 = tpu.vector_load %arg11[%get3A_613, %get3A_614] {strides = array<i32>} : memref<256x32xf32, #tpu.memory_space<vmem>>, vector<16xf32>,
        %mul3A_616 = vector.broadcast %squeeze3A_604 : f32 to vector<16xf32>
        %mul3A_617 = arith.mulf %get3A_615, %mul3A_616 : vector<16xf32>
        %swap3A_618 = arith.index_cast %add3A_602 : i32 to index
        %swap3A_619 = arith.constant 16 : index
        %swap3A_620 = tpu.vector_load %arg11[%swap3A_618, %swap3A_619] {strides = array<i32>} : memref<256x32xf32, #tpu.memory_space<vmem>>, vector<16xf32>,
        tpu.vector_store %arg11[%swap3A_618, %swap3A_619], %mul3A_617 {strides = array<i32>} : memref<256x32xf32, #tpu.memory_space<vmem>>, vector<16xf32>,
        %add3A_621 = arith.constant 11 : i32
        %add3A_622 = arith.addi %mul3A_400, %add3A_621 : i32
        %slice3A_623 = vector.extract_strided_slice %bitcast3A {offsets = [11], sizes = [1], strides = [1]} : vector<16xf32> to vector<1xf32>
        %squeeze3A_624 = vector.extract %slice3A_623[0] : f32 from vector<1xf32>
        %get3A_625 = arith.index_cast %add3A_622 : i32 to index
        %get3A_626 = arith.constant 0 : index
        %get3A_627 = tpu.vector_load %arg11[%get3A_625, %get3A_626] {strides = array<i32>} : memref<256x32xf32, #tpu.memory_space<vmem>>, vector<16xf32>,
        %mul3A_628 = vector.broadcast %squeeze3A_624 : f32 to vector<16xf32>
        %mul3A_629 = arith.mulf %get3A_627, %mul3A_628 : vector<16xf32>
        %swap3A_630 = arith.index_cast %add3A_622 : i32 to index
        %swap3A_631 = arith.constant 0 : index
        %swap3A_632 = tpu.vector_load %arg11[%swap3A_630, %swap3A_631] {strides = array<i32>} : memref<256x32xf32, #tpu.memory_space<vmem>>, vector<16xf32>,
        tpu.vector_store %arg11[%swap3A_630, %swap3A_631], %mul3A_629 {strides = array<i32>} : memref<256x32xf32, #tpu.memory_space<vmem>>, vector<16xf32>,
        %get3A_633 = arith.index_cast %add3A_622 : i32 to index
        %get3A_634 = arith.constant 16 : index
        %get3A_635 = tpu.vector_load %arg11[%get3A_633, %get3A_634] {strides = array<i32>} : memref<256x32xf32, #tpu.memory_space<vmem>>, vector<16xf32>,
        %mul3A_636 = vector.broadcast %squeeze3A_624 : f32 to vector<16xf32>
        %mul3A_637 = arith.mulf %get3A_635, %mul3A_636 : vector<16xf32>
        %swap3A_638 = arith.index_cast %add3A_622 : i32 to index
        %swap3A_639 = arith.constant 16 : index
        %swap3A_640 = tpu.vector_load %arg11[%swap3A_638, %swap3A_639] {strides = array<i32>} : memref<256x32xf32, #tpu.memory_space<vmem>>, vector<16xf32>,
        tpu.vector_store %arg11[%swap3A_638, %swap3A_639], %mul3A_637 {strides = array<i32>} : memref<256x32xf32, #tpu.memory_space<vmem>>, vector<16xf32>,
        %add3A_641 = arith.constant 12 : i32
        %add3A_642 = arith.addi %mul3A_400, %add3A_641 : i32
        %slice3A_643 = vector.extract_strided_slice %bitcast3A {offsets = [12], sizes = [1], strides = [1]} : vector<16xf32> to vector<1xf32>
        %squeeze3A_644 = vector.extract %slice3A_643[0] : f32 from vector<1xf32>
        %get3A_645 = arith.index_cast %add3A_642 : i32 to index
        %get3A_646 = arith.constant 0 : index
        %get3A_647 = tpu.vector_load %arg11[%get3A_645, %get3A_646] {strides = array<i32>} : memref<256x32xf32, #tpu.memory_space<vmem>>, vector<16xf32>,
        %mul3A_648 = vector.broadcast %squeeze3A_644 : f32 to vector<16xf32>
        %mul3A_649 = arith.mulf %get3A_647, %mul3A_648 : vector<16xf32>
        %swap3A_650 = arith.index_cast %add3A_642 : i32 to index
        %swap3A_651 = arith.constant 0 : index
        %swap3A_652 = tpu.vector_load %arg11[%swap3A_650, %swap3A_651] {strides = array<i32>} : memref<256x32xf32, #tpu.memory_space<vmem>>, vector<16xf32>,
        tpu.vector_store %arg11[%swap3A_650, %swap3A_651], %mul3A_649 {strides = array<i32>} : memref<256x32xf32, #tpu.memory_space<vmem>>, vector<16xf32>,
        %get3A_653 = arith.index_cast %add3A_642 : i32 to index
        %get3A_654 = arith.constant 16 : index
        %get3A_655 = tpu.vector_load %arg11[%get3A_653, %get3A_654] {strides = array<i32>} : memref<256x32xf32, #tpu.memory_space<vmem>>, vector<16xf32>,
        %mul3A_656 = vector.broadcast %squeeze3A_644 : f32 to vector<16xf32>
        %mul3A_657 = arith.mulf %get3A_655, %mul3A_656 : vector<16xf32>
        %swap3A_658 = arith.index_cast %add3A_642 : i32 to index
        %swap3A_659 = arith.constant 16 : index
        %swap3A_660 = tpu.vector_load %arg11[%swap3A_658, %swap3A_659] {strides = array<i32>} : memref<256x32xf32, #tpu.memory_space<vmem>>, vector<16xf32>,
        tpu.vector_store %arg11[%swap3A_658, %swap3A_659], %mul3A_657 {strides = array<i32>} : memref<256x32xf32, #tpu.memory_space<vmem>>, vector<16xf32>,
        %add3A_661 = arith.constant 13 : i32
        %add3A_662 = arith.addi %mul3A_400, %add3A_661 : i32
        %slice3A_663 = vector.extract_strided_slice %bitcast3A {offsets = [13], sizes = [1], strides = [1]} : vector<16xf32> to vector<1xf32>
        %squeeze3A_664 = vector.extract %slice3A_663[0] : f32 from vector<1xf32>
        %get3A_665 = arith.index_cast %add3A_662 : i32 to index
        %get3A_666 = arith.constant 0 : index
        %get3A_667 = tpu.vector_load %arg11[%get3A_665, %get3A_666] {strides = array<i32>} : memref<256x32xf32, #tpu.memory_space<vmem>>, vector<16xf32>,
        %mul3A_668 = vector.broadcast %squeeze3A_664 : f32 to vector<16xf32>
        %mul3A_669 = arith.mulf %get3A_667, %mul3A_668 : vector<16xf32>
        %swap3A_670 = arith.index_cast %add3A_662 : i32 to index
        %swap3A_671 = arith.constant 0 : index
        %swap3A_672 = tpu.vector_load %arg11[%swap3A_670, %swap3A_671] {strides = array<i32>} : memref<256x32xf32, #tpu.memory_space<vmem>>, vector<16xf32>,
        tpu.vector_store %arg11[%swap3A_670, %swap3A_671], %mul3A_669 {strides = array<i32>} : memref<256x32xf32, #tpu.memory_space<vmem>>, vector<16xf32>,
        %get3A_673 = arith.index_cast %add3A_662 : i32 to index
        %get3A_674 = arith.constant 16 : index
        %get3A_675 = tpu.vector_load %arg11[%get3A_673, %get3A_674] {strides = array<i32>} : memref<256x32xf32, #tpu.memory_space<vmem>>, vector<16xf32>,
        %mul3A_676 = vector.broadcast %squeeze3A_664 : f32 to vector<16xf32>
        %mul3A_677 = arith.mulf %get3A_675, %mul3A_676 : vector<16xf32>
        %swap3A_678 = arith.index_cast %add3A_662 : i32 to index
        %swap3A_679 = arith.constant 16 : index
        %swap3A_680 = tpu.vector_load %arg11[%swap3A_678, %swap3A_679] {strides = array<i32>} : memref<256x32xf32, #tpu.memory_space<vmem>>, vector<16xf32>,
        tpu.vector_store %arg11[%swap3A_678, %swap3A_679], %mul3A_677 {strides = array<i32>} : memref<256x32xf32, #tpu.memory_space<vmem>>, vector<16xf32>,
        %add3A_681 = arith.constant 14 : i32
        %add3A_682 = arith.addi %mul3A_400, %add3A_681 : i32
        %slice3A_683 = vector.extract_strided_slice %bitcast3A {offsets = [14], sizes = [1], strides = [1]} : vector<16xf32> to vector<1xf32>
        %squeeze3A_684 = vector.extract %slice3A_683[0] : f32 from vector<1xf32>
        %get3A_685 = arith.index_cast %add3A_682 : i32 to index
        %get3A_686 = arith.constant 0 : index
        %get3A_687 = tpu.vector_load %arg11[%get3A_685, %get3A_686] {strides = array<i32>} : memref<256x32xf32, #tpu.memory_space<vmem>>, vector<16xf32>,
        %mul3A_688 = vector.broadcast %squeeze3A_684 : f32 to vector<16xf32>
        %mul3A_689 = arith.mulf %get3A_687, %mul3A_688 : vector<16xf32>
        %swap3A_690 = arith.index_cast %add3A_682 : i32 to index
        %swap3A_691 = arith.constant 0 : index
        %swap3A_692 = tpu.vector_load %arg11[%swap3A_690, %swap3A_691] {strides = array<i32>} : memref<256x32xf32, #tpu.memory_space<vmem>>, vector<16xf32>,
        tpu.vector_store %arg11[%swap3A_690, %swap3A_691], %mul3A_689 {strides = array<i32>} : memref<256x32xf32, #tpu.memory_space<vmem>>, vector<16xf32>,
        %get3A_693 = arith.index_cast %add3A_682 : i32 to index
        %get3A_694 = arith.constant 16 : index
        %get3A_695 = tpu.vector_load %arg11[%get3A_693, %get3A_694] {strides = array<i32>} : memref<256x32xf32, #tpu.memory_space<vmem>>, vector<16xf32>,
        %mul3A_696 = vector.broadcast %squeeze3A_684 : f32 to vector<16xf32>
        %mul3A_697 = arith.mulf %get3A_695, %mul3A_696 : vector<16xf32>
        %swap3A_698 = arith.index_cast %add3A_682 : i32 to index
        %swap3A_699 = arith.constant 16 : index
        %swap3A_700 = tpu.vector_load %arg11[%swap3A_698, %swap3A_699] {strides = array<i32>} : memref<256x32xf32, #tpu.memory_space<vmem>>, vector<16xf32>,
        tpu.vector_store %arg11[%swap3A_698, %swap3A_699], %mul3A_697 {strides = array<i32>} : memref<256x32xf32, #tpu.memory_space<vmem>>, vector<16xf32>,
        %add3A_701 = arith.constant 15 : i32
        %add3A_702 = arith.addi %mul3A_400, %add3A_701 : i32
        %slice3A_703 = vector.extract_strided_slice %bitcast3A {offsets = [15], sizes = [1], strides = [1]} : vector<16xf32> to vector<1xf32>
        %squeeze3A_704 = vector.extract %slice3A_703[0] : f32 from vector<1xf32>
        %get3A_705 = arith.index_cast %add3A_702 : i32 to index
        %get3A_706 = arith.constant 0 : index
        %get3A_707 = tpu.vector_load %arg11[%get3A_705, %get3A_706] {strides = array<i32>} : memref<256x32xf32, #tpu.memory_space<vmem>>, vector<16xf32>,
        %mul3A_708 = vector.broadcast %squeeze3A_704 : f32 to vector<16xf32>
        %mul3A_709 = arith.mulf %get3A_707, %mul3A_708 : vector<16xf32>
        %swap3A_710 = arith.index_cast %add3A_702 : i32 to index
        %swap3A_711 = arith.constant 0 : index
        %swap3A_712 = tpu.vector_load %arg11[%swap3A_710, %swap3A_711] {strides = array<i32>} : memref<256x32xf32, #tpu.memory_space<vmem>>, vector<16xf32>,
        tpu.vector_store %arg11[%swap3A_710, %swap3A_711], %mul3A_709 {strides = array<i32>} : memref<256x32xf32, #tpu.memory_space<vmem>>, vector<16xf32>,
        %get3A_713 = arith.index_cast %add3A_702 : i32 to index
        %get3A_714 = arith.constant 16 : index
        %get3A_715 = tpu.vector_load %arg11[%get3A_713, %get3A_714] {strides = array<i32>} : memref<256x32xf32, #tpu.memory_space<vmem>>, vector<16xf32>,
        %mul3A_716 = vector.broadcast %squeeze3A_704 : f32 to vector<16xf32>
        %mul3A_717 = arith.mulf %get3A_715, %mul3A_716 : vector<16xf32>
        %swap3A_718 = arith.index_cast %add3A_702 : i32 to index
        %swap3A_719 = arith.constant 16 : index
        %swap3A_720 = tpu.vector_load %arg11[%swap3A_718, %swap3A_719] {strides = array<i32>} : memref<256x32xf32, #tpu.memory_space<vmem>>, vector<16xf32>,
        tpu.vector_store %arg11[%swap3A_718, %swap3A_719], %mul3A_717 {strides = array<i32>} : memref<256x32xf32, #tpu.memory_space<vmem>>, vector<16xf32>,
      }
      %scan3A_390 = arith.constant 16 : i32
      %dma_start3A_391 = arith.constant 2 : i32
      %dma_start3A_392 = arith.constant 0 : i32
      %dma_start3A_393 = tpu.memref_slice %arg14[%dma_start3A_391, %dma_start3A_392] : memref<3x256xi32, #tpu.memory_space<vmem>> -> memref<1x256xi32, #tpu.memory_space<vmem>>
      %dma_start3A_394 = tpu.memref_squeeze %dma_start3A_393 : memref<1x256xi32, #tpu.memory_space<vmem>> -> memref<256xi32, #tpu.memory_space<vmem>>
      %dma_start3A_395 = arith.constant 0 : i32
      %dma_start3A_396 = arith.constant 0 : i32
      %dma_start3A_397 = tpu.memref_slice %arg8[%dma_start3A_395, %dma_start3A_396] : memref<50048x32xf32, #tpu.memory_space<vmem_shared>> -> memref<50048x32xf32, #tpu.memory_space<vmem_shared>>
      tpu.enqueue_indirect_dma source(%arg11 : memref<256x32xf32, #tpu.memory_space<vmem>>) target(%dma_start3A_397 : memref<50048x32xf32, #tpu.memory_space<vmem_shared>>) offsets(%dma_start3A_394 : memref<256xi32, #tpu.memory_space<vmem>>) semaphore(%arg20 : memref<!tpu.dma_semaphore, #tpu.memory_space<semaphore_mem>>) {add = true}
    }
    %scan3A_130 = arith.constant 66 : i32
    %dma_wait3A_131 = arith.constant 2 : i32
    %dma_wait3A_132 = arith.constant 0 : i32
    %dma_wait3A_133 = tpu.memref_slice %arg14[%dma_wait3A_131, %dma_wait3A_132] : memref<3x256xi32, #tpu.memory_space<vmem>> -> memref<1x256xi32, #tpu.memory_space<vmem>>
    %dma_wait3A_134 = tpu.memref_squeeze %dma_wait3A_133 : memref<1x256xi32, #tpu.memory_space<vmem>> -> memref<256xi32, #tpu.memory_space<vmem>>
    %dma_wait3A_135 = arith.constant 0 : i32
    %dma_wait3A_136 = arith.constant 0 : i32
    %dma_wait3A_137 = tpu.memref_slice %arg8[%dma_wait3A_135, %dma_wait3A_136] : memref<50048x32xf32, #tpu.memory_space<vmem_shared>> -> memref<50048x32xf32, #tpu.memory_space<vmem_shared>>
    tpu.wait_indirect_dma semaphore(%arg20 : memref<!tpu.dma_semaphore, #tpu.memory_space<semaphore_mem>>) src(%arg11 : memref<256x32xf32, #tpu.memory_space<vmem>>) dst(%dma_wait3A_137 : memref<50048x32xf32, #tpu.memory_space<vmem_shared>>)
    %dma_wait3A_138 = arith.constant 0 : i32
    %dma_wait3A_139 = arith.constant 0 : i32
    %dma_wait3A_140 = tpu.memref_slice %arg2[%arg0, %mul3A_2, %dma_wait3A_138, %dma_wait3A_139] : memref<2x3168x3x256xi32, #tpu.memory_space<hbm>> -> memref<1x1x3x256xi32, #tpu.memory_space<hbm>>
    %dma_wait3A_141 = tpu.memref_squeeze %dma_wait3A_140 : memref<1x1x3x256xi32, #tpu.memory_space<hbm>> -> memref<3x256xi32, #tpu.memory_space<hbm>>
    %dma_wait3A_142 = arith.constant 0 : i32
    %dma_wait3A_143 = arith.constant 0 : i32
    %dma_wait3A_144 = tpu.memref_slice %arg2[%arg0, %mul3A_2, %dma_wait3A_142, %dma_wait3A_143] : memref<2x3168x3x256xi32, #tpu.memory_space<hbm>> -> memref<1x1x3x256xi32, #tpu.memory_space<hbm>>
    %dma_wait3A_145 = tpu.memref_squeeze %dma_wait3A_144 : memref<1x1x3x256xi32, #tpu.memory_space<hbm>> -> memref<3x256xi32, #tpu.memory_space<hbm>>
    tpu.wait_dma2 semaphore(%arg22 : memref<!tpu.dma_semaphore, #tpu.memory_space<semaphore_mem>>) src(%dma_wait3A_145 : memref<3x256xi32, #tpu.memory_space<hbm>>) dst(%arg13 : memref<3x256xi32, #tpu.memory_space<vmem>>)
    %dma_wait3A_146 = arith.constant 0 : i32
    %dma_wait3A_147 = arith.constant 0 : i32
    %dma_wait3A_148 = tpu.memref_slice %arg12[%dma_wait3A_146, %dma_wait3A_147] : memref<3x256xi32, #tpu.memory_space<vmem>> -> memref<1x256xi32, #tpu.memory_space<vmem>>
    %dma_wait3A_149 = tpu.memref_squeeze %dma_wait3A_148 : memref<1x256xi32, #tpu.memory_space<vmem>> -> memref<256xi32, #tpu.memory_space<vmem>>
    %dma_wait3A_150 = arith.constant 0 : i32
    %dma_wait3A_151 = arith.constant 0 : i32
    %dma_wait3A_152 = tpu.memref_slice %arg6[%dma_wait3A_150, %dma_wait3A_151] : memref<100096x32xf32, #tpu.memory_space<hbm>> -> memref<100096x32xf32, #tpu.memory_space<hbm>>
    tpu.wait_indirect_dma semaphore(%arg15 : memref<!tpu.dma_semaphore, #tpu.memory_space<semaphore_mem>>) src(%dma_wait3A_152 : memref<100096x32xf32, #tpu.memory_space<hbm>>) dst(%arg9 : memref<256x32xf32, #tpu.memory_space<vmem>>)
    %barrier3A_153 = arith.constant 0 : index
    tpu.barrier barrier_id(%barrier3A_153)
    "tpu.region"() ({
      %run_scoped3A = tpu.sem_alloc : memref<!tpu.dma_semaphore, #tpu.memory_space<semaphore_mem>>
      %dma_start3A_235 = arith.constant 0 : i32
      %dma_start3A_236 = tpu.memref_slice %arg7[%multiple_of3A_7, %dma_start3A_235] : memref<100096x32xf32, #tpu.memory_space<hbm>> -> memref<3128x32xf32, #tpu.memory_space<hbm>>
      %dma_start3A_237 = arith.constant 0 : i32
      %dma_start3A_238 = tpu.memref_slice %arg8[%multiple_of3A, %dma_start3A_237] : memref<50048x32xf32, #tpu.memory_space<vmem_shared>> -> memref<3128x32xf32, #tpu.memory_space<vmem_shared>>
      tpu.enqueue_dma source(%dma_start3A_238 : memref<3128x32xf32, #tpu.memory_space<vmem_shared>>) target(%dma_start3A_236 : memref<3128x32xf32, #tpu.memory_space<hbm>>) target_semaphore(%run_scoped3A : memref<!tpu.dma_semaphore, #tpu.memory_space<semaphore_mem>>)
      %dma_wait3A_239 = arith.constant 0 : i32
      %dma_wait3A_240 = tpu.memref_slice %arg7[%multiple_of3A_7, %dma_wait3A_239] : memref<100096x32xf32, #tpu.memory_space<hbm>> -> memref<3128x32xf32, #tpu.memory_space<hbm>>
      %dma_wait3A_241 = arith.constant 0 : i32
      %dma_wait3A_242 = tpu.memref_slice %arg8[%multiple_of3A, %dma_wait3A_241] : memref<50048x32xf32, #tpu.memory_space<vmem_shared>> -> memref<3128x32xf32, #tpu.memory_space<vmem_shared>>
      tpu.wait_dma2 semaphore(%run_scoped3A : memref<!tpu.dma_semaphore, #tpu.memory_space<semaphore_mem>>) src(%dma_wait3A_242 : memref<3128x32xf32, #tpu.memory_space<vmem_shared>>) dst(%dma_wait3A_240 : memref<3128x32xf32, #tpu.memory_space<hbm>>)
      tpu.yield
    }) : () -> ()
    "tpu.region"() ({
      %run_scoped3A = tpu.sem_alloc : memref<!tpu.dma_semaphore, #tpu.memory_space<semaphore_mem>>
      %dma_start3A_235 = arith.constant 0 : i32
      %dma_start3A_236 = tpu.memref_slice %arg8[%multiple_of3A, %dma_start3A_235] : memref<50048x32xf32, #tpu.memory_space<vmem_shared>> -> memref<3128x32xf32, #tpu.memory_space<vmem_shared>>
      tpu.enqueue_dma source(%arg4 : memref<3128x32xf32, #tpu.memory_space<hbm>>) target(%dma_start3A_236 : memref<3128x32xf32, #tpu.memory_space<vmem_shared>>) target_semaphore(%run_scoped3A : memref<!tpu.dma_semaphore, #tpu.memory_space<semaphore_mem>>)
      %dma_wait3A_237 = arith.constant 0 : i32
      %dma_wait3A_238 = tpu.memref_slice %arg8[%multiple_of3A, %dma_wait3A_237] : memref<50048x32xf32, #tpu.memory_space<vmem_shared>> -> memref<3128x32xf32, #tpu.memory_space<vmem_shared>>
      tpu.wait_dma2 semaphore(%run_scoped3A : memref<!tpu.dma_semaphore, #tpu.memory_space<semaphore_mem>>) src(%arg4 : memref<3128x32xf32, #tpu.memory_space<hbm>>) dst(%dma_wait3A_238 : memref<3128x32xf32, #tpu.memory_space<vmem_shared>>)
      tpu.yield
    }) : () -> ()
    %barrier3A_154 = arith.constant 0 : index
    tpu.barrier barrier_id(%barrier3A_154)
    %add3A_155 = arith.constant 0 : i32
    %add3A_156 = arith.addi %mul3A_2, %add3A_155 : i32
    %dma_start3A_157 = arith.constant 0 : i32
    %dma_start3A_158 = arith.constant 0 : i32
    %dma_start3A_159 = tpu.memref_slice %arg2[%arg0, %add3A_156, %dma_start3A_157, %dma_start3A_158] : memref<2x3168x3x256xi32, #tpu.memory_space<hbm>> -> memref<1x1x3x256xi32, #tpu.memory_space<hbm>>
    %dma_start3A_160 = tpu.memref_squeeze %dma_start3A_159 : memref<1x1x3x256xi32, #tpu.memory_space<hbm>> -> memref<3x256xi32, #tpu.memory_space<hbm>>
    %dma_start3A_161 = arith.constant 0 : i32
    %dma_start3A_162 = arith.constant 0 : i32
    %dma_start3A_163 = tpu.memref_slice %arg2[%arg0, %add3A_156, %dma_start3A_161, %dma_start3A_162] : memref<2x3168x3x256xi32, #tpu.memory_space<hbm>> -> memref<1x1x3x256xi32, #tpu.memory_space<hbm>>
    %dma_start3A_164 = tpu.memref_squeeze %dma_start3A_163 : memref<1x1x3x256xi32, #tpu.memory_space<hbm>> -> memref<3x256xi32, #tpu.memory_space<hbm>>
    tpu.enqueue_dma source(%dma_start3A_164 : memref<3x256xi32, #tpu.memory_space<hbm>>) target(%arg12 : memref<3x256xi32, #tpu.memory_space<vmem>>) target_semaphore(%arg21 : memref<!tpu.dma_semaphore, #tpu.memory_space<semaphore_mem>>)
    %add3A_165 = arith.constant 1 : i32
    %add3A_166 = arith.addi %mul3A_2, %add3A_165 : i32
    %dma_start3A_167 = arith.constant 0 : i32
    %dma_start3A_168 = arith.constant 0 : i32
    %dma_start3A_169 = tpu.memref_slice %arg2[%arg0, %add3A_166, %dma_start3A_167, %dma_start3A_168] : memref<2x3168x3x256xi32, #tpu.memory_space<hbm>> -> memref<1x1x3x256xi32, #tpu.memory_space<hbm>>
    %dma_start3A_170 = tpu.memref_squeeze %dma_start3A_169 : memref<1x1x3x256xi32, #tpu.memory_space<hbm>> -> memref<3x256xi32, #tpu.memory_space<hbm>>
    %dma_start3A_171 = arith.constant 0 : i32
    %dma_start3A_172 = arith.constant 0 : i32
    %dma_start3A_173 = tpu.memref_slice %arg2[%arg0, %add3A_166, %dma_start3A_171, %dma_start3A_172] : memref<2x3168x3x256xi32, #tpu.memory_space<hbm>> -> memref<1x1x3x256xi32, #tpu.memory_space<hbm>>
    %dma_start3A_174 = tpu.memref_squeeze %dma_start3A_173 : memref<1x1x3x256xi32, #tpu.memory_space<hbm>> -> memref<3x256xi32, #tpu.memory_space<hbm>>
    tpu.enqueue_dma source(%dma_start3A_174 : memref<3x256xi32, #tpu.memory_space<hbm>>) target(%arg13 : memref<3x256xi32, #tpu.memory_space<vmem>>) target_semaphore(%arg22 : memref<!tpu.dma_semaphore, #tpu.memory_space<semaphore_mem>>)
    %dma_wait3A_175 = arith.constant 0 : i32
    %dma_wait3A_176 = arith.constant 0 : i32
    %dma_wait3A_177 = tpu.memref_slice %arg2[%arg0, %mul3A_2, %dma_wait3A_175, %dma_wait3A_176] : memref<2x3168x3x256xi32, #tpu.memory_space<hbm>> -> memref<1x1x3x256xi32, #tpu.memory_space<hbm>>
    %dma_wait3A_178 = tpu.memref_squeeze %dma_wait3A_177 : memref<1x1x3x256xi32, #tpu.memory_space<hbm>> -> memref<3x256xi32, #tpu.memory_space<hbm>>
    %dma_wait3A_179 = arith.constant 0 : i32
    %dma_wait3A_180 = arith.constant 0 : i32
    %dma_wait3A_181 = tpu.memref_slice %arg2[%arg0, %mul3A_2, %dma_wait3A_179, %dma_wait3A_180] : memref<2x3168x3x256xi32, #tpu.memory_space<hbm>> -> memref<1x1x3x256xi32, #tpu.memory_space<hbm>>
    %dma_wait3A_182 = tpu.memref_squeeze %dma_wait3A_181 : memref<1x1x3x256xi32, #tpu.memory_space<hbm>> -> memref<3x256xi32, #tpu.memory_space<hbm>>
    tpu.wait_dma2 semaphore(%arg21 : memref<!tpu.dma_semaphore, #tpu.memory_space<semaphore_mem>>) src(%dma_wait3A_182 : memref<3x256xi32, #tpu.memory_space<hbm>>) dst(%arg12 : memref<3x256xi32, #tpu.memory_space<vmem>>)
    %dma_start3A_183 = arith.constant 0 : i32
    %dma_start3A_184 = arith.constant 0 : i32
    %dma_start3A_185 = tpu.memref_slice %arg12[%dma_start3A_183, %dma_start3A_184] : memref<3x256xi32, #tpu.memory_space<vmem>> -> memref<1x256xi32, #tpu.memory_space<vmem>>
    %dma_start3A_186 = tpu.memref_squeeze %dma_start3A_185 : memref<1x256xi32, #tpu.memory_space<vmem>> -> memref<256xi32, #tpu.memory_space<vmem>>
    %dma_start3A_187 = arith.constant 0 : i32
    %dma_start3A_188 = arith.constant 0 : i32
    %dma_start3A_189 = tpu.memref_slice %arg7[%dma_start3A_187, %dma_start3A_188] : memref<100096x32xf32, #tpu.memory_space<hbm>> -> memref<100096x32xf32, #tpu.memory_space<hbm>>
    tpu.enqueue_indirect_dma source(%dma_start3A_189 : memref<100096x32xf32, #tpu.memory_space<hbm>>) target(%arg9 : memref<256x32xf32, #tpu.memory_space<vmem>>) offsets(%dma_start3A_186 : memref<256xi32, #tpu.memory_space<vmem>>) semaphore(%arg15 : memref<!tpu.dma_semaphore, #tpu.memory_space<semaphore_mem>>)
    %add3A_190 = arith.constant 2 : i32
    %add3A_191 = arith.addi %mul3A_2, %add3A_190 : i32
    %dma_start3A_192 = arith.constant 0 : i32
    %dma_start3A_193 = arith.constant 0 : i32
    %dma_start3A_194 = tpu.memref_slice %arg2[%arg0, %add3A_191, %dma_start3A_192, %dma_start3A_193] : memref<2x3168x3x256xi32, #tpu.memory_space<hbm>> -> memref<1x1x3x256xi32, #tpu.memory_space<hbm>>
    %dma_start3A_195 = tpu.memref_squeeze %dma_start3A_194 : memref<1x1x3x256xi32, #tpu.memory_space<hbm>> -> memref<3x256xi32, #tpu.memory_space<hbm>>
    %dma_start3A_196 = arith.constant 0 : i32
    %dma_start3A_197 = arith.constant 0 : i32
    %dma_start3A_198 = tpu.memref_slice %arg2[%arg0, %add3A_191, %dma_start3A_196, %dma_start3A_197] : memref<2x3168x3x256xi32, #tpu.memory_space<hbm>> -> memref<1x1x3x256xi32, #tpu.memory_space<hbm>>
    %dma_start3A_199 = tpu.memref_squeeze %dma_start3A_198 : memref<1x1x3x256xi32, #tpu.memory_space<hbm>> -> memref<3x256xi32, #tpu.memory_space<hbm>>
    tpu.enqueue_dma source(%dma_start3A_199 : memref<3x256xi32, #tpu.memory_space<hbm>>) target(%arg14 : memref<3x256xi32, #tpu.memory_space<vmem>>) target_semaphore(%arg23 : memref<!tpu.dma_semaphore, #tpu.memory_space<semaphore_mem>>)
    %scan3A_200 = arith.constant 0 : i32
    %scan3A_201 = arith.constant 0 : i32
    %scan3A_202 = arith.constant 66 : i32
    %scan3A_203 = arith.addi %scan3A_201, %scan3A_202 : i32
    %scan3A_204 = arith.constant 1 : i32
    scf.for %scan3A_235 = %scan3A_201 to %scan3A_203 step %scan3A_204  : i32 {
      %mul3A_236 = arith.constant 3 : i32
      %mul3A_237 = arith.muli %mul3A_236, %scan3A_235 : i32
      %add3A_238 = arith.constant 0 : i32
      %add3A_239 = arith.addi %mul3A_237, %add3A_238 : i32
      %add3A_240 = arith.constant 2 : i32
      %add3A_241 = arith.addi %add3A_239, %add3A_240 : i32
      %min3A = arith.constant 197 : i32
      %min3A_242 = arith.minsi %add3A_241, %min3A : i32
      %gt3A = arith.constant 0 : i32
      %gt3A_243 = arith.cmpi sgt, %scan3A_235, %gt3A : i32
      %convert_element_type3A = arith.extui %gt3A_243 : i1 to i32
      %cond3A = arith.constant 0 : i32
      %cond3A_244 = arith.cmpi ne, %convert_element_type3A, %cond3A : i32
      scf.if %cond3A_244 {
        %dma_wait3A_398 = arith.constant 2 : i32
        %dma_wait3A_399 = arith.constant 0 : i32
        %dma_wait3A_400 = tpu.memref_slice %arg14[%dma_wait3A_398, %dma_wait3A_399] : memref<3x256xi32, #tpu.memory_space<vmem>> -> memref<1x256xi32, #tpu.memory_space<vmem>>
        %dma_wait3A_401 = tpu.memref_squeeze %dma_wait3A_400 : memref<1x256xi32, #tpu.memory_space<vmem>> -> memref<256xi32, #tpu.memory_space<vmem>>
        %dma_wait3A_402 = arith.constant 0 : i32
        %dma_wait3A_403 = arith.constant 0 : i32
        %dma_wait3A_404 = tpu.memref_slice %arg8[%dma_wait3A_402, %dma_wait3A_403] : memref<50048x32xf32, #tpu.memory_space<vmem_shared>> -> memref<50048x32xf32, #tpu.memory_space<vmem_shared>>
        tpu.wait_indirect_dma semaphore(%arg20 : memref<!tpu.dma_semaphore, #tpu.memory_space<semaphore_mem>>) src(%arg11 : memref<256x32xf32, #tpu.memory_space<vmem>>) dst(%dma_wait3A_404 : memref<50048x32xf32, #tpu.memory_space<vmem_shared>>)
        %add3A_405 = arith.addi %mul3A_2, %min3A_242 : i32
        %dma_start3A_406 = arith.constant 0 : i32
        %dma_start3A_407 = arith.constant 0 : i32
        %dma_start3A_408 = tpu.memref_slice %arg2[%arg0, %add3A_405, %dma_start3A_406, %dma_start3A_407] : memref<2x3168x3x256xi32, #tpu.memory_space<hbm>> -> memref<1x1x3x256xi32, #tpu.memory_space<hbm>>
        %dma_start3A_409 = tpu.memref_squeeze %dma_start3A_408 : memref<1x1x3x256xi32, #tpu.memory_space<hbm>> -> memref<3x256xi32, #tpu.memory_space<hbm>>
        %dma_start3A_410 = arith.constant 0 : i32
        %dma_start3A_411 = arith.constant 0 : i32
        %dma_start3A_412 = tpu.memref_slice %arg2[%arg0, %add3A_405, %dma_start3A_410, %dma_start3A_411] : memref<2x3168x3x256xi32, #tpu.memory_space<hbm>> -> memref<1x1x3x256xi32, #tpu.memory_space<hbm>>
        %dma_start3A_413 = tpu.memref_squeeze %dma_start3A_412 : memref<1x1x3x256xi32, #tpu.memory_space<hbm>> -> memref<3x256xi32, #tpu.memory_space<hbm>>
        tpu.enqueue_dma source(%dma_start3A_413 : memref<3x256xi32, #tpu.memory_space<hbm>>) target(%arg14 : memref<3x256xi32, #tpu.memory_space<vmem>>) target_semaphore(%arg23 : memref<!tpu.dma_semaphore, #tpu.memory_space<semaphore_mem>>)
      } else {
      }
      %dma_wait3A_245 = arith.constant 0 : i32
      %dma_wait3A_246 = arith.constant 0 : i32
      %dma_wait3A_247 = tpu.memref_slice %arg2[%arg0, %mul3A_2, %dma_wait3A_245, %dma_wait3A_246] : memref<2x3168x3x256xi32, #tpu.memory_space<hbm>> -> memref<1x1x3x256xi32, #tpu.memory_space<hbm>>
      %dma_wait3A_248 = tpu.memref_squeeze %dma_wait3A_247 : memref<1x1x3x256xi32, #tpu.memory_space<hbm>> -> memref<3x256xi32, #tpu.memory_space<hbm>>
      %dma_wait3A_249 = arith.constant 0 : i32
      %dma_wait3A_250 = arith.constant 0 : i32
      %dma_wait3A_251 = tpu.memref_slice %arg2[%arg0, %mul3A_2, %dma_wait3A_249, %dma_wait3A_250] : memref<2x3168x3x256xi32, #tpu.memory_space<hbm>> -> memref<1x1x3x256xi32, #tpu.memory_space<hbm>>
      %dma_wait3A_252 = tpu.memref_squeeze %dma_wait3A_251 : memref<1x1x3x256xi32, #tpu.memory_space<hbm>> -> memref<3x256xi32, #tpu.memory_space<hbm>>
      tpu.wait_dma2 semaphore(%arg22 : memref<!tpu.dma_semaphore, #tpu.memory_space<semaphore_mem>>) src(%dma_wait3A_252 : memref<3x256xi32, #tpu.memory_space<hbm>>) dst(%arg13 : memref<3x256xi32, #tpu.memory_space<vmem>>)
      %dma_start3A_253 = arith.constant 0 : i32
      %dma_start3A_254 = arith.constant 0 : i32
      %dma_start3A_255 = tpu.memref_slice %arg13[%dma_start3A_253, %dma_start3A_254] : memref<3x256xi32, #tpu.memory_space<vmem>> -> memref<1x256xi32, #tpu.memory_space<vmem>>
      %dma_start3A_256 = tpu.memref_squeeze %dma_start3A_255 : memref<1x256xi32, #tpu.memory_space<vmem>> -> memref<256xi32, #tpu.memory_space<vmem>>
      %dma_start3A_257 = arith.constant 0 : i32
      %dma_start3A_258 = arith.constant 0 : i32
      %dma_start3A_259 = tpu.memref_slice %arg7[%dma_start3A_257, %dma_start3A_258] : memref<100096x32xf32, #tpu.memory_space<hbm>> -> memref<100096x32xf32, #tpu.memory_space<hbm>>
      tpu.enqueue_indirect_dma source(%dma_start3A_259 : memref<100096x32xf32, #tpu.memory_space<hbm>>) target(%arg10 : memref<256x32xf32, #tpu.memory_space<vmem>>) offsets(%dma_start3A_256 : memref<256xi32, #tpu.memory_space<vmem>>) semaphore(%arg16 : memref<!tpu.dma_semaphore, #tpu.memory_space<semaphore_mem>>)
      %dma_wait3A_260 = arith.constant 0 : i32
      %dma_wait3A_261 = arith.constant 0 : i32
      %dma_wait3A_262 = tpu.memref_slice %arg12[%dma_wait3A_260, %dma_wait3A_261] : memref<3x256xi32, #tpu.memory_space<vmem>> -> memref<1x256xi32, #tpu.memory_space<vmem>>
      %dma_wait3A_263 = tpu.memref_squeeze %dma_wait3A_262 : memref<1x256xi32, #tpu.memory_space<vmem>> -> memref<256xi32, #tpu.memory_space<vmem>>
      %dma_wait3A_264 = arith.constant 0 : i32
      %dma_wait3A_265 = arith.constant 0 : i32
      %dma_wait3A_266 = tpu.memref_slice %arg7[%dma_wait3A_264, %dma_wait3A_265] : memref<100096x32xf32, #tpu.memory_space<hbm>> -> memref<100096x32xf32, #tpu.memory_space<hbm>>
      tpu.wait_indirect_dma semaphore(%arg15 : memref<!tpu.dma_semaphore, #tpu.memory_space<semaphore_mem>>) src(%dma_wait3A_266 : memref<100096x32xf32, #tpu.memory_space<hbm>>) dst(%arg9 : memref<256x32xf32, #tpu.memory_space<vmem>>)
      %scan3A_267 = arith.constant 0 : i32
      %scan3A_268 = arith.constant 0 : i32
      %scan3A_269 = arith.constant 16 : i32
      %scan3A_270 = arith.addi %scan3A_268, %scan3A_269 : i32
      %scan3A_271 = arith.constant 1 : i32
      scf.for %scan3A_398 = %scan3A_268 to %scan3A_270 step %scan3A_271  : i32 {
        %mul3A_399 = arith.constant 16 : i32
        %mul3A_400 = arith.muli %scan3A_398, %mul3A_399 : i32
        %get3A = arith.constant 1 : i32
        %get3A_401 = arith.index_cast %get3A : i32 to index
        %get3A_402 = arith.index_cast %mul3A_400 : i32 to index
        %get3A_403 = tpu.vector_load %arg12[%get3A_401, %get3A_402] {strides = array<i32>} : memref<3x256xi32, #tpu.memory_space<vmem>>, vector<16xi32>,
        %bitcast3A = vector.bitcast %get3A_403 : vector<16xi32> to vector<16xf32>
        %add3A_404 = arith.constant 0 : i32
        %add3A_405 = arith.addi %mul3A_400, %add3A_404 : i32
        %slice3A = vector.extract_strided_slice %bitcast3A {offsets = [0], sizes = [1], strides = [1]} : vector<16xf32> to vector<1xf32>
        %squeeze3A = vector.extract %slice3A[0] : f32 from vector<1xf32>
        %get3A_406 = arith.index_cast %add3A_405 : i32 to index
        %get3A_407 = arith.constant 0 : index
        %get3A_408 = tpu.vector_load %arg9[%get3A_406, %get3A_407] {strides = array<i32>} : memref<256x32xf32, #tpu.memory_space<vmem>>, vector<16xf32>,
        %mul3A_409 = vector.broadcast %squeeze3A : f32 to vector<16xf32>
        %mul3A_410 = arith.mulf %get3A_408, %mul3A_409 : vector<16xf32>
        %swap3A = arith.index_cast %add3A_405 : i32 to index
        %swap3A_411 = arith.constant 0 : index
        %swap3A_412 = tpu.vector_load %arg9[%swap3A, %swap3A_411] {strides = array<i32>} : memref<256x32xf32, #tpu.memory_space<vmem>>, vector<16xf32>,
        tpu.vector_store %arg9[%swap3A, %swap3A_411], %mul3A_410 {strides = array<i32>} : memref<256x32xf32, #tpu.memory_space<vmem>>, vector<16xf32>,
        %get3A_413 = arith.index_cast %add3A_405 : i32 to index
        %get3A_414 = arith.constant 16 : index
        %get3A_415 = tpu.vector_load %arg9[%get3A_413, %get3A_414] {strides = array<i32>} : memref<256x32xf32, #tpu.memory_space<vmem>>, vector<16xf32>,
        %mul3A_416 = vector.broadcast %squeeze3A : f32 to vector<16xf32>
        %mul3A_417 = arith.mulf %get3A_415, %mul3A_416 : vector<16xf32>
        %swap3A_418 = arith.index_cast %add3A_405 : i32 to index
        %swap3A_419 = arith.constant 16 : index
        %swap3A_420 = tpu.vector_load %arg9[%swap3A_418, %swap3A_419] {strides = array<i32>} : memref<256x32xf32, #tpu.memory_space<vmem>>, vector<16xf32>,
        tpu.vector_store %arg9[%swap3A_418, %swap3A_419], %mul3A_417 {strides = array<i32>} : memref<256x32xf32, #tpu.memory_space<vmem>>, vector<16xf32>,
        %add3A_421 = arith.constant 1 : i32
        %add3A_422 = arith.addi %mul3A_400, %add3A_421 : i32
        %slice3A_423 = vector.extract_strided_slice %bitcast3A {offsets = [1], sizes = [1], strides = [1]} : vector<16xf32> to vector<1xf32>
        %squeeze3A_424 = vector.extract %slice3A_423[0] : f32 from vector<1xf32>
        %get3A_425 = arith.index_cast %add3A_422 : i32 to index
        %get3A_426 = arith.constant 0 : index
        %get3A_427 = tpu.vector_load %arg9[%get3A_425, %get3A_426] {strides = array<i32>} : memref<256x32xf32, #tpu.memory_space<vmem>>, vector<16xf32>,
        %mul3A_428 = vector.broadcast %squeeze3A_424 : f32 to vector<16xf32>
        %mul3A_429 = arith.mulf %get3A_427, %mul3A_428 : vector<16xf32>
        %swap3A_430 = arith.index_cast %add3A_422 : i32 to index
        %swap3A_431 = arith.constant 0 : index
        %swap3A_432 = tpu.vector_load %arg9[%swap3A_430, %swap3A_431] {strides = array<i32>} : memref<256x32xf32, #tpu.memory_space<vmem>>, vector<16xf32>,
        tpu.vector_store %arg9[%swap3A_430, %swap3A_431], %mul3A_429 {strides = array<i32>} : memref<256x32xf32, #tpu.memory_space<vmem>>, vector<16xf32>,
        %get3A_433 = arith.index_cast %add3A_422 : i32 to index
        %get3A_434 = arith.constant 16 : index
        %get3A_435 = tpu.vector_load %arg9[%get3A_433, %get3A_434] {strides = array<i32>} : memref<256x32xf32, #tpu.memory_space<vmem>>, vector<16xf32>,
        %mul3A_436 = vector.broadcast %squeeze3A_424 : f32 to vector<16xf32>
        %mul3A_437 = arith.mulf %get3A_435, %mul3A_436 : vector<16xf32>
        %swap3A_438 = arith.index_cast %add3A_422 : i32 to index
        %swap3A_439 = arith.constant 16 : index
        %swap3A_440 = tpu.vector_load %arg9[%swap3A_438, %swap3A_439] {strides = array<i32>} : memref<256x32xf32, #tpu.memory_space<vmem>>, vector<16xf32>,
        tpu.vector_store %arg9[%swap3A_438, %swap3A_439], %mul3A_437 {strides = array<i32>} : memref<256x32xf32, #tpu.memory_space<vmem>>, vector<16xf32>,
        %add3A_441 = arith.constant 2 : i32
        %add3A_442 = arith.addi %mul3A_400, %add3A_441 : i32
        %slice3A_443 = vector.extract_strided_slice %bitcast3A {offsets = [2], sizes = [1], strides = [1]} : vector<16xf32> to vector<1xf32>
        %squeeze3A_444 = vector.extract %slice3A_443[0] : f32 from vector<1xf32>
        %get3A_445 = arith.index_cast %add3A_442 : i32 to index
        %get3A_446 = arith.constant 0 : index
        %get3A_447 = tpu.vector_load %arg9[%get3A_445, %get3A_446] {strides = array<i32>} : memref<256x32xf32, #tpu.memory_space<vmem>>, vector<16xf32>,
        %mul3A_448 = vector.broadcast %squeeze3A_444 : f32 to vector<16xf32>
        %mul3A_449 = arith.mulf %get3A_447, %mul3A_448 : vector<16xf32>
        %swap3A_450 = arith.index_cast %add3A_442 : i32 to index
        %swap3A_451 = arith.constant 0 : index
        %swap3A_452 = tpu.vector_load %arg9[%swap3A_450, %swap3A_451] {strides = array<i32>} : memref<256x32xf32, #tpu.memory_space<vmem>>, vector<16xf32>,
        tpu.vector_store %arg9[%swap3A_450, %swap3A_451], %mul3A_449 {strides = array<i32>} : memref<256x32xf32, #tpu.memory_space<vmem>>, vector<16xf32>,
        %get3A_453 = arith.index_cast %add3A_442 : i32 to index
        %get3A_454 = arith.constant 16 : index
        %get3A_455 = tpu.vector_load %arg9[%get3A_453, %get3A_454] {strides = array<i32>} : memref<256x32xf32, #tpu.memory_space<vmem>>, vector<16xf32>,
        %mul3A_456 = vector.broadcast %squeeze3A_444 : f32 to vector<16xf32>
        %mul3A_457 = arith.mulf %get3A_455, %mul3A_456 : vector<16xf32>
        %swap3A_458 = arith.index_cast %add3A_442 : i32 to index
        %swap3A_459 = arith.constant 16 : index
        %swap3A_460 = tpu.vector_load %arg9[%swap3A_458, %swap3A_459] {strides = array<i32>} : memref<256x32xf32, #tpu.memory_space<vmem>>, vector<16xf32>,
        tpu.vector_store %arg9[%swap3A_458, %swap3A_459], %mul3A_457 {strides = array<i32>} : memref<256x32xf32, #tpu.memory_space<vmem>>, vector<16xf32>,
        %add3A_461 = arith.constant 3 : i32
        %add3A_462 = arith.addi %mul3A_400, %add3A_461 : i32
        %slice3A_463 = vector.extract_strided_slice %bitcast3A {offsets = [3], sizes = [1], strides = [1]} : vector<16xf32> to vector<1xf32>
        %squeeze3A_464 = vector.extract %slice3A_463[0] : f32 from vector<1xf32>
        %get3A_465 = arith.index_cast %add3A_462 : i32 to index
        %get3A_466 = arith.constant 0 : index
        %get3A_467 = tpu.vector_load %arg9[%get3A_465, %get3A_466] {strides = array<i32>} : memref<256x32xf32, #tpu.memory_space<vmem>>, vector<16xf32>,
        %mul3A_468 = vector.broadcast %squeeze3A_464 : f32 to vector<16xf32>
        %mul3A_469 = arith.mulf %get3A_467, %mul3A_468 : vector<16xf32>
        %swap3A_470 = arith.index_cast %add3A_462 : i32 to index
        %swap3A_471 = arith.constant 0 : index
        %swap3A_472 = tpu.vector_load %arg9[%swap3A_470, %swap3A_471] {strides = array<i32>} : memref<256x32xf32, #tpu.memory_space<vmem>>, vector<16xf32>,
        tpu.vector_store %arg9[%swap3A_470, %swap3A_471], %mul3A_469 {strides = array<i32>} : memref<256x32xf32, #tpu.memory_space<vmem>>, vector<16xf32>,
        %get3A_473 = arith.index_cast %add3A_462 : i32 to index
        %get3A_474 = arith.constant 16 : index
        %get3A_475 = tpu.vector_load %arg9[%get3A_473, %get3A_474] {strides = array<i32>} : memref<256x32xf32, #tpu.memory_space<vmem>>, vector<16xf32>,
        %mul3A_476 = vector.broadcast %squeeze3A_464 : f32 to vector<16xf32>
        %mul3A_477 = arith.mulf %get3A_475, %mul3A_476 : vector<16xf32>
        %swap3A_478 = arith.index_cast %add3A_462 : i32 to index
        %swap3A_479 = arith.constant 16 : index
        %swap3A_480 = tpu.vector_load %arg9[%swap3A_478, %swap3A_479] {strides = array<i32>} : memref<256x32xf32, #tpu.memory_space<vmem>>, vector<16xf32>,
        tpu.vector_store %arg9[%swap3A_478, %swap3A_479], %mul3A_477 {strides = array<i32>} : memref<256x32xf32, #tpu.memory_space<vmem>>, vector<16xf32>,
        %add3A_481 = arith.constant 4 : i32
        %add3A_482 = arith.addi %mul3A_400, %add3A_481 : i32
        %slice3A_483 = vector.extract_strided_slice %bitcast3A {offsets = [4], sizes = [1], strides = [1]} : vector<16xf32> to vector<1xf32>
        %squeeze3A_484 = vector.extract %slice3A_483[0] : f32 from vector<1xf32>
        %get3A_485 = arith.index_cast %add3A_482 : i32 to index
        %get3A_486 = arith.constant 0 : index
        %get3A_487 = tpu.vector_load %arg9[%get3A_485, %get3A_486] {strides = array<i32>} : memref<256x32xf32, #tpu.memory_space<vmem>>, vector<16xf32>,
        %mul3A_488 = vector.broadcast %squeeze3A_484 : f32 to vector<16xf32>
        %mul3A_489 = arith.mulf %get3A_487, %mul3A_488 : vector<16xf32>
        %swap3A_490 = arith.index_cast %add3A_482 : i32 to index
        %swap3A_491 = arith.constant 0 : index
        %swap3A_492 = tpu.vector_load %arg9[%swap3A_490, %swap3A_491] {strides = array<i32>} : memref<256x32xf32, #tpu.memory_space<vmem>>, vector<16xf32>,
        tpu.vector_store %arg9[%swap3A_490, %swap3A_491], %mul3A_489 {strides = array<i32>} : memref<256x32xf32, #tpu.memory_space<vmem>>, vector<16xf32>,
        %get3A_493 = arith.index_cast %add3A_482 : i32 to index
        %get3A_494 = arith.constant 16 : index
        %get3A_495 = tpu.vector_load %arg9[%get3A_493, %get3A_494] {strides = array<i32>} : memref<256x32xf32, #tpu.memory_space<vmem>>, vector<16xf32>,
        %mul3A_496 = vector.broadcast %squeeze3A_484 : f32 to vector<16xf32>
        %mul3A_497 = arith.mulf %get3A_495, %mul3A_496 : vector<16xf32>
        %swap3A_498 = arith.index_cast %add3A_482 : i32 to index
        %swap3A_499 = arith.constant 16 : index
        %swap3A_500 = tpu.vector_load %arg9[%swap3A_498, %swap3A_499] {strides = array<i32>} : memref<256x32xf32, #tpu.memory_space<vmem>>, vector<16xf32>,
        tpu.vector_store %arg9[%swap3A_498, %swap3A_499], %mul3A_497 {strides = array<i32>} : memref<256x32xf32, #tpu.memory_space<vmem>>, vector<16xf32>,
        %add3A_501 = arith.constant 5 : i32
        %add3A_502 = arith.addi %mul3A_400, %add3A_501 : i32
        %slice3A_503 = vector.extract_strided_slice %bitcast3A {offsets = [5], sizes = [1], strides = [1]} : vector<16xf32> to vector<1xf32>
        %squeeze3A_504 = vector.extract %slice3A_503[0] : f32 from vector<1xf32>
        %get3A_505 = arith.index_cast %add3A_502 : i32 to index
        %get3A_506 = arith.constant 0 : index
        %get3A_507 = tpu.vector_load %arg9[%get3A_505, %get3A_506] {strides = array<i32>} : memref<256x32xf32, #tpu.memory_space<vmem>>, vector<16xf32>,
        %mul3A_508 = vector.broadcast %squeeze3A_504 : f32 to vector<16xf32>
        %mul3A_509 = arith.mulf %get3A_507, %mul3A_508 : vector<16xf32>
        %swap3A_510 = arith.index_cast %add3A_502 : i32 to index
        %swap3A_511 = arith.constant 0 : index
        %swap3A_512 = tpu.vector_load %arg9[%swap3A_510, %swap3A_511] {strides = array<i32>} : memref<256x32xf32, #tpu.memory_space<vmem>>, vector<16xf32>,
        tpu.vector_store %arg9[%swap3A_510, %swap3A_511], %mul3A_509 {strides = array<i32>} : memref<256x32xf32, #tpu.memory_space<vmem>>, vector<16xf32>,
        %get3A_513 = arith.index_cast %add3A_502 : i32 to index
        %get3A_514 = arith.constant 16 : index
        %get3A_515 = tpu.vector_load %arg9[%get3A_513, %get3A_514] {strides = array<i32>} : memref<256x32xf32, #tpu.memory_space<vmem>>, vector<16xf32>,
        %mul3A_516 = vector.broadcast %squeeze3A_504 : f32 to vector<16xf32>
        %mul3A_517 = arith.mulf %get3A_515, %mul3A_516 : vector<16xf32>
        %swap3A_518 = arith.index_cast %add3A_502 : i32 to index
        %swap3A_519 = arith.constant 16 : index
        %swap3A_520 = tpu.vector_load %arg9[%swap3A_518, %swap3A_519] {strides = array<i32>} : memref<256x32xf32, #tpu.memory_space<vmem>>, vector<16xf32>,
        tpu.vector_store %arg9[%swap3A_518, %swap3A_519], %mul3A_517 {strides = array<i32>} : memref<256x32xf32, #tpu.memory_space<vmem>>, vector<16xf32>,
        %add3A_521 = arith.constant 6 : i32
        %add3A_522 = arith.addi %mul3A_400, %add3A_521 : i32
        %slice3A_523 = vector.extract_strided_slice %bitcast3A {offsets = [6], sizes = [1], strides = [1]} : vector<16xf32> to vector<1xf32>
        %squeeze3A_524 = vector.extract %slice3A_523[0] : f32 from vector<1xf32>
        %get3A_525 = arith.index_cast %add3A_522 : i32 to index
        %get3A_526 = arith.constant 0 : index
        %get3A_527 = tpu.vector_load %arg9[%get3A_525, %get3A_526] {strides = array<i32>} : memref<256x32xf32, #tpu.memory_space<vmem>>, vector<16xf32>,
        %mul3A_528 = vector.broadcast %squeeze3A_524 : f32 to vector<16xf32>
        %mul3A_529 = arith.mulf %get3A_527, %mul3A_528 : vector<16xf32>
        %swap3A_530 = arith.index_cast %add3A_522 : i32 to index
        %swap3A_531 = arith.constant 0 : index
        %swap3A_532 = tpu.vector_load %arg9[%swap3A_530, %swap3A_531] {strides = array<i32>} : memref<256x32xf32, #tpu.memory_space<vmem>>, vector<16xf32>,
        tpu.vector_store %arg9[%swap3A_530, %swap3A_531], %mul3A_529 {strides = array<i32>} : memref<256x32xf32, #tpu.memory_space<vmem>>, vector<16xf32>,
        %get3A_533 = arith.index_cast %add3A_522 : i32 to index
        %get3A_534 = arith.constant 16 : index
        %get3A_535 = tpu.vector_load %arg9[%get3A_533, %get3A_534] {strides = array<i32>} : memref<256x32xf32, #tpu.memory_space<vmem>>, vector<16xf32>,
        %mul3A_536 = vector.broadcast %squeeze3A_524 : f32 to vector<16xf32>
        %mul3A_537 = arith.mulf %get3A_535, %mul3A_536 : vector<16xf32>
        %swap3A_538 = arith.index_cast %add3A_522 : i32 to index
        %swap3A_539 = arith.constant 16 : index
        %swap3A_540 = tpu.vector_load %arg9[%swap3A_538, %swap3A_539] {strides = array<i32>} : memref<256x32xf32, #tpu.memory_space<vmem>>, vector<16xf32>,
        tpu.vector_store %arg9[%swap3A_538, %swap3A_539], %mul3A_537 {strides = array<i32>} : memref<256x32xf32, #tpu.memory_space<vmem>>, vector<16xf32>,
        %add3A_541 = arith.constant 7 : i32
        %add3A_542 = arith.addi %mul3A_400, %add3A_541 : i32
        %slice3A_543 = vector.extract_strided_slice %bitcast3A {offsets = [7], sizes = [1], strides = [1]} : vector<16xf32> to vector<1xf32>
        %squeeze3A_544 = vector.extract %slice3A_543[0] : f32 from vector<1xf32>
        %get3A_545 = arith.index_cast %add3A_542 : i32 to index
        %get3A_546 = arith.constant 0 : index
        %get3A_547 = tpu.vector_load %arg9[%get3A_545, %get3A_546] {strides = array<i32>} : memref<256x32xf32, #tpu.memory_space<vmem>>, vector<16xf32>,
        %mul3A_548 = vector.broadcast %squeeze3A_544 : f32 to vector<16xf32>
        %mul3A_549 = arith.mulf %get3A_547, %mul3A_548 : vector<16xf32>
        %swap3A_550 = arith.index_cast %add3A_542 : i32 to index
        %swap3A_551 = arith.constant 0 : index
        %swap3A_552 = tpu.vector_load %arg9[%swap3A_550, %swap3A_551] {strides = array<i32>} : memref<256x32xf32, #tpu.memory_space<vmem>>, vector<16xf32>,
        tpu.vector_store %arg9[%swap3A_550, %swap3A_551], %mul3A_549 {strides = array<i32>} : memref<256x32xf32, #tpu.memory_space<vmem>>, vector<16xf32>,
        %get3A_553 = arith.index_cast %add3A_542 : i32 to index
        %get3A_554 = arith.constant 16 : index
        %get3A_555 = tpu.vector_load %arg9[%get3A_553, %get3A_554] {strides = array<i32>} : memref<256x32xf32, #tpu.memory_space<vmem>>, vector<16xf32>,
        %mul3A_556 = vector.broadcast %squeeze3A_544 : f32 to vector<16xf32>
        %mul3A_557 = arith.mulf %get3A_555, %mul3A_556 : vector<16xf32>
        %swap3A_558 = arith.index_cast %add3A_542 : i32 to index
        %swap3A_559 = arith.constant 16 : index
        %swap3A_560 = tpu.vector_load %arg9[%swap3A_558, %swap3A_559] {strides = array<i32>} : memref<256x32xf32, #tpu.memory_space<vmem>>, vector<16xf32>,
        tpu.vector_store %arg9[%swap3A_558, %swap3A_559], %mul3A_557 {strides = array<i32>} : memref<256x32xf32, #tpu.memory_space<vmem>>, vector<16xf32>,
        %add3A_561 = arith.constant 8 : i32
        %add3A_562 = arith.addi %mul3A_400, %add3A_561 : i32
        %slice3A_563 = vector.extract_strided_slice %bitcast3A {offsets = [8], sizes = [1], strides = [1]} : vector<16xf32> to vector<1xf32>
        %squeeze3A_564 = vector.extract %slice3A_563[0] : f32 from vector<1xf32>
        %get3A_565 = arith.index_cast %add3A_562 : i32 to index
        %get3A_566 = arith.constant 0 : index
        %get3A_567 = tpu.vector_load %arg9[%get3A_565, %get3A_566] {strides = array<i32>} : memref<256x32xf32, #tpu.memory_space<vmem>>, vector<16xf32>,
        %mul3A_568 = vector.broadcast %squeeze3A_564 : f32 to vector<16xf32>
        %mul3A_569 = arith.mulf %get3A_567, %mul3A_568 : vector<16xf32>
        %swap3A_570 = arith.index_cast %add3A_562 : i32 to index
        %swap3A_571 = arith.constant 0 : index
        %swap3A_572 = tpu.vector_load %arg9[%swap3A_570, %swap3A_571] {strides = array<i32>} : memref<256x32xf32, #tpu.memory_space<vmem>>, vector<16xf32>,
        tpu.vector_store %arg9[%swap3A_570, %swap3A_571], %mul3A_569 {strides = array<i32>} : memref<256x32xf32, #tpu.memory_space<vmem>>, vector<16xf32>,
        %get3A_573 = arith.index_cast %add3A_562 : i32 to index
        %get3A_574 = arith.constant 16 : index
        %get3A_575 = tpu.vector_load %arg9[%get3A_573, %get3A_574] {strides = array<i32>} : memref<256x32xf32, #tpu.memory_space<vmem>>, vector<16xf32>,
        %mul3A_576 = vector.broadcast %squeeze3A_564 : f32 to vector<16xf32>
        %mul3A_577 = arith.mulf %get3A_575, %mul3A_576 : vector<16xf32>
        %swap3A_578 = arith.index_cast %add3A_562 : i32 to index
        %swap3A_579 = arith.constant 16 : index
        %swap3A_580 = tpu.vector_load %arg9[%swap3A_578, %swap3A_579] {strides = array<i32>} : memref<256x32xf32, #tpu.memory_space<vmem>>, vector<16xf32>,
        tpu.vector_store %arg9[%swap3A_578, %swap3A_579], %mul3A_577 {strides = array<i32>} : memref<256x32xf32, #tpu.memory_space<vmem>>, vector<16xf32>,
        %add3A_581 = arith.constant 9 : i32
        %add3A_582 = arith.addi %mul3A_400, %add3A_581 : i32
        %slice3A_583 = vector.extract_strided_slice %bitcast3A {offsets = [9], sizes = [1], strides = [1]} : vector<16xf32> to vector<1xf32>
        %squeeze3A_584 = vector.extract %slice3A_583[0] : f32 from vector<1xf32>
        %get3A_585 = arith.index_cast %add3A_582 : i32 to index
        %get3A_586 = arith.constant 0 : index
        %get3A_587 = tpu.vector_load %arg9[%get3A_585, %get3A_586] {strides = array<i32>} : memref<256x32xf32, #tpu.memory_space<vmem>>, vector<16xf32>,
        %mul3A_588 = vector.broadcast %squeeze3A_584 : f32 to vector<16xf32>
        %mul3A_589 = arith.mulf %get3A_587, %mul3A_588 : vector<16xf32>
        %swap3A_590 = arith.index_cast %add3A_582 : i32 to index
        %swap3A_591 = arith.constant 0 : index
        %swap3A_592 = tpu.vector_load %arg9[%swap3A_590, %swap3A_591] {strides = array<i32>} : memref<256x32xf32, #tpu.memory_space<vmem>>, vector<16xf32>,
        tpu.vector_store %arg9[%swap3A_590, %swap3A_591], %mul3A_589 {strides = array<i32>} : memref<256x32xf32, #tpu.memory_space<vmem>>, vector<16xf32>,
        %get3A_593 = arith.index_cast %add3A_582 : i32 to index
        %get3A_594 = arith.constant 16 : index
        %get3A_595 = tpu.vector_load %arg9[%get3A_593, %get3A_594] {strides = array<i32>} : memref<256x32xf32, #tpu.memory_space<vmem>>, vector<16xf32>,
        %mul3A_596 = vector.broadcast %squeeze3A_584 : f32 to vector<16xf32>
        %mul3A_597 = arith.mulf %get3A_595, %mul3A_596 : vector<16xf32>
        %swap3A_598 = arith.index_cast %add3A_582 : i32 to index
        %swap3A_599 = arith.constant 16 : index
        %swap3A_600 = tpu.vector_load %arg9[%swap3A_598, %swap3A_599] {strides = array<i32>} : memref<256x32xf32, #tpu.memory_space<vmem>>, vector<16xf32>,
        tpu.vector_store %arg9[%swap3A_598, %swap3A_599], %mul3A_597 {strides = array<i32>} : memref<256x32xf32, #tpu.memory_space<vmem>>, vector<16xf32>,
        %add3A_601 = arith.constant 10 : i32
        %add3A_602 = arith.addi %mul3A_400, %add3A_601 : i32
        %slice3A_603 = vector.extract_strided_slice %bitcast3A {offsets = [10], sizes = [1], strides = [1]} : vector<16xf32> to vector<1xf32>
        %squeeze3A_604 = vector.extract %slice3A_603[0] : f32 from vector<1xf32>
        %get3A_605 = arith.index_cast %add3A_602 : i32 to index
        %get3A_606 = arith.constant 0 : index
        %get3A_607 = tpu.vector_load %arg9[%get3A_605, %get3A_606] {strides = array<i32>} : memref<256x32xf32, #tpu.memory_space<vmem>>, vector<16xf32>,
        %mul3A_608 = vector.broadcast %squeeze3A_604 : f32 to vector<16xf32>
        %mul3A_609 = arith.mulf %get3A_607, %mul3A_608 : vector<16xf32>
        %swap3A_610 = arith.index_cast %add3A_602 : i32 to index
        %swap3A_611 = arith.constant 0 : index
        %swap3A_612 = tpu.vector_load %arg9[%swap3A_610, %swap3A_611] {strides = array<i32>} : memref<256x32xf32, #tpu.memory_space<vmem>>, vector<16xf32>,
        tpu.vector_store %arg9[%swap3A_610, %swap3A_611], %mul3A_609 {strides = array<i32>} : memref<256x32xf32, #tpu.memory_space<vmem>>, vector<16xf32>,
        %get3A_613 = arith.index_cast %add3A_602 : i32 to index
        %get3A_614 = arith.constant 16 : index
        %get3A_615 = tpu.vector_load %arg9[%get3A_613, %get3A_614] {strides = array<i32>} : memref<256x32xf32, #tpu.memory_space<vmem>>, vector<16xf32>,
        %mul3A_616 = vector.broadcast %squeeze3A_604 : f32 to vector<16xf32>
        %mul3A_617 = arith.mulf %get3A_615, %mul3A_616 : vector<16xf32>
        %swap3A_618 = arith.index_cast %add3A_602 : i32 to index
        %swap3A_619 = arith.constant 16 : index
        %swap3A_620 = tpu.vector_load %arg9[%swap3A_618, %swap3A_619] {strides = array<i32>} : memref<256x32xf32, #tpu.memory_space<vmem>>, vector<16xf32>,
        tpu.vector_store %arg9[%swap3A_618, %swap3A_619], %mul3A_617 {strides = array<i32>} : memref<256x32xf32, #tpu.memory_space<vmem>>, vector<16xf32>,
        %add3A_621 = arith.constant 11 : i32
        %add3A_622 = arith.addi %mul3A_400, %add3A_621 : i32
        %slice3A_623 = vector.extract_strided_slice %bitcast3A {offsets = [11], sizes = [1], strides = [1]} : vector<16xf32> to vector<1xf32>
        %squeeze3A_624 = vector.extract %slice3A_623[0] : f32 from vector<1xf32>
        %get3A_625 = arith.index_cast %add3A_622 : i32 to index
        %get3A_626 = arith.constant 0 : index
        %get3A_627 = tpu.vector_load %arg9[%get3A_625, %get3A_626] {strides = array<i32>} : memref<256x32xf32, #tpu.memory_space<vmem>>, vector<16xf32>,
        %mul3A_628 = vector.broadcast %squeeze3A_624 : f32 to vector<16xf32>
        %mul3A_629 = arith.mulf %get3A_627, %mul3A_628 : vector<16xf32>
        %swap3A_630 = arith.index_cast %add3A_622 : i32 to index
        %swap3A_631 = arith.constant 0 : index
        %swap3A_632 = tpu.vector_load %arg9[%swap3A_630, %swap3A_631] {strides = array<i32>} : memref<256x32xf32, #tpu.memory_space<vmem>>, vector<16xf32>,
        tpu.vector_store %arg9[%swap3A_630, %swap3A_631], %mul3A_629 {strides = array<i32>} : memref<256x32xf32, #tpu.memory_space<vmem>>, vector<16xf32>,
        %get3A_633 = arith.index_cast %add3A_622 : i32 to index
        %get3A_634 = arith.constant 16 : index
        %get3A_635 = tpu.vector_load %arg9[%get3A_633, %get3A_634] {strides = array<i32>} : memref<256x32xf32, #tpu.memory_space<vmem>>, vector<16xf32>,
        %mul3A_636 = vector.broadcast %squeeze3A_624 : f32 to vector<16xf32>
        %mul3A_637 = arith.mulf %get3A_635, %mul3A_636 : vector<16xf32>
        %swap3A_638 = arith.index_cast %add3A_622 : i32 to index
        %swap3A_639 = arith.constant 16 : index
        %swap3A_640 = tpu.vector_load %arg9[%swap3A_638, %swap3A_639] {strides = array<i32>} : memref<256x32xf32, #tpu.memory_space<vmem>>, vector<16xf32>,
        tpu.vector_store %arg9[%swap3A_638, %swap3A_639], %mul3A_637 {strides = array<i32>} : memref<256x32xf32, #tpu.memory_space<vmem>>, vector<16xf32>,
        %add3A_641 = arith.constant 12 : i32
        %add3A_642 = arith.addi %mul3A_400, %add3A_641 : i32
        %slice3A_643 = vector.extract_strided_slice %bitcast3A {offsets = [12], sizes = [1], strides = [1]} : vector<16xf32> to vector<1xf32>
        %squeeze3A_644 = vector.extract %slice3A_643[0] : f32 from vector<1xf32>
        %get3A_645 = arith.index_cast %add3A_642 : i32 to index
        %get3A_646 = arith.constant 0 : index
        %get3A_647 = tpu.vector_load %arg9[%get3A_645, %get3A_646] {strides = array<i32>} : memref<256x32xf32, #tpu.memory_space<vmem>>, vector<16xf32>,
        %mul3A_648 = vector.broadcast %squeeze3A_644 : f32 to vector<16xf32>
        %mul3A_649 = arith.mulf %get3A_647, %mul3A_648 : vector<16xf32>
        %swap3A_650 = arith.index_cast %add3A_642 : i32 to index
        %swap3A_651 = arith.constant 0 : index
        %swap3A_652 = tpu.vector_load %arg9[%swap3A_650, %swap3A_651] {strides = array<i32>} : memref<256x32xf32, #tpu.memory_space<vmem>>, vector<16xf32>,
        tpu.vector_store %arg9[%swap3A_650, %swap3A_651], %mul3A_649 {strides = array<i32>} : memref<256x32xf32, #tpu.memory_space<vmem>>, vector<16xf32>,
        %get3A_653 = arith.index_cast %add3A_642 : i32 to index
        %get3A_654 = arith.constant 16 : index
        %get3A_655 = tpu.vector_load %arg9[%get3A_653, %get3A_654] {strides = array<i32>} : memref<256x32xf32, #tpu.memory_space<vmem>>, vector<16xf32>,
        %mul3A_656 = vector.broadcast %squeeze3A_644 : f32 to vector<16xf32>
        %mul3A_657 = arith.mulf %get3A_655, %mul3A_656 : vector<16xf32>
        %swap3A_658 = arith.index_cast %add3A_642 : i32 to index
        %swap3A_659 = arith.constant 16 : index
        %swap3A_660 = tpu.vector_load %arg9[%swap3A_658, %swap3A_659] {strides = array<i32>} : memref<256x32xf32, #tpu.memory_space<vmem>>, vector<16xf32>,
        tpu.vector_store %arg9[%swap3A_658, %swap3A_659], %mul3A_657 {strides = array<i32>} : memref<256x32xf32, #tpu.memory_space<vmem>>, vector<16xf32>,
        %add3A_661 = arith.constant 13 : i32
        %add3A_662 = arith.addi %mul3A_400, %add3A_661 : i32
        %slice3A_663 = vector.extract_strided_slice %bitcast3A {offsets = [13], sizes = [1], strides = [1]} : vector<16xf32> to vector<1xf32>
        %squeeze3A_664 = vector.extract %slice3A_663[0] : f32 from vector<1xf32>
        %get3A_665 = arith.index_cast %add3A_662 : i32 to index
        %get3A_666 = arith.constant 0 : index
        %get3A_667 = tpu.vector_load %arg9[%get3A_665, %get3A_666] {strides = array<i32>} : memref<256x32xf32, #tpu.memory_space<vmem>>, vector<16xf32>,
        %mul3A_668 = vector.broadcast %squeeze3A_664 : f32 to vector<16xf32>
        %mul3A_669 = arith.mulf %get3A_667, %mul3A_668 : vector<16xf32>
        %swap3A_670 = arith.index_cast %add3A_662 : i32 to index
        %swap3A_671 = arith.constant 0 : index
        %swap3A_672 = tpu.vector_load %arg9[%swap3A_670, %swap3A_671] {strides = array<i32>} : memref<256x32xf32, #tpu.memory_space<vmem>>, vector<16xf32>,
        tpu.vector_store %arg9[%swap3A_670, %swap3A_671], %mul3A_669 {strides = array<i32>} : memref<256x32xf32, #tpu.memory_space<vmem>>, vector<16xf32>,
        %get3A_673 = arith.index_cast %add3A_662 : i32 to index
        %get3A_674 = arith.constant 16 : index
        %get3A_675 = tpu.vector_load %arg9[%get3A_673, %get3A_674] {strides = array<i32>} : memref<256x32xf32, #tpu.memory_space<vmem>>, vector<16xf32>,
        %mul3A_676 = vector.broadcast %squeeze3A_664 : f32 to vector<16xf32>
        %mul3A_677 = arith.mulf %get3A_675, %mul3A_676 : vector<16xf32>
        %swap3A_678 = arith.index_cast %add3A_662 : i32 to index
        %swap3A_679 = arith.constant 16 : index
        %swap3A_680 = tpu.vector_load %arg9[%swap3A_678, %swap3A_679] {strides = array<i32>} : memref<256x32xf32, #tpu.memory_space<vmem>>, vector<16xf32>,
        tpu.vector_store %arg9[%swap3A_678, %swap3A_679], %mul3A_677 {strides = array<i32>} : memref<256x32xf32, #tpu.memory_space<vmem>>, vector<16xf32>,
        %add3A_681 = arith.constant 14 : i32
        %add3A_682 = arith.addi %mul3A_400, %add3A_681 : i32
        %slice3A_683 = vector.extract_strided_slice %bitcast3A {offsets = [14], sizes = [1], strides = [1]} : vector<16xf32> to vector<1xf32>
        %squeeze3A_684 = vector.extract %slice3A_683[0] : f32 from vector<1xf32>
        %get3A_685 = arith.index_cast %add3A_682 : i32 to index
        %get3A_686 = arith.constant 0 : index
        %get3A_687 = tpu.vector_load %arg9[%get3A_685, %get3A_686] {strides = array<i32>} : memref<256x32xf32, #tpu.memory_space<vmem>>, vector<16xf32>,
        %mul3A_688 = vector.broadcast %squeeze3A_684 : f32 to vector<16xf32>
        %mul3A_689 = arith.mulf %get3A_687, %mul3A_688 : vector<16xf32>
        %swap3A_690 = arith.index_cast %add3A_682 : i32 to index
        %swap3A_691 = arith.constant 0 : index
        %swap3A_692 = tpu.vector_load %arg9[%swap3A_690, %swap3A_691] {strides = array<i32>} : memref<256x32xf32, #tpu.memory_space<vmem>>, vector<16xf32>,
        tpu.vector_store %arg9[%swap3A_690, %swap3A_691], %mul3A_689 {strides = array<i32>} : memref<256x32xf32, #tpu.memory_space<vmem>>, vector<16xf32>,
        %get3A_693 = arith.index_cast %add3A_682 : i32 to index
        %get3A_694 = arith.constant 16 : index
        %get3A_695 = tpu.vector_load %arg9[%get3A_693, %get3A_694] {strides = array<i32>} : memref<256x32xf32, #tpu.memory_space<vmem>>, vector<16xf32>,
        %mul3A_696 = vector.broadcast %squeeze3A_684 : f32 to vector<16xf32>
        %mul3A_697 = arith.mulf %get3A_695, %mul3A_696 : vector<16xf32>
        %swap3A_698 = arith.index_cast %add3A_682 : i32 to index
        %swap3A_699 = arith.constant 16 : index
        %swap3A_700 = tpu.vector_load %arg9[%swap3A_698, %swap3A_699] {strides = array<i32>} : memref<256x32xf32, #tpu.memory_space<vmem>>, vector<16xf32>,
        tpu.vector_store %arg9[%swap3A_698, %swap3A_699], %mul3A_697 {strides = array<i32>} : memref<256x32xf32, #tpu.memory_space<vmem>>, vector<16xf32>,
        %add3A_701 = arith.constant 15 : i32
        %add3A_702 = arith.addi %mul3A_400, %add3A_701 : i32
        %slice3A_703 = vector.extract_strided_slice %bitcast3A {offsets = [15], sizes = [1], strides = [1]} : vector<16xf32> to vector<1xf32>
        %squeeze3A_704 = vector.extract %slice3A_703[0] : f32 from vector<1xf32>
        %get3A_705 = arith.index_cast %add3A_702 : i32 to index
        %get3A_706 = arith.constant 0 : index
        %get3A_707 = tpu.vector_load %arg9[%get3A_705, %get3A_706] {strides = array<i32>} : memref<256x32xf32, #tpu.memory_space<vmem>>, vector<16xf32>,
        %mul3A_708 = vector.broadcast %squeeze3A_704 : f32 to vector<16xf32>
        %mul3A_709 = arith.mulf %get3A_707, %mul3A_708 : vector<16xf32>
        %swap3A_710 = arith.index_cast %add3A_702 : i32 to index
        %swap3A_711 = arith.constant 0 : index
        %swap3A_712 = tpu.vector_load %arg9[%swap3A_710, %swap3A_711] {strides = array<i32>} : memref<256x32xf32, #tpu.memory_space<vmem>>, vector<16xf32>,
        tpu.vector_store %arg9[%swap3A_710, %swap3A_711], %mul3A_709 {strides = array<i32>} : memref<256x32xf32, #tpu.memory_space<vmem>>, vector<16xf32>,
        %get3A_713 = arith.index_cast %add3A_702 : i32 to index
        %get3A_714 = arith.constant 16 : index
        %get3A_715 = tpu.vector_load %arg9[%get3A_713, %get3A_714] {strides = array<i32>} : memref<256x32xf32, #tpu.memory_space<vmem>>, vector<16xf32>,
        %mul3A_716 = vector.broadcast %squeeze3A_704 : f32 to vector<16xf32>
        %mul3A_717 = arith.mulf %get3A_715, %mul3A_716 : vector<16xf32>
        %swap3A_718 = arith.index_cast %add3A_702 : i32 to index
        %swap3A_719 = arith.constant 16 : index
        %swap3A_720 = tpu.vector_load %arg9[%swap3A_718, %swap3A_719] {strides = array<i32>} : memref<256x32xf32, #tpu.memory_space<vmem>>, vector<16xf32>,
        tpu.vector_store %arg9[%swap3A_718, %swap3A_719], %mul3A_717 {strides = array<i32>} : memref<256x32xf32, #tpu.memory_space<vmem>>, vector<16xf32>,
      }
      %scan3A_272 = arith.constant 16 : i32
      %dma_start3A_273 = arith.constant 2 : i32
      %dma_start3A_274 = arith.constant 0 : i32
      %dma_start3A_275 = tpu.memref_slice %arg12[%dma_start3A_273, %dma_start3A_274] : memref<3x256xi32, #tpu.memory_space<vmem>> -> memref<1x256xi32, #tpu.memory_space<vmem>>
      %dma_start3A_276 = tpu.memref_squeeze %dma_start3A_275 : memref<1x256xi32, #tpu.memory_space<vmem>> -> memref<256xi32, #tpu.memory_space<vmem>>
      %dma_start3A_277 = arith.constant 0 : i32
      %dma_start3A_278 = arith.constant 0 : i32
      %dma_start3A_279 = tpu.memref_slice %arg8[%dma_start3A_277, %dma_start3A_278] : memref<50048x32xf32, #tpu.memory_space<vmem_shared>> -> memref<50048x32xf32, #tpu.memory_space<vmem_shared>>
      tpu.enqueue_indirect_dma source(%arg9 : memref<256x32xf32, #tpu.memory_space<vmem>>) target(%dma_start3A_279 : memref<50048x32xf32, #tpu.memory_space<vmem_shared>>) offsets(%dma_start3A_276 : memref<256xi32, #tpu.memory_space<vmem>>) semaphore(%arg18 : memref<!tpu.dma_semaphore, #tpu.memory_space<semaphore_mem>>) {add = true}
      %mul3A_280 = arith.constant 3 : i32
      %mul3A_281 = arith.muli %mul3A_280, %scan3A_235 : i32
      %add3A_282 = arith.constant 1 : i32
      %add3A_283 = arith.addi %mul3A_281, %add3A_282 : i32
      %add3A_284 = arith.constant 2 : i32
      %add3A_285 = arith.addi %add3A_283, %add3A_284 : i32
      %min3A_286 = arith.constant 197 : i32
      %min3A_287 = arith.minsi %add3A_285, %min3A_286 : i32
      %dma_wait3A_288 = arith.constant 2 : i32
      %dma_wait3A_289 = arith.constant 0 : i32
      %dma_wait3A_290 = tpu.memref_slice %arg12[%dma_wait3A_288, %dma_wait3A_289] : memref<3x256xi32, #tpu.memory_space<vmem>> -> memref<1x256xi32, #tpu.memory_space<vmem>>
      %dma_wait3A_291 = tpu.memref_squeeze %dma_wait3A_290 : memref<1x256xi32, #tpu.memory_space<vmem>> -> memref<256xi32, #tpu.memory_space<vmem>>
      %dma_wait3A_292 = arith.constant 0 : i32
      %dma_wait3A_293 = arith.constant 0 : i32
      %dma_wait3A_294 = tpu.memref_slice %arg8[%dma_wait3A_292, %dma_wait3A_293] : memref<50048x32xf32, #tpu.memory_space<vmem_shared>> -> memref<50048x32xf32, #tpu.memory_space<vmem_shared>>
      tpu.wait_indirect_dma semaphore(%arg18 : memref<!tpu.dma_semaphore, #tpu.memory_space<semaphore_mem>>) src(%arg9 : memref<256x32xf32, #tpu.memory_space<vmem>>) dst(%dma_wait3A_294 : memref<50048x32xf32, #tpu.memory_space<vmem_shared>>)
      %add3A_295 = arith.addi %mul3A_2, %min3A_287 : i32
      %dma_start3A_296 = arith.constant 0 : i32
      %dma_start3A_297 = arith.constant 0 : i32
      %dma_start3A_298 = tpu.memref_slice %arg2[%arg0, %add3A_295, %dma_start3A_296, %dma_start3A_297] : memref<2x3168x3x256xi32, #tpu.memory_space<hbm>> -> memref<1x1x3x256xi32, #tpu.memory_space<hbm>>
      %dma_start3A_299 = tpu.memref_squeeze %dma_start3A_298 : memref<1x1x3x256xi32, #tpu.memory_space<hbm>> -> memref<3x256xi32, #tpu.memory_space<hbm>>
      %dma_start3A_300 = arith.constant 0 : i32
      %dma_start3A_301 = arith.constant 0 : i32
      %dma_start3A_302 = tpu.memref_slice %arg2[%arg0, %add3A_295, %dma_start3A_300, %dma_start3A_301] : memref<2x3168x3x256xi32, #tpu.memory_space<hbm>> -> memref<1x1x3x256xi32, #tpu.memory_space<hbm>>
      %dma_start3A_303 = tpu.memref_squeeze %dma_start3A_302 : memref<1x1x3x256xi32, #tpu.memory_space<hbm>> -> memref<3x256xi32, #tpu.memory_space<hbm>>
      tpu.enqueue_dma source(%dma_start3A_303 : memref<3x256xi32, #tpu.memory_space<hbm>>) target(%arg12 : memref<3x256xi32, #tpu.memory_space<vmem>>) target_semaphore(%arg21 : memref<!tpu.dma_semaphore, #tpu.memory_space<semaphore_mem>>)
      %dma_wait3A_304 = arith.constant 0 : i32
      %dma_wait3A_305 = arith.constant 0 : i32
      %dma_wait3A_306 = tpu.memref_slice %arg2[%arg0, %mul3A_2, %dma_wait3A_304, %dma_wait3A_305] : memref<2x3168x3x256xi32, #tpu.memory_space<hbm>> -> memref<1x1x3x256xi32, #tpu.memory_space<hbm>>
      %dma_wait3A_307 = tpu.memref_squeeze %dma_wait3A_306 : memref<1x1x3x256xi32, #tpu.memory_space<hbm>> -> memref<3x256xi32, #tpu.memory_space<hbm>>
      %dma_wait3A_308 = arith.constant 0 : i32
      %dma_wait3A_309 = arith.constant 0 : i32
      %dma_wait3A_310 = tpu.memref_slice %arg2[%arg0, %mul3A_2, %dma_wait3A_308, %dma_wait3A_309] : memref<2x3168x3x256xi32, #tpu.memory_space<hbm>> -> memref<1x1x3x256xi32, #tpu.memory_space<hbm>>
      %dma_wait3A_311 = tpu.memref_squeeze %dma_wait3A_310 : memref<1x1x3x256xi32, #tpu.memory_space<hbm>> -> memref<3x256xi32, #tpu.memory_space<hbm>>
      tpu.wait_dma2 semaphore(%arg23 : memref<!tpu.dma_semaphore, #tpu.memory_space<semaphore_mem>>) src(%dma_wait3A_311 : memref<3x256xi32, #tpu.memory_space<hbm>>) dst(%arg14 : memref<3x256xi32, #tpu.memory_space<vmem>>)
      %dma_start3A_312 = arith.constant 0 : i32
      %dma_start3A_313 = arith.constant 0 : i32
      %dma_start3A_314 = tpu.memref_slice %arg14[%dma_start3A_312, %dma_start3A_313] : memref<3x256xi32, #tpu.memory_space<vmem>> -> memref<1x256xi32, #tpu.memory_space<vmem>>
      %dma_start3A_315 = tpu.memref_squeeze %dma_start3A_314 : memref<1x256xi32, #tpu.memory_space<vmem>> -> memref<256xi32, #tpu.memory_space<vmem>>
      %dma_start3A_316 = arith.constant 0 : i32
      %dma_start3A_317 = arith.constant 0 : i32
      %dma_start3A_318 = tpu.memref_slice %arg7[%dma_start3A_316, %dma_start3A_317] : memref<100096x32xf32, #tpu.memory_space<hbm>> -> memref<100096x32xf32, #tpu.memory_space<hbm>>
      tpu.enqueue_indirect_dma source(%dma_start3A_318 : memref<100096x32xf32, #tpu.memory_space<hbm>>) target(%arg11 : memref<256x32xf32, #tpu.memory_space<vmem>>) offsets(%dma_start3A_315 : memref<256xi32, #tpu.memory_space<vmem>>) semaphore(%arg17 : memref<!tpu.dma_semaphore, #tpu.memory_space<semaphore_mem>>)
      %dma_wait3A_319 = arith.constant 0 : i32
      %dma_wait3A_320 = arith.constant 0 : i32
      %dma_wait3A_321 = tpu.memref_slice %arg13[%dma_wait3A_319, %dma_wait3A_320] : memref<3x256xi32, #tpu.memory_space<vmem>> -> memref<1x256xi32, #tpu.memory_space<vmem>>
      %dma_wait3A_322 = tpu.memref_squeeze %dma_wait3A_321 : memref<1x256xi32, #tpu.memory_space<vmem>> -> memref<256xi32, #tpu.memory_space<vmem>>
      %dma_wait3A_323 = arith.constant 0 : i32
      %dma_wait3A_324 = arith.constant 0 : i32
      %dma_wait3A_325 = tpu.memref_slice %arg7[%dma_wait3A_323, %dma_wait3A_324] : memref<100096x32xf32, #tpu.memory_space<hbm>> -> memref<100096x32xf32, #tpu.memory_space<hbm>>
      tpu.wait_indirect_dma semaphore(%arg16 : memref<!tpu.dma_semaphore, #tpu.memory_space<semaphore_mem>>) src(%dma_wait3A_325 : memref<100096x32xf32, #tpu.memory_space<hbm>>) dst(%arg10 : memref<256x32xf32, #tpu.memory_space<vmem>>)
      %scan3A_326 = arith.constant 0 : i32
      %scan3A_327 = arith.constant 0 : i32
      %scan3A_328 = arith.constant 16 : i32
      %scan3A_329 = arith.addi %scan3A_327, %scan3A_328 : i32
      %scan3A_330 = arith.constant 1 : i32
      scf.for %scan3A_398 = %scan3A_327 to %scan3A_329 step %scan3A_330  : i32 {
        %mul3A_399 = arith.constant 16 : i32
        %mul3A_400 = arith.muli %scan3A_398, %mul3A_399 : i32
        %get3A = arith.constant 1 : i32
        %get3A_401 = arith.index_cast %get3A : i32 to index
        %get3A_402 = arith.index_cast %mul3A_400 : i32 to index
        %get3A_403 = tpu.vector_load %arg13[%get3A_401, %get3A_402] {strides = array<i32>} : memref<3x256xi32, #tpu.memory_space<vmem>>, vector<16xi32>,
        %bitcast3A = vector.bitcast %get3A_403 : vector<16xi32> to vector<16xf32>
        %add3A_404 = arith.constant 0 : i32
        %add3A_405 = arith.addi %mul3A_400, %add3A_404 : i32
        %slice3A = vector.extract_strided_slice %bitcast3A {offsets = [0], sizes = [1], strides = [1]} : vector<16xf32> to vector<1xf32>
        %squeeze3A = vector.extract %slice3A[0] : f32 from vector<1xf32>
        %get3A_406 = arith.index_cast %add3A_405 : i32 to index
        %get3A_407 = arith.constant 0 : index
        %get3A_408 = tpu.vector_load %arg10[%get3A_406, %get3A_407] {strides = array<i32>} : memref<256x32xf32, #tpu.memory_space<vmem>>, vector<16xf32>,
        %mul3A_409 = vector.broadcast %squeeze3A : f32 to vector<16xf32>
        %mul3A_410 = arith.mulf %get3A_408, %mul3A_409 : vector<16xf32>
        %swap3A = arith.index_cast %add3A_405 : i32 to index
        %swap3A_411 = arith.constant 0 : index
        %swap3A_412 = tpu.vector_load %arg10[%swap3A, %swap3A_411] {strides = array<i32>} : memref<256x32xf32, #tpu.memory_space<vmem>>, vector<16xf32>,
        tpu.vector_store %arg10[%swap3A, %swap3A_411], %mul3A_410 {strides = array<i32>} : memref<256x32xf32, #tpu.memory_space<vmem>>, vector<16xf32>,
        %get3A_413 = arith.index_cast %add3A_405 : i32 to index
        %get3A_414 = arith.constant 16 : index
        %get3A_415 = tpu.vector_load %arg10[%get3A_413, %get3A_414] {strides = array<i32>} : memref<256x32xf32, #tpu.memory_space<vmem>>, vector<16xf32>,
        %mul3A_416 = vector.broadcast %squeeze3A : f32 to vector<16xf32>
        %mul3A_417 = arith.mulf %get3A_415, %mul3A_416 : vector<16xf32>
        %swap3A_418 = arith.index_cast %add3A_405 : i32 to index
        %swap3A_419 = arith.constant 16 : index
        %swap3A_420 = tpu.vector_load %arg10[%swap3A_418, %swap3A_419] {strides = array<i32>} : memref<256x32xf32, #tpu.memory_space<vmem>>, vector<16xf32>,
        tpu.vector_store %arg10[%swap3A_418, %swap3A_419], %mul3A_417 {strides = array<i32>} : memref<256x32xf32, #tpu.memory_space<vmem>>, vector<16xf32>,
        %add3A_421 = arith.constant 1 : i32
        %add3A_422 = arith.addi %mul3A_400, %add3A_421 : i32
        %slice3A_423 = vector.extract_strided_slice %bitcast3A {offsets = [1], sizes = [1], strides = [1]} : vector<16xf32> to vector<1xf32>
        %squeeze3A_424 = vector.extract %slice3A_423[0] : f32 from vector<1xf32>
        %get3A_425 = arith.index_cast %add3A_422 : i32 to index
        %get3A_426 = arith.constant 0 : index
        %get3A_427 = tpu.vector_load %arg10[%get3A_425, %get3A_426] {strides = array<i32>} : memref<256x32xf32, #tpu.memory_space<vmem>>, vector<16xf32>,
        %mul3A_428 = vector.broadcast %squeeze3A_424 : f32 to vector<16xf32>
        %mul3A_429 = arith.mulf %get3A_427, %mul3A_428 : vector<16xf32>
        %swap3A_430 = arith.index_cast %add3A_422 : i32 to index
        %swap3A_431 = arith.constant 0 : index
        %swap3A_432 = tpu.vector_load %arg10[%swap3A_430, %swap3A_431] {strides = array<i32>} : memref<256x32xf32, #tpu.memory_space<vmem>>, vector<16xf32>,
        tpu.vector_store %arg10[%swap3A_430, %swap3A_431], %mul3A_429 {strides = array<i32>} : memref<256x32xf32, #tpu.memory_space<vmem>>, vector<16xf32>,
        %get3A_433 = arith.index_cast %add3A_422 : i32 to index
        %get3A_434 = arith.constant 16 : index
        %get3A_435 = tpu.vector_load %arg10[%get3A_433, %get3A_434] {strides = array<i32>} : memref<256x32xf32, #tpu.memory_space<vmem>>, vector<16xf32>,
        %mul3A_436 = vector.broadcast %squeeze3A_424 : f32 to vector<16xf32>
        %mul3A_437 = arith.mulf %get3A_435, %mul3A_436 : vector<16xf32>
        %swap3A_438 = arith.index_cast %add3A_422 : i32 to index
        %swap3A_439 = arith.constant 16 : index
        %swap3A_440 = tpu.vector_load %arg10[%swap3A_438, %swap3A_439] {strides = array<i32>} : memref<256x32xf32, #tpu.memory_space<vmem>>, vector<16xf32>,
        tpu.vector_store %arg10[%swap3A_438, %swap3A_439], %mul3A_437 {strides = array<i32>} : memref<256x32xf32, #tpu.memory_space<vmem>>, vector<16xf32>,
        %add3A_441 = arith.constant 2 : i32
        %add3A_442 = arith.addi %mul3A_400, %add3A_441 : i32
        %slice3A_443 = vector.extract_strided_slice %bitcast3A {offsets = [2], sizes = [1], strides = [1]} : vector<16xf32> to vector<1xf32>
        %squeeze3A_444 = vector.extract %slice3A_443[0] : f32 from vector<1xf32>
        %get3A_445 = arith.index_cast %add3A_442 : i32 to index
        %get3A_446 = arith.constant 0 : index
        %get3A_447 = tpu.vector_load %arg10[%get3A_445, %get3A_446] {strides = array<i32>} : memref<256x32xf32, #tpu.memory_space<vmem>>, vector<16xf32>,
        %mul3A_448 = vector.broadcast %squeeze3A_444 : f32 to vector<16xf32>
        %mul3A_449 = arith.mulf %get3A_447, %mul3A_448 : vector<16xf32>
        %swap3A_450 = arith.index_cast %add3A_442 : i32 to index
        %swap3A_451 = arith.constant 0 : index
        %swap3A_452 = tpu.vector_load %arg10[%swap3A_450, %swap3A_451] {strides = array<i32>} : memref<256x32xf32, #tpu.memory_space<vmem>>, vector<16xf32>,
        tpu.vector_store %arg10[%swap3A_450, %swap3A_451], %mul3A_449 {strides = array<i32>} : memref<256x32xf32, #tpu.memory_space<vmem>>, vector<16xf32>,
        %get3A_453 = arith.index_cast %add3A_442 : i32 to index
        %get3A_454 = arith.constant 16 : index
        %get3A_455 = tpu.vector_load %arg10[%get3A_453, %get3A_454] {strides = array<i32>} : memref<256x32xf32, #tpu.memory_space<vmem>>, vector<16xf32>,
        %mul3A_456 = vector.broadcast %squeeze3A_444 : f32 to vector<16xf32>
        %mul3A_457 = arith.mulf %get3A_455, %mul3A_456 : vector<16xf32>
        %swap3A_458 = arith.index_cast %add3A_442 : i32 to index
        %swap3A_459 = arith.constant 16 : index
        %swap3A_460 = tpu.vector_load %arg10[%swap3A_458, %swap3A_459] {strides = array<i32>} : memref<256x32xf32, #tpu.memory_space<vmem>>, vector<16xf32>,
        tpu.vector_store %arg10[%swap3A_458, %swap3A_459], %mul3A_457 {strides = array<i32>} : memref<256x32xf32, #tpu.memory_space<vmem>>, vector<16xf32>,
        %add3A_461 = arith.constant 3 : i32
        %add3A_462 = arith.addi %mul3A_400, %add3A_461 : i32
        %slice3A_463 = vector.extract_strided_slice %bitcast3A {offsets = [3], sizes = [1], strides = [1]} : vector<16xf32> to vector<1xf32>
        %squeeze3A_464 = vector.extract %slice3A_463[0] : f32 from vector<1xf32>
        %get3A_465 = arith.index_cast %add3A_462 : i32 to index
        %get3A_466 = arith.constant 0 : index
        %get3A_467 = tpu.vector_load %arg10[%get3A_465, %get3A_466] {strides = array<i32>} : memref<256x32xf32, #tpu.memory_space<vmem>>, vector<16xf32>,
        %mul3A_468 = vector.broadcast %squeeze3A_464 : f32 to vector<16xf32>
        %mul3A_469 = arith.mulf %get3A_467, %mul3A_468 : vector<16xf32>
        %swap3A_470 = arith.index_cast %add3A_462 : i32 to index
        %swap3A_471 = arith.constant 0 : index
        %swap3A_472 = tpu.vector_load %arg10[%swap3A_470, %swap3A_471] {strides = array<i32>} : memref<256x32xf32, #tpu.memory_space<vmem>>, vector<16xf32>,
        tpu.vector_store %arg10[%swap3A_470, %swap3A_471], %mul3A_469 {strides = array<i32>} : memref<256x32xf32, #tpu.memory_space<vmem>>, vector<16xf32>,
        %get3A_473 = arith.index_cast %add3A_462 : i32 to index
        %get3A_474 = arith.constant 16 : index
        %get3A_475 = tpu.vector_load %arg10[%get3A_473, %get3A_474] {strides = array<i32>} : memref<256x32xf32, #tpu.memory_space<vmem>>, vector<16xf32>,
        %mul3A_476 = vector.broadcast %squeeze3A_464 : f32 to vector<16xf32>
        %mul3A_477 = arith.mulf %get3A_475, %mul3A_476 : vector<16xf32>
        %swap3A_478 = arith.index_cast %add3A_462 : i32 to index
        %swap3A_479 = arith.constant 16 : index
        %swap3A_480 = tpu.vector_load %arg10[%swap3A_478, %swap3A_479] {strides = array<i32>} : memref<256x32xf32, #tpu.memory_space<vmem>>, vector<16xf32>,
        tpu.vector_store %arg10[%swap3A_478, %swap3A_479], %mul3A_477 {strides = array<i32>} : memref<256x32xf32, #tpu.memory_space<vmem>>, vector<16xf32>,
        %add3A_481 = arith.constant 4 : i32
        %add3A_482 = arith.addi %mul3A_400, %add3A_481 : i32
        %slice3A_483 = vector.extract_strided_slice %bitcast3A {offsets = [4], sizes = [1], strides = [1]} : vector<16xf32> to vector<1xf32>
        %squeeze3A_484 = vector.extract %slice3A_483[0] : f32 from vector<1xf32>
        %get3A_485 = arith.index_cast %add3A_482 : i32 to index
        %get3A_486 = arith.constant 0 : index
        %get3A_487 = tpu.vector_load %arg10[%get3A_485, %get3A_486] {strides = array<i32>} : memref<256x32xf32, #tpu.memory_space<vmem>>, vector<16xf32>,
        %mul3A_488 = vector.broadcast %squeeze3A_484 : f32 to vector<16xf32>
        %mul3A_489 = arith.mulf %get3A_487, %mul3A_488 : vector<16xf32>
        %swap3A_490 = arith.index_cast %add3A_482 : i32 to index
        %swap3A_491 = arith.constant 0 : index
        %swap3A_492 = tpu.vector_load %arg10[%swap3A_490, %swap3A_491] {strides = array<i32>} : memref<256x32xf32, #tpu.memory_space<vmem>>, vector<16xf32>,
        tpu.vector_store %arg10[%swap3A_490, %swap3A_491], %mul3A_489 {strides = array<i32>} : memref<256x32xf32, #tpu.memory_space<vmem>>, vector<16xf32>,
        %get3A_493 = arith.index_cast %add3A_482 : i32 to index
        %get3A_494 = arith.constant 16 : index
        %get3A_495 = tpu.vector_load %arg10[%get3A_493, %get3A_494] {strides = array<i32>} : memref<256x32xf32, #tpu.memory_space<vmem>>, vector<16xf32>,
        %mul3A_496 = vector.broadcast %squeeze3A_484 : f32 to vector<16xf32>
        %mul3A_497 = arith.mulf %get3A_495, %mul3A_496 : vector<16xf32>
        %swap3A_498 = arith.index_cast %add3A_482 : i32 to index
        %swap3A_499 = arith.constant 16 : index
        %swap3A_500 = tpu.vector_load %arg10[%swap3A_498, %swap3A_499] {strides = array<i32>} : memref<256x32xf32, #tpu.memory_space<vmem>>, vector<16xf32>,
        tpu.vector_store %arg10[%swap3A_498, %swap3A_499], %mul3A_497 {strides = array<i32>} : memref<256x32xf32, #tpu.memory_space<vmem>>, vector<16xf32>,
        %add3A_501 = arith.constant 5 : i32
        %add3A_502 = arith.addi %mul3A_400, %add3A_501 : i32
        %slice3A_503 = vector.extract_strided_slice %bitcast3A {offsets = [5], sizes = [1], strides = [1]} : vector<16xf32> to vector<1xf32>
        %squeeze3A_504 = vector.extract %slice3A_503[0] : f32 from vector<1xf32>
        %get3A_505 = arith.index_cast %add3A_502 : i32 to index
        %get3A_506 = arith.constant 0 : index
        %get3A_507 = tpu.vector_load %arg10[%get3A_505, %get3A_506] {strides = array<i32>} : memref<256x32xf32, #tpu.memory_space<vmem>>, vector<16xf32>,
        %mul3A_508 = vector.broadcast %squeeze3A_504 : f32 to vector<16xf32>
        %mul3A_509 = arith.mulf %get3A_507, %mul3A_508 : vector<16xf32>
        %swap3A_510 = arith.index_cast %add3A_502 : i32 to index
        %swap3A_511 = arith.constant 0 : index
        %swap3A_512 = tpu.vector_load %arg10[%swap3A_510, %swap3A_511] {strides = array<i32>} : memref<256x32xf32, #tpu.memory_space<vmem>>, vector<16xf32>,
        tpu.vector_store %arg10[%swap3A_510, %swap3A_511], %mul3A_509 {strides = array<i32>} : memref<256x32xf32, #tpu.memory_space<vmem>>, vector<16xf32>,
        %get3A_513 = arith.index_cast %add3A_502 : i32 to index
        %get3A_514 = arith.constant 16 : index
        %get3A_515 = tpu.vector_load %arg10[%get3A_513, %get3A_514] {strides = array<i32>} : memref<256x32xf32, #tpu.memory_space<vmem>>, vector<16xf32>,
        %mul3A_516 = vector.broadcast %squeeze3A_504 : f32 to vector<16xf32>
        %mul3A_517 = arith.mulf %get3A_515, %mul3A_516 : vector<16xf32>
        %swap3A_518 = arith.index_cast %add3A_502 : i32 to index
        %swap3A_519 = arith.constant 16 : index
        %swap3A_520 = tpu.vector_load %arg10[%swap3A_518, %swap3A_519] {strides = array<i32>} : memref<256x32xf32, #tpu.memory_space<vmem>>, vector<16xf32>,
        tpu.vector_store %arg10[%swap3A_518, %swap3A_519], %mul3A_517 {strides = array<i32>} : memref<256x32xf32, #tpu.memory_space<vmem>>, vector<16xf32>,
        %add3A_521 = arith.constant 6 : i32
        %add3A_522 = arith.addi %mul3A_400, %add3A_521 : i32
        %slice3A_523 = vector.extract_strided_slice %bitcast3A {offsets = [6], sizes = [1], strides = [1]} : vector<16xf32> to vector<1xf32>
        %squeeze3A_524 = vector.extract %slice3A_523[0] : f32 from vector<1xf32>
        %get3A_525 = arith.index_cast %add3A_522 : i32 to index
        %get3A_526 = arith.constant 0 : index
        %get3A_527 = tpu.vector_load %arg10[%get3A_525, %get3A_526] {strides = array<i32>} : memref<256x32xf32, #tpu.memory_space<vmem>>, vector<16xf32>,
        %mul3A_528 = vector.broadcast %squeeze3A_524 : f32 to vector<16xf32>
        %mul3A_529 = arith.mulf %get3A_527, %mul3A_528 : vector<16xf32>
        %swap3A_530 = arith.index_cast %add3A_522 : i32 to index
        %swap3A_531 = arith.constant 0 : index
        %swap3A_532 = tpu.vector_load %arg10[%swap3A_530, %swap3A_531] {strides = array<i32>} : memref<256x32xf32, #tpu.memory_space<vmem>>, vector<16xf32>,
        tpu.vector_store %arg10[%swap3A_530, %swap3A_531], %mul3A_529 {strides = array<i32>} : memref<256x32xf32, #tpu.memory_space<vmem>>, vector<16xf32>,
        %get3A_533 = arith.index_cast %add3A_522 : i32 to index
        %get3A_534 = arith.constant 16 : index
        %get3A_535 = tpu.vector_load %arg10[%get3A_533, %get3A_534] {strides = array<i32>} : memref<256x32xf32, #tpu.memory_space<vmem>>, vector<16xf32>,
        %mul3A_536 = vector.broadcast %squeeze3A_524 : f32 to vector<16xf32>
        %mul3A_537 = arith.mulf %get3A_535, %mul3A_536 : vector<16xf32>
        %swap3A_538 = arith.index_cast %add3A_522 : i32 to index
        %swap3A_539 = arith.constant 16 : index
        %swap3A_540 = tpu.vector_load %arg10[%swap3A_538, %swap3A_539] {strides = array<i32>} : memref<256x32xf32, #tpu.memory_space<vmem>>, vector<16xf32>,
        tpu.vector_store %arg10[%swap3A_538, %swap3A_539], %mul3A_537 {strides = array<i32>} : memref<256x32xf32, #tpu.memory_space<vmem>>, vector<16xf32>,
        %add3A_541 = arith.constant 7 : i32
        %add3A_542 = arith.addi %mul3A_400, %add3A_541 : i32
        %slice3A_543 = vector.extract_strided_slice %bitcast3A {offsets = [7], sizes = [1], strides = [1]} : vector<16xf32> to vector<1xf32>
        %squeeze3A_544 = vector.extract %slice3A_543[0] : f32 from vector<1xf32>
        %get3A_545 = arith.index_cast %add3A_542 : i32 to index
        %get3A_546 = arith.constant 0 : index
        %get3A_547 = tpu.vector_load %arg10[%get3A_545, %get3A_546] {strides = array<i32>} : memref<256x32xf32, #tpu.memory_space<vmem>>, vector<16xf32>,
        %mul3A_548 = vector.broadcast %squeeze3A_544 : f32 to vector<16xf32>
        %mul3A_549 = arith.mulf %get3A_547, %mul3A_548 : vector<16xf32>
        %swap3A_550 = arith.index_cast %add3A_542 : i32 to index
        %swap3A_551 = arith.constant 0 : index
        %swap3A_552 = tpu.vector_load %arg10[%swap3A_550, %swap3A_551] {strides = array<i32>} : memref<256x32xf32, #tpu.memory_space<vmem>>, vector<16xf32>,
        tpu.vector_store %arg10[%swap3A_550, %swap3A_551], %mul3A_549 {strides = array<i32>} : memref<256x32xf32, #tpu.memory_space<vmem>>, vector<16xf32>,
        %get3A_553 = arith.index_cast %add3A_542 : i32 to index
        %get3A_554 = arith.constant 16 : index
        %get3A_555 = tpu.vector_load %arg10[%get3A_553, %get3A_554] {strides = array<i32>} : memref<256x32xf32, #tpu.memory_space<vmem>>, vector<16xf32>,
        %mul3A_556 = vector.broadcast %squeeze3A_544 : f32 to vector<16xf32>
        %mul3A_557 = arith.mulf %get3A_555, %mul3A_556 : vector<16xf32>
        %swap3A_558 = arith.index_cast %add3A_542 : i32 to index
        %swap3A_559 = arith.constant 16 : index
        %swap3A_560 = tpu.vector_load %arg10[%swap3A_558, %swap3A_559] {strides = array<i32>} : memref<256x32xf32, #tpu.memory_space<vmem>>, vector<16xf32>,
        tpu.vector_store %arg10[%swap3A_558, %swap3A_559], %mul3A_557 {strides = array<i32>} : memref<256x32xf32, #tpu.memory_space<vmem>>, vector<16xf32>,
        %add3A_561 = arith.constant 8 : i32
        %add3A_562 = arith.addi %mul3A_400, %add3A_561 : i32
        %slice3A_563 = vector.extract_strided_slice %bitcast3A {offsets = [8], sizes = [1], strides = [1]} : vector<16xf32> to vector<1xf32>
        %squeeze3A_564 = vector.extract %slice3A_563[0] : f32 from vector<1xf32>
        %get3A_565 = arith.index_cast %add3A_562 : i32 to index
        %get3A_566 = arith.constant 0 : index
        %get3A_567 = tpu.vector_load %arg10[%get3A_565, %get3A_566] {strides = array<i32>} : memref<256x32xf32, #tpu.memory_space<vmem>>, vector<16xf32>,
        %mul3A_568 = vector.broadcast %squeeze3A_564 : f32 to vector<16xf32>
        %mul3A_569 = arith.mulf %get3A_567, %mul3A_568 : vector<16xf32>
        %swap3A_570 = arith.index_cast %add3A_562 : i32 to index
        %swap3A_571 = arith.constant 0 : index
        %swap3A_572 = tpu.vector_load %arg10[%swap3A_570, %swap3A_571] {strides = array<i32>} : memref<256x32xf32, #tpu.memory_space<vmem>>, vector<16xf32>,
        tpu.vector_store %arg10[%swap3A_570, %swap3A_571], %mul3A_569 {strides = array<i32>} : memref<256x32xf32, #tpu.memory_space<vmem>>, vector<16xf32>,
        %get3A_573 = arith.index_cast %add3A_562 : i32 to index
        %get3A_574 = arith.constant 16 : index
        %get3A_575 = tpu.vector_load %arg10[%get3A_573, %get3A_574] {strides = array<i32>} : memref<256x32xf32, #tpu.memory_space<vmem>>, vector<16xf32>,
        %mul3A_576 = vector.broadcast %squeeze3A_564 : f32 to vector<16xf32>
        %mul3A_577 = arith.mulf %get3A_575, %mul3A_576 : vector<16xf32>
        %swap3A_578 = arith.index_cast %add3A_562 : i32 to index
        %swap3A_579 = arith.constant 16 : index
        %swap3A_580 = tpu.vector_load %arg10[%swap3A_578, %swap3A_579] {strides = array<i32>} : memref<256x32xf32, #tpu.memory_space<vmem>>, vector<16xf32>,
        tpu.vector_store %arg10[%swap3A_578, %swap3A_579], %mul3A_577 {strides = array<i32>} : memref<256x32xf32, #tpu.memory_space<vmem>>, vector<16xf32>,
        %add3A_581 = arith.constant 9 : i32
        %add3A_582 = arith.addi %mul3A_400, %add3A_581 : i32
        %slice3A_583 = vector.extract_strided_slice %bitcast3A {offsets = [9], sizes = [1], strides = [1]} : vector<16xf32> to vector<1xf32>
        %squeeze3A_584 = vector.extract %slice3A_583[0] : f32 from vector<1xf32>
        %get3A_585 = arith.index_cast %add3A_582 : i32 to index
        %get3A_586 = arith.constant 0 : index
        %get3A_587 = tpu.vector_load %arg10[%get3A_585, %get3A_586] {strides = array<i32>} : memref<256x32xf32, #tpu.memory_space<vmem>>, vector<16xf32>,
        %mul3A_588 = vector.broadcast %squeeze3A_584 : f32 to vector<16xf32>
        %mul3A_589 = arith.mulf %get3A_587, %mul3A_588 : vector<16xf32>
        %swap3A_590 = arith.index_cast %add3A_582 : i32 to index
        %swap3A_591 = arith.constant 0 : index
        %swap3A_592 = tpu.vector_load %arg10[%swap3A_590, %swap3A_591] {strides = array<i32>} : memref<256x32xf32, #tpu.memory_space<vmem>>, vector<16xf32>,
        tpu.vector_store %arg10[%swap3A_590, %swap3A_591], %mul3A_589 {strides = array<i32>} : memref<256x32xf32, #tpu.memory_space<vmem>>, vector<16xf32>,
        %get3A_593 = arith.index_cast %add3A_582 : i32 to index
        %get3A_594 = arith.constant 16 : index
        %get3A_595 = tpu.vector_load %arg10[%get3A_593, %get3A_594] {strides = array<i32>} : memref<256x32xf32, #tpu.memory_space<vmem>>, vector<16xf32>,
        %mul3A_596 = vector.broadcast %squeeze3A_584 : f32 to vector<16xf32>
        %mul3A_597 = arith.mulf %get3A_595, %mul3A_596 : vector<16xf32>
        %swap3A_598 = arith.index_cast %add3A_582 : i32 to index
        %swap3A_599 = arith.constant 16 : index
        %swap3A_600 = tpu.vector_load %arg10[%swap3A_598, %swap3A_599] {strides = array<i32>} : memref<256x32xf32, #tpu.memory_space<vmem>>, vector<16xf32>,
        tpu.vector_store %arg10[%swap3A_598, %swap3A_599], %mul3A_597 {strides = array<i32>} : memref<256x32xf32, #tpu.memory_space<vmem>>, vector<16xf32>,
        %add3A_601 = arith.constant 10 : i32
        %add3A_602 = arith.addi %mul3A_400, %add3A_601 : i32
        %slice3A_603 = vector.extract_strided_slice %bitcast3A {offsets = [10], sizes = [1], strides = [1]} : vector<16xf32> to vector<1xf32>
        %squeeze3A_604 = vector.extract %slice3A_603[0] : f32 from vector<1xf32>
        %get3A_605 = arith.index_cast %add3A_602 : i32 to index
        %get3A_606 = arith.constant 0 : index
        %get3A_607 = tpu.vector_load %arg10[%get3A_605, %get3A_606] {strides = array<i32>} : memref<256x32xf32, #tpu.memory_space<vmem>>, vector<16xf32>,
        %mul3A_608 = vector.broadcast %squeeze3A_604 : f32 to vector<16xf32>
        %mul3A_609 = arith.mulf %get3A_607, %mul3A_608 : vector<16xf32>
        %swap3A_610 = arith.index_cast %add3A_602 : i32 to index
        %swap3A_611 = arith.constant 0 : index
        %swap3A_612 = tpu.vector_load %arg10[%swap3A_610, %swap3A_611] {strides = array<i32>} : memref<256x32xf32, #tpu.memory_space<vmem>>, vector<16xf32>,
        tpu.vector_store %arg10[%swap3A_610, %swap3A_611], %mul3A_609 {strides = array<i32>} : memref<256x32xf32, #tpu.memory_space<vmem>>, vector<16xf32>,
        %get3A_613 = arith.index_cast %add3A_602 : i32 to index
        %get3A_614 = arith.constant 16 : index
        %get3A_615 = tpu.vector_load %arg10[%get3A_613, %get3A_614] {strides = array<i32>} : memref<256x32xf32, #tpu.memory_space<vmem>>, vector<16xf32>,
        %mul3A_616 = vector.broadcast %squeeze3A_604 : f32 to vector<16xf32>
        %mul3A_617 = arith.mulf %get3A_615, %mul3A_616 : vector<16xf32>
        %swap3A_618 = arith.index_cast %add3A_602 : i32 to index
        %swap3A_619 = arith.constant 16 : index
        %swap3A_620 = tpu.vector_load %arg10[%swap3A_618, %swap3A_619] {strides = array<i32>} : memref<256x32xf32, #tpu.memory_space<vmem>>, vector<16xf32>,
        tpu.vector_store %arg10[%swap3A_618, %swap3A_619], %mul3A_617 {strides = array<i32>} : memref<256x32xf32, #tpu.memory_space<vmem>>, vector<16xf32>,
        %add3A_621 = arith.constant 11 : i32
        %add3A_622 = arith.addi %mul3A_400, %add3A_621 : i32
        %slice3A_623 = vector.extract_strided_slice %bitcast3A {offsets = [11], sizes = [1], strides = [1]} : vector<16xf32> to vector<1xf32>
        %squeeze3A_624 = vector.extract %slice3A_623[0] : f32 from vector<1xf32>
        %get3A_625 = arith.index_cast %add3A_622 : i32 to index
        %get3A_626 = arith.constant 0 : index
        %get3A_627 = tpu.vector_load %arg10[%get3A_625, %get3A_626] {strides = array<i32>} : memref<256x32xf32, #tpu.memory_space<vmem>>, vector<16xf32>,
        %mul3A_628 = vector.broadcast %squeeze3A_624 : f32 to vector<16xf32>
        %mul3A_629 = arith.mulf %get3A_627, %mul3A_628 : vector<16xf32>
        %swap3A_630 = arith.index_cast %add3A_622 : i32 to index
        %swap3A_631 = arith.constant 0 : index
        %swap3A_632 = tpu.vector_load %arg10[%swap3A_630, %swap3A_631] {strides = array<i32>} : memref<256x32xf32, #tpu.memory_space<vmem>>, vector<16xf32>,
        tpu.vector_store %arg10[%swap3A_630, %swap3A_631], %mul3A_629 {strides = array<i32>} : memref<256x32xf32, #tpu.memory_space<vmem>>, vector<16xf32>,
        %get3A_633 = arith.index_cast %add3A_622 : i32 to index
        %get3A_634 = arith.constant 16 : index
        %get3A_635 = tpu.vector_load %arg10[%get3A_633, %get3A_634] {strides = array<i32>} : memref<256x32xf32, #tpu.memory_space<vmem>>, vector<16xf32>,
        %mul3A_636 = vector.broadcast %squeeze3A_624 : f32 to vector<16xf32>
        %mul3A_637 = arith.mulf %get3A_635, %mul3A_636 : vector<16xf32>
        %swap3A_638 = arith.index_cast %add3A_622 : i32 to index
        %swap3A_639 = arith.constant 16 : index
        %swap3A_640 = tpu.vector_load %arg10[%swap3A_638, %swap3A_639] {strides = array<i32>} : memref<256x32xf32, #tpu.memory_space<vmem>>, vector<16xf32>,
        tpu.vector_store %arg10[%swap3A_638, %swap3A_639], %mul3A_637 {strides = array<i32>} : memref<256x32xf32, #tpu.memory_space<vmem>>, vector<16xf32>,
        %add3A_641 = arith.constant 12 : i32
        %add3A_642 = arith.addi %mul3A_400, %add3A_641 : i32
        %slice3A_643 = vector.extract_strided_slice %bitcast3A {offsets = [12], sizes = [1], strides = [1]} : vector<16xf32> to vector<1xf32>
        %squeeze3A_644 = vector.extract %slice3A_643[0] : f32 from vector<1xf32>
        %get3A_645 = arith.index_cast %add3A_642 : i32 to index
        %get3A_646 = arith.constant 0 : index
        %get3A_647 = tpu.vector_load %arg10[%get3A_645, %get3A_646] {strides = array<i32>} : memref<256x32xf32, #tpu.memory_space<vmem>>, vector<16xf32>,
        %mul3A_648 = vector.broadcast %squeeze3A_644 : f32 to vector<16xf32>
        %mul3A_649 = arith.mulf %get3A_647, %mul3A_648 : vector<16xf32>
        %swap3A_650 = arith.index_cast %add3A_642 : i32 to index
        %swap3A_651 = arith.constant 0 : index
        %swap3A_652 = tpu.vector_load %arg10[%swap3A_650, %swap3A_651] {strides = array<i32>} : memref<256x32xf32, #tpu.memory_space<vmem>>, vector<16xf32>,
        tpu.vector_store %arg10[%swap3A_650, %swap3A_651], %mul3A_649 {strides = array<i32>} : memref<256x32xf32, #tpu.memory_space<vmem>>, vector<16xf32>,
        %get3A_653 = arith.index_cast %add3A_642 : i32 to index
        %get3A_654 = arith.constant 16 : index
        %get3A_655 = tpu.vector_load %arg10[%get3A_653, %get3A_654] {strides = array<i32>} : memref<256x32xf32, #tpu.memory_space<vmem>>, vector<16xf32>,
        %mul3A_656 = vector.broadcast %squeeze3A_644 : f32 to vector<16xf32>
        %mul3A_657 = arith.mulf %get3A_655, %mul3A_656 : vector<16xf32>
        %swap3A_658 = arith.index_cast %add3A_642 : i32 to index
        %swap3A_659 = arith.constant 16 : index
        %swap3A_660 = tpu.vector_load %arg10[%swap3A_658, %swap3A_659] {strides = array<i32>} : memref<256x32xf32, #tpu.memory_space<vmem>>, vector<16xf32>,
        tpu.vector_store %arg10[%swap3A_658, %swap3A_659], %mul3A_657 {strides = array<i32>} : memref<256x32xf32, #tpu.memory_space<vmem>>, vector<16xf32>,
        %add3A_661 = arith.constant 13 : i32
        %add3A_662 = arith.addi %mul3A_400, %add3A_661 : i32
        %slice3A_663 = vector.extract_strided_slice %bitcast3A {offsets = [13], sizes = [1], strides = [1]} : vector<16xf32> to vector<1xf32>
        %squeeze3A_664 = vector.extract %slice3A_663[0] : f32 from vector<1xf32>
        %get3A_665 = arith.index_cast %add3A_662 : i32 to index
        %get3A_666 = arith.constant 0 : index
        %get3A_667 = tpu.vector_load %arg10[%get3A_665, %get3A_666] {strides = array<i32>} : memref<256x32xf32, #tpu.memory_space<vmem>>, vector<16xf32>,
        %mul3A_668 = vector.broadcast %squeeze3A_664 : f32 to vector<16xf32>
        %mul3A_669 = arith.mulf %get3A_667, %mul3A_668 : vector<16xf32>
        %swap3A_670 = arith.index_cast %add3A_662 : i32 to index
        %swap3A_671 = arith.constant 0 : index
        %swap3A_672 = tpu.vector_load %arg10[%swap3A_670, %swap3A_671] {strides = array<i32>} : memref<256x32xf32, #tpu.memory_space<vmem>>, vector<16xf32>,
        tpu.vector_store %arg10[%swap3A_670, %swap3A_671], %mul3A_669 {strides = array<i32>} : memref<256x32xf32, #tpu.memory_space<vmem>>, vector<16xf32>,
        %get3A_673 = arith.index_cast %add3A_662 : i32 to index
        %get3A_674 = arith.constant 16 : index
        %get3A_675 = tpu.vector_load %arg10[%get3A_673, %get3A_674] {strides = array<i32>} : memref<256x32xf32, #tpu.memory_space<vmem>>, vector<16xf32>,
        %mul3A_676 = vector.broadcast %squeeze3A_664 : f32 to vector<16xf32>
        %mul3A_677 = arith.mulf %get3A_675, %mul3A_676 : vector<16xf32>
        %swap3A_678 = arith.index_cast %add3A_662 : i32 to index
        %swap3A_679 = arith.constant 16 : index
        %swap3A_680 = tpu.vector_load %arg10[%swap3A_678, %swap3A_679] {strides = array<i32>} : memref<256x32xf32, #tpu.memory_space<vmem>>, vector<16xf32>,
        tpu.vector_store %arg10[%swap3A_678, %swap3A_679], %mul3A_677 {strides = array<i32>} : memref<256x32xf32, #tpu.memory_space<vmem>>, vector<16xf32>,
        %add3A_681 = arith.constant 14 : i32
        %add3A_682 = arith.addi %mul3A_400, %add3A_681 : i32
        %slice3A_683 = vector.extract_strided_slice %bitcast3A {offsets = [14], sizes = [1], strides = [1]} : vector<16xf32> to vector<1xf32>
        %squeeze3A_684 = vector.extract %slice3A_683[0] : f32 from vector<1xf32>
        %get3A_685 = arith.index_cast %add3A_682 : i32 to index
        %get3A_686 = arith.constant 0 : index
        %get3A_687 = tpu.vector_load %arg10[%get3A_685, %get3A_686] {strides = array<i32>} : memref<256x32xf32, #tpu.memory_space<vmem>>, vector<16xf32>,
        %mul3A_688 = vector.broadcast %squeeze3A_684 : f32 to vector<16xf32>
        %mul3A_689 = arith.mulf %get3A_687, %mul3A_688 : vector<16xf32>
        %swap3A_690 = arith.index_cast %add3A_682 : i32 to index
        %swap3A_691 = arith.constant 0 : index
        %swap3A_692 = tpu.vector_load %arg10[%swap3A_690, %swap3A_691] {strides = array<i32>} : memref<256x32xf32, #tpu.memory_space<vmem>>, vector<16xf32>,
        tpu.vector_store %arg10[%swap3A_690, %swap3A_691], %mul3A_689 {strides = array<i32>} : memref<256x32xf32, #tpu.memory_space<vmem>>, vector<16xf32>,
        %get3A_693 = arith.index_cast %add3A_682 : i32 to index
        %get3A_694 = arith.constant 16 : index
        %get3A_695 = tpu.vector_load %arg10[%get3A_693, %get3A_694] {strides = array<i32>} : memref<256x32xf32, #tpu.memory_space<vmem>>, vector<16xf32>,
        %mul3A_696 = vector.broadcast %squeeze3A_684 : f32 to vector<16xf32>
        %mul3A_697 = arith.mulf %get3A_695, %mul3A_696 : vector<16xf32>
        %swap3A_698 = arith.index_cast %add3A_682 : i32 to index
        %swap3A_699 = arith.constant 16 : index
        %swap3A_700 = tpu.vector_load %arg10[%swap3A_698, %swap3A_699] {strides = array<i32>} : memref<256x32xf32, #tpu.memory_space<vmem>>, vector<16xf32>,
        tpu.vector_store %arg10[%swap3A_698, %swap3A_699], %mul3A_697 {strides = array<i32>} : memref<256x32xf32, #tpu.memory_space<vmem>>, vector<16xf32>,
        %add3A_701 = arith.constant 15 : i32
        %add3A_702 = arith.addi %mul3A_400, %add3A_701 : i32
        %slice3A_703 = vector.extract_strided_slice %bitcast3A {offsets = [15], sizes = [1], strides = [1]} : vector<16xf32> to vector<1xf32>
        %squeeze3A_704 = vector.extract %slice3A_703[0] : f32 from vector<1xf32>
        %get3A_705 = arith.index_cast %add3A_702 : i32 to index
        %get3A_706 = arith.constant 0 : index
        %get3A_707 = tpu.vector_load %arg10[%get3A_705, %get3A_706] {strides = array<i32>} : memref<256x32xf32, #tpu.memory_space<vmem>>, vector<16xf32>,
        %mul3A_708 = vector.broadcast %squeeze3A_704 : f32 to vector<16xf32>
        %mul3A_709 = arith.mulf %get3A_707, %mul3A_708 : vector<16xf32>
        %swap3A_710 = arith.index_cast %add3A_702 : i32 to index
        %swap3A_711 = arith.constant 0 : index
        %swap3A_712 = tpu.vector_load %arg10[%swap3A_710, %swap3A_711] {strides = array<i32>} : memref<256x32xf32, #tpu.memory_space<vmem>>, vector<16xf32>,
        tpu.vector_store %arg10[%swap3A_710, %swap3A_711], %mul3A_709 {strides = array<i32>} : memref<256x32xf32, #tpu.memory_space<vmem>>, vector<16xf32>,
        %get3A_713 = arith.index_cast %add3A_702 : i32 to index
        %get3A_714 = arith.constant 16 : index
        %get3A_715 = tpu.vector_load %arg10[%get3A_713, %get3A_714] {strides = array<i32>} : memref<256x32xf32, #tpu.memory_space<vmem>>, vector<16xf32>,
        %mul3A_716 = vector.broadcast %squeeze3A_704 : f32 to vector<16xf32>
        %mul3A_717 = arith.mulf %get3A_715, %mul3A_716 : vector<16xf32>
        %swap3A_718 = arith.index_cast %add3A_702 : i32 to index
        %swap3A_719 = arith.constant 16 : index
        %swap3A_720 = tpu.vector_load %arg10[%swap3A_718, %swap3A_719] {strides = array<i32>} : memref<256x32xf32, #tpu.memory_space<vmem>>, vector<16xf32>,
        tpu.vector_store %arg10[%swap3A_718, %swap3A_719], %mul3A_717 {strides = array<i32>} : memref<256x32xf32, #tpu.memory_space<vmem>>, vector<16xf32>,
      }
      %scan3A_331 = arith.constant 16 : i32
      %dma_start3A_332 = arith.constant 2 : i32
      %dma_start3A_333 = arith.constant 0 : i32
      %dma_start3A_334 = tpu.memref_slice %arg13[%dma_start3A_332, %dma_start3A_333] : memref<3x256xi32, #tpu.memory_space<vmem>> -> memref<1x256xi32, #tpu.memory_space<vmem>>
      %dma_start3A_335 = tpu.memref_squeeze %dma_start3A_334 : memref<1x256xi32, #tpu.memory_space<vmem>> -> memref<256xi32, #tpu.memory_space<vmem>>
      %dma_start3A_336 = arith.constant 0 : i32
      %dma_start3A_337 = arith.constant 0 : i32
      %dma_start3A_338 = tpu.memref_slice %arg8[%dma_start3A_336, %dma_start3A_337] : memref<50048x32xf32, #tpu.memory_space<vmem_shared>> -> memref<50048x32xf32, #tpu.memory_space<vmem_shared>>
      tpu.enqueue_indirect_dma source(%arg10 : memref<256x32xf32, #tpu.memory_space<vmem>>) target(%dma_start3A_338 : memref<50048x32xf32, #tpu.memory_space<vmem_shared>>) offsets(%dma_start3A_335 : memref<256xi32, #tpu.memory_space<vmem>>) semaphore(%arg19 : memref<!tpu.dma_semaphore, #tpu.memory_space<semaphore_mem>>) {add = true}
      %mul3A_339 = arith.constant 3 : i32
      %mul3A_340 = arith.muli %mul3A_339, %scan3A_235 : i32
      %add3A_341 = arith.constant 2 : i32
      %add3A_342 = arith.addi %mul3A_340, %add3A_341 : i32
      %add3A_343 = arith.constant 2 : i32
      %add3A_344 = arith.addi %add3A_342, %add3A_343 : i32
      %min3A_345 = arith.constant 197 : i32
      %min3A_346 = arith.minsi %add3A_344, %min3A_345 : i32
      %dma_wait3A_347 = arith.constant 2 : i32
      %dma_wait3A_348 = arith.constant 0 : i32
      %dma_wait3A_349 = tpu.memref_slice %arg13[%dma_wait3A_347, %dma_wait3A_348] : memref<3x256xi32, #tpu.memory_space<vmem>> -> memref<1x256xi32, #tpu.memory_space<vmem>>
      %dma_wait3A_350 = tpu.memref_squeeze %dma_wait3A_349 : memref<1x256xi32, #tpu.memory_space<vmem>> -> memref<256xi32, #tpu.memory_space<vmem>>
      %dma_wait3A_351 = arith.constant 0 : i32
      %dma_wait3A_352 = arith.constant 0 : i32
      %dma_wait3A_353 = tpu.memref_slice %arg8[%dma_wait3A_351, %dma_wait3A_352] : memref<50048x32xf32, #tpu.memory_space<vmem_shared>> -> memref<50048x32xf32, #tpu.memory_space<vmem_shared>>
      tpu.wait_indirect_dma semaphore(%arg19 : memref<!tpu.dma_semaphore, #tpu.memory_space<semaphore_mem>>) src(%arg10 : memref<256x32xf32, #tpu.memory_space<vmem>>) dst(%dma_wait3A_353 : memref<50048x32xf32, #tpu.memory_space<vmem_shared>>)
      %add3A_354 = arith.addi %mul3A_2, %min3A_346 : i32
      %dma_start3A_355 = arith.constant 0 : i32
      %dma_start3A_356 = arith.constant 0 : i32
      %dma_start3A_357 = tpu.memref_slice %arg2[%arg0, %add3A_354, %dma_start3A_355, %dma_start3A_356] : memref<2x3168x3x256xi32, #tpu.memory_space<hbm>> -> memref<1x1x3x256xi32, #tpu.memory_space<hbm>>
      %dma_start3A_358 = tpu.memref_squeeze %dma_start3A_357 : memref<1x1x3x256xi32, #tpu.memory_space<hbm>> -> memref<3x256xi32, #tpu.memory_space<hbm>>
      %dma_start3A_359 = arith.constant 0 : i32
      %dma_start3A_360 = arith.constant 0 : i32
      %dma_start3A_361 = tpu.memref_slice %arg2[%arg0, %add3A_354, %dma_start3A_359, %dma_start3A_360] : memref<2x3168x3x256xi32, #tpu.memory_space<hbm>> -> memref<1x1x3x256xi32, #tpu.memory_space<hbm>>
      %dma_start3A_362 = tpu.memref_squeeze %dma_start3A_361 : memref<1x1x3x256xi32, #tpu.memory_space<hbm>> -> memref<3x256xi32, #tpu.memory_space<hbm>>
      tpu.enqueue_dma source(%dma_start3A_362 : memref<3x256xi32, #tpu.memory_space<hbm>>) target(%arg13 : memref<3x256xi32, #tpu.memory_space<vmem>>) target_semaphore(%arg22 : memref<!tpu.dma_semaphore, #tpu.memory_space<semaphore_mem>>)
      %dma_wait3A_363 = arith.constant 0 : i32
      %dma_wait3A_364 = arith.constant 0 : i32
      %dma_wait3A_365 = tpu.memref_slice %arg2[%arg0, %mul3A_2, %dma_wait3A_363, %dma_wait3A_364] : memref<2x3168x3x256xi32, #tpu.memory_space<hbm>> -> memref<1x1x3x256xi32, #tpu.memory_space<hbm>>
      %dma_wait3A_366 = tpu.memref_squeeze %dma_wait3A_365 : memref<1x1x3x256xi32, #tpu.memory_space<hbm>> -> memref<3x256xi32, #tpu.memory_space<hbm>>
      %dma_wait3A_367 = arith.constant 0 : i32
      %dma_wait3A_368 = arith.constant 0 : i32
      %dma_wait3A_369 = tpu.memref_slice %arg2[%arg0, %mul3A_2, %dma_wait3A_367, %dma_wait3A_368] : memref<2x3168x3x256xi32, #tpu.memory_space<hbm>> -> memref<1x1x3x256xi32, #tpu.memory_space<hbm>>
      %dma_wait3A_370 = tpu.memref_squeeze %dma_wait3A_369 : memref<1x1x3x256xi32, #tpu.memory_space<hbm>> -> memref<3x256xi32, #tpu.memory_space<hbm>>
      tpu.wait_dma2 semaphore(%arg21 : memref<!tpu.dma_semaphore, #tpu.memory_space<semaphore_mem>>) src(%dma_wait3A_370 : memref<3x256xi32, #tpu.memory_space<hbm>>) dst(%arg12 : memref<3x256xi32, #tpu.memory_space<vmem>>)
      %dma_start3A_371 = arith.constant 0 : i32
      %dma_start3A_372 = arith.constant 0 : i32
      %dma_start3A_373 = tpu.memref_slice %arg12[%dma_start3A_371, %dma_start3A_372] : memref<3x256xi32, #tpu.memory_space<vmem>> -> memref<1x256xi32, #tpu.memory_space<vmem>>
      %dma_start3A_374 = tpu.memref_squeeze %dma_start3A_373 : memref<1x256xi32, #tpu.memory_space<vmem>> -> memref<256xi32, #tpu.memory_space<vmem>>
      %dma_start3A_375 = arith.constant 0 : i32
      %dma_start3A_376 = arith.constant 0 : i32
      %dma_start3A_377 = tpu.memref_slice %arg7[%dma_start3A_375, %dma_start3A_376] : memref<100096x32xf32, #tpu.memory_space<hbm>> -> memref<100096x32xf32, #tpu.memory_space<hbm>>
      tpu.enqueue_indirect_dma source(%dma_start3A_377 : memref<100096x32xf32, #tpu.memory_space<hbm>>) target(%arg9 : memref<256x32xf32, #tpu.memory_space<vmem>>) offsets(%dma_start3A_374 : memref<256xi32, #tpu.memory_space<vmem>>) semaphore(%arg15 : memref<!tpu.dma_semaphore, #tpu.memory_space<semaphore_mem>>)
      %dma_wait3A_378 = arith.constant 0 : i32
      %dma_wait3A_379 = arith.constant 0 : i32
      %dma_wait3A_380 = tpu.memref_slice %arg14[%dma_wait3A_378, %dma_wait3A_379] : memref<3x256xi32, #tpu.memory_space<vmem>> -> memref<1x256xi32, #tpu.memory_space<vmem>>
      %dma_wait3A_381 = tpu.memref_squeeze %dma_wait3A_380 : memref<1x256xi32, #tpu.memory_space<vmem>> -> memref<256xi32, #tpu.memory_space<vmem>>
      %dma_wait3A_382 = arith.constant 0 : i32
      %dma_wait3A_383 = arith.constant 0 : i32
      %dma_wait3A_384 = tpu.memref_slice %arg7[%dma_wait3A_382, %dma_wait3A_383] : memref<100096x32xf32, #tpu.memory_space<hbm>> -> memref<100096x32xf32, #tpu.memory_space<hbm>>
      tpu.wait_indirect_dma semaphore(%arg17 : memref<!tpu.dma_semaphore, #tpu.memory_space<semaphore_mem>>) src(%dma_wait3A_384 : memref<100096x32xf32, #tpu.memory_space<hbm>>) dst(%arg11 : memref<256x32xf32, #tpu.memory_space<vmem>>)
      %scan3A_385 = arith.constant 0 : i32
      %scan3A_386 = arith.constant 0 : i32
      %scan3A_387 = arith.constant 16 : i32
      %scan3A_388 = arith.addi %scan3A_386, %scan3A_387 : i32
      %scan3A_389 = arith.constant 1 : i32
      scf.for %scan3A_398 = %scan3A_386 to %scan3A_388 step %scan3A_389  : i32 {
        %mul3A_399 = arith.constant 16 : i32
        %mul3A_400 = arith.muli %scan3A_398, %mul3A_399 : i32
        %get3A = arith.constant 1 : i32
        %get3A_401 = arith.index_cast %get3A : i32 to index
        %get3A_402 = arith.index_cast %mul3A_400 : i32 to index
        %get3A_403 = tpu.vector_load %arg14[%get3A_401, %get3A_402] {strides = array<i32>} : memref<3x256xi32, #tpu.memory_space<vmem>>, vector<16xi32>,
        %bitcast3A = vector.bitcast %get3A_403 : vector<16xi32> to vector<16xf32>
        %add3A_404 = arith.constant 0 : i32
        %add3A_405 = arith.addi %mul3A_400, %add3A_404 : i32
        %slice3A = vector.extract_strided_slice %bitcast3A {offsets = [0], sizes = [1], strides = [1]} : vector<16xf32> to vector<1xf32>
        %squeeze3A = vector.extract %slice3A[0] : f32 from vector<1xf32>
        %get3A_406 = arith.index_cast %add3A_405 : i32 to index
        %get3A_407 = arith.constant 0 : index
        %get3A_408 = tpu.vector_load %arg11[%get3A_406, %get3A_407] {strides = array<i32>} : memref<256x32xf32, #tpu.memory_space<vmem>>, vector<16xf32>,
        %mul3A_409 = vector.broadcast %squeeze3A : f32 to vector<16xf32>
        %mul3A_410 = arith.mulf %get3A_408, %mul3A_409 : vector<16xf32>
        %swap3A = arith.index_cast %add3A_405 : i32 to index
        %swap3A_411 = arith.constant 0 : index
        %swap3A_412 = tpu.vector_load %arg11[%swap3A, %swap3A_411] {strides = array<i32>} : memref<256x32xf32, #tpu.memory_space<vmem>>, vector<16xf32>,
        tpu.vector_store %arg11[%swap3A, %swap3A_411], %mul3A_410 {strides = array<i32>} : memref<256x32xf32, #tpu.memory_space<vmem>>, vector<16xf32>,
        %get3A_413 = arith.index_cast %add3A_405 : i32 to index
        %get3A_414 = arith.constant 16 : index
        %get3A_415 = tpu.vector_load %arg11[%get3A_413, %get3A_414] {strides = array<i32>} : memref<256x32xf32, #tpu.memory_space<vmem>>, vector<16xf32>,
        %mul3A_416 = vector.broadcast %squeeze3A : f32 to vector<16xf32>
        %mul3A_417 = arith.mulf %get3A_415, %mul3A_416 : vector<16xf32>
        %swap3A_418 = arith.index_cast %add3A_405 : i32 to index
        %swap3A_419 = arith.constant 16 : index
        %swap3A_420 = tpu.vector_load %arg11[%swap3A_418, %swap3A_419] {strides = array<i32>} : memref<256x32xf32, #tpu.memory_space<vmem>>, vector<16xf32>,
        tpu.vector_store %arg11[%swap3A_418, %swap3A_419], %mul3A_417 {strides = array<i32>} : memref<256x32xf32, #tpu.memory_space<vmem>>, vector<16xf32>,
        %add3A_421 = arith.constant 1 : i32
        %add3A_422 = arith.addi %mul3A_400, %add3A_421 : i32
        %slice3A_423 = vector.extract_strided_slice %bitcast3A {offsets = [1], sizes = [1], strides = [1]} : vector<16xf32> to vector<1xf32>
        %squeeze3A_424 = vector.extract %slice3A_423[0] : f32 from vector<1xf32>
        %get3A_425 = arith.index_cast %add3A_422 : i32 to index
        %get3A_426 = arith.constant 0 : index
        %get3A_427 = tpu.vector_load %arg11[%get3A_425, %get3A_426] {strides = array<i32>} : memref<256x32xf32, #tpu.memory_space<vmem>>, vector<16xf32>,
        %mul3A_428 = vector.broadcast %squeeze3A_424 : f32 to vector<16xf32>
        %mul3A_429 = arith.mulf %get3A_427, %mul3A_428 : vector<16xf32>
        %swap3A_430 = arith.index_cast %add3A_422 : i32 to index
        %swap3A_431 = arith.constant 0 : index
        %swap3A_432 = tpu.vector_load %arg11[%swap3A_430, %swap3A_431] {strides = array<i32>} : memref<256x32xf32, #tpu.memory_space<vmem>>, vector<16xf32>,
        tpu.vector_store %arg11[%swap3A_430, %swap3A_431], %mul3A_429 {strides = array<i32>} : memref<256x32xf32, #tpu.memory_space<vmem>>, vector<16xf32>,
        %get3A_433 = arith.index_cast %add3A_422 : i32 to index
        %get3A_434 = arith.constant 16 : index
        %get3A_435 = tpu.vector_load %arg11[%get3A_433, %get3A_434] {strides = array<i32>} : memref<256x32xf32, #tpu.memory_space<vmem>>, vector<16xf32>,
        %mul3A_436 = vector.broadcast %squeeze3A_424 : f32 to vector<16xf32>
        %mul3A_437 = arith.mulf %get3A_435, %mul3A_436 : vector<16xf32>
        %swap3A_438 = arith.index_cast %add3A_422 : i32 to index
        %swap3A_439 = arith.constant 16 : index
        %swap3A_440 = tpu.vector_load %arg11[%swap3A_438, %swap3A_439] {strides = array<i32>} : memref<256x32xf32, #tpu.memory_space<vmem>>, vector<16xf32>,
        tpu.vector_store %arg11[%swap3A_438, %swap3A_439], %mul3A_437 {strides = array<i32>} : memref<256x32xf32, #tpu.memory_space<vmem>>, vector<16xf32>,
        %add3A_441 = arith.constant 2 : i32
        %add3A_442 = arith.addi %mul3A_400, %add3A_441 : i32
        %slice3A_443 = vector.extract_strided_slice %bitcast3A {offsets = [2], sizes = [1], strides = [1]} : vector<16xf32> to vector<1xf32>
        %squeeze3A_444 = vector.extract %slice3A_443[0] : f32 from vector<1xf32>
        %get3A_445 = arith.index_cast %add3A_442 : i32 to index
        %get3A_446 = arith.constant 0 : index
        %get3A_447 = tpu.vector_load %arg11[%get3A_445, %get3A_446] {strides = array<i32>} : memref<256x32xf32, #tpu.memory_space<vmem>>, vector<16xf32>,
        %mul3A_448 = vector.broadcast %squeeze3A_444 : f32 to vector<16xf32>
        %mul3A_449 = arith.mulf %get3A_447, %mul3A_448 : vector<16xf32>
        %swap3A_450 = arith.index_cast %add3A_442 : i32 to index
        %swap3A_451 = arith.constant 0 : index
        %swap3A_452 = tpu.vector_load %arg11[%swap3A_450, %swap3A_451] {strides = array<i32>} : memref<256x32xf32, #tpu.memory_space<vmem>>, vector<16xf32>,
        tpu.vector_store %arg11[%swap3A_450, %swap3A_451], %mul3A_449 {strides = array<i32>} : memref<256x32xf32, #tpu.memory_space<vmem>>, vector<16xf32>,
        %get3A_453 = arith.index_cast %add3A_442 : i32 to index
        %get3A_454 = arith.constant 16 : index
        %get3A_455 = tpu.vector_load %arg11[%get3A_453, %get3A_454] {strides = array<i32>} : memref<256x32xf32, #tpu.memory_space<vmem>>, vector<16xf32>,
        %mul3A_456 = vector.broadcast %squeeze3A_444 : f32 to vector<16xf32>
        %mul3A_457 = arith.mulf %get3A_455, %mul3A_456 : vector<16xf32>
        %swap3A_458 = arith.index_cast %add3A_442 : i32 to index
        %swap3A_459 = arith.constant 16 : index
        %swap3A_460 = tpu.vector_load %arg11[%swap3A_458, %swap3A_459] {strides = array<i32>} : memref<256x32xf32, #tpu.memory_space<vmem>>, vector<16xf32>,
        tpu.vector_store %arg11[%swap3A_458, %swap3A_459], %mul3A_457 {strides = array<i32>} : memref<256x32xf32, #tpu.memory_space<vmem>>, vector<16xf32>,
        %add3A_461 = arith.constant 3 : i32
        %add3A_462 = arith.addi %mul3A_400, %add3A_461 : i32
        %slice3A_463 = vector.extract_strided_slice %bitcast3A {offsets = [3], sizes = [1], strides = [1]} : vector<16xf32> to vector<1xf32>
        %squeeze3A_464 = vector.extract %slice3A_463[0] : f32 from vector<1xf32>
        %get3A_465 = arith.index_cast %add3A_462 : i32 to index
        %get3A_466 = arith.constant 0 : index
        %get3A_467 = tpu.vector_load %arg11[%get3A_465, %get3A_466] {strides = array<i32>} : memref<256x32xf32, #tpu.memory_space<vmem>>, vector<16xf32>,
        %mul3A_468 = vector.broadcast %squeeze3A_464 : f32 to vector<16xf32>
        %mul3A_469 = arith.mulf %get3A_467, %mul3A_468 : vector<16xf32>
        %swap3A_470 = arith.index_cast %add3A_462 : i32 to index
        %swap3A_471 = arith.constant 0 : index
        %swap3A_472 = tpu.vector_load %arg11[%swap3A_470, %swap3A_471] {strides = array<i32>} : memref<256x32xf32, #tpu.memory_space<vmem>>, vector<16xf32>,
        tpu.vector_store %arg11[%swap3A_470, %swap3A_471], %mul3A_469 {strides = array<i32>} : memref<256x32xf32, #tpu.memory_space<vmem>>, vector<16xf32>,
        %get3A_473 = arith.index_cast %add3A_462 : i32 to index
        %get3A_474 = arith.constant 16 : index
        %get3A_475 = tpu.vector_load %arg11[%get3A_473, %get3A_474] {strides = array<i32>} : memref<256x32xf32, #tpu.memory_space<vmem>>, vector<16xf32>,
        %mul3A_476 = vector.broadcast %squeeze3A_464 : f32 to vector<16xf32>
        %mul3A_477 = arith.mulf %get3A_475, %mul3A_476 : vector<16xf32>
        %swap3A_478 = arith.index_cast %add3A_462 : i32 to index
        %swap3A_479 = arith.constant 16 : index
        %swap3A_480 = tpu.vector_load %arg11[%swap3A_478, %swap3A_479] {strides = array<i32>} : memref<256x32xf32, #tpu.memory_space<vmem>>, vector<16xf32>,
        tpu.vector_store %arg11[%swap3A_478, %swap3A_479], %mul3A_477 {strides = array<i32>} : memref<256x32xf32, #tpu.memory_space<vmem>>, vector<16xf32>,
        %add3A_481 = arith.constant 4 : i32
        %add3A_482 = arith.addi %mul3A_400, %add3A_481 : i32
        %slice3A_483 = vector.extract_strided_slice %bitcast3A {offsets = [4], sizes = [1], strides = [1]} : vector<16xf32> to vector<1xf32>
        %squeeze3A_484 = vector.extract %slice3A_483[0] : f32 from vector<1xf32>
        %get3A_485 = arith.index_cast %add3A_482 : i32 to index
        %get3A_486 = arith.constant 0 : index
        %get3A_487 = tpu.vector_load %arg11[%get3A_485, %get3A_486] {strides = array<i32>} : memref<256x32xf32, #tpu.memory_space<vmem>>, vector<16xf32>,
        %mul3A_488 = vector.broadcast %squeeze3A_484 : f32 to vector<16xf32>
        %mul3A_489 = arith.mulf %get3A_487, %mul3A_488 : vector<16xf32>
        %swap3A_490 = arith.index_cast %add3A_482 : i32 to index
        %swap3A_491 = arith.constant 0 : index
        %swap3A_492 = tpu.vector_load %arg11[%swap3A_490, %swap3A_491] {strides = array<i32>} : memref<256x32xf32, #tpu.memory_space<vmem>>, vector<16xf32>,
        tpu.vector_store %arg11[%swap3A_490, %swap3A_491], %mul3A_489 {strides = array<i32>} : memref<256x32xf32, #tpu.memory_space<vmem>>, vector<16xf32>,
        %get3A_493 = arith.index_cast %add3A_482 : i32 to index
        %get3A_494 = arith.constant 16 : index
        %get3A_495 = tpu.vector_load %arg11[%get3A_493, %get3A_494] {strides = array<i32>} : memref<256x32xf32, #tpu.memory_space<vmem>>, vector<16xf32>,
        %mul3A_496 = vector.broadcast %squeeze3A_484 : f32 to vector<16xf32>
        %mul3A_497 = arith.mulf %get3A_495, %mul3A_496 : vector<16xf32>
        %swap3A_498 = arith.index_cast %add3A_482 : i32 to index
        %swap3A_499 = arith.constant 16 : index
        %swap3A_500 = tpu.vector_load %arg11[%swap3A_498, %swap3A_499] {strides = array<i32>} : memref<256x32xf32, #tpu.memory_space<vmem>>, vector<16xf32>,
        tpu.vector_store %arg11[%swap3A_498, %swap3A_499], %mul3A_497 {strides = array<i32>} : memref<256x32xf32, #tpu.memory_space<vmem>>, vector<16xf32>,
        %add3A_501 = arith.constant 5 : i32
        %add3A_502 = arith.addi %mul3A_400, %add3A_501 : i32
        %slice3A_503 = vector.extract_strided_slice %bitcast3A {offsets = [5], sizes = [1], strides = [1]} : vector<16xf32> to vector<1xf32>
        %squeeze3A_504 = vector.extract %slice3A_503[0] : f32 from vector<1xf32>
        %get3A_505 = arith.index_cast %add3A_502 : i32 to index
        %get3A_506 = arith.constant 0 : index
        %get3A_507 = tpu.vector_load %arg11[%get3A_505, %get3A_506] {strides = array<i32>} : memref<256x32xf32, #tpu.memory_space<vmem>>, vector<16xf32>,
        %mul3A_508 = vector.broadcast %squeeze3A_504 : f32 to vector<16xf32>
        %mul3A_509 = arith.mulf %get3A_507, %mul3A_508 : vector<16xf32>
        %swap3A_510 = arith.index_cast %add3A_502 : i32 to index
        %swap3A_511 = arith.constant 0 : index
        %swap3A_512 = tpu.vector_load %arg11[%swap3A_510, %swap3A_511] {strides = array<i32>} : memref<256x32xf32, #tpu.memory_space<vmem>>, vector<16xf32>,
        tpu.vector_store %arg11[%swap3A_510, %swap3A_511], %mul3A_509 {strides = array<i32>} : memref<256x32xf32, #tpu.memory_space<vmem>>, vector<16xf32>,
        %get3A_513 = arith.index_cast %add3A_502 : i32 to index
        %get3A_514 = arith.constant 16 : index
        %get3A_515 = tpu.vector_load %arg11[%get3A_513, %get3A_514] {strides = array<i32>} : memref<256x32xf32, #tpu.memory_space<vmem>>, vector<16xf32>,
        %mul3A_516 = vector.broadcast %squeeze3A_504 : f32 to vector<16xf32>
        %mul3A_517 = arith.mulf %get3A_515, %mul3A_516 : vector<16xf32>
        %swap3A_518 = arith.index_cast %add3A_502 : i32 to index
        %swap3A_519 = arith.constant 16 : index
        %swap3A_520 = tpu.vector_load %arg11[%swap3A_518, %swap3A_519] {strides = array<i32>} : memref<256x32xf32, #tpu.memory_space<vmem>>, vector<16xf32>,
        tpu.vector_store %arg11[%swap3A_518, %swap3A_519], %mul3A_517 {strides = array<i32>} : memref<256x32xf32, #tpu.memory_space<vmem>>, vector<16xf32>,
        %add3A_521 = arith.constant 6 : i32
        %add3A_522 = arith.addi %mul3A_400, %add3A_521 : i32
        %slice3A_523 = vector.extract_strided_slice %bitcast3A {offsets = [6], sizes = [1], strides = [1]} : vector<16xf32> to vector<1xf32>
        %squeeze3A_524 = vector.extract %slice3A_523[0] : f32 from vector<1xf32>
        %get3A_525 = arith.index_cast %add3A_522 : i32 to index
        %get3A_526 = arith.constant 0 : index
        %get3A_527 = tpu.vector_load %arg11[%get3A_525, %get3A_526] {strides = array<i32>} : memref<256x32xf32, #tpu.memory_space<vmem>>, vector<16xf32>,
        %mul3A_528 = vector.broadcast %squeeze3A_524 : f32 to vector<16xf32>
        %mul3A_529 = arith.mulf %get3A_527, %mul3A_528 : vector<16xf32>
        %swap3A_530 = arith.index_cast %add3A_522 : i32 to index
        %swap3A_531 = arith.constant 0 : index
        %swap3A_532 = tpu.vector_load %arg11[%swap3A_530, %swap3A_531] {strides = array<i32>} : memref<256x32xf32, #tpu.memory_space<vmem>>, vector<16xf32>,
        tpu.vector_store %arg11[%swap3A_530, %swap3A_531], %mul3A_529 {strides = array<i32>} : memref<256x32xf32, #tpu.memory_space<vmem>>, vector<16xf32>,
        %get3A_533 = arith.index_cast %add3A_522 : i32 to index
        %get3A_534 = arith.constant 16 : index
        %get3A_535 = tpu.vector_load %arg11[%get3A_533, %get3A_534] {strides = array<i32>} : memref<256x32xf32, #tpu.memory_space<vmem>>, vector<16xf32>,
        %mul3A_536 = vector.broadcast %squeeze3A_524 : f32 to vector<16xf32>
        %mul3A_537 = arith.mulf %get3A_535, %mul3A_536 : vector<16xf32>
        %swap3A_538 = arith.index_cast %add3A_522 : i32 to index
        %swap3A_539 = arith.constant 16 : index
        %swap3A_540 = tpu.vector_load %arg11[%swap3A_538, %swap3A_539] {strides = array<i32>} : memref<256x32xf32, #tpu.memory_space<vmem>>, vector<16xf32>,
        tpu.vector_store %arg11[%swap3A_538, %swap3A_539], %mul3A_537 {strides = array<i32>} : memref<256x32xf32, #tpu.memory_space<vmem>>, vector<16xf32>,
        %add3A_541 = arith.constant 7 : i32
        %add3A_542 = arith.addi %mul3A_400, %add3A_541 : i32
        %slice3A_543 = vector.extract_strided_slice %bitcast3A {offsets = [7], sizes = [1], strides = [1]} : vector<16xf32> to vector<1xf32>
        %squeeze3A_544 = vector.extract %slice3A_543[0] : f32 from vector<1xf32>
        %get3A_545 = arith.index_cast %add3A_542 : i32 to index
        %get3A_546 = arith.constant 0 : index
        %get3A_547 = tpu.vector_load %arg11[%get3A_545, %get3A_546] {strides = array<i32>} : memref<256x32xf32, #tpu.memory_space<vmem>>, vector<16xf32>,
        %mul3A_548 = vector.broadcast %squeeze3A_544 : f32 to vector<16xf32>
        %mul3A_549 = arith.mulf %get3A_547, %mul3A_548 : vector<16xf32>
        %swap3A_550 = arith.index_cast %add3A_542 : i32 to index
        %swap3A_551 = arith.constant 0 : index
        %swap3A_552 = tpu.vector_load %arg11[%swap3A_550, %swap3A_551] {strides = array<i32>} : memref<256x32xf32, #tpu.memory_space<vmem>>, vector<16xf32>,
        tpu.vector_store %arg11[%swap3A_550, %swap3A_551], %mul3A_549 {strides = array<i32>} : memref<256x32xf32, #tpu.memory_space<vmem>>, vector<16xf32>,
        %get3A_553 = arith.index_cast %add3A_542 : i32 to index
        %get3A_554 = arith.constant 16 : index
        %get3A_555 = tpu.vector_load %arg11[%get3A_553, %get3A_554] {strides = array<i32>} : memref<256x32xf32, #tpu.memory_space<vmem>>, vector<16xf32>,
        %mul3A_556 = vector.broadcast %squeeze3A_544 : f32 to vector<16xf32>
        %mul3A_557 = arith.mulf %get3A_555, %mul3A_556 : vector<16xf32>
        %swap3A_558 = arith.index_cast %add3A_542 : i32 to index
        %swap3A_559 = arith.constant 16 : index
        %swap3A_560 = tpu.vector_load %arg11[%swap3A_558, %swap3A_559] {strides = array<i32>} : memref<256x32xf32, #tpu.memory_space<vmem>>, vector<16xf32>,
        tpu.vector_store %arg11[%swap3A_558, %swap3A_559], %mul3A_557 {strides = array<i32>} : memref<256x32xf32, #tpu.memory_space<vmem>>, vector<16xf32>,
        %add3A_561 = arith.constant 8 : i32
        %add3A_562 = arith.addi %mul3A_400, %add3A_561 : i32
        %slice3A_563 = vector.extract_strided_slice %bitcast3A {offsets = [8], sizes = [1], strides = [1]} : vector<16xf32> to vector<1xf32>
        %squeeze3A_564 = vector.extract %slice3A_563[0] : f32 from vector<1xf32>
        %get3A_565 = arith.index_cast %add3A_562 : i32 to index
        %get3A_566 = arith.constant 0 : index
        %get3A_567 = tpu.vector_load %arg11[%get3A_565, %get3A_566] {strides = array<i32>} : memref<256x32xf32, #tpu.memory_space<vmem>>, vector<16xf32>,
        %mul3A_568 = vector.broadcast %squeeze3A_564 : f32 to vector<16xf32>
        %mul3A_569 = arith.mulf %get3A_567, %mul3A_568 : vector<16xf32>
        %swap3A_570 = arith.index_cast %add3A_562 : i32 to index
        %swap3A_571 = arith.constant 0 : index
        %swap3A_572 = tpu.vector_load %arg11[%swap3A_570, %swap3A_571] {strides = array<i32>} : memref<256x32xf32, #tpu.memory_space<vmem>>, vector<16xf32>,
        tpu.vector_store %arg11[%swap3A_570, %swap3A_571], %mul3A_569 {strides = array<i32>} : memref<256x32xf32, #tpu.memory_space<vmem>>, vector<16xf32>,
        %get3A_573 = arith.index_cast %add3A_562 : i32 to index
        %get3A_574 = arith.constant 16 : index
        %get3A_575 = tpu.vector_load %arg11[%get3A_573, %get3A_574] {strides = array<i32>} : memref<256x32xf32, #tpu.memory_space<vmem>>, vector<16xf32>,
        %mul3A_576 = vector.broadcast %squeeze3A_564 : f32 to vector<16xf32>
        %mul3A_577 = arith.mulf %get3A_575, %mul3A_576 : vector<16xf32>
        %swap3A_578 = arith.index_cast %add3A_562 : i32 to index
        %swap3A_579 = arith.constant 16 : index
        %swap3A_580 = tpu.vector_load %arg11[%swap3A_578, %swap3A_579] {strides = array<i32>} : memref<256x32xf32, #tpu.memory_space<vmem>>, vector<16xf32>,
        tpu.vector_store %arg11[%swap3A_578, %swap3A_579], %mul3A_577 {strides = array<i32>} : memref<256x32xf32, #tpu.memory_space<vmem>>, vector<16xf32>,
        %add3A_581 = arith.constant 9 : i32
        %add3A_582 = arith.addi %mul3A_400, %add3A_581 : i32
        %slice3A_583 = vector.extract_strided_slice %bitcast3A {offsets = [9], sizes = [1], strides = [1]} : vector<16xf32> to vector<1xf32>
        %squeeze3A_584 = vector.extract %slice3A_583[0] : f32 from vector<1xf32>
        %get3A_585 = arith.index_cast %add3A_582 : i32 to index
        %get3A_586 = arith.constant 0 : index
        %get3A_587 = tpu.vector_load %arg11[%get3A_585, %get3A_586] {strides = array<i32>} : memref<256x32xf32, #tpu.memory_space<vmem>>, vector<16xf32>,
        %mul3A_588 = vector.broadcast %squeeze3A_584 : f32 to vector<16xf32>
        %mul3A_589 = arith.mulf %get3A_587, %mul3A_588 : vector<16xf32>
        %swap3A_590 = arith.index_cast %add3A_582 : i32 to index
        %swap3A_591 = arith.constant 0 : index
        %swap3A_592 = tpu.vector_load %arg11[%swap3A_590, %swap3A_591] {strides = array<i32>} : memref<256x32xf32, #tpu.memory_space<vmem>>, vector<16xf32>,
        tpu.vector_store %arg11[%swap3A_590, %swap3A_591], %mul3A_589 {strides = array<i32>} : memref<256x32xf32, #tpu.memory_space<vmem>>, vector<16xf32>,
        %get3A_593 = arith.index_cast %add3A_582 : i32 to index
        %get3A_594 = arith.constant 16 : index
        %get3A_595 = tpu.vector_load %arg11[%get3A_593, %get3A_594] {strides = array<i32>} : memref<256x32xf32, #tpu.memory_space<vmem>>, vector<16xf32>,
        %mul3A_596 = vector.broadcast %squeeze3A_584 : f32 to vector<16xf32>
        %mul3A_597 = arith.mulf %get3A_595, %mul3A_596 : vector<16xf32>
        %swap3A_598 = arith.index_cast %add3A_582 : i32 to index
        %swap3A_599 = arith.constant 16 : index
        %swap3A_600 = tpu.vector_load %arg11[%swap3A_598, %swap3A_599] {strides = array<i32>} : memref<256x32xf32, #tpu.memory_space<vmem>>, vector<16xf32>,
        tpu.vector_store %arg11[%swap3A_598, %swap3A_599], %mul3A_597 {strides = array<i32>} : memref<256x32xf32, #tpu.memory_space<vmem>>, vector<16xf32>,
        %add3A_601 = arith.constant 10 : i32
        %add3A_602 = arith.addi %mul3A_400, %add3A_601 : i32
        %slice3A_603 = vector.extract_strided_slice %bitcast3A {offsets = [10], sizes = [1], strides = [1]} : vector<16xf32> to vector<1xf32>
        %squeeze3A_604 = vector.extract %slice3A_603[0] : f32 from vector<1xf32>
        %get3A_605 = arith.index_cast %add3A_602 : i32 to index
        %get3A_606 = arith.constant 0 : index
        %get3A_607 = tpu.vector_load %arg11[%get3A_605, %get3A_606] {strides = array<i32>} : memref<256x32xf32, #tpu.memory_space<vmem>>, vector<16xf32>,
        %mul3A_608 = vector.broadcast %squeeze3A_604 : f32 to vector<16xf32>
        %mul3A_609 = arith.mulf %get3A_607, %mul3A_608 : vector<16xf32>
        %swap3A_610 = arith.index_cast %add3A_602 : i32 to index
        %swap3A_611 = arith.constant 0 : index
        %swap3A_612 = tpu.vector_load %arg11[%swap3A_610, %swap3A_611] {strides = array<i32>} : memref<256x32xf32, #tpu.memory_space<vmem>>, vector<16xf32>,
        tpu.vector_store %arg11[%swap3A_610, %swap3A_611], %mul3A_609 {strides = array<i32>} : memref<256x32xf32, #tpu.memory_space<vmem>>, vector<16xf32>,
        %get3A_613 = arith.index_cast %add3A_602 : i32 to index
        %get3A_614 = arith.constant 16 : index
        %get3A_615 = tpu.vector_load %arg11[%get3A_613, %get3A_614] {strides = array<i32>} : memref<256x32xf32, #tpu.memory_space<vmem>>, vector<16xf32>,
        %mul3A_616 = vector.broadcast %squeeze3A_604 : f32 to vector<16xf32>
        %mul3A_617 = arith.mulf %get3A_615, %mul3A_616 : vector<16xf32>
        %swap3A_618 = arith.index_cast %add3A_602 : i32 to index
        %swap3A_619 = arith.constant 16 : index
        %swap3A_620 = tpu.vector_load %arg11[%swap3A_618, %swap3A_619] {strides = array<i32>} : memref<256x32xf32, #tpu.memory_space<vmem>>, vector<16xf32>,
        tpu.vector_store %arg11[%swap3A_618, %swap3A_619], %mul3A_617 {strides = array<i32>} : memref<256x32xf32, #tpu.memory_space<vmem>>, vector<16xf32>,
        %add3A_621 = arith.constant 11 : i32
        %add3A_622 = arith.addi %mul3A_400, %add3A_621 : i32
        %slice3A_623 = vector.extract_strided_slice %bitcast3A {offsets = [11], sizes = [1], strides = [1]} : vector<16xf32> to vector<1xf32>
        %squeeze3A_624 = vector.extract %slice3A_623[0] : f32 from vector<1xf32>
        %get3A_625 = arith.index_cast %add3A_622 : i32 to index
        %get3A_626 = arith.constant 0 : index
        %get3A_627 = tpu.vector_load %arg11[%get3A_625, %get3A_626] {strides = array<i32>} : memref<256x32xf32, #tpu.memory_space<vmem>>, vector<16xf32>,
        %mul3A_628 = vector.broadcast %squeeze3A_624 : f32 to vector<16xf32>
        %mul3A_629 = arith.mulf %get3A_627, %mul3A_628 : vector<16xf32>
        %swap3A_630 = arith.index_cast %add3A_622 : i32 to index
        %swap3A_631 = arith.constant 0 : index
        %swap3A_632 = tpu.vector_load %arg11[%swap3A_630, %swap3A_631] {strides = array<i32>} : memref<256x32xf32, #tpu.memory_space<vmem>>, vector<16xf32>,
        tpu.vector_store %arg11[%swap3A_630, %swap3A_631], %mul3A_629 {strides = array<i32>} : memref<256x32xf32, #tpu.memory_space<vmem>>, vector<16xf32>,
        %get3A_633 = arith.index_cast %add3A_622 : i32 to index
        %get3A_634 = arith.constant 16 : index
        %get3A_635 = tpu.vector_load %arg11[%get3A_633, %get3A_634] {strides = array<i32>} : memref<256x32xf32, #tpu.memory_space<vmem>>, vector<16xf32>,
        %mul3A_636 = vector.broadcast %squeeze3A_624 : f32 to vector<16xf32>
        %mul3A_637 = arith.mulf %get3A_635, %mul3A_636 : vector<16xf32>
        %swap3A_638 = arith.index_cast %add3A_622 : i32 to index
        %swap3A_639 = arith.constant 16 : index
        %swap3A_640 = tpu.vector_load %arg11[%swap3A_638, %swap3A_639] {strides = array<i32>} : memref<256x32xf32, #tpu.memory_space<vmem>>, vector<16xf32>,
        tpu.vector_store %arg11[%swap3A_638, %swap3A_639], %mul3A_637 {strides = array<i32>} : memref<256x32xf32, #tpu.memory_space<vmem>>, vector<16xf32>,
        %add3A_641 = arith.constant 12 : i32
        %add3A_642 = arith.addi %mul3A_400, %add3A_641 : i32
        %slice3A_643 = vector.extract_strided_slice %bitcast3A {offsets = [12], sizes = [1], strides = [1]} : vector<16xf32> to vector<1xf32>
        %squeeze3A_644 = vector.extract %slice3A_643[0] : f32 from vector<1xf32>
        %get3A_645 = arith.index_cast %add3A_642 : i32 to index
        %get3A_646 = arith.constant 0 : index
        %get3A_647 = tpu.vector_load %arg11[%get3A_645, %get3A_646] {strides = array<i32>} : memref<256x32xf32, #tpu.memory_space<vmem>>, vector<16xf32>,
        %mul3A_648 = vector.broadcast %squeeze3A_644 : f32 to vector<16xf32>
        %mul3A_649 = arith.mulf %get3A_647, %mul3A_648 : vector<16xf32>
        %swap3A_650 = arith.index_cast %add3A_642 : i32 to index
        %swap3A_651 = arith.constant 0 : index
        %swap3A_652 = tpu.vector_load %arg11[%swap3A_650, %swap3A_651] {strides = array<i32>} : memref<256x32xf32, #tpu.memory_space<vmem>>, vector<16xf32>,
        tpu.vector_store %arg11[%swap3A_650, %swap3A_651], %mul3A_649 {strides = array<i32>} : memref<256x32xf32, #tpu.memory_space<vmem>>, vector<16xf32>,
        %get3A_653 = arith.index_cast %add3A_642 : i32 to index
        %get3A_654 = arith.constant 16 : index
        %get3A_655 = tpu.vector_load %arg11[%get3A_653, %get3A_654] {strides = array<i32>} : memref<256x32xf32, #tpu.memory_space<vmem>>, vector<16xf32>,
        %mul3A_656 = vector.broadcast %squeeze3A_644 : f32 to vector<16xf32>
        %mul3A_657 = arith.mulf %get3A_655, %mul3A_656 : vector<16xf32>
        %swap3A_658 = arith.index_cast %add3A_642 : i32 to index
        %swap3A_659 = arith.constant 16 : index
        %swap3A_660 = tpu.vector_load %arg11[%swap3A_658, %swap3A_659] {strides = array<i32>} : memref<256x32xf32, #tpu.memory_space<vmem>>, vector<16xf32>,
        tpu.vector_store %arg11[%swap3A_658, %swap3A_659], %mul3A_657 {strides = array<i32>} : memref<256x32xf32, #tpu.memory_space<vmem>>, vector<16xf32>,
        %add3A_661 = arith.constant 13 : i32
        %add3A_662 = arith.addi %mul3A_400, %add3A_661 : i32
        %slice3A_663 = vector.extract_strided_slice %bitcast3A {offsets = [13], sizes = [1], strides = [1]} : vector<16xf32> to vector<1xf32>
        %squeeze3A_664 = vector.extract %slice3A_663[0] : f32 from vector<1xf32>
        %get3A_665 = arith.index_cast %add3A_662 : i32 to index
        %get3A_666 = arith.constant 0 : index
        %get3A_667 = tpu.vector_load %arg11[%get3A_665, %get3A_666] {strides = array<i32>} : memref<256x32xf32, #tpu.memory_space<vmem>>, vector<16xf32>,
        %mul3A_668 = vector.broadcast %squeeze3A_664 : f32 to vector<16xf32>
        %mul3A_669 = arith.mulf %get3A_667, %mul3A_668 : vector<16xf32>
        %swap3A_670 = arith.index_cast %add3A_662 : i32 to index
        %swap3A_671 = arith.constant 0 : index
        %swap3A_672 = tpu.vector_load %arg11[%swap3A_670, %swap3A_671] {strides = array<i32>} : memref<256x32xf32, #tpu.memory_space<vmem>>, vector<16xf32>,
        tpu.vector_store %arg11[%swap3A_670, %swap3A_671], %mul3A_669 {strides = array<i32>} : memref<256x32xf32, #tpu.memory_space<vmem>>, vector<16xf32>,
        %get3A_673 = arith.index_cast %add3A_662 : i32 to index
        %get3A_674 = arith.constant 16 : index
        %get3A_675 = tpu.vector_load %arg11[%get3A_673, %get3A_674] {strides = array<i32>} : memref<256x32xf32, #tpu.memory_space<vmem>>, vector<16xf32>,
        %mul3A_676 = vector.broadcast %squeeze3A_664 : f32 to vector<16xf32>
        %mul3A_677 = arith.mulf %get3A_675, %mul3A_676 : vector<16xf32>
        %swap3A_678 = arith.index_cast %add3A_662 : i32 to index
        %swap3A_679 = arith.constant 16 : index
        %swap3A_680 = tpu.vector_load %arg11[%swap3A_678, %swap3A_679] {strides = array<i32>} : memref<256x32xf32, #tpu.memory_space<vmem>>, vector<16xf32>,
        tpu.vector_store %arg11[%swap3A_678, %swap3A_679], %mul3A_677 {strides = array<i32>} : memref<256x32xf32, #tpu.memory_space<vmem>>, vector<16xf32>,
        %add3A_681 = arith.constant 14 : i32
        %add3A_682 = arith.addi %mul3A_400, %add3A_681 : i32
        %slice3A_683 = vector.extract_strided_slice %bitcast3A {offsets = [14], sizes = [1], strides = [1]} : vector<16xf32> to vector<1xf32>
        %squeeze3A_684 = vector.extract %slice3A_683[0] : f32 from vector<1xf32>
        %get3A_685 = arith.index_cast %add3A_682 : i32 to index
        %get3A_686 = arith.constant 0 : index
        %get3A_687 = tpu.vector_load %arg11[%get3A_685, %get3A_686] {strides = array<i32>} : memref<256x32xf32, #tpu.memory_space<vmem>>, vector<16xf32>,
        %mul3A_688 = vector.broadcast %squeeze3A_684 : f32 to vector<16xf32>
        %mul3A_689 = arith.mulf %get3A_687, %mul3A_688 : vector<16xf32>
        %swap3A_690 = arith.index_cast %add3A_682 : i32 to index
        %swap3A_691 = arith.constant 0 : index
        %swap3A_692 = tpu.vector_load %arg11[%swap3A_690, %swap3A_691] {strides = array<i32>} : memref<256x32xf32, #tpu.memory_space<vmem>>, vector<16xf32>,
        tpu.vector_store %arg11[%swap3A_690, %swap3A_691], %mul3A_689 {strides = array<i32>} : memref<256x32xf32, #tpu.memory_space<vmem>>, vector<16xf32>,
        %get3A_693 = arith.index_cast %add3A_682 : i32 to index
        %get3A_694 = arith.constant 16 : index
        %get3A_695 = tpu.vector_load %arg11[%get3A_693, %get3A_694] {strides = array<i32>} : memref<256x32xf32, #tpu.memory_space<vmem>>, vector<16xf32>,
        %mul3A_696 = vector.broadcast %squeeze3A_684 : f32 to vector<16xf32>
        %mul3A_697 = arith.mulf %get3A_695, %mul3A_696 : vector<16xf32>
        %swap3A_698 = arith.index_cast %add3A_682 : i32 to index
        %swap3A_699 = arith.constant 16 : index
        %swap3A_700 = tpu.vector_load %arg11[%swap3A_698, %swap3A_699] {strides = array<i32>} : memref<256x32xf32, #tpu.memory_space<vmem>>, vector<16xf32>,
        tpu.vector_store %arg11[%swap3A_698, %swap3A_699], %mul3A_697 {strides = array<i32>} : memref<256x32xf32, #tpu.memory_space<vmem>>, vector<16xf32>,
        %add3A_701 = arith.constant 15 : i32
        %add3A_702 = arith.addi %mul3A_400, %add3A_701 : i32
        %slice3A_703 = vector.extract_strided_slice %bitcast3A {offsets = [15], sizes = [1], strides = [1]} : vector<16xf32> to vector<1xf32>
        %squeeze3A_704 = vector.extract %slice3A_703[0] : f32 from vector<1xf32>
        %get3A_705 = arith.index_cast %add3A_702 : i32 to index
        %get3A_706 = arith.constant 0 : index
        %get3A_707 = tpu.vector_load %arg11[%get3A_705, %get3A_706] {strides = array<i32>} : memref<256x32xf32, #tpu.memory_space<vmem>>, vector<16xf32>,
        %mul3A_708 = vector.broadcast %squeeze3A_704 : f32 to vector<16xf32>
        %mul3A_709 = arith.mulf %get3A_707, %mul3A_708 : vector<16xf32>
        %swap3A_710 = arith.index_cast %add3A_702 : i32 to index
        %swap3A_711 = arith.constant 0 : index
        %swap3A_712 = tpu.vector_load %arg11[%swap3A_710, %swap3A_711] {strides = array<i32>} : memref<256x32xf32, #tpu.memory_space<vmem>>, vector<16xf32>,
        tpu.vector_store %arg11[%swap3A_710, %swap3A_711], %mul3A_709 {strides = array<i32>} : memref<256x32xf32, #tpu.memory_space<vmem>>, vector<16xf32>,
        %get3A_713 = arith.index_cast %add3A_702 : i32 to index
        %get3A_714 = arith.constant 16 : index
        %get3A_715 = tpu.vector_load %arg11[%get3A_713, %get3A_714] {strides = array<i32>} : memref<256x32xf32, #tpu.memory_space<vmem>>, vector<16xf32>,
        %mul3A_716 = vector.broadcast %squeeze3A_704 : f32 to vector<16xf32>
        %mul3A_717 = arith.mulf %get3A_715, %mul3A_716 : vector<16xf32>
        %swap3A_718 = arith.index_cast %add3A_702 : i32 to index
        %swap3A_719 = arith.constant 16 : index
        %swap3A_720 = tpu.vector_load %arg11[%swap3A_718, %swap3A_719] {strides = array<i32>} : memref<256x32xf32, #tpu.memory_space<vmem>>, vector<16xf32>,
        tpu.vector_store %arg11[%swap3A_718, %swap3A_719], %mul3A_717 {strides = array<i32>} : memref<256x32xf32, #tpu.memory_space<vmem>>, vector<16xf32>,
      }
      %scan3A_390 = arith.constant 16 : i32
      %dma_start3A_391 = arith.constant 2 : i32
      %dma_start3A_392 = arith.constant 0 : i32
      %dma_start3A_393 = tpu.memref_slice %arg14[%dma_start3A_391, %dma_start3A_392] : memref<3x256xi32, #tpu.memory_space<vmem>> -> memref<1x256xi32, #tpu.memory_space<vmem>>
      %dma_start3A_394 = tpu.memref_squeeze %dma_start3A_393 : memref<1x256xi32, #tpu.memory_space<vmem>> -> memref<256xi32, #tpu.memory_space<vmem>>
      %dma_start3A_395 = arith.constant 0 : i32
      %dma_start3A_396 = arith.constant 0 : i32
      %dma_start3A_397 = tpu.memref_slice %arg8[%dma_start3A_395, %dma_start3A_396] : memref<50048x32xf32, #tpu.memory_space<vmem_shared>> -> memref<50048x32xf32, #tpu.memory_space<vmem_shared>>
      tpu.enqueue_indirect_dma source(%arg11 : memref<256x32xf32, #tpu.memory_space<vmem>>) target(%dma_start3A_397 : memref<50048x32xf32, #tpu.memory_space<vmem_shared>>) offsets(%dma_start3A_394 : memref<256xi32, #tpu.memory_space<vmem>>) semaphore(%arg20 : memref<!tpu.dma_semaphore, #tpu.memory_space<semaphore_mem>>) {add = true}
    }
    %scan3A_205 = arith.constant 66 : i32
    %dma_wait3A_206 = arith.constant 2 : i32
    %dma_wait3A_207 = arith.constant 0 : i32
    %dma_wait3A_208 = tpu.memref_slice %arg14[%dma_wait3A_206, %dma_wait3A_207] : memref<3x256xi32, #tpu.memory_space<vmem>> -> memref<1x256xi32, #tpu.memory_space<vmem>>
    %dma_wait3A_209 = tpu.memref_squeeze %dma_wait3A_208 : memref<1x256xi32, #tpu.memory_space<vmem>> -> memref<256xi32, #tpu.memory_space<vmem>>
    %dma_wait3A_210 = arith.constant 0 : i32
    %dma_wait3A_211 = arith.constant 0 : i32
    %dma_wait3A_212 = tpu.memref_slice %arg8[%dma_wait3A_210, %dma_wait3A_211] : memref<50048x32xf32, #tpu.memory_space<vmem_shared>> -> memref<50048x32xf32, #tpu.memory_space<vmem_shared>>
    tpu.wait_indirect_dma semaphore(%arg20 : memref<!tpu.dma_semaphore, #tpu.memory_space<semaphore_mem>>) src(%arg11 : memref<256x32xf32, #tpu.memory_space<vmem>>) dst(%dma_wait3A_212 : memref<50048x32xf32, #tpu.memory_space<vmem_shared>>)
    %dma_wait3A_213 = arith.constant 0 : i32
    %dma_wait3A_214 = arith.constant 0 : i32
    %dma_wait3A_215 = tpu.memref_slice %arg2[%arg0, %mul3A_2, %dma_wait3A_213, %dma_wait3A_214] : memref<2x3168x3x256xi32, #tpu.memory_space<hbm>> -> memref<1x1x3x256xi32, #tpu.memory_space<hbm>>
    %dma_wait3A_216 = tpu.memref_squeeze %dma_wait3A_215 : memref<1x1x3x256xi32, #tpu.memory_space<hbm>> -> memref<3x256xi32, #tpu.memory_space<hbm>>
    %dma_wait3A_217 = arith.constant 0 : i32
    %dma_wait3A_218 = arith.constant 0 : i32
    %dma_wait3A_219 = tpu.memref_slice %arg2[%arg0, %mul3A_2, %dma_wait3A_217, %dma_wait3A_218] : memref<2x3168x3x256xi32, #tpu.memory_space<hbm>> -> memref<1x1x3x256xi32, #tpu.memory_space<hbm>>
    %dma_wait3A_220 = tpu.memref_squeeze %dma_wait3A_219 : memref<1x1x3x256xi32, #tpu.memory_space<hbm>> -> memref<3x256xi32, #tpu.memory_space<hbm>>
    tpu.wait_dma2 semaphore(%arg22 : memref<!tpu.dma_semaphore, #tpu.memory_space<semaphore_mem>>) src(%dma_wait3A_220 : memref<3x256xi32, #tpu.memory_space<hbm>>) dst(%arg13 : memref<3x256xi32, #tpu.memory_space<vmem>>)
    %dma_wait3A_221 = arith.constant 0 : i32
    %dma_wait3A_222 = arith.constant 0 : i32
    %dma_wait3A_223 = tpu.memref_slice %arg12[%dma_wait3A_221, %dma_wait3A_222] : memref<3x256xi32, #tpu.memory_space<vmem>> -> memref<1x256xi32, #tpu.memory_space<vmem>>
    %dma_wait3A_224 = tpu.memref_squeeze %dma_wait3A_223 : memref<1x256xi32, #tpu.memory_space<vmem>> -> memref<256xi32, #tpu.memory_space<vmem>>
    %dma_wait3A_225 = arith.constant 0 : i32
    %dma_wait3A_226 = arith.constant 0 : i32
    %dma_wait3A_227 = tpu.memref_slice %arg7[%dma_wait3A_225, %dma_wait3A_226] : memref<100096x32xf32, #tpu.memory_space<hbm>> -> memref<100096x32xf32, #tpu.memory_space<hbm>>
    tpu.wait_indirect_dma semaphore(%arg15 : memref<!tpu.dma_semaphore, #tpu.memory_space<semaphore_mem>>) src(%dma_wait3A_227 : memref<100096x32xf32, #tpu.memory_space<hbm>>) dst(%arg9 : memref<256x32xf32, #tpu.memory_space<vmem>>)
    %barrier3A_228 = arith.constant 0 : index
    tpu.barrier barrier_id(%barrier3A_228)
    %scan3A_229 = arith.constant 0 : i32
    %scan3A_230 = arith.constant 0 : i32
    %scan3A_231 = arith.constant 34 : i32
    %scan3A_232 = arith.addi %scan3A_230, %scan3A_231 : i32
    %scan3A_233 = arith.constant 1 : i32
    scf.for %scan3A_235 = %scan3A_230 to %scan3A_232 step %scan3A_233  : i32 {
      %mul3A_236 = arith.constant 92 : i32
      %mul3A_237 = arith.muli %scan3A_235, %mul3A_236 : i32
      %add3A_238 = arith.addi %multiple_of3A, %mul3A_237 : i32
      %multiple_of3A_239 = tpu.assume_multiple %add3A_238, 2 : i32
      %mul3A_240 = arith.constant 92 : i32
      %mul3A_241 = arith.muli %scan3A_235, %mul3A_240 : i32
      %add3A_242 = arith.addi %multiple_of3A_7, %mul3A_241 : i32
      %multiple_of3A_243 = tpu.assume_multiple %add3A_242, 2 : i32
      %dma_start3A_244 = arith.constant 92 : i32
      %dma_start3A_245 = arith.constant 0 : i32
      %dma_start3A_246 = tpu.memref_slice %arg9[%dma_start3A_244, %dma_start3A_245] : memref<256x32xf32, #tpu.memory_space<vmem>> -> memref<92x32xf32, #tpu.memory_space<vmem>>
      %dma_start3A_247 = arith.constant 0 : i32
      %dma_start3A_248 = tpu.memref_slice %arg3[%multiple_of3A_243, %dma_start3A_247] : memref<100096x32xf32, #tpu.memory_space<hbm>> -> memref<92x32xf32, #tpu.memory_space<hbm>>
      %dma_start3A_249 = arith.constant 92 : i32
      %dma_start3A_250 = arith.constant 0 : i32
      %dma_start3A_251 = tpu.memref_slice %arg9[%dma_start3A_249, %dma_start3A_250] : memref<256x32xf32, #tpu.memory_space<vmem>> -> memref<92x32xf32, #tpu.memory_space<vmem>>
      %dma_start3A_252 = arith.constant 0 : i32
      %dma_start3A_253 = tpu.memref_slice %arg3[%multiple_of3A_243, %dma_start3A_252] : memref<100096x32xf32, #tpu.memory_space<hbm>> -> memref<92x32xf32, #tpu.memory_space<hbm>>
      tpu.enqueue_dma source(%dma_start3A_253 : memref<92x32xf32, #tpu.memory_space<hbm>>) target(%dma_start3A_251 : memref<92x32xf32, #tpu.memory_space<vmem>>) target_semaphore(%arg15 : memref<!tpu.dma_semaphore, #tpu.memory_space<semaphore_mem>>)
      %dma_start3A_254 = arith.constant 0 : i32
      %dma_start3A_255 = arith.constant 0 : i32
      %dma_start3A_256 = tpu.memref_slice %arg10[%dma_start3A_254, %dma_start3A_255] : memref<256x32xf32, #tpu.memory_space<vmem>> -> memref<92x32xf32, #tpu.memory_space<vmem>>
      %dma_start3A_257 = arith.constant 0 : i32
      %dma_start3A_258 = tpu.memref_slice %arg6[%multiple_of3A_243, %dma_start3A_257] : memref<100096x32xf32, #tpu.memory_space<hbm>> -> memref<92x32xf32, #tpu.memory_space<hbm>>
      %dma_start3A_259 = arith.constant 0 : i32
      %dma_start3A_260 = arith.constant 0 : i32
      %dma_start3A_261 = tpu.memref_slice %arg10[%dma_start3A_259, %dma_start3A_260] : memref<256x32xf32, #tpu.memory_space<vmem>> -> memref<92x32xf32, #tpu.memory_space<vmem>>
      %dma_start3A_262 = arith.constant 0 : i32
      %dma_start3A_263 = tpu.memref_slice %arg6[%multiple_of3A_243, %dma_start3A_262] : memref<100096x32xf32, #tpu.memory_space<hbm>> -> memref<92x32xf32, #tpu.memory_space<hbm>>
      tpu.enqueue_dma source(%dma_start3A_263 : memref<92x32xf32, #tpu.memory_space<hbm>>) target(%dma_start3A_261 : memref<92x32xf32, #tpu.memory_space<vmem>>) target_semaphore(%arg16 : memref<!tpu.dma_semaphore, #tpu.memory_space<semaphore_mem>>)
      %dma_start3A_264 = arith.constant 92 : i32
      %dma_start3A_265 = arith.constant 0 : i32
      %dma_start3A_266 = tpu.memref_slice %arg10[%dma_start3A_264, %dma_start3A_265] : memref<256x32xf32, #tpu.memory_space<vmem>> -> memref<92x32xf32, #tpu.memory_space<vmem>>
      %dma_start3A_267 = arith.constant 0 : i32
      %dma_start3A_268 = tpu.memref_slice %arg7[%multiple_of3A_243, %dma_start3A_267] : memref<100096x32xf32, #tpu.memory_space<hbm>> -> memref<92x32xf32, #tpu.memory_space<hbm>>
      %dma_start3A_269 = arith.constant 92 : i32
      %dma_start3A_270 = arith.constant 0 : i32
      %dma_start3A_271 = tpu.memref_slice %arg10[%dma_start3A_269, %dma_start3A_270] : memref<256x32xf32, #tpu.memory_space<vmem>> -> memref<92x32xf32, #tpu.memory_space<vmem>>
      %dma_start3A_272 = arith.constant 0 : i32
      %dma_start3A_273 = tpu.memref_slice %arg7[%multiple_of3A_243, %dma_start3A_272] : memref<100096x32xf32, #tpu.memory_space<hbm>> -> memref<92x32xf32, #tpu.memory_space<hbm>>
      tpu.enqueue_dma source(%dma_start3A_273 : memref<92x32xf32, #tpu.memory_space<hbm>>) target(%dma_start3A_271 : memref<92x32xf32, #tpu.memory_space<vmem>>) target_semaphore(%arg17 : memref<!tpu.dma_semaphore, #tpu.memory_space<semaphore_mem>>)
      "tpu.region"() ({
        %run_scoped3A = tpu.sem_alloc : memref<!tpu.dma_semaphore, #tpu.memory_space<semaphore_mem>>
        %dma_start3A_310 = arith.constant 0 : i32
        %dma_start3A_311 = arith.constant 0 : i32
        %dma_start3A_312 = tpu.memref_slice %arg9[%dma_start3A_310, %dma_start3A_311] : memref<256x32xf32, #tpu.memory_space<vmem>> -> memref<92x32xf32, #tpu.memory_space<vmem>>
        %dma_start3A_313 = arith.constant 0 : i32
        %dma_start3A_314 = tpu.memref_slice %arg8[%multiple_of3A_239, %dma_start3A_313] : memref<50048x32xf32, #tpu.memory_space<vmem_shared>> -> memref<92x32xf32, #tpu.memory_space<vmem_shared>>
        %dma_start3A_315 = arith.constant 0 : i32
        %dma_start3A_316 = arith.constant 0 : i32
        %dma_start3A_317 = tpu.memref_slice %arg9[%dma_start3A_315, %dma_start3A_316] : memref<256x32xf32, #tpu.memory_space<vmem>> -> memref<92x32xf32, #tpu.memory_space<vmem>>
        %dma_start3A_318 = arith.constant 0 : i32
        %dma_start3A_319 = tpu.memref_slice %arg8[%multiple_of3A_239, %dma_start3A_318] : memref<50048x32xf32, #tpu.memory_space<vmem_shared>> -> memref<92x32xf32, #tpu.memory_space<vmem_shared>>
        tpu.enqueue_dma source(%dma_start3A_319 : memref<92x32xf32, #tpu.memory_space<vmem_shared>>) target(%dma_start3A_317 : memref<92x32xf32, #tpu.memory_space<vmem>>) target_semaphore(%run_scoped3A : memref<!tpu.dma_semaphore, #tpu.memory_space<semaphore_mem>>)
        %dma_wait3A_320 = arith.constant 0 : i32
        %dma_wait3A_321 = arith.constant 0 : i32
        %dma_wait3A_322 = tpu.memref_slice %arg9[%dma_wait3A_320, %dma_wait3A_321] : memref<256x32xf32, #tpu.memory_space<vmem>> -> memref<92x32xf32, #tpu.memory_space<vmem>>
        %dma_wait3A_323 = arith.constant 0 : i32
        %dma_wait3A_324 = tpu.memref_slice %arg8[%multiple_of3A_239, %dma_wait3A_323] : memref<50048x32xf32, #tpu.memory_space<vmem_shared>> -> memref<92x32xf32, #tpu.memory_space<vmem_shared>>
        %dma_wait3A_325 = arith.constant 0 : i32
        %dma_wait3A_326 = arith.constant 0 : i32
        %dma_wait3A_327 = tpu.memref_slice %arg9[%dma_wait3A_325, %dma_wait3A_326] : memref<256x32xf32, #tpu.memory_space<vmem>> -> memref<92x32xf32, #tpu.memory_space<vmem>>
        %dma_wait3A_328 = arith.constant 0 : i32
        %dma_wait3A_329 = tpu.memref_slice %arg8[%multiple_of3A_239, %dma_wait3A_328] : memref<50048x32xf32, #tpu.memory_space<vmem_shared>> -> memref<92x32xf32, #tpu.memory_space<vmem_shared>>
        tpu.wait_dma2 semaphore(%run_scoped3A : memref<!tpu.dma_semaphore, #tpu.memory_space<semaphore_mem>>) src(%dma_wait3A_329 : memref<92x32xf32, #tpu.memory_space<vmem_shared>>) dst(%dma_wait3A_327 : memref<92x32xf32, #tpu.memory_space<vmem>>)
        tpu.yield
      }) : () -> ()
      %dma_wait3A_274 = arith.constant 92 : i32
      %dma_wait3A_275 = arith.constant 0 : i32
      %dma_wait3A_276 = tpu.memref_slice %arg9[%dma_wait3A_274, %dma_wait3A_275] : memref<256x32xf32, #tpu.memory_space<vmem>> -> memref<92x32xf32, #tpu.memory_space<vmem>>
      %dma_wait3A_277 = arith.constant 0 : i32
      %dma_wait3A_278 = tpu.memref_slice %arg3[%multiple_of3A_243, %dma_wait3A_277] : memref<100096x32xf32, #tpu.memory_space<hbm>> -> memref<92x32xf32, #tpu.memory_space<hbm>>
      %dma_wait3A_279 = arith.constant 92 : i32
      %dma_wait3A_280 = arith.constant 0 : i32
      %dma_wait3A_281 = tpu.memref_slice %arg9[%dma_wait3A_279, %dma_wait3A_280] : memref<256x32xf32, #tpu.memory_space<vmem>> -> memref<92x32xf32, #tpu.memory_space<vmem>>
      %dma_wait3A_282 = arith.constant 0 : i32
      %dma_wait3A_283 = tpu.memref_slice %arg3[%multiple_of3A_243, %dma_wait3A_282] : memref<100096x32xf32, #tpu.memory_space<hbm>> -> memref<92x32xf32, #tpu.memory_space<hbm>>
      tpu.wait_dma2 semaphore(%arg15 : memref<!tpu.dma_semaphore, #tpu.memory_space<semaphore_mem>>) src(%dma_wait3A_283 : memref<92x32xf32, #tpu.memory_space<hbm>>) dst(%dma_wait3A_281 : memref<92x32xf32, #tpu.memory_space<vmem>>)
      %dma_wait3A_284 = arith.constant 0 : i32
      %dma_wait3A_285 = arith.constant 0 : i32
      %dma_wait3A_286 = tpu.memref_slice %arg10[%dma_wait3A_284, %dma_wait3A_285] : memref<256x32xf32, #tpu.memory_space<vmem>> -> memref<92x32xf32, #tpu.memory_space<vmem>>
      %dma_wait3A_287 = arith.constant 0 : i32
      %dma_wait3A_288 = tpu.memref_slice %arg6[%multiple_of3A_243, %dma_wait3A_287] : memref<100096x32xf32, #tpu.memory_space<hbm>> -> memref<92x32xf32, #tpu.memory_space<hbm>>
      %dma_wait3A_289 = arith.constant 0 : i32
      %dma_wait3A_290 = arith.constant 0 : i32
      %dma_wait3A_291 = tpu.memref_slice %arg10[%dma_wait3A_289, %dma_wait3A_290] : memref<256x32xf32, #tpu.memory_space<vmem>> -> memref<92x32xf32, #tpu.memory_space<vmem>>
      %dma_wait3A_292 = arith.constant 0 : i32
      %dma_wait3A_293 = tpu.memref_slice %arg6[%multiple_of3A_243, %dma_wait3A_292] : memref<100096x32xf32, #tpu.memory_space<hbm>> -> memref<92x32xf32, #tpu.memory_space<hbm>>
      tpu.wait_dma2 semaphore(%arg16 : memref<!tpu.dma_semaphore, #tpu.memory_space<semaphore_mem>>) src(%dma_wait3A_293 : memref<92x32xf32, #tpu.memory_space<hbm>>) dst(%dma_wait3A_291 : memref<92x32xf32, #tpu.memory_space<vmem>>)
      %dma_wait3A_294 = arith.constant 92 : i32
      %dma_wait3A_295 = arith.constant 0 : i32
      %dma_wait3A_296 = tpu.memref_slice %arg10[%dma_wait3A_294, %dma_wait3A_295] : memref<256x32xf32, #tpu.memory_space<vmem>> -> memref<92x32xf32, #tpu.memory_space<vmem>>
      %dma_wait3A_297 = arith.constant 0 : i32
      %dma_wait3A_298 = tpu.memref_slice %arg7[%multiple_of3A_243, %dma_wait3A_297] : memref<100096x32xf32, #tpu.memory_space<hbm>> -> memref<92x32xf32, #tpu.memory_space<hbm>>
      %dma_wait3A_299 = arith.constant 92 : i32
      %dma_wait3A_300 = arith.constant 0 : i32
      %dma_wait3A_301 = tpu.memref_slice %arg10[%dma_wait3A_299, %dma_wait3A_300] : memref<256x32xf32, #tpu.memory_space<vmem>> -> memref<92x32xf32, #tpu.memory_space<vmem>>
      %dma_wait3A_302 = arith.constant 0 : i32
      %dma_wait3A_303 = tpu.memref_slice %arg7[%multiple_of3A_243, %dma_wait3A_302] : memref<100096x32xf32, #tpu.memory_space<hbm>> -> memref<92x32xf32, #tpu.memory_space<hbm>>
      tpu.wait_dma2 semaphore(%arg17 : memref<!tpu.dma_semaphore, #tpu.memory_space<semaphore_mem>>) src(%dma_wait3A_303 : memref<92x32xf32, #tpu.memory_space<hbm>>) dst(%dma_wait3A_301 : memref<92x32xf32, #tpu.memory_space<vmem>>)
      %scan3A_304 = arith.constant 0 : i32
      %scan3A_305 = arith.constant 0 : i32
      %scan3A_306 = arith.constant 184 : i32
      %scan3A_307 = arith.addi %scan3A_305, %scan3A_306 : i32
      %scan3A_308 = arith.constant 1 : i32
      scf.for %scan3A_310 = %scan3A_305 to %scan3A_307 step %scan3A_308  : i32 {
        %jit3A = arith.constant 2 : i32
        %div3A = arith.divsi %scan3A_310, %jit3A : i32
        %sign3A = arith.constant 0 : i32
        %sign3A_311 = arith.cmpi sgt, %scan3A_310, %sign3A : i32
        %sign3A_312 = arith.extui %sign3A_311 : i1 to i32
        %sign3A_313 = arith.constant 0 : i32
        %sign3A_314 = arith.cmpi slt, %scan3A_310, %sign3A_313 : i32
        %sign3A_315 = arith.extui %sign3A_314 : i1 to i32
        %sign3A_316 = arith.subi %sign3A_312, %sign3A_315 : i32
        %sign3A_317 = arith.constant 0 : i32
        %sign3A_318 = arith.cmpi sgt, %jit3A, %sign3A_317 : i32
        %sign3A_319 = arith.extui %sign3A_318 : i1 to i32
        %sign3A_320 = arith.constant 0 : i32
        %sign3A_321 = arith.cmpi slt, %jit3A, %sign3A_320 : i32
        %sign3A_322 = arith.extui %sign3A_321 : i1 to i32
        %sign3A_323 = arith.subi %sign3A_319, %sign3A_322 : i32
        %ne3A = arith.cmpi ne, %sign3A_316, %sign3A_323 : i32
        %rem3A = arith.remsi %scan3A_310, %jit3A : i32
        %ne3A_324 = arith.constant 0 : i32
        %ne3A_325 = arith.cmpi ne, %rem3A, %ne3A_324 : i32
        %and3A = arith.andi %ne3A, %ne3A_325 : i1
        %sub3A = arith.constant 1 : i32
        %sub3A_326 = arith.subi %div3A, %sub3A : i32
        %select_n3A = arith.select %and3A, %sub3A_326, %div3A : i32
        %jit3A_327 = arith.constant 2 : i32
        %eq3A = arith.constant 0 : i32
        %eq3A_328 = arith.cmpi eq, %jit3A_327, %eq3A : i32
        %jit3A_329 = arith.constant 1 : i32
        %select_n3A_330 = arith.select %eq3A_328, %jit3A_329, %jit3A_327 : i32
        %rem3A_331 = arith.remsi %scan3A_310, %select_n3A_330 : i32
        %ne3A_332 = arith.constant 0 : i32
        %ne3A_333 = arith.cmpi ne, %rem3A_331, %ne3A_332 : i32
        %lt3A = arith.constant 0 : i32
        %lt3A_334 = arith.cmpi slt, %rem3A_331, %lt3A : i32
        %lt3A_335 = arith.constant 0 : i32
        %lt3A_336 = arith.cmpi slt, %select_n3A_330, %lt3A_335 : i32
        %ne3A_337 = arith.xori %lt3A_334, %lt3A_336 : i1
        %and3A_338 = arith.andi %ne3A_337, %ne3A_333 : i1
        %add3A_339 = arith.addi %rem3A_331, %select_n3A_330 : i32
        %select_n3A_340 = arith.select %and3A_338, %add3A_339, %rem3A_331 : i32
        %mul3A_341 = arith.constant 16 : i32
        %mul3A_342 = arith.muli %select_n3A_340, %mul3A_341 : i32
        %get3A = arith.constant 0 : i32
        %get3A_343 = arith.constant 0 : i32
        %get3A_344 = tpu.memref_slice %arg9[%get3A, %get3A_343] : memref<256x32xf32, #tpu.memory_space<vmem>> -> memref<92x32xf32, #tpu.memory_space<vmem>>
        %get3A_345 = arith.index_cast %select_n3A : i32 to index
        %get3A_346 = arith.index_cast %mul3A_342 : i32 to index
        %get3A_347 = tpu.vector_load %get3A_344[%get3A_345, %get3A_346] {strides = array<i32>} : memref<92x32xf32, #tpu.memory_space<vmem>>, vector<16xf32>,
        %get3A_348 = arith.constant 92 : i32
        %get3A_349 = arith.constant 0 : i32
        %get3A_350 = tpu.memref_slice %arg9[%get3A_348, %get3A_349] : memref<256x32xf32, #tpu.memory_space<vmem>> -> memref<92x32xf32, #tpu.memory_space<vmem>>
        %get3A_351 = arith.index_cast %select_n3A : i32 to index
        %get3A_352 = arith.index_cast %mul3A_342 : i32 to index
        %get3A_353 = tpu.vector_load %get3A_350[%get3A_351, %get3A_352] {strides = array<i32>} : memref<92x32xf32, #tpu.memory_space<vmem>>, vector<16xf32>,
        %add3A_354 = arith.addf %get3A_347, %get3A_353 : vector<16xf32>
        %get3A_355 = arith.constant 0 : i32
        %get3A_356 = arith.constant 0 : i32
        %get3A_357 = tpu.memref_slice %arg10[%get3A_355, %get3A_356] : memref<256x32xf32, #tpu.memory_space<vmem>> -> memref<92x32xf32, #tpu.memory_space<vmem>>
        %get3A_358 = arith.index_cast %select_n3A : i32 to index
        %get3A_359 = arith.index_cast %mul3A_342 : i32 to index
        %get3A_360 = tpu.vector_load %get3A_357[%get3A_358, %get3A_359] {strides = array<i32>} : memref<92x32xf32, #tpu.memory_space<vmem>>, vector<16xf32>,
        %add3A_361 = arith.addf %add3A_354, %get3A_360 : vector<16xf32>
        %get3A_362 = arith.constant 92 : i32
        %get3A_363 = arith.constant 0 : i32
        %get3A_364 = tpu.memref_slice %arg10[%get3A_362, %get3A_363] : memref<256x32xf32, #tpu.memory_space<vmem>> -> memref<92x32xf32, #tpu.memory_space<vmem>>
        %get3A_365 = arith.index_cast %select_n3A : i32 to index
        %get3A_366 = arith.index_cast %mul3A_342 : i32 to index
        %get3A_367 = tpu.vector_load %get3A_364[%get3A_365, %get3A_366] {strides = array<i32>} : memref<92x32xf32, #tpu.memory_space<vmem>>, vector<16xf32>,
        %add3A_368 = arith.addf %add3A_361, %get3A_367 : vector<16xf32>
        %mul3A_369 = arith.constant 2.500000e-01 : f32
        %mul3A_370 = vector.broadcast %mul3A_369 : f32 to vector<16xf32>
        %mul3A_371 = arith.mulf %add3A_368, %mul3A_370 : vector<16xf32>
        %swap3A = arith.constant 0 : i32
        %swap3A_372 = arith.constant 0 : i32
        %swap3A_373 = tpu.memref_slice %arg9[%swap3A, %swap3A_372] : memref<256x32xf32, #tpu.memory_space<vmem>> -> memref<92x32xf32, #tpu.memory_space<vmem>>
        %swap3A_374 = arith.index_cast %select_n3A : i32 to index
        %swap3A_375 = arith.index_cast %mul3A_342 : i32 to index
        %swap3A_376 = tpu.vector_load %swap3A_373[%swap3A_374, %swap3A_375] {strides = array<i32>} : memref<92x32xf32, #tpu.memory_space<vmem>>, vector<16xf32>,
        tpu.vector_store %swap3A_373[%swap3A_374, %swap3A_375], %mul3A_371 {strides = array<i32>} : memref<92x32xf32, #tpu.memory_space<vmem>>, vector<16xf32>,
      }
      %scan3A_309 = arith.constant 184 : i32
      "tpu.region"() ({
        %run_scoped3A = tpu.sem_alloc : memref<!tpu.dma_semaphore, #tpu.memory_space<semaphore_mem>>
        %dma_start3A_310 = arith.constant 0 : i32
        %dma_start3A_311 = arith.constant 0 : i32
        %dma_start3A_312 = tpu.memref_slice %arg9[%dma_start3A_310, %dma_start3A_311] : memref<256x32xf32, #tpu.memory_space<vmem>> -> memref<92x32xf32, #tpu.memory_space<vmem>>
        %dma_start3A_313 = arith.constant 0 : i32
        %dma_start3A_314 = tpu.memref_slice %arg5[%multiple_of3A_243, %dma_start3A_313] : memref<100096x32xf32, #tpu.memory_space<hbm>> -> memref<92x32xf32, #tpu.memory_space<hbm>>
        %dma_start3A_315 = arith.constant 0 : i32
        %dma_start3A_316 = tpu.memref_slice %arg5[%multiple_of3A_243, %dma_start3A_315] : memref<100096x32xf32, #tpu.memory_space<hbm>> -> memref<92x32xf32, #tpu.memory_space<hbm>>
        %dma_start3A_317 = arith.constant 0 : i32
        %dma_start3A_318 = arith.constant 0 : i32
        %dma_start3A_319 = tpu.memref_slice %arg9[%dma_start3A_317, %dma_start3A_318] : memref<256x32xf32, #tpu.memory_space<vmem>> -> memref<92x32xf32, #tpu.memory_space<vmem>>
        tpu.enqueue_dma source(%dma_start3A_319 : memref<92x32xf32, #tpu.memory_space<vmem>>) target(%dma_start3A_316 : memref<92x32xf32, #tpu.memory_space<hbm>>) target_semaphore(%run_scoped3A : memref<!tpu.dma_semaphore, #tpu.memory_space<semaphore_mem>>)
        %dma_wait3A_320 = arith.constant 0 : i32
        %dma_wait3A_321 = arith.constant 0 : i32
        %dma_wait3A_322 = tpu.memref_slice %arg9[%dma_wait3A_320, %dma_wait3A_321] : memref<256x32xf32, #tpu.memory_space<vmem>> -> memref<92x32xf32, #tpu.memory_space<vmem>>
        %dma_wait3A_323 = arith.constant 0 : i32
        %dma_wait3A_324 = tpu.memref_slice %arg5[%multiple_of3A_243, %dma_wait3A_323] : memref<100096x32xf32, #tpu.memory_space<hbm>> -> memref<92x32xf32, #tpu.memory_space<hbm>>
        %dma_wait3A_325 = arith.constant 0 : i32
        %dma_wait3A_326 = tpu.memref_slice %arg5[%multiple_of3A_243, %dma_wait3A_325] : memref<100096x32xf32, #tpu.memory_space<hbm>> -> memref<92x32xf32, #tpu.memory_space<hbm>>
        %dma_wait3A_327 = arith.constant 0 : i32
        %dma_wait3A_328 = arith.constant 0 : i32
        %dma_wait3A_329 = tpu.memref_slice %arg9[%dma_wait3A_327, %dma_wait3A_328] : memref<256x32xf32, #tpu.memory_space<vmem>> -> memref<92x32xf32, #tpu.memory_space<vmem>>
        tpu.wait_dma2 semaphore(%run_scoped3A : memref<!tpu.dma_semaphore, #tpu.memory_space<semaphore_mem>>) src(%dma_wait3A_329 : memref<92x32xf32, #tpu.memory_space<vmem>>) dst(%dma_wait3A_326 : memref<92x32xf32, #tpu.memory_space<hbm>>)
        tpu.yield
      }) : () -> ()
    }
    %scan3A_234 = arith.constant 34 : i32
    return
  }
}

</mosaic_0001>

<sc_bundles>
// kernel: run.3.cloned.1.call-start
scs
__scs_entry_jumppad:
0x0: {  	(pc) =	sbr.rel $0x88, $3  }
0x1: {  	(tag) =	ssettag $0x0;
	lr =	simm.s32 $0x1  }
0x2: {  	[smem:$0x3F9E] =	sst lr;
	_ =	strace $0xD0000000  }
0x3: {  	_ = 	snop  }
0x4: {  	_ = 	snop  }
0x5: {  	_ = 	snop  }
0x6: {  	_ = 	snop  }
0x7: {  	_ = 	snop  }
__scs_overlays_trampoline_lowered:
0x8: {  	[smem:$0x3FAD] =	sst s0  }
0x9: {  	[smem:$0x3FAE] =	sst s1  }
0xa: {  	[smem:$0x3FAF] =	sst s2  }
0xb: {  	[smem:$0x3FB0] =	sst s3  }
0xc: {  	[smem:$0x3FB1] =	sst s4  }
0xd: {  	[smem:$0x3FB2] =	sst s5  }
0xe: {  	[smem:$0x3FB3] =	sst s6  }
0xf: {  	[smem:$0x3FB4] =	sst s7  }
0x10: {  	[smem:$0x3FB5] =	sst s8  }
0x11: {  	[smem:$0x3FB6] =	sst s9;
	s0 =	simm.s32 @!p0 $0x0  }
0x12: {  	s1 =	sld [smem:$0x3F9C];
	s0 =	simm.s32 @p0 $0x1  }
0x13: {  	[smem:$0x3FB7] =	sst s0;
	s0 =	simm.s32 @!p1 $0x0  }
0x14: {  	s2 =	sld [smem:$0x3F9B];
	s0 =	simm.s32 @p1 $0x1  }
0x15: {  	[smem:$0x3FB8] =	sst s0;
	s0 =	simm.s32 @!p2 $0x0  }
0x16: {  	s3 =	sld [smem:$0x3FDB];
	s0 =	simm.s32 @p2 $0x1  }
0x17: {  	s4 =	simm.s32 $0x1BF5;
	[smem:$0x3FBA] =	sst s0  }
0x18: {  	s0 =	sld [smem:$0x3F9D];
	_ =	swait.ge [sflag:s4], $0x0  }
0x19: {  	s7 =	sld [smem:$0x3F9E]  }
0x1a: {  	s8 =	sadd.s32 $0xFFFFE003, lr  }
0x1b: {  	s9 =	sadd.s32 $0xFFFFFEF7, lr;
	s5 =	simm.s32 $0xFFFFFFFF;
	p2 =	slt.u32 s8, $0xFFFFF086  }
0x1c: {  	p1 =	slt.u32 s9, $0xF7A;
	s5 =	simm.s32 @!p2 $0x0  }
0x1d: {  	s5 =	simm.s32 @p1 $0x1;
	p0 =	seq.s32 s7, s2  }
0x1e: {  	s7 =	smul.u32 @!p0 $0xF7A, s2;
	p2 =	seq.s32 @!p0 s5, $0x0  }
0x1f: {  	s9 =	smul.u32 $0xF7A, s1;
	s8 =	simm.s32 @!p0 $0x1BF5;
	p2 =	por !p2, p0  }
0x20: {  	[sflag:s8] =	ssyncset.s32 @!p0 $0xFFFFF086;
	s6 =	sadd.s32 @!p0 s3, s7;
	s7 =	simm.s32 @!p0 $0x108  }
0x21: {  	s3 =	sadd.s32 s3, s9;
	s6 =	sadd.s32 @!p0 $0x88, s6;
	s7 =	simm.s32 @p2 $0x1082  }
0x22: {  	[simem:s7], [sflag:s8] =	dma.local @!p0 [hbm:s6], $0xF7A  }
0x23: {  	s9 =	sor.u32 $0xD0000000, s2;
	s6 =	simm.s32 $0x108;
	_ =	swait.ge @!p0 [sflag:s8], $0x0  }
0x24: {  	s3 =	sadd.s32 $0x88, s3;
	s6 =	simm.s32 @!p1 $0x1082;
	[sflag:s4] =	ssyncset.s32 $0xFFFFF086  }
0x25: {  	[simem:s6], [sflag:s4] =	dma.local [hbm:s3], $0xF7A  }
0x26: {  	[smem:$0x3F9E] =	sst s1;
	(tag) =	ssettag s2;
	_ =	strace s9  }
0x27: {  	s1 =	sld [smem:$0x3FAE]  }
0x28: {  	s2 =	sld [smem:$0x3FAF]  }
0x29: {  	s4 =	sld [smem:$0x3FB1]  }
0x2a: {  	p0 =	seq.s32 s5, $0x0;
	s5 =	sld [smem:$0x3FB2]  }
0x2b: {  	s6 =	sld [smem:$0x3FB3]  }
0x2c: {  	s7 =	sld [smem:$0x3FB4]  }
0x2d: {  	s3 =	simm.s32 $0x108;
	s8 =	sld [smem:$0x3FB5]  }
0x2e: {  	s3 =	simm.s32 @!p0 $0x1082;
	s9 =	sld [smem:$0x3FB6]  }
0x2f: {  	lr =	sadd.s32 s0, s3;
	s0 =	sld [smem:$0x3FAD]  }
0x30: {  	s3 =	sld [smem:$0x3FB0]  }
0x31: {  	[smem:$0x3FB9] =	sst s10  }
0x32: {  	s10 =	sld [smem:$0x3FB7];
	_ =	sdelay $0x3  }
0x33: {  	p0 =	seq.s32 s10, $0x1;
	s10 =	sld [smem:$0x3FB9];
	_ =	sdelay $0x3  }
0x34: {  	[smem:$0x3FB9] =	sst s10  }
0x35: {  	s10 =	sld [smem:$0x3FB8];
	_ =	sdelay $0x3  }
0x36: {  	p1 =	seq.s32 s10, $0x1;
	s10 =	sld [smem:$0x3FB9];
	_ =	sdelay $0x3  }
0x37: {  	[smem:$0x3FB9] =	sst s10  }
0x38: {  	s10 =	sld [smem:$0x3FBA]  }
0x39: {  	_ = 	snop;
	(pc) =	sbr.ind lr, $3  }
0x3a: {  	_ = 	snop  }
0x3b: {  	_ = 	snop  }
0x3c: {  	p2 =	seq.s32 s10, $0x1;
	s10 =	sld [smem:$0x3FB9]  }
0x3d: {  	_ =	shalt  }
0x3e: {  	_ =	shalt  }
0x3f: {  	_ =	shalt  }
0x40: {  	_ =	shalt  }
0x41: {  	_ =	shalt  }
0x42: {  	_ =	shalt  }
0x43: {  	_ =	shalt  }
0x44: {  	_ =	shalt  }
0x45: {  	_ =	shalt  }
0x46: {  	_ =	shalt  }
0x47: {  	_ =	shalt  }
0x48: {  	_ =	shalt  }
0x49: {  	_ =	shalt  }
0x4a: {  	_ =	shalt  }
0x4b: {  	_ =	shalt  }
0x4c: {  	_ =	shalt  }
0x4d: {  	_ =	shalt  }
0x4e: {  	_ =	shalt  }
0x4f: {  	_ =	shalt  }
0x50: {  	_ =	shalt  }
0x51: {  	_ =	shalt  }
0x52: {  	_ =	shalt  }
0x53: {  	_ =	shalt  }
0x54: {  	_ =	shalt  }
0x55: {  	_ =	shalt  }
0x56: {  	_ =	shalt  }
0x57: {  	_ =	shalt  }
0x58: {  	_ =	shalt  }
0x59: {  	_ =	shalt  }
0x5a: {  	_ =	shalt  }
0x5b: {  	_ =	shalt  }
0x5c: {  	_ =	shalt  }
0x5d: {  	_ =	shalt  }
0x5e: {  	_ =	shalt  }
0x5f: {  	_ =	shalt  }
0x60: {  	_ =	shalt  }
0x61: {  	_ =	shalt  }
0x62: {  	_ =	shalt  }
0x63: {  	_ =	shalt  }
0x64: {  	_ =	shalt  }
0x65: {  	_ =	shalt  }
0x66: {  	_ =	shalt  }
0x67: {  	_ =	shalt  }
0x68: {  	_ =	shalt  }
0x69: {  	_ =	shalt  }
0x6a: {  	_ =	shalt  }
0x6b: {  	_ =	shalt  }
0x6c: {  	_ =	shalt  }
0x6d: {  	_ =	shalt  }
0x6e: {  	_ =	shalt  }
0x6f: {  	_ =	shalt  }
0x70: {  	_ =	shalt  }
0x71: {  	_ =	shalt  }
0x72: {  	_ =	shalt  }
0x73: {  	_ =	shalt  }
0x74: {  	_ =	shalt  }
0x75: {  	_ =	shalt  }
0x76: {  	_ =	shalt  }
0x77: {  	_ =	shalt  }
0x78: {  	_ =	shalt  }
0x79: {  	_ =	shalt  }
0x7a: {  	_ =	shalt  }
0x7b: {  	_ =	shalt  }
0x7c: {  	_ =	shalt  }
0x7d: {  	_ =	shalt  }
0x7e: {  	_ =	shalt  }
0x7f: {  	_ =	shalt  }
0x80: {  	_ =	shalt  }
0x81: {  	_ =	shalt  }
0x82: {  	_ =	shalt  }
0x83: {  	_ =	shalt  }
0x84: {  	_ =	shalt  }
0x85: {  	_ =	shalt  }
0x86: {  	_ =	shalt  }
0x87: {  	_ =	shalt  }
.Lfunc_end0:
.L_simem_size_0:
called_computation_lowered:
.L_overlay_start_0:
0x88: {  	s2 =	sld [smem:$0x3FD9]  }
0x89: {  	s3 =	sld [smem:$0x3FFE];
	_ =	sdelay $0x1  }
0x8a: {  	s1 =	srdreg.scid  }
0x8b: {  	s0 =	sand.u32 $0x1, s1  }
0x8c: {  	s14 =	sshll.u32 s0, $0xA;
	s2 =	sadd.s32 s3, s2  }
0x8d: {  	s2 =	sadd.s32 s2, s14  }
0x8e: {  	[smem:$0x3FC5] =	sst s2  }
0x8f: {  	_ = 	snop  }
0x90: {  	s2 =	sld [smem:$0x3FD0];
	_ =	sdelay $0x2  }
0x91: {  	s15 =	simm.s32 $0xA;
	s4 =	simm.s32 $0x10  }
0x92: {  	[smem:s4], [sflag:s15] =	dma.local [hbm:s2], $0x1  }
0x93: {  	_ =	swait.eq [sflag:s15], $0x1  }
0x94: {  	s16 =	sld [smem:$0x10];
	[sflag:s15] =	ssyncset.done $0x0  }
0x95: {  	s17 =	sld [smem:$0x11];
	[sflag:s15] =	ssyncadd.s32 $0xFFFFFFFF  }
0x96: {  	s18 =	sld [smem:$0x12];
	(tm) =	ssettm $0x1  }
0x97: {  	s5 =	sld [smem:$0x3FFB];
	_ =	sdelay $0x3  }
0x98: {  	_ =	strace s5  }
0x99: {  	s5 =	sld [smem:$0x3FFC];
	_ =	sdelay $0x3  }
0x9a: {  	_ =	strace s5  }
0x9b: {  	s5 =	sld [smem:$0x3FFD];
	_ =	sdelay $0x3  }
0x9c: {  	_ =	strace s5  }
0x9d: {  	_ =	strace $0x8FFFFFFF  }
0x9e: {  	s19 =	sld [smem:$0x3FDB];
	_ =	sdelay $0x1  }
0x9f: {  	s6 =	simm.s32 $_scs_section_size  }
0xa0: {  	s7 =	simm.s32 $_size__tile_overlayer_lowered;
	s8 =	simm.s32 $_tile_overlayer_lowered  }
0xa1: {  	s22 =	simm.s32 $0x1BFF;
	s21 =	sshll.u32 s8, $0x1;
	s5 =	sadd.s32 s6, s19  }
0xa2: {  	s9 =	simm.s32 $0x0;
	s20 =	sshll.u32 s7, $0x1;
	s7 =	sadd.s32 s21, s5  }
0xa3: {  	[timem:s9], [sflag:s22] =	dma.local [hbm:s7], s20  }
0xa4: {  	_ =	swait.ge [sflag:s22], s20  }
0xa5: {  	s6 =	ssub.s32 $0x0, s20;
	[sflag:s22] =	ssyncset.done $0x0  }
0xa6: {  	[sflag:s22] =	ssyncadd.s32 s6;
	_ =	sdelay $0x1  }
0xa7: {  	s23 =	simm.s32 $0x1B8B  }
0xa8: {  	_ =	swait.ge [sflag:s23], $0x1  }
0xa9: {  	[sflag:s23] =	ssyncset.done $0x0  }
0xaa: {  	s25 =	simm.s32 $0x1B8E;
	s24 =	sld [smem:$0x3FFE];
	[sflag:s23] =	ssyncadd.s32 $0xFFFFFFFF  }
0xab: {  	s26 =	simm.s32 $execute0_lowered;
	[smem:$0x3FD2] =	sst s25  }
0xac: {  	s7 =	sshll.u32 s26, $0x1;
	_ =	strace $0x80000046;
	[dreg:$0x1] =	wrdreg $0xFFFFFFFF  }
0xad: {  	s28 =	simm.s32 $_size_execute0_lowered;
	s5 =	sadd.s32 s5, s7;
	[dreg:$0x0] =	wrdreg $0x0  }
0xae: {  	s7 =	sshll.u32 s28, $0x1;
	[dreg:$0x2] =	wrdreg s5  }
0xaf: {  	[dreg:$0x3] =	wrdreg s7  }
0xb0: {  	[dreg:$0x4] =	wrdreg $0xC0  }
0xb1: {  	_ =	task [dreg:s9], $0x5FFFF  }
0xb2: {  	[dreg:$0x1] =	wrdreg $0xFFFFFFFF  }
0xb3: {  	[dreg:$0x0] =	wrdreg $0x60  }
0xb4: {  	[dreg:$0x2] =	wrdreg s24  }
0xb5: {  	[dreg:$0x3] =	wrdreg s18  }
0xb6: {  	[dreg:$0x4] =	wrdreg s16  }
0xb7: {  	[dreg:$0x5] =	wrdreg s17  }
0xb8: {  	[dreg:$0x6] =	wrdreg $0x0  }
0xb9: {  	[dreg:$0x7] =	wrdreg $0x9  }
0xba: {  	_ =	task.clear_ibuf [dreg:s9], $0x8FFFF;
	_ =	strace $0x90000046  }
0xbb: {  	s29 =	simm.s32 $0x9;
	_ =	strace $0x80000048  }
0xbc: {  	_ =	swait.ge [sflag:s29], $0x1  }
0xbd: {  	[sflag:s29] =	ssyncadd.s32 $0xFFFFFFFF  }
0xbe: {  	_ =	strace $0x90000048  }
0xbf: {  	_ =	sfence  }
0xc0: {  	s30 =	sld [smem:$0x0];
	_ =	sdelay $0x2  }
0xc1: {  	s31 =	sshll.u32 s1, $0xD;
	s1 =	sshrl.u32 s1, $0x2  }
0xc2: {  	s3 =	sand.u32 $0x4000, s31;
	s1 =	sadd.s32 s1, s30  }
0xc3: {  	s0 =	sor.u32 s3, s0;
	s1 =	sshll.u32 s1, $0x11  }
0xc4: {  	s0 =	sor.u32 s1, s0  }
0xc5: {  	s0 =	sadd.s32 $0x8F2B, s0  }
0xc6: {  	[sflag:s0] =	ssyncadd.remote.s32 $0x1  }
0xc7: {  	_ =	sfence.sel $0xFFFF  }
0xc8: {  	[dreg:$0x0] =	wrdreg $0xFFFFFFFF;
	(pc) =	sbr.abs _section_cstart, $3  }
0xc9: {  	[dreg:$0x1] =	wrdreg $0xFFFFFFFF  }
0xca: {  	_ =	task.clear_ibuf [dreg:s9], $0x2FFFF;
	_ =	strace $0x9FFFFFFF  }
0xcb: {  	(tm) =	ssettm $0x7FFFFFFF  }
tec
execute0_lowered:
.L_overlay_start_1:
0x0: {  	(tag) =	ssettag $0x1  }
0x1: {  	s0 =	rddreg [dreg:$0x0]  }
0x2: {  	s1 =	rddreg [dreg:$0x1]  }
0x3: {  	s3 =	rddreg [dreg:$0x3]  }
0x4: {  	s5 =	rddreg [dreg:$0x4];
	s4 =	simm.s32 $0x0  }
0x5: {  	s2 =	srdreg.scid;
	s10 =	stileid.u32;
	s28 =	simm.s32 $0x7  }
0x6: {  	s29 =	simm.s32 $0x100;
	s30 =	simm.s32 $0x18700;
	s12 =	smul.u32 $0xC38, s10  }
0x7: {  	s31 =	simm.s32 $0x1ED00;
	[smem:$0x7FF] =	sst s4;
	s7 =	smul.u32 $0x25200, s10  }
0x8: {  	s2 =	sand.u32 $0x1, s2;
	s8 =	sadd.s32 $0x3E00, s0;
	s19 =	smul.u32 $0x61C00, s10  }
0x9: {  	s14 =	sadd.s32 $0xC00, s0;
	s11 =	sadd.s32 $0x98600, s0;
	s20 =	smul.u32 $0xC6, s10  }
0xa: {  	s22 =	sshll.u32 s10, $0x6;
	s10 =	simm.s32 $0x9;
	_ =	strace $0x80000047  }
0xb: {  	s13 =	smul.u32 $0xC380, s2;
	s6 =	ssub.s32 $0x2, s2;
	[dreg:$0x7] =	wrdreg s14  }
0xc: {  	s9 =	smul.u32 $0x252000, s2;
	s15 =	sshrl.u32 s6, $0x1;
	[dreg:$0x6] =	wrdreg s12  }
0xd: {  	s2 =	sshrl.u32 s19, $0x2;
	s17 =	sadd.s32 $0x2, s20;
	s18 =	sadd.s32 $0x3, s20  }
0xe: {  	s19 =	sadd.s32 $0x4, s20;
	s20 =	simm.s32 $0x1;
	s16 =	ssub.s32 s6, s15  }
0xf: {  	s12 =	sadd.s32 s12, s13;
	s21 =	sadd.s32 s7, s9;
	s2 =	sadd.s32 s2, s5  }
0x10: {  	s7 =	sor.u32 $0x1C0A, s22;
	s22 =	simm.s32 $0x4;
	s15 =	simm.s32 $0x1C700  }
0x11: {  	s13 =	simm.s32 $0x5;
	s6 =	simm.s32 $0x0;
	[dreg:$0x9] =	wrdreg s7  }
0x12: {  	s4 =	sshrl.u32 s21, $0x3;
	[dreg:$0x8] =	wrdreg s12;
	s0 =	smax.u32 s16, $0x1  }
0x13: {  	s24 =	sshll.u32 s12, $0x2;
	s26 =	sshrl.u32 s2, $0x3;
	[dreg:$0xf] =	wrdreg s0  }
0x14: {  	s16 =	simm.s32 $0x2;
	s4 =	sadd.s32 s8, s4;
	[dreg:$0x10] =	wrdreg s26  }
0x15: {  	s25 =	sadd.s32 s3, s24;
	s26 =	simm.s32 $0x1EA00;
	[dreg:$0xa] =	wrdreg s4  }
0x16: {  	s0 =	simm.s32 $0x8;
	s23 =	sadd.s32 $0x60, s4;
	[dreg:$0xd] =	wrdreg s25  }
0x17: {  	s4 =	sadd.s32 $0xC0, s4;
	s25 =	simm.s32 $0x1E700;
	[dreg:$0xb] =	wrdreg s23  }
0x18: {  	[dreg:$0xc] =	wrdreg s4;
	s4 =	sadd.s32 s11, s24;
	s24 =	simm.s32 $0xA  }
0x19: {  	s23 =	simm.s32 $0x3;
	[dreg:$0xe] =	wrdreg s4;
	s4 =	simm.s32 $0x1A700  }
.LBB2_1:
0x1a: {  	[dreg:$0x11] =	wrdreg s6  }
0x1b: {  	s2 =	rddreg [dreg:$0x7]  }
0x1c: {  	s21 =	rddreg [dreg:$0x9]  }
0x1d: {  	s7 =	rddreg [dreg:$0x10]  }
0x1e: {  	[spmem:s7], [sflag:s21] =	dma.local [hbm:s2], $0x30E0  }
0x1f: {  	_ =	swait.ge [sflag:s24], $0x30E0  }
0x20: {  	[sflag:s24] =	ssyncset.done $0x0  }
0x21: {  	[sflag:s24] =	ssyncadd.s32 $0xFFFFCF20  }
0x22: {  	[bflag:$0x0] =	sbarrier.arrive $0xFFFF  }
0x23: {  	s7 =	simm.s32 $0x0;
	s12 =	rddreg [dreg:$0xa]  }
0x24: {  	[tilespmem:s25], [sflag:$0x7] =	stream.linear.gather [hbm4b:s12+s7], $0x300, $0x38;
	[tilespmem:$0x1F000] =	vst v63  }
0x25: {  	s14 =	rddreg [dreg:$0xb]  }
0x26: {  	[tilespmem:s26], [sflag:$0x8] =	stream.linear.gather [hbm4b:s14+s7], $0x300, $0x38;
	[tilespmem:$0x1F000] =	vst v63  }
0x27: {  	_ =	swait.ge [sflag:s28], $0x300  }
0x28: {  	[sflag:s28] =	ssyncset.done $0x0  }
0x29: {  	[sflag:s28] =	ssyncadd.s32 $0xFFFFFD00  }
0x2a: {  	[tilespmem:s30], [sflag:$0x1] =	stream.indirect.gather [hbm4b:s1+s29], $0x20, s25, s29, $0xb8;
	[tilespmem:$0x1F000] =	vst v63  }
0x2b: {  	s6 =	simm.s32 $0x0;
	s21 =	rddreg [dreg:$0xc]  }
0x2c: {  	[tilespmem:s31], [sflag:$0x9] =	stream.linear.gather [hbm4b:s21+s7], $0x300, $0x38;
	[tilespmem:$0x1F000] =	vst v63  }
.LBB2_2:
0x2d: {  	s7 =	smul.u32 $0x3, s6  }
0x2e: {  	p0 =	seq.s32 s6, $0x0  }
0x2f: {  	s2 =	sadd.s32 @!p0 s7, s17  }
0x30: {  	s2 =	smul.u32 @!p0 $0x300, s2  }
0x31: {  	s12 =	simm.s32 @!p0 $0x6  }
0x32: {  	_ =	swait.ge @!p0 [sflag:s12], $0x2000;
	s2 =	sadd.s32 @!p0 s9, s2  }
0x33: {  	s14 =	simm.s32 @!p0 $0x1ED00;
	[sflag:s12] =	ssyncset.done @!p0 $0x0;
	s2 =	sshrl.u32 @!p0 s2, $0x3  }
0x34: {  	[sflag:s12] =	ssyncadd.s32 @!p0 $0xFFFFE000;
	s12 =	simm.s32 @!p0 $0x0;
	s2 =	sadd.s32 @!p0 s8, s2  }
0x35: {  	[tilespmem:s14], [sflag:$0x9] =	stream.linear.gather @!p0 [hbm4b:s2+s12], $0x300, $0x38;
	[tilespmem:$0x1F000] =	vst v63  }
0x36: {  	_ =	swait.ge [sflag:s0], $0x300  }
0x37: {  	[sflag:s0] =	ssyncset.done $0x0  }
0x38: {  	[sflag:s0] =	ssyncadd.s32 $0xFFFFFD00  }
0x39: {  	[tilespmem:s4], [sflag:$0x2] =	stream.indirect.gather [hbm4b:s1+s29], $0x20, s26, s29, $0xb8;
	[tilespmem:$0x1F000] =	vst v63  }
0x3a: {  	_ =	swait.ge [sflag:s20], $0x2000  }
0x3b: {  	[sflag:s20] =	ssyncset.done $0x0  }
0x3c: {  	s12 =	simm.s32 $0x18800;
	[sflag:s20] =	ssyncadd.s32 $0xFFFFE000  }
0x3d: {  	v5 =	vld [tilespmem:s12+$0xFFFFFFA0]  }
0x3e: {  	v3 =	vld [tilespmem:s12+$0xFFFFFFF0]  }
0x3f: {  	v0 =	vld [tilespmem:s12+$0xFFFFFF60]  }
0x40: {  	v6 =	vld [tilespmem:s12+$0xFFFFFFD0]  }
0x41: {  	v7 =	vld [tilespmem:s12+$0x80]  }
0x42: {  	v10 =	vld [tilespmem:s12+$0xFFFFFF10]  }
0x43: {  	v14 =	vld [tilespmem:s12+$0xE0]  }
0x44: {  	v9 =	vld [tilespmem:s12+$0xFFFFFF40]  }
0x45: {  	s21 =	simm.s32 $0x0;
	v1 =	vld [tilespmem:s12+$0xFFFFFF90]  }
0x46: {  	v2 =	vld [tilespmem:s21+$0x1E800]  }
0x47: {  	v8 =	vld [tilespmem:s12+$0xFFFFFFC0]  }
0x48: {  	v11 =	vld [tilespmem:s12+$0xFFFFFF00]  }
0x49: {  	v12 =	vld [tilespmem:s12+$0xD0]  }
0x4a: {  	v21 =	vld [tilespmem:s12+$0xC0]  }
0x4b: {  	v19 =	vld [tilespmem:s12+$0x90];
	v17 =	vbroadcast v2, $0x0;
	v4 =	vbroadcast v2, $0xF  }
0x4c: {  	v20 =	vld [tilespmem:s12+$0xFFFFFF50];
	v18 =	vbroadcast v2, $0x2;
	v16 =	vbroadcast v2, $0xE  }
0x4d: {  	v15 =	vld [tilespmem:s12+$0xB0];
	v13 =	vbroadcast v2, $0xC;
	v23 =	vmul.f32 v17, v11  }
0x4e: {  	s14 =	simm.s32 $0x18800;
	s21 =	simm.s32 $0x40;
	v11 =	vbroadcast v2, $0xD;
	v22 =	vmul.f32 v9, v18;
	v9 =	vld [tilespmem:s12+$0x60]  }
.LBB2_3:
0x4f: {  	p0 =	sne.s32 s21, $0x3C0  }
0x50: {  	[tilespmem:s12+$0xFFFFFF00] =	vst v23;
	v23 =	vld [tilespmem:s12+$0xFFFFFFB0];
	v21 =	vmul.f32 v21, v16;
	v14 =	vmul.f32 v14, v4;
	s14 =	sadd.s32 $0x200, s14;
	s2 =	smov.u32 s21;
	s21 =	sadd.s32 $0x40, s21  }
0x51: {  	[tilespmem:s12+$0xFFFFFF40] =	vst v22;
	v22 =	vbroadcast v2, $0xA;
	v19 =	vmul.f32 v19, v13;
	v24 =	vld [tilespmem:s12+$0xA0]  }
0x52: {  	v10 =	vmul.f32 v10, v17;
	v17 =	vmul.f32 v20, v18;
	v18 =	vld [tilespmem:s12+$0x70];
	[tilespmem:s12+$0xE0] =	vst v14  }
0x53: {  	v14 =	vbroadcast v2, $0x5;
	v20 =	vld [tilespmem:s12+$0xFFFFFFE0];
	v15 =	vmul.f32 v15, v11;
	[tilespmem:s12+$0xC0] =	vst v21  }
0x54: {  	v12 =	vmul.f32 v12, v16;
	[tilespmem:s12+$0xFFFFFF10] =	vst v10;
	v10 =	vbroadcast v2, $0x6;
	v21 =	vld [tilespmem:s12+$0x40]  }
0x55: {  	v25 =	vbroadcast v2, $0xB;
	v5 =	vmul.f32 v5, v14;
	v16 =	vld [tilespmem:s12+$0xFFFFFF20];
	[tilespmem:s12+$0x90] =	vst v19  }
0x56: {  	v19 =	vbroadcast v2, $0x9;
	[tilespmem:s12+$0xFFFFFF50] =	vst v17;
	v17 =	vld [tilespmem:s12+$0x20];
	v11 =	vmul.f32 v24, v11  }
0x57: {  	v14 =	vmul.f32 v23, v14;
	v23 =	vld [tilespmem:s12+$0x50];
	v18 =	vmul.f32 v18, v25;
	[tilespmem:s12+$0xD0] =	vst v12  }
0x58: {  	v7 =	vmul.f32 v7, v13;
	v12 =	vbroadcast v2, $0x7;
	v24 =	vld [tilespmem:s12+$0x30];
	[tilespmem:s12+$0xA0] =	vst v11  }
0x59: {  	v8 =	vmul.f32 v8, v10;
	v11 =	vbroadcast v2, $0x3;
	v13 =	vld [tilespmem:s12+$0x0];
	[tilespmem:s12+$0x70] =	vst v18  }
0x5a: {  	v9 =	vmul.f32 v9, v25;
	v6 =	vmul.f32 v6, v10;
	v10 =	vld [tilespmem:s12+$0x10];
	[tilespmem:s12+$0x80] =	vst v7  }
0x5b: {  	v18 =	vbroadcast v2, $0x8;
	v21 =	vmul.f32 v21, v22;
	v7 =	vld [tilespmem:s12+$0xFFFFFF30];
	[tilespmem:s12+$0xB0] =	vst v15  }
0x5c: {  	v15 =	vbroadcast v2, $0x1;
	v25 =	vld [tilespmem:s12+$0xFFFFFF70];
	[tilespmem:s12+$0xFFFFFFD0] =	vst v6;
	v22 =	vmul.f32 v23, v22  }
0x5d: {  	v3 =	vmul.f32 v3, v12;
	v6 =	vmul.f32 v20, v12;
	[tilespmem:s12+$0xFFFFFFC0] =	vst v8;
	v8 =	vld [tilespmem:s12+$0xF0]  }
0x5e: {  	v20 =	vmul.f32 v24, v19;
	v12 =	vld [tilespmem:s12+$0xFFFFFF80];
	[tilespmem:s12+$0xFFFFFFA0] =	vst v5;
	v13 =	vmul.f32 v13, v18  }
0x5f: {  	v5 =	vld [tilespmem:s14+$0xFFFFFFA0];
	[tilespmem:s12+$0xFFFFFFF0] =	vst v3;
	v18 =	vmul.f32 v10, v18;
	v10 =	vmul.f32 v17, v19  }
0x60: {  	v3 =	vmul.f32 v16, v15;
	v15 =	vmul.f32 v7, v15;
	[tilespmem:s12+$0x60] =	vst v9  }
0x61: {  	v0 =	vmul.f32 v0, v11;
	v7 =	vmul.f32 v25, v11;
	[tilespmem:s12+$0xFFFFFFB0] =	vst v14  }
0x62: {  	v2 =	vbroadcast v2, $0x4;
	[tilespmem:s12+$0xFFFFFF20] =	vst v3;
	v3 =	vmul.f32 v8, v4  }
0x63: {  	[tilespmem:s12+$0xFFFFFF60] =	vst v0  }
0x64: {  	v4 =	vmul.f32 v12, v2;
	v0 =	vmul.f32 v1, v2;
	[tilespmem:s12+$0x40] =	vst v21  }
0x65: {  	[tilespmem:s12+$0xFFFFFFE0] =	vst v6  }
0x66: {  	[tilespmem:s12+$0xF0] =	vst v3  }
0x67: {  	[tilespmem:s12+$0xFFFFFF90] =	vst v0  }
0x68: {  	v3 =	vld [tilespmem:s14+$0xFFFFFFF0];
	[tilespmem:s12+$0xFFFFFF70] =	vst v7  }
0x69: {  	v0 =	vld [tilespmem:s14+$0xFFFFFF60];
	[tilespmem:s12+$0x20] =	vst v10  }
0x6a: {  	v6 =	vld [tilespmem:s14+$0xFFFFFFD0];
	[tilespmem:s12+$0x30] =	vst v20  }
0x6b: {  	v7 =	vld [tilespmem:s14+$0x80];
	[tilespmem:s12+$0xFFFFFF80] =	vst v4  }
0x6c: {  	v10 =	vld [tilespmem:s14+$0xFFFFFF10];
	[tilespmem:s12+$0x50] =	vst v22  }
0x6d: {  	v14 =	vld [tilespmem:s14+$0xE0];
	[tilespmem:s12+$0x0] =	vst v13  }
0x6e: {  	v9 =	vld [tilespmem:s14+$0xFFFFFF40];
	[tilespmem:s12+$0xFFFFFF30] =	vst v15  }
0x6f: {  	s2 =	sshra.s32 s2, $0x2;
	v1 =	vld [tilespmem:s14+$0xFFFFFF90];
	[tilespmem:s12+$0x10] =	vst v18;
	s12 =	smov.u32 s14  }
0x70: {  	v2 =	vld [tilespmem:s2+$0x1E800]  }
0x71: {  	v8 =	vld [tilespmem:s14+$0xFFFFFFC0]  }
0x72: {  	v11 =	vld [tilespmem:s14+$0xFFFFFF00]  }
0x73: {  	v12 =	vld [tilespmem:s14+$0xD0]  }
.Ltmp0:
0x74: {  	v21 =	vld [tilespmem:s14+$0xC0];
	(pc) =	sbr.rel @p0 .LBB2_3-.Ltmp0, $4  }
0x75: {  	v17 =	vbroadcast v2, $0x0;
	v19 =	vld [tilespmem:s14+$0x90];
	v4 =	vbroadcast v2, $0xF  }
0x76: {  	v18 =	vbroadcast v2, $0x2;
	v16 =	vbroadcast v2, $0xE;
	v20 =	vld [tilespmem:s14+$0xFFFFFF50]  }
0x77: {  	v23 =	vmul.f32 v17, v11;
	v11 =	vbroadcast v2, $0xD;
	v15 =	vld [tilespmem:s14+$0xB0]  }
0x78: {  	v13 =	vbroadcast v2, $0xC;
	v22 =	vmul.f32 v9, v18;
	v9 =	vld [tilespmem:s14+$0x60]  }
0x79: {  	[tilespmem:s12+$0xFFFFFF00] =	vst v23;
	v14 =	vmul.f32 v14, v4  }
0x7a: {  	v21 =	vmul.f32 v21, v16;
	[tilespmem:s12+$0xFFFFFF40] =	vst v22  }
0x7b: {  	v10 =	vmul.f32 v10, v17;
	[tilespmem:s12+$0xE0] =	vst v14  }
0x7c: {  	v17 =	vld [tilespmem:s12+$0x70];
	v7 =	vmul.f32 v7, v13;
	[tilespmem:s12+$0xC0] =	vst v21  }
0x7d: {  	v14 =	vmul.f32 v19, v13;
	v18 =	vmul.f32 v20, v18;
	[tilespmem:s12+$0xFFFFFF10] =	vst v10  }
0x7e: {  	v22 =	vld [tilespmem:s12+$0xA0];
	v10 =	vmul.f32 v12, v16;
	v16 =	vbroadcast v2, $0xB;
	[tilespmem:s12+$0x80] =	vst v7  }
0x7f: {  	[tilespmem:s12+$0x90] =	vst v14  }
0x80: {  	v7 =	vbroadcast v2, $0x7;
	[tilespmem:s12+$0xFFFFFF50] =	vst v18;
	v9 =	vmul.f32 v9, v16  }
0x81: {  	[tilespmem:s12+$0xD0] =	vst v10;
	v17 =	vmul.f32 v17, v16  }
0x82: {  	v12 =	vld [tilespmem:s12+$0xFFFFFF20];
	v3 =	vmul.f32 v3, v7;
	[tilespmem:s12+$0x60] =	vst v9  }
0x83: {  	v10 =	vbroadcast v2, $0x6;
	v18 =	vmul.f32 v22, v11;
	[tilespmem:s12+$0x70] =	vst v17  }
0x84: {  	v14 =	vld [tilespmem:s12+$0xFFFFFFE0];
	v11 =	vmul.f32 v15, v11;
	[tilespmem:s12+$0xFFFFFFF0] =	vst v3  }
0x85: {  	v19 =	vld [tilespmem:s12+$0xFFFFFFB0];
	v16 =	vbroadcast v2, $0x1;
	v6 =	vmul.f32 v6, v10;
	[tilespmem:s12+$0xA0] =	vst v18  }
0x86: {  	v15 =	vbroadcast v2, $0x5;
	v8 =	vmul.f32 v8, v10;
	[tilespmem:s12+$0xB0] =	vst v11  }
0x87: {  	v12 =	vmul.f32 v12, v16;
	[tilespmem:s12+$0xFFFFFFD0] =	vst v6  }
0x88: {  	v20 =	vld [tilespmem:s12+$0x40];
	v5 =	vmul.f32 v5, v15;
	[tilespmem:s12+$0xFFFFFFC0] =	vst v8  }
0x89: {  	v18 =	vld [tilespmem:s12+$0xF0];
	[tilespmem:s12+$0xFFFFFF20] =	vst v12;
	v7 =	vmul.f32 v14, v7;
	v12 =	vbroadcast v2, $0x4  }
0x8a: {  	v11 =	vld [tilespmem:s12+$0xFFFFFF70];
	[tilespmem:s12+$0xFFFFFFA0] =	vst v5;
	v5 =	vmul.f32 v19, v15;
	v15 =	vbroadcast v2, $0x3  }
0x8b: {  	v13 =	vld [tilespmem:s12+$0x20];
	v3 =	vbroadcast v2, $0xA;
	v1 =	vmul.f32 v1, v12;
	[tilespmem:s12+$0xFFFFFFE0] =	vst v7  }
0x8c: {  	v17 =	vld [tilespmem:s12+$0x30];
	v0 =	vmul.f32 v0, v15;
	[tilespmem:s12+$0xFFFFFFB0] =	vst v5  }
0x8d: {  	v6 =	vld [tilespmem:s12+$0xFFFFFF80];
	v5 =	vmul.f32 v20, v3;
	[tilespmem:s12+$0xFFFFFF90] =	vst v1  }
0x8e: {  	v21 =	vld [tilespmem:s12+$0x50];
	[tilespmem:s12+$0xFFFFFF60] =	vst v0;
	v0 =	vmul.f32 v18, v4;
	v4 =	vbroadcast v2, $0x9  }
0x8f: {  	v10 =	vld [tilespmem:s12+$0x0];
	[tilespmem:s12+$0x40] =	vst v5;
	v5 =	vmul.f32 v11, v15  }
0x90: {  	v9 =	vld [tilespmem:s12+$0xFFFFFF30];
	[tilespmem:s12+$0xF0] =	vst v0;
	v0 =	vmul.f32 v13, v4  }
0x91: {  	v8 =	vld [tilespmem:s12+$0x10];
	v1 =	vmul.f32 v17, v4;
	[tilespmem:s12+$0xFFFFFF70] =	vst v5  }
0x92: {  	v2 =	vbroadcast v2, $0x8;
	v4 =	vmul.f32 v6, v12;
	[tilespmem:s12+$0x20] =	vst v0  }
0x93: {  	v0 =	vmul.f32 v21, v3;
	[tilespmem:s12+$0x30] =	vst v1  }
0x94: {  	v1 =	vmul.f32 v10, v2;
	[tilespmem:s12+$0xFFFFFF80] =	vst v4  }
0x95: {  	v3 =	vmul.f32 v9, v16;
	[tilespmem:s12+$0x50] =	vst v0  }
0x96: {  	s2 =	smin.u32 s7, $0xC2;
	v0 =	vmul.f32 v8, v2;
	[tilespmem:s12+$0x0] =	vst v1  }
0x97: {  	s2 =	sadd.s32 s2, s18;
	[tilespmem:s12+$0xFFFFFF30] =	vst v3  }
0x98: {  	s21 =	simm.s32 $0x1E900;
	s2 =	smul.u32 $0x300, s2;
	[tilespmem:s12+$0x10] =	vst v0  }
0x99: {  	[spmem:s5] =	stream.indirect.scatter.add.f32 [tilespmem:s30], [sflag:$0x4], $0x20, s21, s29, $0xb8;
	[tilespmem:$0x1F000] =	vst v63  }
0x9a: {  	s2 =	sadd.s32 s9, s2;
	_ =	swait.ge [sflag:s22], $0x2000  }
0x9b: {  	s2 =	sshrl.u32 s2, $0x3;
	[sflag:s22] =	ssyncset.done $0x0  }
0x9c: {  	s14 =	simm.s32 $0x0;
	s2 =	sadd.s32 s8, s2;
	[sflag:s22] =	ssyncadd.s32 $0xFFFFE000  }
0x9d: {  	[tilespmem:s25], [sflag:$0x7] =	stream.linear.gather [hbm4b:s2+s14], $0x300, $0x38;
	[tilespmem:$0x1F000] =	vst v63  }
0x9e: {  	_ =	swait.ge [sflag:s10], $0x300  }
0x9f: {  	[sflag:s10] =	ssyncset.done $0x0  }
0xa0: {  	[sflag:s10] =	ssyncadd.s32 $0xFFFFFD00  }
0xa1: {  	[tilespmem:s15], [sflag:$0x3] =	stream.indirect.gather [hbm4b:s1+s29], $0x20, s31, s29, $0xb8;
	[tilespmem:$0x1F000] =	vst v63  }
0xa2: {  	_ =	swait.ge [sflag:s16], $0x2000  }
0xa3: {  	[sflag:s16] =	ssyncset.done $0x0  }
0xa4: {  	s12 =	simm.s32 $0x1A800;
	[sflag:s16] =	ssyncadd.s32 $0xFFFFE000  }
0xa5: {  	v5 =	vld [tilespmem:s12+$0xFFFFFFA0]  }
0xa6: {  	v3 =	vld [tilespmem:s12+$0xFFFFFFF0]  }
0xa7: {  	v0 =	vld [tilespmem:s12+$0xFFFFFF60]  }
0xa8: {  	v6 =	vld [tilespmem:s12+$0xFFFFFFD0]  }
0xa9: {  	v7 =	vld [tilespmem:s12+$0x80]  }
0xaa: {  	v10 =	vld [tilespmem:s12+$0xFFFFFF10]  }
0xab: {  	v14 =	vld [tilespmem:s12+$0xE0]  }
0xac: {  	v9 =	vld [tilespmem:s12+$0xFFFFFF40]  }
0xad: {  	s21 =	simm.s32 $0x0;
	v1 =	vld [tilespmem:s12+$0xFFFFFF90]  }
0xae: {  	v2 =	vld [tilespmem:s21+$0x1EB00]  }
0xaf: {  	v8 =	vld [tilespmem:s12+$0xFFFFFFC0]  }
0xb0: {  	v11 =	vld [tilespmem:s12+$0xFFFFFF00]  }
0xb1: {  	v12 =	vld [tilespmem:s12+$0xD0]  }
0xb2: {  	v21 =	vld [tilespmem:s12+$0xC0]  }
0xb3: {  	v19 =	vld [tilespmem:s12+$0x90];
	v17 =	vbroadcast v2, $0x0;
	v4 =	vbroadcast v2, $0xF  }
0xb4: {  	v20 =	vld [tilespmem:s12+$0xFFFFFF50];
	v18 =	vbroadcast v2, $0x2;
	v16 =	vbroadcast v2, $0xE  }
0xb5: {  	v15 =	vld [tilespmem:s12+$0xB0];
	v13 =	vbroadcast v2, $0xC;
	v23 =	vmul.f32 v17, v11  }
0xb6: {  	s14 =	simm.s32 $0x1A800;
	s21 =	simm.s32 $0x40;
	v11 =	vbroadcast v2, $0xD;
	v22 =	vmul.f32 v9, v18;
	v9 =	vld [tilespmem:s12+$0x60]  }
.LBB2_5:
0xb7: {  	p0 =	sne.s32 s21, $0x3C0  }
0xb8: {  	[tilespmem:s12+$0xFFFFFF00] =	vst v23;
	v23 =	vld [tilespmem:s12+$0xFFFFFFB0];
	v21 =	vmul.f32 v21, v16;
	v14 =	vmul.f32 v14, v4;
	s14 =	sadd.s32 $0x200, s14;
	s2 =	smov.u32 s21;
	s21 =	sadd.s32 $0x40, s21  }
0xb9: {  	[tilespmem:s12+$0xFFFFFF40] =	vst v22;
	v22 =	vbroadcast v2, $0xA;
	v19 =	vmul.f32 v19, v13;
	v24 =	vld [tilespmem:s12+$0xA0]  }
0xba: {  	v10 =	vmul.f32 v10, v17;
	v17 =	vmul.f32 v20, v18;
	v18 =	vld [tilespmem:s12+$0x70];
	[tilespmem:s12+$0xE0] =	vst v14  }
0xbb: {  	v14 =	vbroadcast v2, $0x5;
	v20 =	vld [tilespmem:s12+$0xFFFFFFE0];
	v15 =	vmul.f32 v15, v11;
	[tilespmem:s12+$0xC0] =	vst v21  }
0xbc: {  	v12 =	vmul.f32 v12, v16;
	[tilespmem:s12+$0xFFFFFF10] =	vst v10;
	v10 =	vbroadcast v2, $0x6;
	v21 =	vld [tilespmem:s12+$0x40]  }
0xbd: {  	v25 =	vbroadcast v2, $0xB;
	v5 =	vmul.f32 v5, v14;
	v16 =	vld [tilespmem:s12+$0xFFFFFF20];
	[tilespmem:s12+$0x90] =	vst v19  }
0xbe: {  	v19 =	vbroadcast v2, $0x9;
	[tilespmem:s12+$0xFFFFFF50] =	vst v17;
	v17 =	vld [tilespmem:s12+$0x20];
	v11 =	vmul.f32 v24, v11  }
0xbf: {  	v14 =	vmul.f32 v23, v14;
	v23 =	vld [tilespmem:s12+$0x50];
	v18 =	vmul.f32 v18, v25;
	[tilespmem:s12+$0xD0] =	vst v12  }
0xc0: {  	v7 =	vmul.f32 v7, v13;
	v12 =	vbroadcast v2, $0x7;
	v24 =	vld [tilespmem:s12+$0x30];
	[tilespmem:s12+$0xA0] =	vst v11  }
0xc1: {  	v8 =	vmul.f32 v8, v10;
	v11 =	vbroadcast v2, $0x3;
	v13 =	vld [tilespmem:s12+$0x0];
	[tilespmem:s12+$0x70] =	vst v18  }
0xc2: {  	v9 =	vmul.f32 v9, v25;
	v6 =	vmul.f32 v6, v10;
	v10 =	vld [tilespmem:s12+$0x10];
	[tilespmem:s12+$0x80] =	vst v7  }
0xc3: {  	v18 =	vbroadcast v2, $0x8;
	v21 =	vmul.f32 v21, v22;
	v7 =	vld [tilespmem:s12+$0xFFFFFF30];
	[tilespmem:s12+$0xB0] =	vst v15  }
0xc4: {  	v15 =	vbroadcast v2, $0x1;
	v25 =	vld [tilespmem:s12+$0xFFFFFF70];
	[tilespmem:s12+$0xFFFFFFD0] =	vst v6;
	v22 =	vmul.f32 v23, v22  }
0xc5: {  	v3 =	vmul.f32 v3, v12;
	v6 =	vmul.f32 v20, v12;
	[tilespmem:s12+$0xFFFFFFC0] =	vst v8;
	v8 =	vld [tilespmem:s12+$0xF0]  }
0xc6: {  	v20 =	vmul.f32 v24, v19;
	v12 =	vld [tilespmem:s12+$0xFFFFFF80];
	[tilespmem:s12+$0xFFFFFFA0] =	vst v5;
	v13 =	vmul.f32 v13, v18  }
0xc7: {  	v5 =	vld [tilespmem:s14+$0xFFFFFFA0];
	[tilespmem:s12+$0xFFFFFFF0] =	vst v3;
	v18 =	vmul.f32 v10, v18;
	v10 =	vmul.f32 v17, v19  }
0xc8: {  	v3 =	vmul.f32 v16, v15;
	v15 =	vmul.f32 v7, v15;
	[tilespmem:s12+$0x60] =	vst v9  }
0xc9: {  	v0 =	vmul.f32 v0, v11;
	v7 =	vmul.f32 v25, v11;
	[tilespmem:s12+$0xFFFFFFB0] =	vst v14  }
0xca: {  	v2 =	vbroadcast v2, $0x4;
	[tilespmem:s12+$0xFFFFFF20] =	vst v3;
	v3 =	vmul.f32 v8, v4  }
0xcb: {  	[tilespmem:s12+$0xFFFFFF60] =	vst v0  }
0xcc: {  	v4 =	vmul.f32 v12, v2;
	v0 =	vmul.f32 v1, v2;
	[tilespmem:s12+$0x40] =	vst v21  }
0xcd: {  	[tilespmem:s12+$0xFFFFFFE0] =	vst v6  }
0xce: {  	[tilespmem:s12+$0xF0] =	vst v3  }
0xcf: {  	[tilespmem:s12+$0xFFFFFF90] =	vst v0  }
0xd0: {  	v3 =	vld [tilespmem:s14+$0xFFFFFFF0];
	[tilespmem:s12+$0xFFFFFF70] =	vst v7  }
0xd1: {  	v0 =	vld [tilespmem:s14+$0xFFFFFF60];
	[tilespmem:s12+$0x20] =	vst v10  }
0xd2: {  	v6 =	vld [tilespmem:s14+$0xFFFFFFD0];
	[tilespmem:s12+$0x30] =	vst v20  }
0xd3: {  	v7 =	vld [tilespmem:s14+$0x80];
	[tilespmem:s12+$0xFFFFFF80] =	vst v4  }
0xd4: {  	v10 =	vld [tilespmem:s14+$0xFFFFFF10];
	[tilespmem:s12+$0x50] =	vst v22  }
0xd5: {  	v14 =	vld [tilespmem:s14+$0xE0];
	[tilespmem:s12+$0x0] =	vst v13  }
0xd6: {  	v9 =	vld [tilespmem:s14+$0xFFFFFF40];
	[tilespmem:s12+$0xFFFFFF30] =	vst v15  }
0xd7: {  	s2 =	sshra.s32 s2, $0x2;
	v1 =	vld [tilespmem:s14+$0xFFFFFF90];
	[tilespmem:s12+$0x10] =	vst v18;
	s12 =	smov.u32 s14  }
0xd8: {  	v2 =	vld [tilespmem:s2+$0x1EB00]  }
0xd9: {  	v8 =	vld [tilespmem:s14+$0xFFFFFFC0]  }
0xda: {  	v11 =	vld [tilespmem:s14+$0xFFFFFF00]  }
0xdb: {  	v12 =	vld [tilespmem:s14+$0xD0]  }
.Ltmp1:
0xdc: {  	v21 =	vld [tilespmem:s14+$0xC0];
	(pc) =	sbr.rel @p0 .LBB2_5-.Ltmp1, $4  }
0xdd: {  	v17 =	vbroadcast v2, $0x0;
	v19 =	vld [tilespmem:s14+$0x90];
	v4 =	vbroadcast v2, $0xF  }
0xde: {  	v18 =	vbroadcast v2, $0x2;
	v16 =	vbroadcast v2, $0xE;
	v20 =	vld [tilespmem:s14+$0xFFFFFF50]  }
0xdf: {  	v23 =	vmul.f32 v17, v11;
	v11 =	vbroadcast v2, $0xD;
	v15 =	vld [tilespmem:s14+$0xB0]  }
0xe0: {  	v13 =	vbroadcast v2, $0xC;
	v22 =	vmul.f32 v9, v18;
	v9 =	vld [tilespmem:s14+$0x60]  }
0xe1: {  	[tilespmem:s12+$0xFFFFFF00] =	vst v23;
	v14 =	vmul.f32 v14, v4  }
0xe2: {  	v21 =	vmul.f32 v21, v16;
	[tilespmem:s12+$0xFFFFFF40] =	vst v22  }
0xe3: {  	v10 =	vmul.f32 v10, v17;
	[tilespmem:s12+$0xE0] =	vst v14  }
0xe4: {  	v17 =	vld [tilespmem:s12+$0x70];
	v7 =	vmul.f32 v7, v13;
	[tilespmem:s12+$0xC0] =	vst v21  }
0xe5: {  	v14 =	vmul.f32 v19, v13;
	v18 =	vmul.f32 v20, v18;
	[tilespmem:s12+$0xFFFFFF10] =	vst v10  }
0xe6: {  	v22 =	vld [tilespmem:s12+$0xA0];
	v10 =	vmul.f32 v12, v16;
	v16 =	vbroadcast v2, $0xB;
	[tilespmem:s12+$0x80] =	vst v7  }
0xe7: {  	[tilespmem:s12+$0x90] =	vst v14  }
0xe8: {  	v7 =	vbroadcast v2, $0x7;
	[tilespmem:s12+$0xFFFFFF50] =	vst v18;
	v9 =	vmul.f32 v9, v16  }
0xe9: {  	[tilespmem:s12+$0xD0] =	vst v10;
	v17 =	vmul.f32 v17, v16  }
0xea: {  	v12 =	vld [tilespmem:s12+$0xFFFFFF20];
	v3 =	vmul.f32 v3, v7;
	[tilespmem:s12+$0x60] =	vst v9  }
0xeb: {  	v10 =	vbroadcast v2, $0x6;
	v18 =	vmul.f32 v22, v11;
	[tilespmem:s12+$0x70] =	vst v17  }
0xec: {  	v14 =	vld [tilespmem:s12+$0xFFFFFFE0];
	v11 =	vmul.f32 v15, v11;
	[tilespmem:s12+$0xFFFFFFF0] =	vst v3  }
0xed: {  	v19 =	vld [tilespmem:s12+$0xFFFFFFB0];
	v16 =	vbroadcast v2, $0x1;
	v6 =	vmul.f32 v6, v10;
	[tilespmem:s12+$0xA0] =	vst v18  }
0xee: {  	v15 =	vbroadcast v2, $0x5;
	v8 =	vmul.f32 v8, v10;
	[tilespmem:s12+$0xB0] =	vst v11  }
0xef: {  	v12 =	vmul.f32 v12, v16;
	[tilespmem:s12+$0xFFFFFFD0] =	vst v6  }
0xf0: {  	v20 =	vld [tilespmem:s12+$0x40];
	v5 =	vmul.f32 v5, v15;
	[tilespmem:s12+$0xFFFFFFC0] =	vst v8  }
0xf1: {  	v18 =	vld [tilespmem:s12+$0xF0];
	[tilespmem:s12+$0xFFFFFF20] =	vst v12;
	v7 =	vmul.f32 v14, v7;
	v12 =	vbroadcast v2, $0x4  }
0xf2: {  	v11 =	vld [tilespmem:s12+$0xFFFFFF70];
	[tilespmem:s12+$0xFFFFFFA0] =	vst v5;
	v5 =	vmul.f32 v19, v15;
	v15 =	vbroadcast v2, $0x3  }
0xf3: {  	v13 =	vld [tilespmem:s12+$0x20];
	v3 =	vbroadcast v2, $0xA;
	v1 =	vmul.f32 v1, v12;
	[tilespmem:s12+$0xFFFFFFE0] =	vst v7  }
0xf4: {  	v17 =	vld [tilespmem:s12+$0x30];
	v0 =	vmul.f32 v0, v15;
	[tilespmem:s12+$0xFFFFFFB0] =	vst v5  }
0xf5: {  	v6 =	vld [tilespmem:s12+$0xFFFFFF80];
	v5 =	vmul.f32 v20, v3;
	[tilespmem:s12+$0xFFFFFF90] =	vst v1  }
0xf6: {  	v21 =	vld [tilespmem:s12+$0x50];
	[tilespmem:s12+$0xFFFFFF60] =	vst v0;
	v0 =	vmul.f32 v18, v4;
	v4 =	vbroadcast v2, $0x9  }
0xf7: {  	v10 =	vld [tilespmem:s12+$0x0];
	[tilespmem:s12+$0x40] =	vst v5;
	v5 =	vmul.f32 v11, v15  }
0xf8: {  	v9 =	vld [tilespmem:s12+$0xFFFFFF30];
	[tilespmem:s12+$0xF0] =	vst v0;
	v0 =	vmul.f32 v13, v4  }
0xf9: {  	v8 =	vld [tilespmem:s12+$0x10];
	v1 =	vmul.f32 v17, v4;
	[tilespmem:s12+$0xFFFFFF70] =	vst v5  }
0xfa: {  	v2 =	vbroadcast v2, $0x8;
	v4 =	vmul.f32 v6, v12;
	[tilespmem:s12+$0x20] =	vst v0  }
0xfb: {  	v0 =	vmul.f32 v21, v3;
	[tilespmem:s12+$0x30] =	vst v1  }
0xfc: {  	v1 =	vmul.f32 v10, v2;
	[tilespmem:s12+$0xFFFFFF80] =	vst v4  }
0xfd: {  	v3 =	vmul.f32 v9, v16;
	[tilespmem:s12+$0x50] =	vst v0  }
0xfe: {  	s2 =	smin.u32 s7, $0xC1;
	v0 =	vmul.f32 v8, v2;
	[tilespmem:s12+$0x0] =	vst v1  }
0xff: {  	s2 =	sadd.s32 s2, s19;
	[tilespmem:s12+$0xFFFFFF30] =	vst v3  }
0x100: {  	s2 =	smul.u32 $0x300, s2;
	[tilespmem:s12+$0x10] =	vst v0;
	s12 =	simm.s32 $0x1EC00  }
0x101: {  	[spmem:s5] =	stream.indirect.scatter.add.f32 [tilespmem:s4], [sflag:$0x5], $0x20, s12, s29, $0xb8;
	[tilespmem:$0x1F000] =	vst v63  }
0x102: {  	s2 =	sadd.s32 s9, s2;
	_ =	swait.ge [sflag:s13], $0x2000  }
0x103: {  	s2 =	sshrl.u32 s2, $0x3;
	[sflag:s13] =	ssyncset.done $0x0  }
0x104: {  	s14 =	simm.s32 $0x0;
	s2 =	sadd.s32 s8, s2;
	[sflag:s13] =	ssyncadd.s32 $0xFFFFE000  }
0x105: {  	[tilespmem:s26], [sflag:$0x8] =	stream.linear.gather [hbm4b:s2+s14], $0x300, $0x38;
	[tilespmem:$0x1F000] =	vst v63  }
0x106: {  	_ =	swait.ge [sflag:s28], $0x300  }
0x107: {  	[sflag:s28] =	ssyncset.done $0x0  }
0x108: {  	[sflag:s28] =	ssyncadd.s32 $0xFFFFFD00  }
0x109: {  	[tilespmem:s30], [sflag:$0x1] =	stream.indirect.gather [hbm4b:s1+s29], $0x20, s25, s29, $0xb8;
	[tilespmem:$0x1F000] =	vst v63  }
0x10a: {  	_ =	swait.ge [sflag:s23], $0x2000  }
0x10b: {  	[sflag:s23] =	ssyncset.done $0x0  }
0x10c: {  	s7 =	simm.s32 $0x1C800;
	[sflag:s23] =	ssyncadd.s32 $0xFFFFE000  }
0x10d: {  	v5 =	vld [tilespmem:s7+$0xFFFFFFA0]  }
0x10e: {  	v3 =	vld [tilespmem:s7+$0xFFFFFFF0]  }
0x10f: {  	v0 =	vld [tilespmem:s7+$0xFFFFFF60]  }
0x110: {  	v6 =	vld [tilespmem:s7+$0xFFFFFFD0]  }
0x111: {  	v7 =	vld [tilespmem:s7+$0x80]  }
0x112: {  	v10 =	vld [tilespmem:s7+$0xFFFFFF10]  }
0x113: {  	v14 =	vld [tilespmem:s7+$0xE0]  }
0x114: {  	v9 =	vld [tilespmem:s7+$0xFFFFFF40]  }
0x115: {  	s21 =	simm.s32 $0x0;
	v1 =	vld [tilespmem:s7+$0xFFFFFF90]  }
0x116: {  	v2 =	vld [tilespmem:s21+$0x1EE00]  }
0x117: {  	v8 =	vld [tilespmem:s7+$0xFFFFFFC0]  }
0x118: {  	v11 =	vld [tilespmem:s7+$0xFFFFFF00]  }
0x119: {  	v12 =	vld [tilespmem:s7+$0xD0]  }
0x11a: {  	v21 =	vld [tilespmem:s7+$0xC0]  }
0x11b: {  	v19 =	vld [tilespmem:s7+$0x90];
	v17 =	vbroadcast v2, $0x0;
	v4 =	vbroadcast v2, $0xF  }
0x11c: {  	v20 =	vld [tilespmem:s7+$0xFFFFFF50];
	v18 =	vbroadcast v2, $0x2;
	v16 =	vbroadcast v2, $0xE  }
0x11d: {  	v15 =	vld [tilespmem:s7+$0xB0];
	v13 =	vbroadcast v2, $0xC;
	v23 =	vmul.f32 v17, v11  }
0x11e: {  	s12 =	simm.s32 $0x40;
	s14 =	simm.s32 $0x1C800;
	v11 =	vbroadcast v2, $0xD;
	v22 =	vmul.f32 v9, v18;
	v9 =	vld [tilespmem:s7+$0x60]  }
.LBB2_7:
0x11f: {  	p0 =	sne.s32 s12, $0x3C0  }
0x120: {  	[tilespmem:s7+$0xFFFFFF00] =	vst v23;
	v23 =	vld [tilespmem:s7+$0xFFFFFFB0];
	v21 =	vmul.f32 v21, v16;
	v14 =	vmul.f32 v14, v4;
	s14 =	sadd.s32 $0x200, s14;
	s2 =	smov.u32 s12;
	s12 =	sadd.s32 $0x40, s12  }
0x121: {  	[tilespmem:s7+$0xFFFFFF40] =	vst v22;
	v22 =	vbroadcast v2, $0xA;
	v19 =	vmul.f32 v19, v13;
	v24 =	vld [tilespmem:s7+$0xA0]  }
0x122: {  	v10 =	vmul.f32 v10, v17;
	v17 =	vmul.f32 v20, v18;
	v18 =	vld [tilespmem:s7+$0x70];
	[tilespmem:s7+$0xE0] =	vst v14  }
0x123: {  	v14 =	vbroadcast v2, $0x5;
	v20 =	vld [tilespmem:s7+$0xFFFFFFE0];
	v15 =	vmul.f32 v15, v11;
	[tilespmem:s7+$0xC0] =	vst v21  }
0x124: {  	v12 =	vmul.f32 v12, v16;
	[tilespmem:s7+$0xFFFFFF10] =	vst v10;
	v10 =	vbroadcast v2, $0x6;
	v21 =	vld [tilespmem:s7+$0x40]  }
0x125: {  	v25 =	vbroadcast v2, $0xB;
	v5 =	vmul.f32 v5, v14;
	v16 =	vld [tilespmem:s7+$0xFFFFFF20];
	[tilespmem:s7+$0x90] =	vst v19  }
0x126: {  	v19 =	vbroadcast v2, $0x9;
	[tilespmem:s7+$0xFFFFFF50] =	vst v17;
	v17 =	vld [tilespmem:s7+$0x20];
	v11 =	vmul.f32 v24, v11  }
0x127: {  	v14 =	vmul.f32 v23, v14;
	v23 =	vld [tilespmem:s7+$0x50];
	v18 =	vmul.f32 v18, v25;
	[tilespmem:s7+$0xD0] =	vst v12  }
0x128: {  	v7 =	vmul.f32 v7, v13;
	v12 =	vbroadcast v2, $0x7;
	v24 =	vld [tilespmem:s7+$0x30];
	[tilespmem:s7+$0xA0] =	vst v11  }
0x129: {  	v8 =	vmul.f32 v8, v10;
	v11 =	vbroadcast v2, $0x3;
	v13 =	vld [tilespmem:s7+$0x0];
	[tilespmem:s7+$0x70] =	vst v18  }
0x12a: {  	v9 =	vmul.f32 v9, v25;
	v6 =	vmul.f32 v6, v10;
	v10 =	vld [tilespmem:s7+$0x10];
	[tilespmem:s7+$0x80] =	vst v7  }
0x12b: {  	v18 =	vbroadcast v2, $0x8;
	v21 =	vmul.f32 v21, v22;
	v7 =	vld [tilespmem:s7+$0xFFFFFF30];
	[tilespmem:s7+$0xB0] =	vst v15  }
0x12c: {  	v15 =	vbroadcast v2, $0x1;
	v25 =	vld [tilespmem:s7+$0xFFFFFF70];
	[tilespmem:s7+$0xFFFFFFD0] =	vst v6;
	v22 =	vmul.f32 v23, v22  }
0x12d: {  	v3 =	vmul.f32 v3, v12;
	v6 =	vmul.f32 v20, v12;
	[tilespmem:s7+$0xFFFFFFC0] =	vst v8;
	v8 =	vld [tilespmem:s7+$0xF0]  }
0x12e: {  	v20 =	vmul.f32 v24, v19;
	v12 =	vld [tilespmem:s7+$0xFFFFFF80];
	[tilespmem:s7+$0xFFFFFFA0] =	vst v5;
	v13 =	vmul.f32 v13, v18  }
0x12f: {  	v5 =	vld [tilespmem:s14+$0xFFFFFFA0];
	[tilespmem:s7+$0xFFFFFFF0] =	vst v3;
	v18 =	vmul.f32 v10, v18;
	v10 =	vmul.f32 v17, v19  }
0x130: {  	v3 =	vmul.f32 v16, v15;
	v15 =	vmul.f32 v7, v15;
	[tilespmem:s7+$0x60] =	vst v9  }
0x131: {  	v0 =	vmul.f32 v0, v11;
	v7 =	vmul.f32 v25, v11;
	[tilespmem:s7+$0xFFFFFFB0] =	vst v14  }
0x132: {  	v2 =	vbroadcast v2, $0x4;
	[tilespmem:s7+$0xFFFFFF20] =	vst v3;
	v3 =	vmul.f32 v8, v4  }
0x133: {  	[tilespmem:s7+$0xFFFFFF60] =	vst v0  }
0x134: {  	v4 =	vmul.f32 v12, v2;
	v0 =	vmul.f32 v1, v2;
	[tilespmem:s7+$0x40] =	vst v21  }
0x135: {  	[tilespmem:s7+$0xFFFFFFE0] =	vst v6  }
0x136: {  	[tilespmem:s7+$0xF0] =	vst v3  }
0x137: {  	[tilespmem:s7+$0xFFFFFF90] =	vst v0  }
0x138: {  	v3 =	vld [tilespmem:s14+$0xFFFFFFF0];
	[tilespmem:s7+$0xFFFFFF70] =	vst v7  }
0x139: {  	v0 =	vld [tilespmem:s14+$0xFFFFFF60];
	[tilespmem:s7+$0x20] =	vst v10  }
0x13a: {  	v6 =	vld [tilespmem:s14+$0xFFFFFFD0];
	[tilespmem:s7+$0x30] =	vst v20  }
0x13b: {  	v7 =	vld [tilespmem:s14+$0x80];
	[tilespmem:s7+$0xFFFFFF80] =	vst v4  }
0x13c: {  	v10 =	vld [tilespmem:s14+$0xFFFFFF10];
	[tilespmem:s7+$0x50] =	vst v22  }
0x13d: {  	v14 =	vld [tilespmem:s14+$0xE0];
	[tilespmem:s7+$0x0] =	vst v13  }
0x13e: {  	v9 =	vld [tilespmem:s14+$0xFFFFFF40];
	[tilespmem:s7+$0xFFFFFF30] =	vst v15  }
0x13f: {  	s2 =	sshra.s32 s2, $0x2;
	v1 =	vld [tilespmem:s14+$0xFFFFFF90];
	[tilespmem:s7+$0x10] =	vst v18;
	s7 =	smov.u32 s14  }
0x140: {  	v2 =	vld [tilespmem:s2+$0x1EE00]  }
0x141: {  	v8 =	vld [tilespmem:s14+$0xFFFFFFC0]  }
0x142: {  	v11 =	vld [tilespmem:s14+$0xFFFFFF00]  }
0x143: {  	v12 =	vld [tilespmem:s14+$0xD0]  }
.Ltmp2:
0x144: {  	v21 =	vld [tilespmem:s14+$0xC0];
	(pc) =	sbr.rel @p0 .LBB2_7-.Ltmp2, $4  }
0x145: {  	v17 =	vbroadcast v2, $0x0;
	v19 =	vld [tilespmem:s14+$0x90];
	v4 =	vbroadcast v2, $0xF  }
0x146: {  	v18 =	vbroadcast v2, $0x2;
	v16 =	vbroadcast v2, $0xE;
	v20 =	vld [tilespmem:s14+$0xFFFFFF50]  }
0x147: {  	v23 =	vmul.f32 v17, v11;
	v11 =	vbroadcast v2, $0xD;
	v15 =	vld [tilespmem:s14+$0xB0]  }
0x148: {  	v13 =	vbroadcast v2, $0xC;
	v22 =	vmul.f32 v9, v18;
	v9 =	vld [tilespmem:s14+$0x60]  }
0x149: {  	[tilespmem:s7+$0xFFFFFF00] =	vst v23;
	v14 =	vmul.f32 v14, v4  }
0x14a: {  	v21 =	vmul.f32 v21, v16;
	[tilespmem:s7+$0xFFFFFF40] =	vst v22  }
0x14b: {  	v10 =	vmul.f32 v10, v17;
	[tilespmem:s7+$0xE0] =	vst v14  }
0x14c: {  	v28 =	vmul.f32 v12, v16;
	[tilespmem:s7+$0xC0] =	vst v21  }
0x14d: {  	v26 =	vmul.f32 v19, v13;
	[tilespmem:s7+$0xFFFFFF10] =	vst v10  }
0x14e: {  	v34 =	vbroadcast v2, $0x6;
	v7 =	vmul.f32 v7, v13;
	[tilespmem:s7+$0xD0] =	vst v28  }
0x14f: {  	v18 =	vmul.f32 v20, v18;
	[tilespmem:s7+$0x90] =	vst v26  }
0x150: {  	v38 =	vbroadcast v2, $0x5;
	v6 =	vmul.f32 v6, v34;
	[tilespmem:s7+$0x80] =	vst v7  }
0x151: {  	v40 =	vbroadcast v2, $0x7;
	v8 =	vmul.f32 v8, v34;
	[tilespmem:s7+$0xFFFFFF50] =	vst v18  }
0x152: {  	v47 =	vbroadcast v2, $0x3;
	v5 =	vmul.f32 v5, v38;
	[tilespmem:s7+$0xFFFFFFD0] =	vst v6  }
0x153: {  	v24 =	vld [tilespmem:s7+$0xA0];
	v52 =	vbroadcast v2, $0x4;
	v3 =	vmul.f32 v3, v40;
	[tilespmem:s7+$0xFFFFFFC0] =	vst v8  }
0x154: {  	v25 =	vld [tilespmem:s7+$0x70];
	v0 =	vmul.f32 v0, v47;
	[tilespmem:s7+$0xFFFFFFA0] =	vst v5  }
0x155: {  	v27 =	vld [tilespmem:s7+$0xFFFFFFB0];
	v30 =	vbroadcast v2, $0xB;
	v1 =	vmul.f32 v1, v52;
	[tilespmem:s7+$0xFFFFFFF0] =	vst v3  }
0x156: {  	v29 =	vld [tilespmem:s7+$0xFFFFFF20];
	v36 =	vmul.f32 v15, v11;
	[tilespmem:s7+$0xFFFFFF60] =	vst v0  }
0x157: {  	v33 =	vld [tilespmem:s7+$0x40];
	v9 =	vmul.f32 v9, v30;
	[tilespmem:s7+$0xFFFFFF90] =	vst v1  }
0x158: {  	v31 =	vld [tilespmem:s7+$0xFFFFFFE0];
	v32 =	vmul.f32 v24, v11;
	[tilespmem:s7+$0xB0] =	vst v36  }
0x159: {  	v45 =	vbroadcast v2, $0x1;
	v48 =	vld [tilespmem:s7+$0xF0];
	v17 =	vmul.f32 v25, v30;
	[tilespmem:s7+$0x60] =	vst v9  }
0x15a: {  	v42 =	vld [tilespmem:s7+$0xFFFFFF70];
	v49 =	vbroadcast v2, $0xA;
	v46 =	vmul.f32 v27, v38;
	[tilespmem:s7+$0xA0] =	vst v32  }
0x15b: {  	v37 =	vld [tilespmem:s7+$0x20];
	v12 =	vmul.f32 v29, v45;
	[tilespmem:s7+$0x70] =	vst v17  }
0x15c: {  	v39 =	vld [tilespmem:s7+$0x30];
	v51 =	vmul.f32 v33, v49;
	[tilespmem:s7+$0xFFFFFFB0] =	vst v46  }
0x15d: {  	v43 =	vld [tilespmem:s7+$0xFFFFFF80];
	v7 =	vmul.f32 v31, v40;
	[tilespmem:s7+$0xFFFFFF20] =	vst v12  }
0x15e: {  	v35 =	vld [tilespmem:s7+$0x50];
	v54 =	vbroadcast v2, $0x9;
	v53 =	vmul.f32 v48, v4;
	[tilespmem:s7+$0x40] =	vst v51  }
0x15f: {  	v41 =	vld [tilespmem:s7+$0x0];
	v55 =	vmul.f32 v42, v47;
	[tilespmem:s7+$0xFFFFFFE0] =	vst v7  }
0x160: {  	v50 =	vld [tilespmem:s7+$0xFFFFFF30];
	v56 =	vmul.f32 v37, v54;
	[tilespmem:s7+$0xF0] =	vst v53  }
0x161: {  	v44 =	vld [tilespmem:s7+$0x10];
	v57 =	vmul.f32 v39, v54;
	[tilespmem:s7+$0xFFFFFF70] =	vst v55  }
0x162: {  	v58 =	vbroadcast v2, $0x8;
	v59 =	vmul.f32 v43, v52;
	[tilespmem:s7+$0x20] =	vst v56  }
0x163: {  	s6 =	sadd.s32 $0x1, s6;
	v60 =	vmul.f32 v35, v49;
	[tilespmem:s7+$0x30] =	vst v57  }
0x164: {  	p0 =	sne.s32 s6, $0x42;
	v61 =	vmul.f32 v41, v58;
	[tilespmem:s7+$0xFFFFFF80] =	vst v59  }
.Ltmp3:
0x165: {  	v62 =	vmul.f32 v50, v45;
	[tilespmem:s7+$0x50] =	vst v60;
	(pc) =	sbr.rel @p0 .LBB2_2-.Ltmp3, $4  }
0x166: {  	v63 =	vmul.f32 v44, v58;
	[tilespmem:s7+$0x0] =	vst v61  }
0x167: {  	[tilespmem:s7+$0xFFFFFF30] =	vst v62  }
0x168: {  	s2 =	simm.s32 $0x1EF00;
	[tilespmem:s7+$0x10] =	vst v63  }
0x169: {  	[spmem:s5] =	stream.indirect.scatter.add.f32 [tilespmem:s15], [sflag:$0x6], $0x20, s2, s29, $0xb8;
	[tilespmem:$0x1F000] =	vst v63  }
0x16a: {  	s2 =	simm.s32 $0x6  }
0x16b: {  	_ =	swait.ge [sflag:s2], $0x2000  }
0x16c: {  	[sflag:s2] =	ssyncset.done $0x0  }
0x16d: {  	[sflag:s2] =	ssyncadd.s32 $0xFFFFE000  }
0x16e: {  	_ =	swait.ge [sflag:s0], $0x300  }
0x16f: {  	[sflag:s0] =	ssyncset.done $0x0  }
0x170: {  	[sflag:s0] =	ssyncadd.s32 $0xFFFFFD00  }
0x171: {  	_ =	swait.ge [sflag:s20], $0x2000  }
0x172: {  	[sflag:s20] =	ssyncset.done $0x0  }
0x173: {  	[sflag:s20] =	ssyncadd.s32 $0xFFFFE000  }
0x174: {  	[bflag:$0x0] =	sbarrier.arrive $0xFFFF  }
0x175: {  	s6 =	rddreg [dreg:$0x9]  }
0x176: {  	s14 =	rddreg [dreg:$0xd]  }
0x177: {  	s7 =	rddreg [dreg:$0x10]  }
0x178: {  	[hbm:s14], [sflag:s6] =	dma.local [spmem:s7], $0x30E0  }
0x179: {  	_ =	swait.ge [sflag:s24], $0x30E0  }
0x17a: {  	[sflag:s24] =	ssyncset.done $0x0  }
0x17b: {  	s21 =	rddreg [dreg:$0x7];
	[sflag:s24] =	ssyncadd.s32 $0xFFFFCF20  }
0x17c: {  	[spmem:s7], [sflag:s6] =	dma.local [hbm:s21], $0x30E0  }
0x17d: {  	_ =	swait.ge [sflag:s24], $0x30E0  }
0x17e: {  	[sflag:s24] =	ssyncset.done $0x0  }
0x17f: {  	[sflag:s24] =	ssyncadd.s32 $0xFFFFCF20  }
0x180: {  	[bflag:$0x0] =	sbarrier.arrive $0xFFFF  }
0x181: {  	s6 =	simm.s32 $0x0;
	s12 =	rddreg [dreg:$0xa]  }
0x182: {  	[tilespmem:s25], [sflag:$0x7] =	stream.linear.gather [hbm4b:s12+s6], $0x300, $0x38;
	[tilespmem:$0x1F000] =	vst v63  }
0x183: {  	s14 =	rddreg [dreg:$0xb]  }
0x184: {  	[tilespmem:s26], [sflag:$0x8] =	stream.linear.gather [hbm4b:s14+s6], $0x300, $0x38;
	[tilespmem:$0x1F000] =	vst v63  }
0x185: {  	_ =	swait.ge [sflag:s28], $0x300  }
0x186: {  	[sflag:s28] =	ssyncset.done $0x0  }
0x187: {  	[sflag:s28] =	ssyncadd.s32 $0xFFFFFD00  }
0x188: {  	[tilespmem:s30], [sflag:$0x1] =	stream.indirect.gather [hbm4b:s3+s29], $0x20, s25, s29, $0xb8;
	[tilespmem:$0x1F000] =	vst v63  }
0x189: {  	s21 =	rddreg [dreg:$0xc]  }
0x18a: {  	[tilespmem:s31], [sflag:$0x9] =	stream.linear.gather [hbm4b:s21+s6], $0x300, $0x38;
	[tilespmem:$0x1F000] =	vst v63  }
.LBB2_10:
0x18b: {  	s7 =	smul.u32 $0x3, s6  }
0x18c: {  	p0 =	seq.s32 s6, $0x0  }
0x18d: {  	s2 =	sadd.s32 @!p0 s7, s17  }
0x18e: {  	s2 =	smul.u32 @!p0 $0x300, s2  }
0x18f: {  	s12 =	simm.s32 @!p0 $0x6  }
0x190: {  	_ =	swait.ge @!p0 [sflag:s12], $0x2000;
	s2 =	sadd.s32 @!p0 s9, s2  }
0x191: {  	s14 =	simm.s32 @!p0 $0x1ED00;
	[sflag:s12] =	ssyncset.done @!p0 $0x0;
	s2 =	sshrl.u32 @!p0 s2, $0x3  }
0x192: {  	[sflag:s12] =	ssyncadd.s32 @!p0 $0xFFFFE000;
	s12 =	simm.s32 @!p0 $0x0;
	s2 =	sadd.s32 @!p0 s8, s2  }
0x193: {  	[tilespmem:s14], [sflag:$0x9] =	stream.linear.gather @!p0 [hbm4b:s2+s12], $0x300, $0x38;
	[tilespmem:$0x1F000] =	vst v63  }
0x194: {  	_ =	swait.ge [sflag:s0], $0x300  }
0x195: {  	[sflag:s0] =	ssyncset.done $0x0  }
0x196: {  	[sflag:s0] =	ssyncadd.s32 $0xFFFFFD00  }
0x197: {  	[tilespmem:s4], [sflag:$0x2] =	stream.indirect.gather [hbm4b:s3+s29], $0x20, s26, s29, $0xb8;
	[tilespmem:$0x1F000] =	vst v63  }
0x198: {  	_ =	swait.ge [sflag:s20], $0x2000  }
0x199: {  	[sflag:s20] =	ssyncset.done $0x0  }
0x19a: {  	s12 =	simm.s32 $0x18800;
	[sflag:s20] =	ssyncadd.s32 $0xFFFFE000  }
0x19b: {  	v5 =	vld [tilespmem:s12+$0xFFFFFFA0]  }
0x19c: {  	v3 =	vld [tilespmem:s12+$0xFFFFFFF0]  }
0x19d: {  	v0 =	vld [tilespmem:s12+$0xFFFFFF60]  }
0x19e: {  	v6 =	vld [tilespmem:s12+$0xFFFFFFD0]  }
0x19f: {  	v7 =	vld [tilespmem:s12+$0x80]  }
0x1a0: {  	v10 =	vld [tilespmem:s12+$0xFFFFFF10]  }
0x1a1: {  	v14 =	vld [tilespmem:s12+$0xE0]  }
0x1a2: {  	v9 =	vld [tilespmem:s12+$0xFFFFFF40]  }
0x1a3: {  	s21 =	simm.s32 $0x0;
	v1 =	vld [tilespmem:s12+$0xFFFFFF90]  }
0x1a4: {  	v2 =	vld [tilespmem:s21+$0x1E800]  }
0x1a5: {  	v8 =	vld [tilespmem:s12+$0xFFFFFFC0]  }
0x1a6: {  	v11 =	vld [tilespmem:s12+$0xFFFFFF00]  }
0x1a7: {  	v12 =	vld [tilespmem:s12+$0xD0]  }
0x1a8: {  	v21 =	vld [tilespmem:s12+$0xC0]  }
0x1a9: {  	v19 =	vld [tilespmem:s12+$0x90];
	v17 =	vbroadcast v2, $0x0;
	v4 =	vbroadcast v2, $0xF  }
0x1aa: {  	v20 =	vld [tilespmem:s12+$0xFFFFFF50];
	v18 =	vbroadcast v2, $0x2;
	v16 =	vbroadcast v2, $0xE  }
0x1ab: {  	v15 =	vld [tilespmem:s12+$0xB0];
	v13 =	vbroadcast v2, $0xC;
	v23 =	vmul.f32 v17, v11  }
0x1ac: {  	s14 =	simm.s32 $0x18800;
	s21 =	simm.s32 $0x40;
	v11 =	vbroadcast v2, $0xD;
	v22 =	vmul.f32 v9, v18;
	v9 =	vld [tilespmem:s12+$0x60]  }
.LBB2_11:
0x1ad: {  	p0 =	sne.s32 s21, $0x3C0  }
0x1ae: {  	[tilespmem:s12+$0xFFFFFF00] =	vst v23;
	v23 =	vld [tilespmem:s12+$0xFFFFFFB0];
	v21 =	vmul.f32 v21, v16;
	v14 =	vmul.f32 v14, v4;
	s14 =	sadd.s32 $0x200, s14;
	s2 =	smov.u32 s21;
	s21 =	sadd.s32 $0x40, s21  }
0x1af: {  	[tilespmem:s12+$0xFFFFFF40] =	vst v22;
	v22 =	vbroadcast v2, $0xA;
	v19 =	vmul.f32 v19, v13;
	v24 =	vld [tilespmem:s12+$0xA0]  }
0x1b0: {  	v10 =	vmul.f32 v10, v17;
	v17 =	vmul.f32 v20, v18;
	v18 =	vld [tilespmem:s12+$0x70];
	[tilespmem:s12+$0xE0] =	vst v14  }
0x1b1: {  	v14 =	vbroadcast v2, $0x5;
	v20 =	vld [tilespmem:s12+$0xFFFFFFE0];
	v15 =	vmul.f32 v15, v11;
	[tilespmem:s12+$0xC0] =	vst v21  }
0x1b2: {  	v12 =	vmul.f32 v12, v16;
	[tilespmem:s12+$0xFFFFFF10] =	vst v10;
	v10 =	vbroadcast v2, $0x6;
	v21 =	vld [tilespmem:s12+$0x40]  }
0x1b3: {  	v25 =	vbroadcast v2, $0xB;
	v5 =	vmul.f32 v5, v14;
	v16 =	vld [tilespmem:s12+$0xFFFFFF20];
	[tilespmem:s12+$0x90] =	vst v19  }
0x1b4: {  	v19 =	vbroadcast v2, $0x9;
	[tilespmem:s12+$0xFFFFFF50] =	vst v17;
	v17 =	vld [tilespmem:s12+$0x20];
	v11 =	vmul.f32 v24, v11  }
0x1b5: {  	v14 =	vmul.f32 v23, v14;
	v23 =	vld [tilespmem:s12+$0x50];
	v18 =	vmul.f32 v18, v25;
	[tilespmem:s12+$0xD0] =	vst v12  }
0x1b6: {  	v7 =	vmul.f32 v7, v13;
	v12 =	vbroadcast v2, $0x7;
	v24 =	vld [tilespmem:s12+$0x30];
	[tilespmem:s12+$0xA0] =	vst v11  }
0x1b7: {  	v8 =	vmul.f32 v8, v10;
	v11 =	vbroadcast v2, $0x3;
	v13 =	vld [tilespmem:s12+$0x0];
	[tilespmem:s12+$0x70] =	vst v18  }
0x1b8: {  	v9 =	vmul.f32 v9, v25;
	v6 =	vmul.f32 v6, v10;
	v10 =	vld [tilespmem:s12+$0x10];
	[tilespmem:s12+$0x80] =	vst v7  }
0x1b9: {  	v18 =	vbroadcast v2, $0x8;
	v21 =	vmul.f32 v21, v22;
	v7 =	vld [tilespmem:s12+$0xFFFFFF30];
	[tilespmem:s12+$0xB0] =	vst v15  }
0x1ba: {  	v15 =	vbroadcast v2, $0x1;
	v25 =	vld [tilespmem:s12+$0xFFFFFF70];
	[tilespmem:s12+$0xFFFFFFD0] =	vst v6;
	v22 =	vmul.f32 v23, v22  }
0x1bb: {  	v3 =	vmul.f32 v3, v12;
	v6 =	vmul.f32 v20, v12;
	[tilespmem:s12+$0xFFFFFFC0] =	vst v8;
	v8 =	vld [tilespmem:s12+$0xF0]  }
0x1bc: {  	v20 =	vmul.f32 v24, v19;
	v12 =	vld [tilespmem:s12+$0xFFFFFF80];
	[tilespmem:s12+$0xFFFFFFA0] =	vst v5;
	v13 =	vmul.f32 v13, v18  }
0x1bd: {  	v5 =	vld [tilespmem:s14+$0xFFFFFFA0];
	[tilespmem:s12+$0xFFFFFFF0] =	vst v3;
	v18 =	vmul.f32 v10, v18;
	v10 =	vmul.f32 v17, v19  }
0x1be: {  	v3 =	vmul.f32 v16, v15;
	v15 =	vmul.f32 v7, v15;
	[tilespmem:s12+$0x60] =	vst v9  }
0x1bf: {  	v0 =	vmul.f32 v0, v11;
	v7 =	vmul.f32 v25, v11;
	[tilespmem:s12+$0xFFFFFFB0] =	vst v14  }
0x1c0: {  	v2 =	vbroadcast v2, $0x4;
	[tilespmem:s12+$0xFFFFFF20] =	vst v3;
	v3 =	vmul.f32 v8, v4  }
0x1c1: {  	[tilespmem:s12+$0xFFFFFF60] =	vst v0  }
0x1c2: {  	v4 =	vmul.f32 v12, v2;
	v0 =	vmul.f32 v1, v2;
	[tilespmem:s12+$0x40] =	vst v21  }
0x1c3: {  	[tilespmem:s12+$0xFFFFFFE0] =	vst v6  }
0x1c4: {  	[tilespmem:s12+$0xF0] =	vst v3  }
0x1c5: {  	[tilespmem:s12+$0xFFFFFF90] =	vst v0  }
0x1c6: {  	v3 =	vld [tilespmem:s14+$0xFFFFFFF0];
	[tilespmem:s12+$0xFFFFFF70] =	vst v7  }
0x1c7: {  	v0 =	vld [tilespmem:s14+$0xFFFFFF60];
	[tilespmem:s12+$0x20] =	vst v10  }
0x1c8: {  	v6 =	vld [tilespmem:s14+$0xFFFFFFD0];
	[tilespmem:s12+$0x30] =	vst v20  }
0x1c9: {  	v7 =	vld [tilespmem:s14+$0x80];
	[tilespmem:s12+$0xFFFFFF80] =	vst v4  }
0x1ca: {  	v10 =	vld [tilespmem:s14+$0xFFFFFF10];
	[tilespmem:s12+$0x50] =	vst v22  }
0x1cb: {  	v14 =	vld [tilespmem:s14+$0xE0];
	[tilespmem:s12+$0x0] =	vst v13  }
0x1cc: {  	v9 =	vld [tilespmem:s14+$0xFFFFFF40];
	[tilespmem:s12+$0xFFFFFF30] =	vst v15  }
0x1cd: {  	s2 =	sshra.s32 s2, $0x2;
	v1 =	vld [tilespmem:s14+$0xFFFFFF90];
	[tilespmem:s12+$0x10] =	vst v18;
	s12 =	smov.u32 s14  }
0x1ce: {  	v2 =	vld [tilespmem:s2+$0x1E800]  }
0x1cf: {  	v8 =	vld [tilespmem:s14+$0xFFFFFFC0]  }
0x1d0: {  	v11 =	vld [tilespmem:s14+$0xFFFFFF00]  }
0x1d1: {  	v12 =	vld [tilespmem:s14+$0xD0]  }
.Ltmp4:
0x1d2: {  	v21 =	vld [tilespmem:s14+$0xC0];
	(pc) =	sbr.rel @p0 .LBB2_11-.Ltmp4, $4  }
0x1d3: {  	v17 =	vbroadcast v2, $0x0;
	v19 =	vld [tilespmem:s14+$0x90];
	v4 =	vbroadcast v2, $0xF  }
0x1d4: {  	v18 =	vbroadcast v2, $0x2;
	v16 =	vbroadcast v2, $0xE;
	v20 =	vld [tilespmem:s14+$0xFFFFFF50]  }
0x1d5: {  	v23 =	vmul.f32 v17, v11;
	v11 =	vbroadcast v2, $0xD;
	v15 =	vld [tilespmem:s14+$0xB0]  }
0x1d6: {  	v13 =	vbroadcast v2, $0xC;
	v22 =	vmul.f32 v9, v18;
	v9 =	vld [tilespmem:s14+$0x60]  }
0x1d7: {  	[tilespmem:s12+$0xFFFFFF00] =	vst v23;
	v14 =	vmul.f32 v14, v4  }
0x1d8: {  	v21 =	vmul.f32 v21, v16;
	[tilespmem:s12+$0xFFFFFF40] =	vst v22  }
0x1d9: {  	v10 =	vmul.f32 v10, v17;
	[tilespmem:s12+$0xE0] =	vst v14  }
0x1da: {  	v17 =	vld [tilespmem:s12+$0x70];
	v7 =	vmul.f32 v7, v13;
	[tilespmem:s12+$0xC0] =	vst v21  }
0x1db: {  	v14 =	vmul.f32 v19, v13;
	v18 =	vmul.f32 v20, v18;
	[tilespmem:s12+$0xFFFFFF10] =	vst v10  }
0x1dc: {  	v22 =	vld [tilespmem:s12+$0xA0];
	v10 =	vmul.f32 v12, v16;
	v16 =	vbroadcast v2, $0xB;
	[tilespmem:s12+$0x80] =	vst v7  }
0x1dd: {  	[tilespmem:s12+$0x90] =	vst v14  }
0x1de: {  	v7 =	vbroadcast v2, $0x7;
	[tilespmem:s12+$0xFFFFFF50] =	vst v18;
	v9 =	vmul.f32 v9, v16  }
0x1df: {  	[tilespmem:s12+$0xD0] =	vst v10;
	v17 =	vmul.f32 v17, v16  }
0x1e0: {  	v12 =	vld [tilespmem:s12+$0xFFFFFF20];
	v3 =	vmul.f32 v3, v7;
	[tilespmem:s12+$0x60] =	vst v9  }
0x1e1: {  	v10 =	vbroadcast v2, $0x6;
	v18 =	vmul.f32 v22, v11;
	[tilespmem:s12+$0x70] =	vst v17  }
0x1e2: {  	v14 =	vld [tilespmem:s12+$0xFFFFFFE0];
	v11 =	vmul.f32 v15, v11;
	[tilespmem:s12+$0xFFFFFFF0] =	vst v3  }
0x1e3: {  	v19 =	vld [tilespmem:s12+$0xFFFFFFB0];
	v16 =	vbroadcast v2, $0x1;
	v6 =	vmul.f32 v6, v10;
	[tilespmem:s12+$0xA0] =	vst v18  }
0x1e4: {  	v15 =	vbroadcast v2, $0x5;
	v8 =	vmul.f32 v8, v10;
	[tilespmem:s12+$0xB0] =	vst v11  }
0x1e5: {  	v12 =	vmul.f32 v12, v16;
	[tilespmem:s12+$0xFFFFFFD0] =	vst v6  }
0x1e6: {  	v20 =	vld [tilespmem:s12+$0x40];
	v5 =	vmul.f32 v5, v15;
	[tilespmem:s12+$0xFFFFFFC0] =	vst v8  }
0x1e7: {  	v18 =	vld [tilespmem:s12+$0xF0];
	[tilespmem:s12+$0xFFFFFF20] =	vst v12;
	v7 =	vmul.f32 v14, v7;
	v12 =	vbroadcast v2, $0x4  }
0x1e8: {  	v11 =	vld [tilespmem:s12+$0xFFFFFF70];
	[tilespmem:s12+$0xFFFFFFA0] =	vst v5;
	v5 =	vmul.f32 v19, v15;
	v15 =	vbroadcast v2, $0x3  }
0x1e9: {  	v13 =	vld [tilespmem:s12+$0x20];
	v3 =	vbroadcast v2, $0xA;
	v1 =	vmul.f32 v1, v12;
	[tilespmem:s12+$0xFFFFFFE0] =	vst v7  }
0x1ea: {  	v17 =	vld [tilespmem:s12+$0x30];
	v0 =	vmul.f32 v0, v15;
	[tilespmem:s12+$0xFFFFFFB0] =	vst v5  }
0x1eb: {  	v6 =	vld [tilespmem:s12+$0xFFFFFF80];
	v5 =	vmul.f32 v20, v3;
	[tilespmem:s12+$0xFFFFFF90] =	vst v1  }
0x1ec: {  	v21 =	vld [tilespmem:s12+$0x50];
	[tilespmem:s12+$0xFFFFFF60] =	vst v0;
	v0 =	vmul.f32 v18, v4;
	v4 =	vbroadcast v2, $0x9  }
0x1ed: {  	v10 =	vld [tilespmem:s12+$0x0];
	[tilespmem:s12+$0x40] =	vst v5;
	v5 =	vmul.f32 v11, v15  }
0x1ee: {  	v9 =	vld [tilespmem:s12+$0xFFFFFF30];
	[tilespmem:s12+$0xF0] =	vst v0;
	v0 =	vmul.f32 v13, v4  }
0x1ef: {  	v8 =	vld [tilespmem:s12+$0x10];
	v1 =	vmul.f32 v17, v4;
	[tilespmem:s12+$0xFFFFFF70] =	vst v5  }
0x1f0: {  	v2 =	vbroadcast v2, $0x8;
	v4 =	vmul.f32 v6, v12;
	[tilespmem:s12+$0x20] =	vst v0  }
0x1f1: {  	v0 =	vmul.f32 v21, v3;
	[tilespmem:s12+$0x30] =	vst v1  }
0x1f2: {  	v1 =	vmul.f32 v10, v2;
	[tilespmem:s12+$0xFFFFFF80] =	vst v4  }
0x1f3: {  	v3 =	vmul.f32 v9, v16;
	[tilespmem:s12+$0x50] =	vst v0  }
0x1f4: {  	s2 =	smin.u32 s7, $0xC2;
	v0 =	vmul.f32 v8, v2;
	[tilespmem:s12+$0x0] =	vst v1  }
0x1f5: {  	s2 =	sadd.s32 s2, s18;
	[tilespmem:s12+$0xFFFFFF30] =	vst v3  }
0x1f6: {  	s21 =	simm.s32 $0x1E900;
	s2 =	smul.u32 $0x300, s2;
	[tilespmem:s12+$0x10] =	vst v0  }
0x1f7: {  	[spmem:s5] =	stream.indirect.scatter.add.f32 [tilespmem:s30], [sflag:$0x4], $0x20, s21, s29, $0xb8;
	[tilespmem:$0x1F000] =	vst v63  }
0x1f8: {  	s2 =	sadd.s32 s9, s2;
	_ =	swait.ge [sflag:s22], $0x2000  }
0x1f9: {  	s2 =	sshrl.u32 s2, $0x3;
	[sflag:s22] =	ssyncset.done $0x0  }
0x1fa: {  	s14 =	simm.s32 $0x0;
	s2 =	sadd.s32 s8, s2;
	[sflag:s22] =	ssyncadd.s32 $0xFFFFE000  }
0x1fb: {  	[tilespmem:s25], [sflag:$0x7] =	stream.linear.gather [hbm4b:s2+s14], $0x300, $0x38;
	[tilespmem:$0x1F000] =	vst v63  }
0x1fc: {  	_ =	swait.ge [sflag:s10], $0x300  }
0x1fd: {  	[sflag:s10] =	ssyncset.done $0x0  }
0x1fe: {  	[sflag:s10] =	ssyncadd.s32 $0xFFFFFD00  }
0x1ff: {  	[tilespmem:s15], [sflag:$0x3] =	stream.indirect.gather [hbm4b:s3+s29], $0x20, s31, s29, $0xb8;
	[tilespmem:$0x1F000] =	vst v63  }
0x200: {  	_ =	swait.ge [sflag:s16], $0x2000  }
0x201: {  	[sflag:s16] =	ssyncset.done $0x0  }
0x202: {  	s12 =	simm.s32 $0x1A800;
	[sflag:s16] =	ssyncadd.s32 $0xFFFFE000  }
0x203: {  	v5 =	vld [tilespmem:s12+$0xFFFFFFA0]  }
0x204: {  	v3 =	vld [tilespmem:s12+$0xFFFFFFF0]  }
0x205: {  	v0 =	vld [tilespmem:s12+$0xFFFFFF60]  }
0x206: {  	v6 =	vld [tilespmem:s12+$0xFFFFFFD0]  }
0x207: {  	v7 =	vld [tilespmem:s12+$0x80]  }
0x208: {  	v10 =	vld [tilespmem:s12+$0xFFFFFF10]  }
0x209: {  	v14 =	vld [tilespmem:s12+$0xE0]  }
0x20a: {  	v9 =	vld [tilespmem:s12+$0xFFFFFF40]  }
0x20b: {  	s21 =	simm.s32 $0x0;
	v1 =	vld [tilespmem:s12+$0xFFFFFF90]  }
0x20c: {  	v2 =	vld [tilespmem:s21+$0x1EB00]  }
0x20d: {  	v8 =	vld [tilespmem:s12+$0xFFFFFFC0]  }
0x20e: {  	v11 =	vld [tilespmem:s12+$0xFFFFFF00]  }
0x20f: {  	v12 =	vld [tilespmem:s12+$0xD0]  }
0x210: {  	v21 =	vld [tilespmem:s12+$0xC0]  }
0x211: {  	v19 =	vld [tilespmem:s12+$0x90];
	v17 =	vbroadcast v2, $0x0;
	v4 =	vbroadcast v2, $0xF  }
0x212: {  	v20 =	vld [tilespmem:s12+$0xFFFFFF50];
	v18 =	vbroadcast v2, $0x2;
	v16 =	vbroadcast v2, $0xE  }
0x213: {  	v15 =	vld [tilespmem:s12+$0xB0];
	v13 =	vbroadcast v2, $0xC;
	v23 =	vmul.f32 v17, v11  }
0x214: {  	s14 =	simm.s32 $0x1A800;
	s21 =	simm.s32 $0x40;
	v11 =	vbroadcast v2, $0xD;
	v22 =	vmul.f32 v9, v18;
	v9 =	vld [tilespmem:s12+$0x60]  }
.LBB2_13:
0x215: {  	p0 =	sne.s32 s21, $0x3C0  }
0x216: {  	[tilespmem:s12+$0xFFFFFF00] =	vst v23;
	v23 =	vld [tilespmem:s12+$0xFFFFFFB0];
	v21 =	vmul.f32 v21, v16;
	v14 =	vmul.f32 v14, v4;
	s14 =	sadd.s32 $0x200, s14;
	s2 =	smov.u32 s21;
	s21 =	sadd.s32 $0x40, s21  }
0x217: {  	[tilespmem:s12+$0xFFFFFF40] =	vst v22;
	v22 =	vbroadcast v2, $0xA;
	v19 =	vmul.f32 v19, v13;
	v24 =	vld [tilespmem:s12+$0xA0]  }
0x218: {  	v10 =	vmul.f32 v10, v17;
	v17 =	vmul.f32 v20, v18;
	v18 =	vld [tilespmem:s12+$0x70];
	[tilespmem:s12+$0xE0] =	vst v14  }
0x219: {  	v14 =	vbroadcast v2, $0x5;
	v20 =	vld [tilespmem:s12+$0xFFFFFFE0];
	v15 =	vmul.f32 v15, v11;
	[tilespmem:s12+$0xC0] =	vst v21  }
0x21a: {  	v12 =	vmul.f32 v12, v16;
	[tilespmem:s12+$0xFFFFFF10] =	vst v10;
	v10 =	vbroadcast v2, $0x6;
	v21 =	vld [tilespmem:s12+$0x40]  }
0x21b: {  	v25 =	vbroadcast v2, $0xB;
	v5 =	vmul.f32 v5, v14;
	v16 =	vld [tilespmem:s12+$0xFFFFFF20];
	[tilespmem:s12+$0x90] =	vst v19  }
0x21c: {  	v19 =	vbroadcast v2, $0x9;
	[tilespmem:s12+$0xFFFFFF50] =	vst v17;
	v17 =	vld [tilespmem:s12+$0x20];
	v11 =	vmul.f32 v24, v11  }
0x21d: {  	v14 =	vmul.f32 v23, v14;
	v23 =	vld [tilespmem:s12+$0x50];
	v18 =	vmul.f32 v18, v25;
	[tilespmem:s12+$0xD0] =	vst v12  }
0x21e: {  	v7 =	vmul.f32 v7, v13;
	v12 =	vbroadcast v2, $0x7;
	v24 =	vld [tilespmem:s12+$0x30];
	[tilespmem:s12+$0xA0] =	vst v11  }
0x21f: {  	v8 =	vmul.f32 v8, v10;
	v11 =	vbroadcast v2, $0x3;
	v13 =	vld [tilespmem:s12+$0x0];
	[tilespmem:s12+$0x70] =	vst v18  }
0x220: {  	v9 =	vmul.f32 v9, v25;
	v6 =	vmul.f32 v6, v10;
	v10 =	vld [tilespmem:s12+$0x10];
	[tilespmem:s12+$0x80] =	vst v7  }
0x221: {  	v18 =	vbroadcast v2, $0x8;
	v21 =	vmul.f32 v21, v22;
	v7 =	vld [tilespmem:s12+$0xFFFFFF30];
	[tilespmem:s12+$0xB0] =	vst v15  }
0x222: {  	v15 =	vbroadcast v2, $0x1;
	v25 =	vld [tilespmem:s12+$0xFFFFFF70];
	[tilespmem:s12+$0xFFFFFFD0] =	vst v6;
	v22 =	vmul.f32 v23, v22  }
0x223: {  	v3 =	vmul.f32 v3, v12;
	v6 =	vmul.f32 v20, v12;
	[tilespmem:s12+$0xFFFFFFC0] =	vst v8;
	v8 =	vld [tilespmem:s12+$0xF0]  }
0x224: {  	v20 =	vmul.f32 v24, v19;
	v12 =	vld [tilespmem:s12+$0xFFFFFF80];
	[tilespmem:s12+$0xFFFFFFA0] =	vst v5;
	v13 =	vmul.f32 v13, v18  }
0x225: {  	v5 =	vld [tilespmem:s14+$0xFFFFFFA0];
	[tilespmem:s12+$0xFFFFFFF0] =	vst v3;
	v18 =	vmul.f32 v10, v18;
	v10 =	vmul.f32 v17, v19  }
0x226: {  	v3 =	vmul.f32 v16, v15;
	v15 =	vmul.f32 v7, v15;
	[tilespmem:s12+$0x60] =	vst v9  }
0x227: {  	v0 =	vmul.f32 v0, v11;
	v7 =	vmul.f32 v25, v11;
	[tilespmem:s12+$0xFFFFFFB0] =	vst v14  }
0x228: {  	v2 =	vbroadcast v2, $0x4;
	[tilespmem:s12+$0xFFFFFF20] =	vst v3;
	v3 =	vmul.f32 v8, v4  }
0x229: {  	[tilespmem:s12+$0xFFFFFF60] =	vst v0  }
0x22a: {  	v4 =	vmul.f32 v12, v2;
	v0 =	vmul.f32 v1, v2;
	[tilespmem:s12+$0x40] =	vst v21  }
0x22b: {  	[tilespmem:s12+$0xFFFFFFE0] =	vst v6  }
0x22c: {  	[tilespmem:s12+$0xF0] =	vst v3  }
0x22d: {  	[tilespmem:s12+$0xFFFFFF90] =	vst v0  }
0x22e: {  	v3 =	vld [tilespmem:s14+$0xFFFFFFF0];
	[tilespmem:s12+$0xFFFFFF70] =	vst v7  }
0x22f: {  	v0 =	vld [tilespmem:s14+$0xFFFFFF60];
	[tilespmem:s12+$0x20] =	vst v10  }
0x230: {  	v6 =	vld [tilespmem:s14+$0xFFFFFFD0];
	[tilespmem:s12+$0x30] =	vst v20  }
0x231: {  	v7 =	vld [tilespmem:s14+$0x80];
	[tilespmem:s12+$0xFFFFFF80] =	vst v4  }
0x232: {  	v10 =	vld [tilespmem:s14+$0xFFFFFF10];
	[tilespmem:s12+$0x50] =	vst v22  }
0x233: {  	v14 =	vld [tilespmem:s14+$0xE0];
	[tilespmem:s12+$0x0] =	vst v13  }
0x234: {  	v9 =	vld [tilespmem:s14+$0xFFFFFF40];
	[tilespmem:s12+$0xFFFFFF30] =	vst v15  }
0x235: {  	s2 =	sshra.s32 s2, $0x2;
	v1 =	vld [tilespmem:s14+$0xFFFFFF90];
	[tilespmem:s12+$0x10] =	vst v18;
	s12 =	smov.u32 s14  }
0x236: {  	v2 =	vld [tilespmem:s2+$0x1EB00]  }
0x237: {  	v8 =	vld [tilespmem:s14+$0xFFFFFFC0]  }
0x238: {  	v11 =	vld [tilespmem:s14+$0xFFFFFF00]  }
0x239: {  	v12 =	vld [tilespmem:s14+$0xD0]  }
.Ltmp5:
0x23a: {  	v21 =	vld [tilespmem:s14+$0xC0];
	(pc) =	sbr.rel @p0 .LBB2_13-.Ltmp5, $4  }
0x23b: {  	v17 =	vbroadcast v2, $0x0;
	v19 =	vld [tilespmem:s14+$0x90];
	v4 =	vbroadcast v2, $0xF  }
0x23c: {  	v18 =	vbroadcast v2, $0x2;
	v16 =	vbroadcast v2, $0xE;
	v20 =	vld [tilespmem:s14+$0xFFFFFF50]  }
0x23d: {  	v23 =	vmul.f32 v17, v11;
	v11 =	vbroadcast v2, $0xD;
	v15 =	vld [tilespmem:s14+$0xB0]  }
0x23e: {  	v13 =	vbroadcast v2, $0xC;
	v22 =	vmul.f32 v9, v18;
	v9 =	vld [tilespmem:s14+$0x60]  }
0x23f: {  	[tilespmem:s12+$0xFFFFFF00] =	vst v23;
	v14 =	vmul.f32 v14, v4  }
0x240: {  	v21 =	vmul.f32 v21, v16;
	[tilespmem:s12+$0xFFFFFF40] =	vst v22  }
0x241: {  	v10 =	vmul.f32 v10, v17;
	[tilespmem:s12+$0xE0] =	vst v14  }
0x242: {  	v17 =	vld [tilespmem:s12+$0x70];
	v7 =	vmul.f32 v7, v13;
	[tilespmem:s12+$0xC0] =	vst v21  }
0x243: {  	v14 =	vmul.f32 v19, v13;
	v18 =	vmul.f32 v20, v18;
	[tilespmem:s12+$0xFFFFFF10] =	vst v10  }
0x244: {  	v22 =	vld [tilespmem:s12+$0xA0];
	v10 =	vmul.f32 v12, v16;
	v16 =	vbroadcast v2, $0xB;
	[tilespmem:s12+$0x80] =	vst v7  }
0x245: {  	[tilespmem:s12+$0x90] =	vst v14  }
0x246: {  	v7 =	vbroadcast v2, $0x7;
	[tilespmem:s12+$0xFFFFFF50] =	vst v18;
	v9 =	vmul.f32 v9, v16  }
0x247: {  	[tilespmem:s12+$0xD0] =	vst v10;
	v17 =	vmul.f32 v17, v16  }
0x248: {  	v12 =	vld [tilespmem:s12+$0xFFFFFF20];
	v3 =	vmul.f32 v3, v7;
	[tilespmem:s12+$0x60] =	vst v9  }
0x249: {  	v10 =	vbroadcast v2, $0x6;
	v18 =	vmul.f32 v22, v11;
	[tilespmem:s12+$0x70] =	vst v17  }
0x24a: {  	v14 =	vld [tilespmem:s12+$0xFFFFFFE0];
	v11 =	vmul.f32 v15, v11;
	[tilespmem:s12+$0xFFFFFFF0] =	vst v3  }
0x24b: {  	v19 =	vld [tilespmem:s12+$0xFFFFFFB0];
	v16 =	vbroadcast v2, $0x1;
	v6 =	vmul.f32 v6, v10;
	[tilespmem:s12+$0xA0] =	vst v18  }
0x24c: {  	v15 =	vbroadcast v2, $0x5;
	v8 =	vmul.f32 v8, v10;
	[tilespmem:s12+$0xB0] =	vst v11  }
0x24d: {  	v12 =	vmul.f32 v12, v16;
	[tilespmem:s12+$0xFFFFFFD0] =	vst v6  }
0x24e: {  	v20 =	vld [tilespmem:s12+$0x40];
	v5 =	vmul.f32 v5, v15;
	[tilespmem:s12+$0xFFFFFFC0] =	vst v8  }
0x24f: {  	v18 =	vld [tilespmem:s12+$0xF0];
	[tilespmem:s12+$0xFFFFFF20] =	vst v12;
	v7 =	vmul.f32 v14, v7;
	v12 =	vbroadcast v2, $0x4  }
0x250: {  	v11 =	vld [tilespmem:s12+$0xFFFFFF70];
	[tilespmem:s12+$0xFFFFFFA0] =	vst v5;
	v5 =	vmul.f32 v19, v15;
	v15 =	vbroadcast v2, $0x3  }
0x251: {  	v13 =	vld [tilespmem:s12+$0x20];
	v3 =	vbroadcast v2, $0xA;
	v1 =	vmul.f32 v1, v12;
	[tilespmem:s12+$0xFFFFFFE0] =	vst v7  }
0x252: {  	v17 =	vld [tilespmem:s12+$0x30];
	v0 =	vmul.f32 v0, v15;
	[tilespmem:s12+$0xFFFFFFB0] =	vst v5  }
0x253: {  	v6 =	vld [tilespmem:s12+$0xFFFFFF80];
	v5 =	vmul.f32 v20, v3;
	[tilespmem:s12+$0xFFFFFF90] =	vst v1  }
0x254: {  	v21 =	vld [tilespmem:s12+$0x50];
	[tilespmem:s12+$0xFFFFFF60] =	vst v0;
	v0 =	vmul.f32 v18, v4;
	v4 =	vbroadcast v2, $0x9  }
0x255: {  	v10 =	vld [tilespmem:s12+$0x0];
	[tilespmem:s12+$0x40] =	vst v5;
	v5 =	vmul.f32 v11, v15  }
0x256: {  	v9 =	vld [tilespmem:s12+$0xFFFFFF30];
	[tilespmem:s12+$0xF0] =	vst v0;
	v0 =	vmul.f32 v13, v4  }
0x257: {  	v8 =	vld [tilespmem:s12+$0x10];
	v1 =	vmul.f32 v17, v4;
	[tilespmem:s12+$0xFFFFFF70] =	vst v5  }
0x258: {  	v2 =	vbroadcast v2, $0x8;
	v4 =	vmul.f32 v6, v12;
	[tilespmem:s12+$0x20] =	vst v0  }
0x259: {  	v0 =	vmul.f32 v21, v3;
	[tilespmem:s12+$0x30] =	vst v1  }
0x25a: {  	v1 =	vmul.f32 v10, v2;
	[tilespmem:s12+$0xFFFFFF80] =	vst v4  }
0x25b: {  	v3 =	vmul.f32 v9, v16;
	[tilespmem:s12+$0x50] =	vst v0  }
0x25c: {  	s2 =	smin.u32 s7, $0xC1;
	v0 =	vmul.f32 v8, v2;
	[tilespmem:s12+$0x0] =	vst v1  }
0x25d: {  	s2 =	sadd.s32 s2, s19;
	[tilespmem:s12+$0xFFFFFF30] =	vst v3  }
0x25e: {  	s2 =	smul.u32 $0x300, s2;
	[tilespmem:s12+$0x10] =	vst v0;
	s12 =	simm.s32 $0x1EC00  }
0x25f: {  	[spmem:s5] =	stream.indirect.scatter.add.f32 [tilespmem:s4], [sflag:$0x5], $0x20, s12, s29, $0xb8;
	[tilespmem:$0x1F000] =	vst v63  }
0x260: {  	s2 =	sadd.s32 s9, s2;
	_ =	swait.ge [sflag:s13], $0x2000  }
0x261: {  	s2 =	sshrl.u32 s2, $0x3;
	[sflag:s13] =	ssyncset.done $0x0  }
0x262: {  	s14 =	simm.s32 $0x0;
	s2 =	sadd.s32 s8, s2;
	[sflag:s13] =	ssyncadd.s32 $0xFFFFE000  }
0x263: {  	[tilespmem:s26], [sflag:$0x8] =	stream.linear.gather [hbm4b:s2+s14], $0x300, $0x38;
	[tilespmem:$0x1F000] =	vst v63  }
0x264: {  	_ =	swait.ge [sflag:s28], $0x300  }
0x265: {  	[sflag:s28] =	ssyncset.done $0x0  }
0x266: {  	[sflag:s28] =	ssyncadd.s32 $0xFFFFFD00  }
0x267: {  	[tilespmem:s30], [sflag:$0x1] =	stream.indirect.gather [hbm4b:s3+s29], $0x20, s25, s29, $0xb8;
	[tilespmem:$0x1F000] =	vst v63  }
0x268: {  	_ =	swait.ge [sflag:s23], $0x2000  }
0x269: {  	[sflag:s23] =	ssyncset.done $0x0  }
0x26a: {  	s7 =	simm.s32 $0x1C800;
	[sflag:s23] =	ssyncadd.s32 $0xFFFFE000  }
0x26b: {  	v5 =	vld [tilespmem:s7+$0xFFFFFFA0]  }
0x26c: {  	v3 =	vld [tilespmem:s7+$0xFFFFFFF0]  }
0x26d: {  	v0 =	vld [tilespmem:s7+$0xFFFFFF60]  }
0x26e: {  	v6 =	vld [tilespmem:s7+$0xFFFFFFD0]  }
0x26f: {  	v7 =	vld [tilespmem:s7+$0x80]  }
0x270: {  	v10 =	vld [tilespmem:s7+$0xFFFFFF10]  }
0x271: {  	v14 =	vld [tilespmem:s7+$0xE0]  }
0x272: {  	v9 =	vld [tilespmem:s7+$0xFFFFFF40]  }
0x273: {  	s21 =	simm.s32 $0x0;
	v1 =	vld [tilespmem:s7+$0xFFFFFF90]  }
0x274: {  	v2 =	vld [tilespmem:s21+$0x1EE00]  }
0x275: {  	v8 =	vld [tilespmem:s7+$0xFFFFFFC0]  }
0x276: {  	v11 =	vld [tilespmem:s7+$0xFFFFFF00]  }
0x277: {  	v12 =	vld [tilespmem:s7+$0xD0]  }
0x278: {  	v21 =	vld [tilespmem:s7+$0xC0]  }
0x279: {  	v19 =	vld [tilespmem:s7+$0x90];
	v17 =	vbroadcast v2, $0x0;
	v4 =	vbroadcast v2, $0xF  }
0x27a: {  	v20 =	vld [tilespmem:s7+$0xFFFFFF50];
	v18 =	vbroadcast v2, $0x2;
	v16 =	vbroadcast v2, $0xE  }
0x27b: {  	v15 =	vld [tilespmem:s7+$0xB0];
	v13 =	vbroadcast v2, $0xC;
	v23 =	vmul.f32 v17, v11  }
0x27c: {  	s12 =	simm.s32 $0x40;
	s14 =	simm.s32 $0x1C800;
	v11 =	vbroadcast v2, $0xD;
	v22 =	vmul.f32 v9, v18;
	v9 =	vld [tilespmem:s7+$0x60]  }
.LBB2_15:
0x27d: {  	p0 =	sne.s32 s12, $0x3C0  }
0x27e: {  	[tilespmem:s7+$0xFFFFFF00] =	vst v23;
	v23 =	vld [tilespmem:s7+$0xFFFFFFB0];
	v21 =	vmul.f32 v21, v16;
	v14 =	vmul.f32 v14, v4;
	s14 =	sadd.s32 $0x200, s14;
	s2 =	smov.u32 s12;
	s12 =	sadd.s32 $0x40, s12  }
0x27f: {  	[tilespmem:s7+$0xFFFFFF40] =	vst v22;
	v22 =	vbroadcast v2, $0xA;
	v19 =	vmul.f32 v19, v13;
	v24 =	vld [tilespmem:s7+$0xA0]  }
0x280: {  	v10 =	vmul.f32 v10, v17;
	v17 =	vmul.f32 v20, v18;
	v18 =	vld [tilespmem:s7+$0x70];
	[tilespmem:s7+$0xE0] =	vst v14  }
0x281: {  	v14 =	vbroadcast v2, $0x5;
	v20 =	vld [tilespmem:s7+$0xFFFFFFE0];
	v15 =	vmul.f32 v15, v11;
	[tilespmem:s7+$0xC0] =	vst v21  }
0x282: {  	v12 =	vmul.f32 v12, v16;
	[tilespmem:s7+$0xFFFFFF10] =	vst v10;
	v10 =	vbroadcast v2, $0x6;
	v21 =	vld [tilespmem:s7+$0x40]  }
0x283: {  	v25 =	vbroadcast v2, $0xB;
	v5 =	vmul.f32 v5, v14;
	v16 =	vld [tilespmem:s7+$0xFFFFFF20];
	[tilespmem:s7+$0x90] =	vst v19  }
0x284: {  	v19 =	vbroadcast v2, $0x9;
	[tilespmem:s7+$0xFFFFFF50] =	vst v17;
	v17 =	vld [tilespmem:s7+$0x20];
	v11 =	vmul.f32 v24, v11  }
0x285: {  	v14 =	vmul.f32 v23, v14;
	v23 =	vld [tilespmem:s7+$0x50];
	v18 =	vmul.f32 v18, v25;
	[tilespmem:s7+$0xD0] =	vst v12  }
0x286: {  	v7 =	vmul.f32 v7, v13;
	v12 =	vbroadcast v2, $0x7;
	v24 =	vld [tilespmem:s7+$0x30];
	[tilespmem:s7+$0xA0] =	vst v11  }
0x287: {  	v8 =	vmul.f32 v8, v10;
	v11 =	vbroadcast v2, $0x3;
	v13 =	vld [tilespmem:s7+$0x0];
	[tilespmem:s7+$0x70] =	vst v18  }
0x288: {  	v9 =	vmul.f32 v9, v25;
	v6 =	vmul.f32 v6, v10;
	v10 =	vld [tilespmem:s7+$0x10];
	[tilespmem:s7+$0x80] =	vst v7  }
0x289: {  	v18 =	vbroadcast v2, $0x8;
	v21 =	vmul.f32 v21, v22;
	v7 =	vld [tilespmem:s7+$0xFFFFFF30];
	[tilespmem:s7+$0xB0] =	vst v15  }
0x28a: {  	v15 =	vbroadcast v2, $0x1;
	v25 =	vld [tilespmem:s7+$0xFFFFFF70];
	[tilespmem:s7+$0xFFFFFFD0] =	vst v6;
	v22 =	vmul.f32 v23, v22  }
0x28b: {  	v3 =	vmul.f32 v3, v12;
	v6 =	vmul.f32 v20, v12;
	[tilespmem:s7+$0xFFFFFFC0] =	vst v8;
	v8 =	vld [tilespmem:s7+$0xF0]  }
0x28c: {  	v20 =	vmul.f32 v24, v19;
	v12 =	vld [tilespmem:s7+$0xFFFFFF80];
	[tilespmem:s7+$0xFFFFFFA0] =	vst v5;
	v13 =	vmul.f32 v13, v18  }
0x28d: {  	v5 =	vld [tilespmem:s14+$0xFFFFFFA0];
	[tilespmem:s7+$0xFFFFFFF0] =	vst v3;
	v18 =	vmul.f32 v10, v18;
	v10 =	vmul.f32 v17, v19  }
0x28e: {  	v3 =	vmul.f32 v16, v15;
	v15 =	vmul.f32 v7, v15;
	[tilespmem:s7+$0x60] =	vst v9  }
0x28f: {  	v0 =	vmul.f32 v0, v11;
	v7 =	vmul.f32 v25, v11;
	[tilespmem:s7+$0xFFFFFFB0] =	vst v14  }
0x290: {  	v2 =	vbroadcast v2, $0x4;
	[tilespmem:s7+$0xFFFFFF20] =	vst v3;
	v3 =	vmul.f32 v8, v4  }
0x291: {  	[tilespmem:s7+$0xFFFFFF60] =	vst v0  }
0x292: {  	v4 =	vmul.f32 v12, v2;
	v0 =	vmul.f32 v1, v2;
	[tilespmem:s7+$0x40] =	vst v21  }
0x293: {  	[tilespmem:s7+$0xFFFFFFE0] =	vst v6  }
0x294: {  	[tilespmem:s7+$0xF0] =	vst v3  }
0x295: {  	[tilespmem:s7+$0xFFFFFF90] =	vst v0  }
0x296: {  	v3 =	vld [tilespmem:s14+$0xFFFFFFF0];
	[tilespmem:s7+$0xFFFFFF70] =	vst v7  }
0x297: {  	v0 =	vld [tilespmem:s14+$0xFFFFFF60];
	[tilespmem:s7+$0x20] =	vst v10  }
0x298: {  	v6 =	vld [tilespmem:s14+$0xFFFFFFD0];
	[tilespmem:s7+$0x30] =	vst v20  }
0x299: {  	v7 =	vld [tilespmem:s14+$0x80];
	[tilespmem:s7+$0xFFFFFF80] =	vst v4  }
0x29a: {  	v10 =	vld [tilespmem:s14+$0xFFFFFF10];
	[tilespmem:s7+$0x50] =	vst v22  }
0x29b: {  	v14 =	vld [tilespmem:s14+$0xE0];
	[tilespmem:s7+$0x0] =	vst v13  }
0x29c: {  	v9 =	vld [tilespmem:s14+$0xFFFFFF40];
	[tilespmem:s7+$0xFFFFFF30] =	vst v15  }
0x29d: {  	s2 =	sshra.s32 s2, $0x2;
	v1 =	vld [tilespmem:s14+$0xFFFFFF90];
	[tilespmem:s7+$0x10] =	vst v18;
	s7 =	smov.u32 s14  }
0x29e: {  	v2 =	vld [tilespmem:s2+$0x1EE00]  }
0x29f: {  	v8 =	vld [tilespmem:s14+$0xFFFFFFC0]  }
0x2a0: {  	v11 =	vld [tilespmem:s14+$0xFFFFFF00]  }
0x2a1: {  	v12 =	vld [tilespmem:s14+$0xD0]  }
.Ltmp6:
0x2a2: {  	v21 =	vld [tilespmem:s14+$0xC0];
	(pc) =	sbr.rel @p0 .LBB2_15-.Ltmp6, $4  }
0x2a3: {  	v17 =	vbroadcast v2, $0x0;
	v19 =	vld [tilespmem:s14+$0x90];
	v4 =	vbroadcast v2, $0xF  }
0x2a4: {  	v18 =	vbroadcast v2, $0x2;
	v16 =	vbroadcast v2, $0xE;
	v20 =	vld [tilespmem:s14+$0xFFFFFF50]  }
0x2a5: {  	v23 =	vmul.f32 v17, v11;
	v11 =	vbroadcast v2, $0xD;
	v15 =	vld [tilespmem:s14+$0xB0]  }
0x2a6: {  	v13 =	vbroadcast v2, $0xC;
	v22 =	vmul.f32 v9, v18;
	v9 =	vld [tilespmem:s14+$0x60]  }
0x2a7: {  	[tilespmem:s7+$0xFFFFFF00] =	vst v23;
	v14 =	vmul.f32 v14, v4  }
0x2a8: {  	v21 =	vmul.f32 v21, v16;
	[tilespmem:s7+$0xFFFFFF40] =	vst v22  }
0x2a9: {  	v10 =	vmul.f32 v10, v17;
	[tilespmem:s7+$0xE0] =	vst v14  }
0x2aa: {  	v28 =	vmul.f32 v12, v16;
	[tilespmem:s7+$0xC0] =	vst v21  }
0x2ab: {  	v26 =	vmul.f32 v19, v13;
	[tilespmem:s7+$0xFFFFFF10] =	vst v10  }
0x2ac: {  	v34 =	vbroadcast v2, $0x6;
	v7 =	vmul.f32 v7, v13;
	[tilespmem:s7+$0xD0] =	vst v28  }
0x2ad: {  	v18 =	vmul.f32 v20, v18;
	[tilespmem:s7+$0x90] =	vst v26  }
0x2ae: {  	v38 =	vbroadcast v2, $0x5;
	v6 =	vmul.f32 v6, v34;
	[tilespmem:s7+$0x80] =	vst v7  }
0x2af: {  	v40 =	vbroadcast v2, $0x7;
	v8 =	vmul.f32 v8, v34;
	[tilespmem:s7+$0xFFFFFF50] =	vst v18  }
0x2b0: {  	v47 =	vbroadcast v2, $0x3;
	v5 =	vmul.f32 v5, v38;
	[tilespmem:s7+$0xFFFFFFD0] =	vst v6  }
0x2b1: {  	v24 =	vld [tilespmem:s7+$0xA0];
	v52 =	vbroadcast v2, $0x4;
	v3 =	vmul.f32 v3, v40;
	[tilespmem:s7+$0xFFFFFFC0] =	vst v8  }
0x2b2: {  	v25 =	vld [tilespmem:s7+$0x70];
	v0 =	vmul.f32 v0, v47;
	[tilespmem:s7+$0xFFFFFFA0] =	vst v5  }
0x2b3: {  	v27 =	vld [tilespmem:s7+$0xFFFFFFB0];
	v30 =	vbroadcast v2, $0xB;
	v1 =	vmul.f32 v1, v52;
	[tilespmem:s7+$0xFFFFFFF0] =	vst v3  }
0x2b4: {  	v29 =	vld [tilespmem:s7+$0xFFFFFF20];
	v36 =	vmul.f32 v15, v11;
	[tilespmem:s7+$0xFFFFFF60] =	vst v0  }
0x2b5: {  	v33 =	vld [tilespmem:s7+$0x40];
	v9 =	vmul.f32 v9, v30;
	[tilespmem:s7+$0xFFFFFF90] =	vst v1  }
0x2b6: {  	v31 =	vld [tilespmem:s7+$0xFFFFFFE0];
	v32 =	vmul.f32 v24, v11;
	[tilespmem:s7+$0xB0] =	vst v36  }
0x2b7: {  	v45 =	vbroadcast v2, $0x1;
	v48 =	vld [tilespmem:s7+$0xF0];
	v17 =	vmul.f32 v25, v30;
	[tilespmem:s7+$0x60] =	vst v9  }
0x2b8: {  	v42 =	vld [tilespmem:s7+$0xFFFFFF70];
	v49 =	vbroadcast v2, $0xA;
	v46 =	vmul.f32 v27, v38;
	[tilespmem:s7+$0xA0] =	vst v32  }
0x2b9: {  	v37 =	vld [tilespmem:s7+$0x20];
	v12 =	vmul.f32 v29, v45;
	[tilespmem:s7+$0x70] =	vst v17  }
0x2ba: {  	v39 =	vld [tilespmem:s7+$0x30];
	v51 =	vmul.f32 v33, v49;
	[tilespmem:s7+$0xFFFFFFB0] =	vst v46  }
0x2bb: {  	v43 =	vld [tilespmem:s7+$0xFFFFFF80];
	v7 =	vmul.f32 v31, v40;
	[tilespmem:s7+$0xFFFFFF20] =	vst v12  }
0x2bc: {  	v35 =	vld [tilespmem:s7+$0x50];
	v54 =	vbroadcast v2, $0x9;
	v53 =	vmul.f32 v48, v4;
	[tilespmem:s7+$0x40] =	vst v51  }
0x2bd: {  	v41 =	vld [tilespmem:s7+$0x0];
	v55 =	vmul.f32 v42, v47;
	[tilespmem:s7+$0xFFFFFFE0] =	vst v7  }
0x2be: {  	v50 =	vld [tilespmem:s7+$0xFFFFFF30];
	v56 =	vmul.f32 v37, v54;
	[tilespmem:s7+$0xF0] =	vst v53  }
0x2bf: {  	v44 =	vld [tilespmem:s7+$0x10];
	v57 =	vmul.f32 v39, v54;
	[tilespmem:s7+$0xFFFFFF70] =	vst v55  }
0x2c0: {  	v58 =	vbroadcast v2, $0x8;
	v59 =	vmul.f32 v43, v52;
	[tilespmem:s7+$0x20] =	vst v56  }
0x2c1: {  	s6 =	sadd.s32 $0x1, s6;
	v60 =	vmul.f32 v35, v49;
	[tilespmem:s7+$0x30] =	vst v57  }
0x2c2: {  	p0 =	sne.s32 s6, $0x42;
	v61 =	vmul.f32 v41, v58;
	[tilespmem:s7+$0xFFFFFF80] =	vst v59  }
.Ltmp7:
0x2c3: {  	v62 =	vmul.f32 v50, v45;
	[tilespmem:s7+$0x50] =	vst v60;
	(pc) =	sbr.rel @p0 .LBB2_10-.Ltmp7, $4  }
0x2c4: {  	v63 =	vmul.f32 v44, v58;
	[tilespmem:s7+$0x0] =	vst v61  }
0x2c5: {  	[tilespmem:s7+$0xFFFFFF30] =	vst v62  }
0x2c6: {  	s2 =	simm.s32 $0x1EF00;
	[tilespmem:s7+$0x10] =	vst v63  }
0x2c7: {  	[spmem:s5] =	stream.indirect.scatter.add.f32 [tilespmem:s15], [sflag:$0x6], $0x20, s2, s29, $0xb8;
	[tilespmem:$0x1F000] =	vst v63  }
0x2c8: {  	s2 =	simm.s32 $0x6  }
0x2c9: {  	_ =	swait.ge [sflag:s2], $0x2000  }
0x2ca: {  	[sflag:s2] =	ssyncset.done $0x0  }
0x2cb: {  	[sflag:s2] =	ssyncadd.s32 $0xFFFFE000  }
0x2cc: {  	_ =	swait.ge [sflag:s0], $0x300  }
0x2cd: {  	[sflag:s0] =	ssyncset.done $0x0  }
0x2ce: {  	[sflag:s0] =	ssyncadd.s32 $0xFFFFFD00  }
0x2cf: {  	_ =	swait.ge [sflag:s20], $0x2000  }
0x2d0: {  	[sflag:s20] =	ssyncset.done $0x0  }
0x2d1: {  	[sflag:s20] =	ssyncadd.s32 $0xFFFFE000  }
0x2d2: {  	[bflag:$0x0] =	sbarrier.arrive $0xFFFF  }
0x2d3: {  	s6 =	rddreg [dreg:$0x9]  }
0x2d4: {  	s14 =	rddreg [dreg:$0xe]  }
0x2d5: {  	s7 =	rddreg [dreg:$0x10]  }
0x2d6: {  	[hbm:s14], [sflag:s6] =	dma.local [spmem:s7], $0x30E0  }
0x2d7: {  	_ =	swait.ge [sflag:s24], $0x30E0  }
0x2d8: {  	[sflag:s24] =	ssyncset.done $0x0  }
0x2d9: {  	s21 =	rddreg [dreg:$0x7];
	[sflag:s24] =	ssyncadd.s32 $0xFFFFCF20  }
0x2da: {  	[spmem:s7], [sflag:s6] =	dma.local [hbm:s21], $0x30E0  }
0x2db: {  	_ =	swait.ge [sflag:s24], $0x30E0  }
0x2dc: {  	[sflag:s24] =	ssyncset.done $0x0  }
0x2dd: {  	[sflag:s24] =	ssyncadd.s32 $0xFFFFCF20  }
0x2de: {  	[bflag:$0x0] =	sbarrier.arrive $0xFFFF  }
0x2df: {  	s6 =	simm.s32 $0x0;
	s12 =	rddreg [dreg:$0xa]  }
0x2e0: {  	[tilespmem:s25], [sflag:$0x7] =	stream.linear.gather [hbm4b:s12+s6], $0x300, $0x38;
	[tilespmem:$0x1F000] =	vst v63  }
0x2e1: {  	s14 =	rddreg [dreg:$0xb]  }
0x2e2: {  	[tilespmem:s26], [sflag:$0x8] =	stream.linear.gather [hbm4b:s14+s6], $0x300, $0x38;
	[tilespmem:$0x1F000] =	vst v63  }
0x2e3: {  	_ =	swait.ge [sflag:s28], $0x300  }
0x2e4: {  	[sflag:s28] =	ssyncset.done $0x0  }
0x2e5: {  	[sflag:s28] =	ssyncadd.s32 $0xFFFFFD00  }
0x2e6: {  	[tilespmem:s30], [sflag:$0x1] =	stream.indirect.gather [hbm4b:s11+s29], $0x20, s25, s29, $0xb8;
	[tilespmem:$0x1F000] =	vst v63  }
0x2e7: {  	s21 =	rddreg [dreg:$0xc]  }
0x2e8: {  	[tilespmem:s31], [sflag:$0x9] =	stream.linear.gather [hbm4b:s21+s6], $0x300, $0x38;
	[tilespmem:$0x1F000] =	vst v63  }
.LBB2_18:
0x2e9: {  	s7 =	smul.u32 $0x3, s6  }
0x2ea: {  	p0 =	seq.s32 s6, $0x0  }
0x2eb: {  	s2 =	sadd.s32 @!p0 s7, s17  }
0x2ec: {  	s2 =	smul.u32 @!p0 $0x300, s2  }
0x2ed: {  	s12 =	simm.s32 @!p0 $0x6  }
0x2ee: {  	_ =	swait.ge @!p0 [sflag:s12], $0x2000;
	s2 =	sadd.s32 @!p0 s9, s2  }
0x2ef: {  	s14 =	simm.s32 @!p0 $0x1ED00;
	[sflag:s12] =	ssyncset.done @!p0 $0x0;
	s2 =	sshrl.u32 @!p0 s2, $0x3  }
0x2f0: {  	[sflag:s12] =	ssyncadd.s32 @!p0 $0xFFFFE000;
	s12 =	simm.s32 @!p0 $0x0;
	s2 =	sadd.s32 @!p0 s8, s2  }
0x2f1: {  	[tilespmem:s14], [sflag:$0x9] =	stream.linear.gather @!p0 [hbm4b:s2+s12], $0x300, $0x38;
	[tilespmem:$0x1F000] =	vst v63  }
0x2f2: {  	_ =	swait.ge [sflag:s0], $0x300  }
0x2f3: {  	[sflag:s0] =	ssyncset.done $0x0  }
0x2f4: {  	[sflag:s0] =	ssyncadd.s32 $0xFFFFFD00  }
0x2f5: {  	[tilespmem:s4], [sflag:$0x2] =	stream.indirect.gather [hbm4b:s11+s29], $0x20, s26, s29, $0xb8;
	[tilespmem:$0x1F000] =	vst v63  }
0x2f6: {  	_ =	swait.ge [sflag:s20], $0x2000  }
0x2f7: {  	[sflag:s20] =	ssyncset.done $0x0  }
0x2f8: {  	s12 =	simm.s32 $0x18800;
	[sflag:s20] =	ssyncadd.s32 $0xFFFFE000  }
0x2f9: {  	v5 =	vld [tilespmem:s12+$0xFFFFFFA0]  }
0x2fa: {  	v3 =	vld [tilespmem:s12+$0xFFFFFFF0]  }
0x2fb: {  	v0 =	vld [tilespmem:s12+$0xFFFFFF60]  }
0x2fc: {  	v6 =	vld [tilespmem:s12+$0xFFFFFFD0]  }
0x2fd: {  	v7 =	vld [tilespmem:s12+$0x80]  }
0x2fe: {  	v10 =	vld [tilespmem:s12+$0xFFFFFF10]  }
0x2ff: {  	v14 =	vld [tilespmem:s12+$0xE0]  }
0x300: {  	v9 =	vld [tilespmem:s12+$0xFFFFFF40]  }
0x301: {  	s21 =	simm.s32 $0x0;
	v1 =	vld [tilespmem:s12+$0xFFFFFF90]  }
0x302: {  	v2 =	vld [tilespmem:s21+$0x1E800]  }
0x303: {  	v8 =	vld [tilespmem:s12+$0xFFFFFFC0]  }
0x304: {  	v11 =	vld [tilespmem:s12+$0xFFFFFF00]  }
0x305: {  	v12 =	vld [tilespmem:s12+$0xD0]  }
0x306: {  	v21 =	vld [tilespmem:s12+$0xC0]  }
0x307: {  	v19 =	vld [tilespmem:s12+$0x90];
	v17 =	vbroadcast v2, $0x0;
	v4 =	vbroadcast v2, $0xF  }
0x308: {  	v20 =	vld [tilespmem:s12+$0xFFFFFF50];
	v18 =	vbroadcast v2, $0x2;
	v16 =	vbroadcast v2, $0xE  }
0x309: {  	v15 =	vld [tilespmem:s12+$0xB0];
	v13 =	vbroadcast v2, $0xC;
	v23 =	vmul.f32 v17, v11  }
0x30a: {  	s14 =	simm.s32 $0x18800;
	s21 =	simm.s32 $0x40;
	v11 =	vbroadcast v2, $0xD;
	v22 =	vmul.f32 v9, v18;
	v9 =	vld [tilespmem:s12+$0x60]  }
.LBB2_19:
0x30b: {  	p0 =	sne.s32 s21, $0x3C0  }
0x30c: {  	[tilespmem:s12+$0xFFFFFF00] =	vst v23;
	v23 =	vld [tilespmem:s12+$0xFFFFFFB0];
	v21 =	vmul.f32 v21, v16;
	v14 =	vmul.f32 v14, v4;
	s14 =	sadd.s32 $0x200, s14;
	s2 =	smov.u32 s21;
	s21 =	sadd.s32 $0x40, s21  }
0x30d: {  	[tilespmem:s12+$0xFFFFFF40] =	vst v22;
	v22 =	vbroadcast v2, $0xA;
	v19 =	vmul.f32 v19, v13;
	v24 =	vld [tilespmem:s12+$0xA0]  }
0x30e: {  	v10 =	vmul.f32 v10, v17;
	v17 =	vmul.f32 v20, v18;
	v18 =	vld [tilespmem:s12+$0x70];
	[tilespmem:s12+$0xE0] =	vst v14  }
0x30f: {  	v14 =	vbroadcast v2, $0x5;
	v20 =	vld [tilespmem:s12+$0xFFFFFFE0];
	v15 =	vmul.f32 v15, v11;
	[tilespmem:s12+$0xC0] =	vst v21  }
0x310: {  	v12 =	vmul.f32 v12, v16;
	[tilespmem:s12+$0xFFFFFF10] =	vst v10;
	v10 =	vbroadcast v2, $0x6;
	v21 =	vld [tilespmem:s12+$0x40]  }
0x311: {  	v25 =	vbroadcast v2, $0xB;
	v5 =	vmul.f32 v5, v14;
	v16 =	vld [tilespmem:s12+$0xFFFFFF20];
	[tilespmem:s12+$0x90] =	vst v19  }
0x312: {  	v19 =	vbroadcast v2, $0x9;
	[tilespmem:s12+$0xFFFFFF50] =	vst v17;
	v17 =	vld [tilespmem:s12+$0x20];
	v11 =	vmul.f32 v24, v11  }
0x313: {  	v14 =	vmul.f32 v23, v14;
	v23 =	vld [tilespmem:s12+$0x50];
	v18 =	vmul.f32 v18, v25;
	[tilespmem:s12+$0xD0] =	vst v12  }
0x314: {  	v7 =	vmul.f32 v7, v13;
	v12 =	vbroadcast v2, $0x7;
	v24 =	vld [tilespmem:s12+$0x30];
	[tilespmem:s12+$0xA0] =	vst v11  }
0x315: {  	v8 =	vmul.f32 v8, v10;
	v11 =	vbroadcast v2, $0x3;
	v13 =	vld [tilespmem:s12+$0x0];
	[tilespmem:s12+$0x70] =	vst v18  }
0x316: {  	v9 =	vmul.f32 v9, v25;
	v6 =	vmul.f32 v6, v10;
	v10 =	vld [tilespmem:s12+$0x10];
	[tilespmem:s12+$0x80] =	vst v7  }
0x317: {  	v18 =	vbroadcast v2, $0x8;
	v21 =	vmul.f32 v21, v22;
	v7 =	vld [tilespmem:s12+$0xFFFFFF30];
	[tilespmem:s12+$0xB0] =	vst v15  }
0x318: {  	v15 =	vbroadcast v2, $0x1;
	v25 =	vld [tilespmem:s12+$0xFFFFFF70];
	[tilespmem:s12+$0xFFFFFFD0] =	vst v6;
	v22 =	vmul.f32 v23, v22  }
0x319: {  	v3 =	vmul.f32 v3, v12;
	v6 =	vmul.f32 v20, v12;
	[tilespmem:s12+$0xFFFFFFC0] =	vst v8;
	v8 =	vld [tilespmem:s12+$0xF0]  }
0x31a: {  	v20 =	vmul.f32 v24, v19;
	v12 =	vld [tilespmem:s12+$0xFFFFFF80];
	[tilespmem:s12+$0xFFFFFFA0] =	vst v5;
	v13 =	vmul.f32 v13, v18  }
0x31b: {  	v5 =	vld [tilespmem:s14+$0xFFFFFFA0];
	[tilespmem:s12+$0xFFFFFFF0] =	vst v3;
	v18 =	vmul.f32 v10, v18;
	v10 =	vmul.f32 v17, v19  }
0x31c: {  	v3 =	vmul.f32 v16, v15;
	v15 =	vmul.f32 v7, v15;
	[tilespmem:s12+$0x60] =	vst v9  }
0x31d: {  	v0 =	vmul.f32 v0, v11;
	v7 =	vmul.f32 v25, v11;
	[tilespmem:s12+$0xFFFFFFB0] =	vst v14  }
0x31e: {  	v2 =	vbroadcast v2, $0x4;
	[tilespmem:s12+$0xFFFFFF20] =	vst v3;
	v3 =	vmul.f32 v8, v4  }
0x31f: {  	[tilespmem:s12+$0xFFFFFF60] =	vst v0  }
0x320: {  	v4 =	vmul.f32 v12, v2;
	v0 =	vmul.f32 v1, v2;
	[tilespmem:s12+$0x40] =	vst v21  }
0x321: {  	[tilespmem:s12+$0xFFFFFFE0] =	vst v6  }
0x322: {  	[tilespmem:s12+$0xF0] =	vst v3  }
0x323: {  	[tilespmem:s12+$0xFFFFFF90] =	vst v0  }
0x324: {  	v3 =	vld [tilespmem:s14+$0xFFFFFFF0];
	[tilespmem:s12+$0xFFFFFF70] =	vst v7  }
0x325: {  	v0 =	vld [tilespmem:s14+$0xFFFFFF60];
	[tilespmem:s12+$0x20] =	vst v10  }
0x326: {  	v6 =	vld [tilespmem:s14+$0xFFFFFFD0];
	[tilespmem:s12+$0x30] =	vst v20  }
0x327: {  	v7 =	vld [tilespmem:s14+$0x80];
	[tilespmem:s12+$0xFFFFFF80] =	vst v4  }
0x328: {  	v10 =	vld [tilespmem:s14+$0xFFFFFF10];
	[tilespmem:s12+$0x50] =	vst v22  }
0x329: {  	v14 =	vld [tilespmem:s14+$0xE0];
	[tilespmem:s12+$0x0] =	vst v13  }
0x32a: {  	v9 =	vld [tilespmem:s14+$0xFFFFFF40];
	[tilespmem:s12+$0xFFFFFF30] =	vst v15  }
0x32b: {  	s2 =	sshra.s32 s2, $0x2;
	v1 =	vld [tilespmem:s14+$0xFFFFFF90];
	[tilespmem:s12+$0x10] =	vst v18;
	s12 =	smov.u32 s14  }
0x32c: {  	v2 =	vld [tilespmem:s2+$0x1E800]  }
0x32d: {  	v8 =	vld [tilespmem:s14+$0xFFFFFFC0]  }
0x32e: {  	v11 =	vld [tilespmem:s14+$0xFFFFFF00]  }
0x32f: {  	v12 =	vld [tilespmem:s14+$0xD0]  }
.Ltmp8:
0x330: {  	v21 =	vld [tilespmem:s14+$0xC0];
	(pc) =	sbr.rel @p0 .LBB2_19-.Ltmp8, $4  }
0x331: {  	v17 =	vbroadcast v2, $0x0;
	v19 =	vld [tilespmem:s14+$0x90];
	v4 =	vbroadcast v2, $0xF  }
0x332: {  	v18 =	vbroadcast v2, $0x2;
	v16 =	vbroadcast v2, $0xE;
	v20 =	vld [tilespmem:s14+$0xFFFFFF50]  }
0x333: {  	v23 =	vmul.f32 v17, v11;
	v11 =	vbroadcast v2, $0xD;
	v15 =	vld [tilespmem:s14+$0xB0]  }
0x334: {  	v13 =	vbroadcast v2, $0xC;
	v22 =	vmul.f32 v9, v18;
	v9 =	vld [tilespmem:s14+$0x60]  }
0x335: {  	[tilespmem:s12+$0xFFFFFF00] =	vst v23;
	v14 =	vmul.f32 v14, v4  }
0x336: {  	v21 =	vmul.f32 v21, v16;
	[tilespmem:s12+$0xFFFFFF40] =	vst v22  }
0x337: {  	v10 =	vmul.f32 v10, v17;
	[tilespmem:s12+$0xE0] =	vst v14  }
0x338: {  	v17 =	vld [tilespmem:s12+$0x70];
	v7 =	vmul.f32 v7, v13;
	[tilespmem:s12+$0xC0] =	vst v21  }
0x339: {  	v14 =	vmul.f32 v19, v13;
	v18 =	vmul.f32 v20, v18;
	[tilespmem:s12+$0xFFFFFF10] =	vst v10  }
0x33a: {  	v22 =	vld [tilespmem:s12+$0xA0];
	v10 =	vmul.f32 v12, v16;
	v16 =	vbroadcast v2, $0xB;
	[tilespmem:s12+$0x80] =	vst v7  }
0x33b: {  	[tilespmem:s12+$0x90] =	vst v14  }
0x33c: {  	v7 =	vbroadcast v2, $0x7;
	[tilespmem:s12+$0xFFFFFF50] =	vst v18;
	v9 =	vmul.f32 v9, v16  }
0x33d: {  	[tilespmem:s12+$0xD0] =	vst v10;
	v17 =	vmul.f32 v17, v16  }
0x33e: {  	v12 =	vld [tilespmem:s12+$0xFFFFFF20];
	v3 =	vmul.f32 v3, v7;
	[tilespmem:s12+$0x60] =	vst v9  }
0x33f: {  	v10 =	vbroadcast v2, $0x6;
	v18 =	vmul.f32 v22, v11;
	[tilespmem:s12+$0x70] =	vst v17  }
0x340: {  	v14 =	vld [tilespmem:s12+$0xFFFFFFE0];
	v11 =	vmul.f32 v15, v11;
	[tilespmem:s12+$0xFFFFFFF0] =	vst v3  }
0x341: {  	v19 =	vld [tilespmem:s12+$0xFFFFFFB0];
	v16 =	vbroadcast v2, $0x1;
	v6 =	vmul.f32 v6, v10;
	[tilespmem:s12+$0xA0] =	vst v18  }
0x342: {  	v15 =	vbroadcast v2, $0x5;
	v8 =	vmul.f32 v8, v10;
	[tilespmem:s12+$0xB0] =	vst v11  }
0x343: {  	v12 =	vmul.f32 v12, v16;
	[tilespmem:s12+$0xFFFFFFD0] =	vst v6  }
0x344: {  	v20 =	vld [tilespmem:s12+$0x40];
	v5 =	vmul.f32 v5, v15;
	[tilespmem:s12+$0xFFFFFFC0] =	vst v8  }
0x345: {  	v18 =	vld [tilespmem:s12+$0xF0];
	[tilespmem:s12+$0xFFFFFF20] =	vst v12;
	v7 =	vmul.f32 v14, v7;
	v12 =	vbroadcast v2, $0x4  }
0x346: {  	v11 =	vld [tilespmem:s12+$0xFFFFFF70];
	[tilespmem:s12+$0xFFFFFFA0] =	vst v5;
	v5 =	vmul.f32 v19, v15;
	v15 =	vbroadcast v2, $0x3  }
0x347: {  	v13 =	vld [tilespmem:s12+$0x20];
	v3 =	vbroadcast v2, $0xA;
	v1 =	vmul.f32 v1, v12;
	[tilespmem:s12+$0xFFFFFFE0] =	vst v7  }
0x348: {  	v17 =	vld [tilespmem:s12+$0x30];
	v0 =	vmul.f32 v0, v15;
	[tilespmem:s12+$0xFFFFFFB0] =	vst v5  }
0x349: {  	v6 =	vld [tilespmem:s12+$0xFFFFFF80];
	v5 =	vmul.f32 v20, v3;
	[tilespmem:s12+$0xFFFFFF90] =	vst v1  }
0x34a: {  	v21 =	vld [tilespmem:s12+$0x50];
	[tilespmem:s12+$0xFFFFFF60] =	vst v0;
	v0 =	vmul.f32 v18, v4;
	v4 =	vbroadcast v2, $0x9  }
0x34b: {  	v10 =	vld [tilespmem:s12+$0x0];
	[tilespmem:s12+$0x40] =	vst v5;
	v5 =	vmul.f32 v11, v15  }
0x34c: {  	v9 =	vld [tilespmem:s12+$0xFFFFFF30];
	[tilespmem:s12+$0xF0] =	vst v0;
	v0 =	vmul.f32 v13, v4  }
0x34d: {  	v8 =	vld [tilespmem:s12+$0x10];
	v1 =	vmul.f32 v17, v4;
	[tilespmem:s12+$0xFFFFFF70] =	vst v5  }
0x34e: {  	v2 =	vbroadcast v2, $0x8;
	v4 =	vmul.f32 v6, v12;
	[tilespmem:s12+$0x20] =	vst v0  }
0x34f: {  	v0 =	vmul.f32 v21, v3;
	[tilespmem:s12+$0x30] =	vst v1  }
0x350: {  	v1 =	vmul.f32 v10, v2;
	[tilespmem:s12+$0xFFFFFF80] =	vst v4  }
0x351: {  	v3 =	vmul.f32 v9, v16;
	[tilespmem:s12+$0x50] =	vst v0  }
0x352: {  	s2 =	smin.u32 s7, $0xC2;
	v0 =	vmul.f32 v8, v2;
	[tilespmem:s12+$0x0] =	vst v1  }
0x353: {  	s2 =	sadd.s32 s2, s18;
	[tilespmem:s12+$0xFFFFFF30] =	vst v3  }
0x354: {  	s21 =	simm.s32 $0x1E900;
	s2 =	smul.u32 $0x300, s2;
	[tilespmem:s12+$0x10] =	vst v0  }
0x355: {  	[spmem:s5] =	stream.indirect.scatter.add.f32 [tilespmem:s30], [sflag:$0x4], $0x20, s21, s29, $0xb8;
	[tilespmem:$0x1F000] =	vst v63  }
0x356: {  	s2 =	sadd.s32 s9, s2;
	_ =	swait.ge [sflag:s22], $0x2000  }
0x357: {  	s2 =	sshrl.u32 s2, $0x3;
	[sflag:s22] =	ssyncset.done $0x0  }
0x358: {  	s14 =	simm.s32 $0x0;
	s2 =	sadd.s32 s8, s2;
	[sflag:s22] =	ssyncadd.s32 $0xFFFFE000  }
0x359: {  	[tilespmem:s25], [sflag:$0x7] =	stream.linear.gather [hbm4b:s2+s14], $0x300, $0x38;
	[tilespmem:$0x1F000] =	vst v63  }
0x35a: {  	_ =	swait.ge [sflag:s10], $0x300  }
0x35b: {  	[sflag:s10] =	ssyncset.done $0x0  }
0x35c: {  	[sflag:s10] =	ssyncadd.s32 $0xFFFFFD00  }
0x35d: {  	[tilespmem:s15], [sflag:$0x3] =	stream.indirect.gather [hbm4b:s11+s29], $0x20, s31, s29, $0xb8;
	[tilespmem:$0x1F000] =	vst v63  }
0x35e: {  	_ =	swait.ge [sflag:s16], $0x2000  }
0x35f: {  	[sflag:s16] =	ssyncset.done $0x0  }
0x360: {  	s12 =	simm.s32 $0x1A800;
	[sflag:s16] =	ssyncadd.s32 $0xFFFFE000  }
0x361: {  	v5 =	vld [tilespmem:s12+$0xFFFFFFA0]  }
0x362: {  	v3 =	vld [tilespmem:s12+$0xFFFFFFF0]  }
0x363: {  	v0 =	vld [tilespmem:s12+$0xFFFFFF60]  }
0x364: {  	v6 =	vld [tilespmem:s12+$0xFFFFFFD0]  }
0x365: {  	v7 =	vld [tilespmem:s12+$0x80]  }
0x366: {  	v10 =	vld [tilespmem:s12+$0xFFFFFF10]  }
0x367: {  	v14 =	vld [tilespmem:s12+$0xE0]  }
0x368: {  	v9 =	vld [tilespmem:s12+$0xFFFFFF40]  }
0x369: {  	s21 =	simm.s32 $0x0;
	v1 =	vld [tilespmem:s12+$0xFFFFFF90]  }
0x36a: {  	v2 =	vld [tilespmem:s21+$0x1EB00]  }
0x36b: {  	v8 =	vld [tilespmem:s12+$0xFFFFFFC0]  }
0x36c: {  	v11 =	vld [tilespmem:s12+$0xFFFFFF00]  }
0x36d: {  	v12 =	vld [tilespmem:s12+$0xD0]  }
0x36e: {  	v21 =	vld [tilespmem:s12+$0xC0]  }
0x36f: {  	v19 =	vld [tilespmem:s12+$0x90];
	v17 =	vbroadcast v2, $0x0;
	v4 =	vbroadcast v2, $0xF  }
0x370: {  	v20 =	vld [tilespmem:s12+$0xFFFFFF50];
	v18 =	vbroadcast v2, $0x2;
	v16 =	vbroadcast v2, $0xE  }
0x371: {  	v15 =	vld [tilespmem:s12+$0xB0];
	v13 =	vbroadcast v2, $0xC;
	v23 =	vmul.f32 v17, v11  }
0x372: {  	s14 =	simm.s32 $0x1A800;
	s21 =	simm.s32 $0x40;
	v11 =	vbroadcast v2, $0xD;
	v22 =	vmul.f32 v9, v18;
	v9 =	vld [tilespmem:s12+$0x60]  }
.LBB2_21:
0x373: {  	p0 =	sne.s32 s21, $0x3C0  }
0x374: {  	[tilespmem:s12+$0xFFFFFF00] =	vst v23;
	v23 =	vld [tilespmem:s12+$0xFFFFFFB0];
	v21 =	vmul.f32 v21, v16;
	v14 =	vmul.f32 v14, v4;
	s14 =	sadd.s32 $0x200, s14;
	s2 =	smov.u32 s21;
	s21 =	sadd.s32 $0x40, s21  }
0x375: {  	[tilespmem:s12+$0xFFFFFF40] =	vst v22;
	v22 =	vbroadcast v2, $0xA;
	v19 =	vmul.f32 v19, v13;
	v24 =	vld [tilespmem:s12+$0xA0]  }
0x376: {  	v10 =	vmul.f32 v10, v17;
	v17 =	vmul.f32 v20, v18;
	v18 =	vld [tilespmem:s12+$0x70];
	[tilespmem:s12+$0xE0] =	vst v14  }
0x377: {  	v14 =	vbroadcast v2, $0x5;
	v20 =	vld [tilespmem:s12+$0xFFFFFFE0];
	v15 =	vmul.f32 v15, v11;
	[tilespmem:s12+$0xC0] =	vst v21  }
0x378: {  	v12 =	vmul.f32 v12, v16;
	[tilespmem:s12+$0xFFFFFF10] =	vst v10;
	v10 =	vbroadcast v2, $0x6;
	v21 =	vld [tilespmem:s12+$0x40]  }
0x379: {  	v25 =	vbroadcast v2, $0xB;
	v5 =	vmul.f32 v5, v14;
	v16 =	vld [tilespmem:s12+$0xFFFFFF20];
	[tilespmem:s12+$0x90] =	vst v19  }
0x37a: {  	v19 =	vbroadcast v2, $0x9;
	[tilespmem:s12+$0xFFFFFF50] =	vst v17;
	v17 =	vld [tilespmem:s12+$0x20];
	v11 =	vmul.f32 v24, v11  }
0x37b: {  	v14 =	vmul.f32 v23, v14;
	v23 =	vld [tilespmem:s12+$0x50];
	v18 =	vmul.f32 v18, v25;
	[tilespmem:s12+$0xD0] =	vst v12  }
0x37c: {  	v7 =	vmul.f32 v7, v13;
	v12 =	vbroadcast v2, $0x7;
	v24 =	vld [tilespmem:s12+$0x30];
	[tilespmem:s12+$0xA0] =	vst v11  }
0x37d: {  	v8 =	vmul.f32 v8, v10;
	v11 =	vbroadcast v2, $0x3;
	v13 =	vld [tilespmem:s12+$0x0];
	[tilespmem:s12+$0x70] =	vst v18  }
0x37e: {  	v9 =	vmul.f32 v9, v25;
	v6 =	vmul.f32 v6, v10;
	v10 =	vld [tilespmem:s12+$0x10];
	[tilespmem:s12+$0x80] =	vst v7  }
0x37f: {  	v18 =	vbroadcast v2, $0x8;
	v21 =	vmul.f32 v21, v22;
	v7 =	vld [tilespmem:s12+$0xFFFFFF30];
	[tilespmem:s12+$0xB0] =	vst v15  }
0x380: {  	v15 =	vbroadcast v2, $0x1;
	v25 =	vld [tilespmem:s12+$0xFFFFFF70];
	[tilespmem:s12+$0xFFFFFFD0] =	vst v6;
	v22 =	vmul.f32 v23, v22  }
0x381: {  	v3 =	vmul.f32 v3, v12;
	v6 =	vmul.f32 v20, v12;
	[tilespmem:s12+$0xFFFFFFC0] =	vst v8;
	v8 =	vld [tilespmem:s12+$0xF0]  }
0x382: {  	v20 =	vmul.f32 v24, v19;
	v12 =	vld [tilespmem:s12+$0xFFFFFF80];
	[tilespmem:s12+$0xFFFFFFA0] =	vst v5;
	v13 =	vmul.f32 v13, v18  }
0x383: {  	v5 =	vld [tilespmem:s14+$0xFFFFFFA0];
	[tilespmem:s12+$0xFFFFFFF0] =	vst v3;
	v18 =	vmul.f32 v10, v18;
	v10 =	vmul.f32 v17, v19  }
0x384: {  	v3 =	vmul.f32 v16, v15;
	v15 =	vmul.f32 v7, v15;
	[tilespmem:s12+$0x60] =	vst v9  }
0x385: {  	v0 =	vmul.f32 v0, v11;
	v7 =	vmul.f32 v25, v11;
	[tilespmem:s12+$0xFFFFFFB0] =	vst v14  }
0x386: {  	v2 =	vbroadcast v2, $0x4;
	[tilespmem:s12+$0xFFFFFF20] =	vst v3;
	v3 =	vmul.f32 v8, v4  }
0x387: {  	[tilespmem:s12+$0xFFFFFF60] =	vst v0  }
0x388: {  	v4 =	vmul.f32 v12, v2;
	v0 =	vmul.f32 v1, v2;
	[tilespmem:s12+$0x40] =	vst v21  }
0x389: {  	[tilespmem:s12+$0xFFFFFFE0] =	vst v6  }
0x38a: {  	[tilespmem:s12+$0xF0] =	vst v3  }
0x38b: {  	[tilespmem:s12+$0xFFFFFF90] =	vst v0  }
0x38c: {  	v3 =	vld [tilespmem:s14+$0xFFFFFFF0];
	[tilespmem:s12+$0xFFFFFF70] =	vst v7  }
0x38d: {  	v0 =	vld [tilespmem:s14+$0xFFFFFF60];
	[tilespmem:s12+$0x20] =	vst v10  }
0x38e: {  	v6 =	vld [tilespmem:s14+$0xFFFFFFD0];
	[tilespmem:s12+$0x30] =	vst v20  }
0x38f: {  	v7 =	vld [tilespmem:s14+$0x80];
	[tilespmem:s12+$0xFFFFFF80] =	vst v4  }
0x390: {  	v10 =	vld [tilespmem:s14+$0xFFFFFF10];
	[tilespmem:s12+$0x50] =	vst v22  }
0x391: {  	v14 =	vld [tilespmem:s14+$0xE0];
	[tilespmem:s12+$0x0] =	vst v13  }
0x392: {  	v9 =	vld [tilespmem:s14+$0xFFFFFF40];
	[tilespmem:s12+$0xFFFFFF30] =	vst v15  }
0x393: {  	s2 =	sshra.s32 s2, $0x2;
	v1 =	vld [tilespmem:s14+$0xFFFFFF90];
	[tilespmem:s12+$0x10] =	vst v18;
	s12 =	smov.u32 s14  }
0x394: {  	v2 =	vld [tilespmem:s2+$0x1EB00]  }
0x395: {  	v8 =	vld [tilespmem:s14+$0xFFFFFFC0]  }
0x396: {  	v11 =	vld [tilespmem:s14+$0xFFFFFF00]  }
0x397: {  	v12 =	vld [tilespmem:s14+$0xD0]  }
.Ltmp9:
0x398: {  	v21 =	vld [tilespmem:s14+$0xC0];
	(pc) =	sbr.rel @p0 .LBB2_21-.Ltmp9, $4  }
0x399: {  	v17 =	vbroadcast v2, $0x0;
	v19 =	vld [tilespmem:s14+$0x90];
	v4 =	vbroadcast v2, $0xF  }
0x39a: {  	v18 =	vbroadcast v2, $0x2;
	v16 =	vbroadcast v2, $0xE;
	v20 =	vld [tilespmem:s14+$0xFFFFFF50]  }
0x39b: {  	v23 =	vmul.f32 v17, v11;
	v11 =	vbroadcast v2, $0xD;
	v15 =	vld [tilespmem:s14+$0xB0]  }
0x39c: {  	v13 =	vbroadcast v2, $0xC;
	v22 =	vmul.f32 v9, v18;
	v9 =	vld [tilespmem:s14+$0x60]  }
0x39d: {  	[tilespmem:s12+$0xFFFFFF00] =	vst v23;
	v14 =	vmul.f32 v14, v4  }
0x39e: {  	v21 =	vmul.f32 v21, v16;
	[tilespmem:s12+$0xFFFFFF40] =	vst v22  }
0x39f: {  	v10 =	vmul.f32 v10, v17;
	[tilespmem:s12+$0xE0] =	vst v14  }
0x3a0: {  	v17 =	vld [tilespmem:s12+$0x70];
	v7 =	vmul.f32 v7, v13;
	[tilespmem:s12+$0xC0] =	vst v21  }
0x3a1: {  	v14 =	vmul.f32 v19, v13;
	v18 =	vmul.f32 v20, v18;
	[tilespmem:s12+$0xFFFFFF10] =	vst v10  }
0x3a2: {  	v22 =	vld [tilespmem:s12+$0xA0];
	v10 =	vmul.f32 v12, v16;
	v16 =	vbroadcast v2, $0xB;
	[tilespmem:s12+$0x80] =	vst v7  }
0x3a3: {  	[tilespmem:s12+$0x90] =	vst v14  }
0x3a4: {  	v7 =	vbroadcast v2, $0x7;
	[tilespmem:s12+$0xFFFFFF50] =	vst v18;
	v9 =	vmul.f32 v9, v16  }
0x3a5: {  	[tilespmem:s12+$0xD0] =	vst v10;
	v17 =	vmul.f32 v17, v16  }
0x3a6: {  	v12 =	vld [tilespmem:s12+$0xFFFFFF20];
	v3 =	vmul.f32 v3, v7;
	[tilespmem:s12+$0x60] =	vst v9  }
0x3a7: {  	v10 =	vbroadcast v2, $0x6;
	v18 =	vmul.f32 v22, v11;
	[tilespmem:s12+$0x70] =	vst v17  }
0x3a8: {  	v14 =	vld [tilespmem:s12+$0xFFFFFFE0];
	v11 =	vmul.f32 v15, v11;
	[tilespmem:s12+$0xFFFFFFF0] =	vst v3  }
0x3a9: {  	v19 =	vld [tilespmem:s12+$0xFFFFFFB0];
	v16 =	vbroadcast v2, $0x1;
	v6 =	vmul.f32 v6, v10;
	[tilespmem:s12+$0xA0] =	vst v18  }
0x3aa: {  	v15 =	vbroadcast v2, $0x5;
	v8 =	vmul.f32 v8, v10;
	[tilespmem:s12+$0xB0] =	vst v11  }
0x3ab: {  	v12 =	vmul.f32 v12, v16;
	[tilespmem:s12+$0xFFFFFFD0] =	vst v6  }
0x3ac: {  	v20 =	vld [tilespmem:s12+$0x40];
	v5 =	vmul.f32 v5, v15;
	[tilespmem:s12+$0xFFFFFFC0] =	vst v8  }
0x3ad: {  	v18 =	vld [tilespmem:s12+$0xF0];
	[tilespmem:s12+$0xFFFFFF20] =	vst v12;
	v7 =	vmul.f32 v14, v7;
	v12 =	vbroadcast v2, $0x4  }
0x3ae: {  	v11 =	vld [tilespmem:s12+$0xFFFFFF70];
	[tilespmem:s12+$0xFFFFFFA0] =	vst v5;
	v5 =	vmul.f32 v19, v15;
	v15 =	vbroadcast v2, $0x3  }
0x3af: {  	v13 =	vld [tilespmem:s12+$0x20];
	v3 =	vbroadcast v2, $0xA;
	v1 =	vmul.f32 v1, v12;
	[tilespmem:s12+$0xFFFFFFE0] =	vst v7  }
0x3b0: {  	v17 =	vld [tilespmem:s12+$0x30];
	v0 =	vmul.f32 v0, v15;
	[tilespmem:s12+$0xFFFFFFB0] =	vst v5  }
0x3b1: {  	v6 =	vld [tilespmem:s12+$0xFFFFFF80];
	v5 =	vmul.f32 v20, v3;
	[tilespmem:s12+$0xFFFFFF90] =	vst v1  }
0x3b2: {  	v21 =	vld [tilespmem:s12+$0x50];
	[tilespmem:s12+$0xFFFFFF60] =	vst v0;
	v0 =	vmul.f32 v18, v4;
	v4 =	vbroadcast v2, $0x9  }
0x3b3: {  	v10 =	vld [tilespmem:s12+$0x0];
	[tilespmem:s12+$0x40] =	vst v5;
	v5 =	vmul.f32 v11, v15  }
0x3b4: {  	v9 =	vld [tilespmem:s12+$0xFFFFFF30];
	[tilespmem:s12+$0xF0] =	vst v0;
	v0 =	vmul.f32 v13, v4  }
0x3b5: {  	v8 =	vld [tilespmem:s12+$0x10];
	v1 =	vmul.f32 v17, v4;
	[tilespmem:s12+$0xFFFFFF70] =	vst v5  }
0x3b6: {  	v2 =	vbroadcast v2, $0x8;
	v4 =	vmul.f32 v6, v12;
	[tilespmem:s12+$0x20] =	vst v0  }
0x3b7: {  	v0 =	vmul.f32 v21, v3;
	[tilespmem:s12+$0x30] =	vst v1  }
0x3b8: {  	v1 =	vmul.f32 v10, v2;
	[tilespmem:s12+$0xFFFFFF80] =	vst v4  }
0x3b9: {  	v3 =	vmul.f32 v9, v16;
	[tilespmem:s12+$0x50] =	vst v0  }
0x3ba: {  	s2 =	smin.u32 s7, $0xC1;
	v0 =	vmul.f32 v8, v2;
	[tilespmem:s12+$0x0] =	vst v1  }
0x3bb: {  	s2 =	sadd.s32 s2, s19;
	[tilespmem:s12+$0xFFFFFF30] =	vst v3  }
0x3bc: {  	s2 =	smul.u32 $0x300, s2;
	[tilespmem:s12+$0x10] =	vst v0;
	s12 =	simm.s32 $0x1EC00  }
0x3bd: {  	[spmem:s5] =	stream.indirect.scatter.add.f32 [tilespmem:s4], [sflag:$0x5], $0x20, s12, s29, $0xb8;
	[tilespmem:$0x1F000] =	vst v63  }
0x3be: {  	s2 =	sadd.s32 s9, s2;
	_ =	swait.ge [sflag:s13], $0x2000  }
0x3bf: {  	s2 =	sshrl.u32 s2, $0x3;
	[sflag:s13] =	ssyncset.done $0x0  }
0x3c0: {  	s14 =	simm.s32 $0x0;
	s2 =	sadd.s32 s8, s2;
	[sflag:s13] =	ssyncadd.s32 $0xFFFFE000  }
0x3c1: {  	[tilespmem:s26], [sflag:$0x8] =	stream.linear.gather [hbm4b:s2+s14], $0x300, $0x38;
	[tilespmem:$0x1F000] =	vst v63  }
0x3c2: {  	_ =	swait.ge [sflag:s28], $0x300  }
0x3c3: {  	[sflag:s28] =	ssyncset.done $0x0  }
0x3c4: {  	[sflag:s28] =	ssyncadd.s32 $0xFFFFFD00  }
0x3c5: {  	[tilespmem:s30], [sflag:$0x1] =	stream.indirect.gather [hbm4b:s11+s29], $0x20, s25, s29, $0xb8;
	[tilespmem:$0x1F000] =	vst v63  }
0x3c6: {  	_ =	swait.ge [sflag:s23], $0x2000  }
0x3c7: {  	[sflag:s23] =	ssyncset.done $0x0  }
0x3c8: {  	s7 =	simm.s32 $0x1C800;
	[sflag:s23] =	ssyncadd.s32 $0xFFFFE000  }
0x3c9: {  	v5 =	vld [tilespmem:s7+$0xFFFFFFA0]  }
0x3ca: {  	v3 =	vld [tilespmem:s7+$0xFFFFFFF0]  }
0x3cb: {  	v0 =	vld [tilespmem:s7+$0xFFFFFF60]  }
0x3cc: {  	v6 =	vld [tilespmem:s7+$0xFFFFFFD0]  }
0x3cd: {  	v7 =	vld [tilespmem:s7+$0x80]  }
0x3ce: {  	v10 =	vld [tilespmem:s7+$0xFFFFFF10]  }
0x3cf: {  	v14 =	vld [tilespmem:s7+$0xE0]  }
0x3d0: {  	v9 =	vld [tilespmem:s7+$0xFFFFFF40]  }
0x3d1: {  	s21 =	simm.s32 $0x0;
	v1 =	vld [tilespmem:s7+$0xFFFFFF90]  }
0x3d2: {  	v2 =	vld [tilespmem:s21+$0x1EE00]  }
0x3d3: {  	v8 =	vld [tilespmem:s7+$0xFFFFFFC0]  }
0x3d4: {  	v11 =	vld [tilespmem:s7+$0xFFFFFF00]  }
0x3d5: {  	v12 =	vld [tilespmem:s7+$0xD0]  }
0x3d6: {  	v21 =	vld [tilespmem:s7+$0xC0]  }
0x3d7: {  	v19 =	vld [tilespmem:s7+$0x90];
	v17 =	vbroadcast v2, $0x0;
	v4 =	vbroadcast v2, $0xF  }
0x3d8: {  	v20 =	vld [tilespmem:s7+$0xFFFFFF50];
	v18 =	vbroadcast v2, $0x2;
	v16 =	vbroadcast v2, $0xE  }
0x3d9: {  	v15 =	vld [tilespmem:s7+$0xB0];
	v13 =	vbroadcast v2, $0xC;
	v23 =	vmul.f32 v17, v11  }
0x3da: {  	s12 =	simm.s32 $0x40;
	s14 =	simm.s32 $0x1C800;
	v11 =	vbroadcast v2, $0xD;
	v22 =	vmul.f32 v9, v18;
	v9 =	vld [tilespmem:s7+$0x60]  }
.LBB2_23:
0x3db: {  	p0 =	sne.s32 s12, $0x3C0  }
0x3dc: {  	[tilespmem:s7+$0xFFFFFF00] =	vst v23;
	v23 =	vld [tilespmem:s7+$0xFFFFFFB0];
	v21 =	vmul.f32 v21, v16;
	v14 =	vmul.f32 v14, v4;
	s14 =	sadd.s32 $0x200, s14;
	s2 =	smov.u32 s12;
	s12 =	sadd.s32 $0x40, s12  }
0x3dd: {  	[tilespmem:s7+$0xFFFFFF40] =	vst v22;
	v22 =	vbroadcast v2, $0xA;
	v19 =	vmul.f32 v19, v13;
	v24 =	vld [tilespmem:s7+$0xA0]  }
0x3de: {  	v10 =	vmul.f32 v10, v17;
	v17 =	vmul.f32 v20, v18;
	v18 =	vld [tilespmem:s7+$0x70];
	[tilespmem:s7+$0xE0] =	vst v14  }
0x3df: {  	v14 =	vbroadcast v2, $0x5;
	v20 =	vld [tilespmem:s7+$0xFFFFFFE0];
	v15 =	vmul.f32 v15, v11;
	[tilespmem:s7+$0xC0] =	vst v21  }
0x3e0: {  	v12 =	vmul.f32 v12, v16;
	[tilespmem:s7+$0xFFFFFF10] =	vst v10;
	v10 =	vbroadcast v2, $0x6;
	v21 =	vld [tilespmem:s7+$0x40]  }
0x3e1: {  	v25 =	vbroadcast v2, $0xB;
	v5 =	vmul.f32 v5, v14;
	v16 =	vld [tilespmem:s7+$0xFFFFFF20];
	[tilespmem:s7+$0x90] =	vst v19  }
0x3e2: {  	v19 =	vbroadcast v2, $0x9;
	[tilespmem:s7+$0xFFFFFF50] =	vst v17;
	v17 =	vld [tilespmem:s7+$0x20];
	v11 =	vmul.f32 v24, v11  }
0x3e3: {  	v14 =	vmul.f32 v23, v14;
	v23 =	vld [tilespmem:s7+$0x50];
	v18 =	vmul.f32 v18, v25;
	[tilespmem:s7+$0xD0] =	vst v12  }
0x3e4: {  	v7 =	vmul.f32 v7, v13;
	v12 =	vbroadcast v2, $0x7;
	v24 =	vld [tilespmem:s7+$0x30];
	[tilespmem:s7+$0xA0] =	vst v11  }
0x3e5: {  	v8 =	vmul.f32 v8, v10;
	v11 =	vbroadcast v2, $0x3;
	v13 =	vld [tilespmem:s7+$0x0];
	[tilespmem:s7+$0x70] =	vst v18  }
0x3e6: {  	v9 =	vmul.f32 v9, v25;
	v6 =	vmul.f32 v6, v10;
	v10 =	vld [tilespmem:s7+$0x10];
	[tilespmem:s7+$0x80] =	vst v7  }
0x3e7: {  	v18 =	vbroadcast v2, $0x8;
	v21 =	vmul.f32 v21, v22;
	v7 =	vld [tilespmem:s7+$0xFFFFFF30];
	[tilespmem:s7+$0xB0] =	vst v15  }
0x3e8: {  	v15 =	vbroadcast v2, $0x1;
	v25 =	vld [tilespmem:s7+$0xFFFFFF70];
	[tilespmem:s7+$0xFFFFFFD0] =	vst v6;
	v22 =	vmul.f32 v23, v22  }
0x3e9: {  	v3 =	vmul.f32 v3, v12;
	v6 =	vmul.f32 v20, v12;
	[tilespmem:s7+$0xFFFFFFC0] =	vst v8;
	v8 =	vld [tilespmem:s7+$0xF0]  }
0x3ea: {  	v20 =	vmul.f32 v24, v19;
	v12 =	vld [tilespmem:s7+$0xFFFFFF80];
	[tilespmem:s7+$0xFFFFFFA0] =	vst v5;
	v13 =	vmul.f32 v13, v18  }
0x3eb: {  	v5 =	vld [tilespmem:s14+$0xFFFFFFA0];
	[tilespmem:s7+$0xFFFFFFF0] =	vst v3;
	v18 =	vmul.f32 v10, v18;
	v10 =	vmul.f32 v17, v19  }
0x3ec: {  	v3 =	vmul.f32 v16, v15;
	v15 =	vmul.f32 v7, v15;
	[tilespmem:s7+$0x60] =	vst v9  }
0x3ed: {  	v0 =	vmul.f32 v0, v11;
	v7 =	vmul.f32 v25, v11;
	[tilespmem:s7+$0xFFFFFFB0] =	vst v14  }
0x3ee: {  	v2 =	vbroadcast v2, $0x4;
	[tilespmem:s7+$0xFFFFFF20] =	vst v3;
	v3 =	vmul.f32 v8, v4  }
0x3ef: {  	[tilespmem:s7+$0xFFFFFF60] =	vst v0  }
0x3f0: {  	v4 =	vmul.f32 v12, v2;
	v0 =	vmul.f32 v1, v2;
	[tilespmem:s7+$0x40] =	vst v21  }
0x3f1: {  	[tilespmem:s7+$0xFFFFFFE0] =	vst v6  }
0x3f2: {  	[tilespmem:s7+$0xF0] =	vst v3  }
0x3f3: {  	[tilespmem:s7+$0xFFFFFF90] =	vst v0  }
0x3f4: {  	v3 =	vld [tilespmem:s14+$0xFFFFFFF0];
	[tilespmem:s7+$0xFFFFFF70] =	vst v7  }
0x3f5: {  	v0 =	vld [tilespmem:s14+$0xFFFFFF60];
	[tilespmem:s7+$0x20] =	vst v10  }
0x3f6: {  	v6 =	vld [tilespmem:s14+$0xFFFFFFD0];
	[tilespmem:s7+$0x30] =	vst v20  }
0x3f7: {  	v7 =	vld [tilespmem:s14+$0x80];
	[tilespmem:s7+$0xFFFFFF80] =	vst v4  }
0x3f8: {  	v10 =	vld [tilespmem:s14+$0xFFFFFF10];
	[tilespmem:s7+$0x50] =	vst v22  }
0x3f9: {  	v14 =	vld [tilespmem:s14+$0xE0];
	[tilespmem:s7+$0x0] =	vst v13  }
0x3fa: {  	v9 =	vld [tilespmem:s14+$0xFFFFFF40];
	[tilespmem:s7+$0xFFFFFF30] =	vst v15  }
0x3fb: {  	s2 =	sshra.s32 s2, $0x2;
	v1 =	vld [tilespmem:s14+$0xFFFFFF90];
	[tilespmem:s7+$0x10] =	vst v18;
	s7 =	smov.u32 s14  }
0x3fc: {  	v2 =	vld [tilespmem:s2+$0x1EE00]  }
0x3fd: {  	v8 =	vld [tilespmem:s14+$0xFFFFFFC0]  }
0x3fe: {  	v11 =	vld [tilespmem:s14+$0xFFFFFF00]  }
0x3ff: {  	v12 =	vld [tilespmem:s14+$0xD0]  }
.Ltmp10:
0x400: {  	v21 =	vld [tilespmem:s14+$0xC0];
	(pc) =	sbr.rel @p0 .LBB2_23-.Ltmp10, $4  }
0x401: {  	v17 =	vbroadcast v2, $0x0;
	v19 =	vld [tilespmem:s14+$0x90];
	v4 =	vbroadcast v2, $0xF  }
0x402: {  	v18 =	vbroadcast v2, $0x2;
	v16 =	vbroadcast v2, $0xE;
	v20 =	vld [tilespmem:s14+$0xFFFFFF50]  }
0x403: {  	v23 =	vmul.f32 v17, v11;
	v11 =	vbroadcast v2, $0xD;
	v15 =	vld [tilespmem:s14+$0xB0]  }
0x404: {  	v13 =	vbroadcast v2, $0xC;
	v22 =	vmul.f32 v9, v18;
	v9 =	vld [tilespmem:s14+$0x60]  }
0x405: {  	[tilespmem:s7+$0xFFFFFF00] =	vst v23;
	v14 =	vmul.f32 v14, v4  }
0x406: {  	v21 =	vmul.f32 v21, v16;
	[tilespmem:s7+$0xFFFFFF40] =	vst v22  }
0x407: {  	v10 =	vmul.f32 v10, v17;
	[tilespmem:s7+$0xE0] =	vst v14  }
0x408: {  	v28 =	vmul.f32 v12, v16;
	[tilespmem:s7+$0xC0] =	vst v21  }
0x409: {  	v26 =	vmul.f32 v19, v13;
	[tilespmem:s7+$0xFFFFFF10] =	vst v10  }
0x40a: {  	v34 =	vbroadcast v2, $0x6;
	v7 =	vmul.f32 v7, v13;
	[tilespmem:s7+$0xD0] =	vst v28  }
0x40b: {  	v18 =	vmul.f32 v20, v18;
	[tilespmem:s7+$0x90] =	vst v26  }
0x40c: {  	v38 =	vbroadcast v2, $0x5;
	v6 =	vmul.f32 v6, v34;
	[tilespmem:s7+$0x80] =	vst v7  }
0x40d: {  	v40 =	vbroadcast v2, $0x7;
	v8 =	vmul.f32 v8, v34;
	[tilespmem:s7+$0xFFFFFF50] =	vst v18  }
0x40e: {  	v47 =	vbroadcast v2, $0x3;
	v5 =	vmul.f32 v5, v38;
	[tilespmem:s7+$0xFFFFFFD0] =	vst v6  }
0x40f: {  	v24 =	vld [tilespmem:s7+$0xA0];
	v52 =	vbroadcast v2, $0x4;
	v3 =	vmul.f32 v3, v40;
	[tilespmem:s7+$0xFFFFFFC0] =	vst v8  }
0x410: {  	v25 =	vld [tilespmem:s7+$0x70];
	v0 =	vmul.f32 v0, v47;
	[tilespmem:s7+$0xFFFFFFA0] =	vst v5  }
0x411: {  	v27 =	vld [tilespmem:s7+$0xFFFFFFB0];
	v30 =	vbroadcast v2, $0xB;
	v1 =	vmul.f32 v1, v52;
	[tilespmem:s7+$0xFFFFFFF0] =	vst v3  }
0x412: {  	v29 =	vld [tilespmem:s7+$0xFFFFFF20];
	v36 =	vmul.f32 v15, v11;
	[tilespmem:s7+$0xFFFFFF60] =	vst v0  }
0x413: {  	v33 =	vld [tilespmem:s7+$0x40];
	v9 =	vmul.f32 v9, v30;
	[tilespmem:s7+$0xFFFFFF90] =	vst v1  }
0x414: {  	v31 =	vld [tilespmem:s7+$0xFFFFFFE0];
	v32 =	vmul.f32 v24, v11;
	[tilespmem:s7+$0xB0] =	vst v36  }
0x415: {  	v45 =	vbroadcast v2, $0x1;
	v48 =	vld [tilespmem:s7+$0xF0];
	v17 =	vmul.f32 v25, v30;
	[tilespmem:s7+$0x60] =	vst v9  }
0x416: {  	v42 =	vld [tilespmem:s7+$0xFFFFFF70];
	v49 =	vbroadcast v2, $0xA;
	v46 =	vmul.f32 v27, v38;
	[tilespmem:s7+$0xA0] =	vst v32  }
0x417: {  	v37 =	vld [tilespmem:s7+$0x20];
	v12 =	vmul.f32 v29, v45;
	[tilespmem:s7+$0x70] =	vst v17  }
0x418: {  	v39 =	vld [tilespmem:s7+$0x30];
	v51 =	vmul.f32 v33, v49;
	[tilespmem:s7+$0xFFFFFFB0] =	vst v46  }
0x419: {  	v43 =	vld [tilespmem:s7+$0xFFFFFF80];
	v7 =	vmul.f32 v31, v40;
	[tilespmem:s7+$0xFFFFFF20] =	vst v12  }
0x41a: {  	v35 =	vld [tilespmem:s7+$0x50];
	v54 =	vbroadcast v2, $0x9;
	v53 =	vmul.f32 v48, v4;
	[tilespmem:s7+$0x40] =	vst v51  }
0x41b: {  	v41 =	vld [tilespmem:s7+$0x0];
	v55 =	vmul.f32 v42, v47;
	[tilespmem:s7+$0xFFFFFFE0] =	vst v7  }
0x41c: {  	v50 =	vld [tilespmem:s7+$0xFFFFFF30];
	v56 =	vmul.f32 v37, v54;
	[tilespmem:s7+$0xF0] =	vst v53  }
0x41d: {  	v44 =	vld [tilespmem:s7+$0x10];
	v57 =	vmul.f32 v39, v54;
	[tilespmem:s7+$0xFFFFFF70] =	vst v55  }
0x41e: {  	v58 =	vbroadcast v2, $0x8;
	v59 =	vmul.f32 v43, v52;
	[tilespmem:s7+$0x20] =	vst v56  }
0x41f: {  	s6 =	sadd.s32 $0x1, s6;
	v60 =	vmul.f32 v35, v49;
	[tilespmem:s7+$0x30] =	vst v57  }
0x420: {  	p0 =	sne.s32 s6, $0x42;
	v61 =	vmul.f32 v41, v58;
	[tilespmem:s7+$0xFFFFFF80] =	vst v59  }
.Ltmp11:
0x421: {  	v62 =	vmul.f32 v50, v45;
	[tilespmem:s7+$0x50] =	vst v60;
	(pc) =	sbr.rel @p0 .LBB2_18-.Ltmp11, $4  }
0x422: {  	v63 =	vmul.f32 v44, v58;
	[tilespmem:s7+$0x0] =	vst v61  }
0x423: {  	[tilespmem:s7+$0xFFFFFF30] =	vst v62  }
0x424: {  	s2 =	simm.s32 $0x1EF00;
	[tilespmem:s7+$0x10] =	vst v63  }
0x425: {  	[spmem:s5] =	stream.indirect.scatter.add.f32 [tilespmem:s15], [sflag:$0x6], $0x20, s2, s29, $0xb8;
	[tilespmem:$0x1F000] =	vst v63  }
0x426: {  	s2 =	simm.s32 $0x6  }
0x427: {  	_ =	swait.ge [sflag:s2], $0x2000  }
0x428: {  	[sflag:s2] =	ssyncset.done $0x0  }
0x429: {  	[sflag:s2] =	ssyncadd.s32 $0xFFFFE000  }
0x42a: {  	_ =	swait.ge [sflag:s0], $0x300  }
0x42b: {  	[sflag:s0] =	ssyncset.done $0x0  }
0x42c: {  	[sflag:s0] =	ssyncadd.s32 $0xFFFFFD00  }
0x42d: {  	_ =	swait.ge [sflag:s20], $0x2000  }
0x42e: {  	[sflag:s20] =	ssyncset.done $0x0  }
0x42f: {  	[sflag:s20] =	ssyncadd.s32 $0xFFFFE000  }
0x430: {  	s6 =	simm.s32 $0x0;
	s2 =	simm.s32 $0x0;
	[bflag:$0x0] =	sbarrier.arrive $0xFFFF  }
.LBB2_26:
0x431: {  	s12 =	smul.u32 $0x5C, s6  }
0x432: {  	s7 =	rddreg [dreg:$0x8]  }
0x433: {  	s7 =	sadd.s32 s7, s12  }
0x434: {  	s7 =	sshll.u32 s7, $0x2  }
0x435: {  	s21 =	simm.s32 $0x19280;
	s14 =	sadd.s32 s1, s7  }
0x436: {  	[tilespmem:s21], [sflag:$0x1] =	stream.linear.gather [hbm4b:s14+s2], $0xB80, $0x38;
	[tilespmem:$0x1F000] =	vst v63  }
0x437: {  	s21 =	sadd.s32 s3, s7  }
0x438: {  	[tilespmem:s4], [sflag:$0x2] =	stream.linear.gather [hbm4b:s21+s2], $0xB80, $0x38;
	[tilespmem:$0x1F000] =	vst v63  }
0x439: {  	s21 =	rddreg [dreg:$0x6]  }
0x43a: {  	s14 =	sadd.s32 s11, s7;
	s12 =	sadd.s32 s21, s12;
	s21 =	simm.s32 $0x1B280  }
0x43b: {  	[tilespmem:s21], [sflag:$0x3] =	stream.linear.gather [hbm4b:s14+s2], $0xB80, $0x38;
	[tilespmem:$0x1F000] =	vst v63  }
0x43c: {  	s12 =	sshll.u32 s12, $0x5  }
0x43d: {  	s12 =	sand.u32 $0x3FFFFFE0, s12  }
0x43e: {  	s12 =	sadd.s32 s12, s5  }
0x43f: {  	[tilespmem:s30], [sflag:$0xA] =	stream.linear.gather [spmem:s12], $0xB80, $0x38;
	[tilespmem:$0x1F000] =	vst v63  }
0x440: {  	_ =	swait.ge [sflag:s24], $0xB80  }
0x441: {  	[sflag:s24] =	ssyncset.done $0x0  }
0x442: {  	[sflag:s24] =	ssyncadd.s32 $0xFFFFF480  }
0x443: {  	_ =	swait.ge [sflag:s20], $0xB80  }
0x444: {  	[sflag:s20] =	ssyncset.done $0x0  }
0x445: {  	[sflag:s20] =	ssyncadd.s32 $0xFFFFF480  }
0x446: {  	_ =	swait.ge [sflag:s16], $0xB80  }
0x447: {  	[sflag:s16] =	ssyncset.done $0x0  }
0x448: {  	[sflag:s16] =	ssyncadd.s32 $0xFFFFF480  }
0x449: {  	_ =	swait.ge [sflag:s23], $0xB80  }
0x44a: {  	[sflag:s23] =	ssyncset.done $0x0  }
0x44b: {  	s12 =	simm.s32 $0x0;
	[sflag:s23] =	ssyncadd.s32 $0xFFFFF480  }
0x44c: {  	s14 =	simm.s32 $0x40;
	v0 =	vld [tilespmem:s12+$0x19280]  }
.LBB2_27:
0x44d: {  	p0 =	sne.s32 s14, $0x2DC0;
	v1 =	vld [tilespmem:s12+$0x18700];
	_ =	sdelay $0x1  }
0x44e: {  	v2 =	vld [tilespmem:s12+$0x1A700];
	_ =	sdelay $0x1  }
0x44f: {  	v3 =	vld [tilespmem:s12+$0x1B280]  }
0x450: {  	v0 =	vadd.f32 v0, v1;
	_ =	sdelay $0x1  }
0x451: {  	v0 =	vadd.f32 v2, v0;
	_ =	sdelay $0x1  }
.Ltmp12:
0x452: {  	v0 =	vadd.f32 v3, v0;
	(pc) =	sbr.rel @p0 .LBB2_27-.Ltmp12, $4  }
0x453: {  	_ = 	snop  }
0x454: {  	v1 =	vmul.f32 $2.500000000e-01, v0  }
0x455: {  	s21 =	sshra.s32 s14, $0x2  }
0x456: {  	s14 =	sadd.s32 $0x40, s14;
	v0 =	vld [tilespmem:s21+$0x19280];
	[tilespmem:s12+$0x18700] =	vst v1;
	s12 =	smov.u32 s21  }
0x457: {  	v1 =	vld [tilespmem:s12+$0x18700];
	_ =	sdelay $0x1  }
0x458: {  	v2 =	vld [tilespmem:s12+$0x1A700];
	_ =	sdelay $0x1  }
0x459: {  	v3 =	vld [tilespmem:s12+$0x1B280]  }
0x45a: {  	v0 =	vadd.f32 v0, v1;
	_ =	sdelay $0x1  }
0x45b: {  	v0 =	vadd.f32 v2, v0;
	_ =	sdelay $0x1  }
0x45c: {  	v0 =	vadd.f32 v3, v0;
	_ =	sdelay $0x1  }
0x45d: {  	s6 =	sadd.s32 $0x1, s6;
	v0 =	vmul.f32 $2.500000000e-01, v0  }
0x45e: {  	s14 =	rddreg [dreg:$0x2];
	p0 =	sne.s32 s6, $0x22  }
.Ltmp13:
0x45f: {  	s21 =	simm.s32 $0x0;
	s7 =	sadd.s32 s14, s7;
	[tilespmem:s12+$0x18700] =	vst v0;
	(pc) =	sbr.rel @p0 .LBB2_26-.Ltmp13, $4  }
0x460: {  	[hbm4b:s7+s21] =	stream.linear.scatter [tilespmem:s30], [sflag:$0xA], $0xB80, $0x38;
	[tilespmem:$0x1F000] =	vst v63  }
0x461: {  	_ =	swait.ge [sflag:s24], $0xB80  }
0x462: {  	[sflag:s24] =	ssyncset.done $0x0  }
0x463: {  	[sflag:s24] =	ssyncadd.s32 $0xFFFFF480  }
0x464: {  	s6 =	rddreg [dreg:$0x11]  }
0x465: {  	s2 =	rddreg [dreg:$0xf];
	s6 =	sadd.s32 $0x1, s6  }
0x466: {  	p0 =	sne.s32 s6, s2  }
.Ltmp14:
0x467: {  	_ = 	snop;
	(pc) =	sbr.rel @p0 .LBB2_1-.Ltmp14, $1  }
0x468: {  	_ =	sdelay $0x3  }
0x469: {  	_ =	sfence.sel $0x180000  }
0x46a: {  	[bflag:$0x0] =	sbarrier.arrive $0xFFFF  }
0x46b: {  	_ =	strace $0x90000047  }
0x46c: {  	s0 =	stileid.u32;
	[bflag:$0x2] =	sbarrier.arrive $0xFFFF  }
0x46d: {  	p0 =	sne.s32 s0, $0x0;
	s0 =	rddreg [dreg:$0x5]  }
0x46e: {  	s0 =	sadd.s32 @!p0 $0x100000, s0  }
0x46f: {  	[sflag:s0] =	ssyncadd.tile.s32 @!p0 $0x1;
	_ =	shalt  }
.Lfunc_end2:
_tile_overlayer_lowered:
.L_overlay_start_2:
0x470: {  	(tag) =	ssettag $0x2  }
0x471: {  	s0 =	rddreg [dreg:$0x0];
	s2 =	stileid.u32  }
0x472: {  	s1 =	rddreg [dreg:$0x1];
	p0 =	sne.s32 s2, $0x0  }
0x473: {  	s3 =	rddreg [dreg:$0x2];
	[bflag:$0x3] =	sbarrier.arrive $0xFFFF;
	s2 =	simm.s32 @!p0 $0x1C0A  }
0x474: {  	[timem:s3], [sflag:s2] =	dma.local @!p0 [hbm:s0], s1  }
0x475: {  	s0 =	simm.s32 @!p0 $0xA  }
0x476: {  	_ =	swait.ge @!p0 [sflag:s0], s1  }
0x477: {  	s1 =	ssub.s32 @!p0 $0x0, s1;
	[sflag:s0] =	ssyncset.done @!p0 $0x0  }
0x478: {  	[sflag:s0] =	ssyncadd.s32 @!p0 s1  }
0x479: {  	[bflag:$0x3] =	sbarrier.arrive $0xFFFF  }
0x47a: {  	_ =	shalt  }

</sc_bundles>
